<compile_context>
chip_gen: v7x
topology: tpu7x:2x2x1
jax: 0.10.2.dev20260603
libtpu: 0.0.44.dev20260713+nightly
codegen_flags: <defaults>
</compile_context>

<pallas_src>
import functools

import jax
import jax.numpy as jnp
from jax import lax
from jax.experimental import pallas as pl
from jax.experimental.pallas import tpu as pltpu
from jax.experimental.pallas import tpu_sc as plsc

FACTOR = 16
EMBED = 64
NC = 2
NS = 16
NW = NC * NS

KJ = 8
CHUNK = KJ * 128
SKEW = CHUNK + 1


def _make_gather(n_l, n_b):
    n_chunks = (n_l * n_b) // CHUNK
    chunks_per_w = n_chunks // NW
    cb_per_l = n_b // CHUNK
    mesh = plsc.VectorSubcoreMesh(core_axis_name="c", subcore_axis_name="s")

    @functools.partial(
        pl.kernel,
        mesh=mesh,
        out_type=jax.ShapeDtypeStruct((n_l * FACTOR, n_b), jnp.float32),
        scratch_types=[
            pltpu.VMEM((2, KJ, 128), jnp.int32),
            pltpu.VMEM((2, CHUNK, FACTOR), jnp.float32),
            pltpu.VMEM((FACTOR, SKEW), jnp.float32),
            pltpu.SemaphoreType.DMA,
            pltpu.SemaphoreType.DMA,
        ],
        compiler_params=pltpu.CompilerParams(
            use_tc_tiling_on_sc=False, needs_layout_passes=False),
    )
    def gather(table_h, idx_h, out_h, idx_v, rows_v, trans_v, sem0, sem1):
        wid = lax.axis_index("s") * NC + lax.axis_index("c")
        base = wid * chunks_per_w
        fidx = lax.iota(jnp.int32, 16)
        zeros = jnp.zeros((16,), jnp.int32)
        sems = (sem0, sem1)

        def fire(c, buf, sem):
            pltpu.sync_copy(idx_h.at[pl.ds(c * KJ, KJ)], idx_v.at[buf])
            for jj in range(KJ):
                pltpu.async_copy(
                    table_h.at[idx_v.at[buf, jj]],
                    rows_v.at[buf, pl.ds(jj * 128, 128)],
                    sem,
                )

        def drain(c, buf, sem):
            for jj in range(KJ):
                pltpu.make_async_copy(
                    table_h.at[idx_v.at[buf, jj]],
                    rows_v.at[buf, pl.ds(jj * 128, 128)],
                    sem,
                ).wait()

        def process(c, buf):
            def t_body(t, carry2):
                for jj in range(16):
                    j = t * 16 + jj
                    val = rows_v[buf, j, :]
                    plsc.store_scatter(trans_v, [fidx, zeros + j], val)
                return carry2

            lax.fori_loop(0, CHUNK // 16, t_body, 0)
            l = c // cb_per_l
            cb = c % cb_per_l
            pltpu.sync_copy(
                trans_v.at[:, pl.ds(0, CHUNK)],
                out_h.at[pl.ds(l * FACTOR, FACTOR), pl.ds(cb * CHUNK, CHUNK)],
            )

        n_pairs = chunks_per_w // 2
        fire(base, 0, sems[0])

        def pair_body(p, carry):
            c0 = base + 2 * p
            fire(c0 + 1, 1, sems[1])
            drain(c0, 0, sems[0])
            process(c0, 0)

            @pl.when(2 * p + 2 < chunks_per_w)
            def _():
                fire(c0 + 2, 0, sems[0])

            drain(c0 + 1, 1, sems[1])
            process(c0 + 1, 1)
            return carry

        lax.fori_loop(0, n_pairs, pair_body, 0)
        if chunks_per_w % 2:
            c_last = base + chunks_per_w - 1
            drain(c_last, 0, sems[0])
            process(c_last, 0)

    return gather


C = 16384


def _proj_body(ft_ref, w_ref, o_ref):
    w = w_ref[...]
    for cb in range(C // 128):
        rhs = ft_ref[0, :, cb, :]
        o_ref[0, :, pl.ds(cb * 128, 128)] = lax.dot_general(
            w, rhs, (((1,), (0,)), ((), ())),
            preferred_element_type=jnp.float32)


def _project(ft4, w, n_l, n_b):
    return pl.pallas_call(
        _proj_body,
        grid=(n_l,),
        in_specs=[
            pl.BlockSpec((1, FACTOR, n_b // 128, 128), lambda l: (l, 0, 0, 0)),
            pl.BlockSpec((EMBED, FACTOR), lambda l: (0, 0)),
        ],
        out_specs=pl.BlockSpec((1, EMBED, C), lambda l: (l, 0, 0)),
        out_shape=jax.ShapeDtypeStruct((n_l, EMBED, n_b), jnp.float32),
    )(ft4, w)


def kernel(x, table, W):
    b, l = x.shape
    n = b * l
    idx2 = x.T.reshape(n // 128, 128).astype(jnp.int32)
    ft = _make_gather(l, b)(table, idx2)
    ft4 = ft.reshape(l, FACTOR, b // 128, 128)
    o3 = _project(ft4, W, l, b)
    return jnp.transpose(o3, (2, 0, 1))

# --- scband reference (transcript-rebuilt; emitter-appended) ---
"""Pipeline reference for scband-factored-embedding-3951369912412 (READ-ONLY COPY).

The authoritative reference and input builder live on the scoring server;
editing this copy changes nothing except your own understanding.
"""

import jax, jax.numpy as jnp
import numpy as np

VOCAB = 1000000
FACTOR = 16
EMBED = 64
B = 16384
L = 50

def setup_inputs(seed: int = 0) -> dict:
    key = jax.random.key(seed)
    k1, k2, k3 = jax.random.split(key, 3)
    x = jax.random.randint(k1, (B, L), 0, VOCAB, dtype=jnp.int64 if jax.config.jax_enable_x64 else jnp.int32)
    # nn.Embedding default init: N(0, 1)
    table = jax.random.normal(k2, (VOCAB, FACTOR), dtype=jnp.float32)
    # nn.Linear(bias=False) weight: [out, in] with kaiming-uniform-ish; use uniform scaled
    bound = 1.0 / np.sqrt(FACTOR)
    W = jax.random.uniform(k3, (EMBED, FACTOR), dtype=jnp.float32, minval=-bound, maxval=bound)
    return {"x": x, "table": table, "W": W}

def reference(x, table, W):
    # Factored embedding: gather low-dim embeddings, then project up.
    factored = jnp.take(table, x, axis=0)          # [B, L, FACTOR]
    out = factored @ W.T                            # [B, L, EMBED]
    return out

if __name__ == "__main__":
    import jax
    _d = setup_inputs()
    print(jax.jit(kernel)(*tuple(_d.values())))

</pallas_src>

<mosaic_0001>
#map = affine_map<(d0, d1) -> (0, 0)>
module attributes {stable_mosaic.version = 14 : i64} {
  func.func @gather(%arg0: i32, %arg1: i32, %arg2: memref<1000000x16xf32, #tpu.memory_space<hbm>>, %arg3: memref<6400x128xi32, #tpu.memory_space<hbm>>, %arg4: memref<800x16384xf32, #tpu.memory_space<hbm>>, %arg5: memref<2x8x128xi32, #tpu.memory_space<vmem>>, %arg6: memref<2x1024x16xf32, #tpu.memory_space<vmem>>, %arg7: memref<16x1025xf32, #tpu.memory_space<vmem>>, %arg8: memref<!tpu.dma_semaphore, #tpu.memory_space<semaphore_mem>>, %arg9: memref<!tpu.dma_semaphore, #tpu.memory_space<semaphore_mem>>) attributes {dimension_semantics = [#tpu.dimension_semantics<core_parallel>, #tpu.dimension_semantics<subcore_parallel>], iteration_bounds = array<i64: 2, 16>, scalar_prefetch = 0 : i64, scratch_operands = 5 : i64, tpu.core_type = #tpu.core_type<sc_vector_subcore>, window_params = [{transform_indices = #map}, {transform_indices = #map}, {transform_indices = #map}]} {
    %mul3A = arith.constant 2 : i32
    %mul3A_0 = arith.muli %arg1, %mul3A : i32
    %add3A = arith.addi %mul3A_0, %arg0 : i32
    %mul3A_1 = arith.constant 25 : i32
    %mul3A_2 = arith.muli %add3A, %mul3A_1 : i32
    %iota3A = tpu.iota {dimensions = array<i32: 0>} : vector<16xi32>
    %broadcast_in_dim3A = arith.constant 0 : i32
    %broadcast_in_dim3A_3 = vector.broadcast %broadcast_in_dim3A : i32 to vector<16xi32>
    %mul3A_4 = arith.constant 8 : i32
    %mul3A_5 = arith.muli %mul3A_2, %mul3A_4 : i32
    %run_scoped3A = arith.constant 0 : i32
    "tpu.region"() ({
      %run_scoped3A_261 = tpu.sem_alloc : memref<!tpu.dma_semaphore, #tpu.memory_space<semaphore_mem>>
      %dma_start3A_262 = arith.constant 0 : i32
      %dma_start3A_263 = arith.constant 0 : i32
      %dma_start3A_264 = tpu.memref_slice %arg5[%run_scoped3A, %dma_start3A_262, %dma_start3A_263] : memref<2x8x128xi32, #tpu.memory_space<vmem>> -> memref<1x8x128xi32, #tpu.memory_space<vmem>>
      %dma_start3A_265 = tpu.memref_squeeze %dma_start3A_264 : memref<1x8x128xi32, #tpu.memory_space<vmem>> -> memref<8x128xi32, #tpu.memory_space<vmem>>
      %dma_start3A_266 = arith.constant 0 : i32
      %dma_start3A_267 = tpu.memref_slice %arg3[%mul3A_5, %dma_start3A_266] : memref<6400x128xi32, #tpu.memory_space<hbm>> -> memref<8x128xi32, #tpu.memory_space<hbm>>
      %dma_start3A_268 = arith.constant 0 : i32
      %dma_start3A_269 = arith.constant 0 : i32
      %dma_start3A_270 = tpu.memref_slice %arg5[%run_scoped3A, %dma_start3A_268, %dma_start3A_269] : memref<2x8x128xi32, #tpu.memory_space<vmem>> -> memref<1x8x128xi32, #tpu.memory_space<vmem>>
      %dma_start3A_271 = tpu.memref_squeeze %dma_start3A_270 : memref<1x8x128xi32, #tpu.memory_space<vmem>> -> memref<8x128xi32, #tpu.memory_space<vmem>>
      %dma_start3A_272 = arith.constant 0 : i32
      %dma_start3A_273 = tpu.memref_slice %arg3[%mul3A_5, %dma_start3A_272] : memref<6400x128xi32, #tpu.memory_space<hbm>> -> memref<8x128xi32, #tpu.memory_space<hbm>>
      tpu.enqueue_dma source(%dma_start3A_273 : memref<8x128xi32, #tpu.memory_space<hbm>>) target(%dma_start3A_271 : memref<8x128xi32, #tpu.memory_space<vmem>>) target_semaphore(%run_scoped3A_261 : memref<!tpu.dma_semaphore, #tpu.memory_space<semaphore_mem>>)
      %dma_wait3A_274 = arith.constant 0 : i32
      %dma_wait3A_275 = arith.constant 0 : i32
      %dma_wait3A_276 = tpu.memref_slice %arg5[%run_scoped3A, %dma_wait3A_274, %dma_wait3A_275] : memref<2x8x128xi32, #tpu.memory_space<vmem>> -> memref<1x8x128xi32, #tpu.memory_space<vmem>>
      %dma_wait3A_277 = tpu.memref_squeeze %dma_wait3A_276 : memref<1x8x128xi32, #tpu.memory_space<vmem>> -> memref<8x128xi32, #tpu.memory_space<vmem>>
      %dma_wait3A_278 = arith.constant 0 : i32
      %dma_wait3A_279 = tpu.memref_slice %arg3[%mul3A_5, %dma_wait3A_278] : memref<6400x128xi32, #tpu.memory_space<hbm>> -> memref<8x128xi32, #tpu.memory_space<hbm>>
      %dma_wait3A_280 = arith.constant 0 : i32
      %dma_wait3A_281 = arith.constant 0 : i32
      %dma_wait3A_282 = tpu.memref_slice %arg5[%run_scoped3A, %dma_wait3A_280, %dma_wait3A_281] : memref<2x8x128xi32, #tpu.memory_space<vmem>> -> memref<1x8x128xi32, #tpu.memory_space<vmem>>
      %dma_wait3A_283 = tpu.memref_squeeze %dma_wait3A_282 : memref<1x8x128xi32, #tpu.memory_space<vmem>> -> memref<8x128xi32, #tpu.memory_space<vmem>>
      %dma_wait3A_284 = arith.constant 0 : i32
      %dma_wait3A_285 = tpu.memref_slice %arg3[%mul3A_5, %dma_wait3A_284] : memref<6400x128xi32, #tpu.memory_space<hbm>> -> memref<8x128xi32, #tpu.memory_space<hbm>>
      tpu.wait_dma2 semaphore(%run_scoped3A_261 : memref<!tpu.dma_semaphore, #tpu.memory_space<semaphore_mem>>) src(%dma_wait3A_285 : memref<8x128xi32, #tpu.memory_space<hbm>>) dst(%dma_wait3A_283 : memref<8x128xi32, #tpu.memory_space<vmem>>)
      tpu.yield
    }) : () -> ()
    %dma_start3A = arith.constant 0 : i32
    %dma_start3A_6 = arith.constant 0 : i32
    %dma_start3A_7 = arith.constant 0 : i32
    %dma_start3A_8 = arith.constant 0 : i32
    %dma_start3A_9 = arith.constant 0 : i32
    %dma_start3A_10 = tpu.memref_slice %arg6[%dma_start3A_7, %dma_start3A_8, %dma_start3A_9] : memref<2x1024x16xf32, #tpu.memory_space<vmem>> -> memref<1x128x16xf32, #tpu.memory_space<vmem>>
    %dma_start3A_11 = tpu.memref_squeeze %dma_start3A_10 : memref<1x128x16xf32, #tpu.memory_space<vmem>> -> memref<128x16xf32, #tpu.memory_space<vmem>>
    %dma_start3A_12 = arith.constant 0 : i32
    %dma_start3A_13 = tpu.memref_slice %arg5[%dma_start3A, %dma_start3A_6, %dma_start3A_12] : memref<2x8x128xi32, #tpu.memory_space<vmem>> -> memref<1x1x128xi32, #tpu.memory_space<vmem>>
    %dma_start3A_14 = tpu.memref_squeeze %dma_start3A_13 : memref<1x1x128xi32, #tpu.memory_space<vmem>> -> memref<128xi32, #tpu.memory_space<vmem>>
    %dma_start3A_15 = arith.constant 0 : i32
    %dma_start3A_16 = arith.constant 0 : i32
    %dma_start3A_17 = tpu.memref_slice %arg2[%dma_start3A_15, %dma_start3A_16] : memref<1000000x16xf32, #tpu.memory_space<hbm>> -> memref<1000000x16xf32, #tpu.memory_space<hbm>>
    tpu.enqueue_indirect_dma source(%dma_start3A_17 : memref<1000000x16xf32, #tpu.memory_space<hbm>>) target(%dma_start3A_11 : memref<128x16xf32, #tpu.memory_space<vmem>>) offsets(%dma_start3A_14 : memref<128xi32, #tpu.memory_space<vmem>>) semaphore(%arg8 : memref<!tpu.dma_semaphore, #tpu.memory_space<semaphore_mem>>)
    %dma_start3A_18 = arith.constant 0 : i32
    %dma_start3A_19 = arith.constant 1 : i32
    %dma_start3A_20 = arith.constant 0 : i32
    %dma_start3A_21 = arith.constant 128 : i32
    %dma_start3A_22 = arith.constant 0 : i32
    %dma_start3A_23 = tpu.memref_slice %arg6[%dma_start3A_20, %dma_start3A_21, %dma_start3A_22] : memref<2x1024x16xf32, #tpu.memory_space<vmem>> -> memref<1x128x16xf32, #tpu.memory_space<vmem>>
    %dma_start3A_24 = tpu.memref_squeeze %dma_start3A_23 : memref<1x128x16xf32, #tpu.memory_space<vmem>> -> memref<128x16xf32, #tpu.memory_space<vmem>>
    %dma_start3A_25 = arith.constant 0 : i32
    %dma_start3A_26 = tpu.memref_slice %arg5[%dma_start3A_18, %dma_start3A_19, %dma_start3A_25] : memref<2x8x128xi32, #tpu.memory_space<vmem>> -> memref<1x1x128xi32, #tpu.memory_space<vmem>>
    %dma_start3A_27 = tpu.memref_squeeze %dma_start3A_26 : memref<1x1x128xi32, #tpu.memory_space<vmem>> -> memref<128xi32, #tpu.memory_space<vmem>>
    %dma_start3A_28 = arith.constant 0 : i32
    %dma_start3A_29 = arith.constant 0 : i32
    %dma_start3A_30 = tpu.memref_slice %arg2[%dma_start3A_28, %dma_start3A_29] : memref<1000000x16xf32, #tpu.memory_space<hbm>> -> memref<1000000x16xf32, #tpu.memory_space<hbm>>
    tpu.enqueue_indirect_dma source(%dma_start3A_30 : memref<1000000x16xf32, #tpu.memory_space<hbm>>) target(%dma_start3A_24 : memref<128x16xf32, #tpu.memory_space<vmem>>) offsets(%dma_start3A_27 : memref<128xi32, #tpu.memory_space<vmem>>) semaphore(%arg8 : memref<!tpu.dma_semaphore, #tpu.memory_space<semaphore_mem>>)
    %dma_start3A_31 = arith.constant 0 : i32
    %dma_start3A_32 = arith.constant 2 : i32
    %dma_start3A_33 = arith.constant 0 : i32
    %dma_start3A_34 = arith.constant 256 : i32
    %dma_start3A_35 = arith.constant 0 : i32
    %dma_start3A_36 = tpu.memref_slice %arg6[%dma_start3A_33, %dma_start3A_34, %dma_start3A_35] : memref<2x1024x16xf32, #tpu.memory_space<vmem>> -> memref<1x128x16xf32, #tpu.memory_space<vmem>>
    %dma_start3A_37 = tpu.memref_squeeze %dma_start3A_36 : memref<1x128x16xf32, #tpu.memory_space<vmem>> -> memref<128x16xf32, #tpu.memory_space<vmem>>
    %dma_start3A_38 = arith.constant 0 : i32
    %dma_start3A_39 = tpu.memref_slice %arg5[%dma_start3A_31, %dma_start3A_32, %dma_start3A_38] : memref<2x8x128xi32, #tpu.memory_space<vmem>> -> memref<1x1x128xi32, #tpu.memory_space<vmem>>
    %dma_start3A_40 = tpu.memref_squeeze %dma_start3A_39 : memref<1x1x128xi32, #tpu.memory_space<vmem>> -> memref<128xi32, #tpu.memory_space<vmem>>
    %dma_start3A_41 = arith.constant 0 : i32
    %dma_start3A_42 = arith.constant 0 : i32
    %dma_start3A_43 = tpu.memref_slice %arg2[%dma_start3A_41, %dma_start3A_42] : memref<1000000x16xf32, #tpu.memory_space<hbm>> -> memref<1000000x16xf32, #tpu.memory_space<hbm>>
    tpu.enqueue_indirect_dma source(%dma_start3A_43 : memref<1000000x16xf32, #tpu.memory_space<hbm>>) target(%dma_start3A_37 : memref<128x16xf32, #tpu.memory_space<vmem>>) offsets(%dma_start3A_40 : memref<128xi32, #tpu.memory_space<vmem>>) semaphore(%arg8 : memref<!tpu.dma_semaphore, #tpu.memory_space<semaphore_mem>>)
    %dma_start3A_44 = arith.constant 0 : i32
    %dma_start3A_45 = arith.constant 3 : i32
    %dma_start3A_46 = arith.constant 0 : i32
    %dma_start3A_47 = arith.constant 384 : i32
    %dma_start3A_48 = arith.constant 0 : i32
    %dma_start3A_49 = tpu.memref_slice %arg6[%dma_start3A_46, %dma_start3A_47, %dma_start3A_48] : memref<2x1024x16xf32, #tpu.memory_space<vmem>> -> memref<1x128x16xf32, #tpu.memory_space<vmem>>
    %dma_start3A_50 = tpu.memref_squeeze %dma_start3A_49 : memref<1x128x16xf32, #tpu.memory_space<vmem>> -> memref<128x16xf32, #tpu.memory_space<vmem>>
    %dma_start3A_51 = arith.constant 0 : i32
    %dma_start3A_52 = tpu.memref_slice %arg5[%dma_start3A_44, %dma_start3A_45, %dma_start3A_51] : memref<2x8x128xi32, #tpu.memory_space<vmem>> -> memref<1x1x128xi32, #tpu.memory_space<vmem>>
    %dma_start3A_53 = tpu.memref_squeeze %dma_start3A_52 : memref<1x1x128xi32, #tpu.memory_space<vmem>> -> memref<128xi32, #tpu.memory_space<vmem>>
    %dma_start3A_54 = arith.constant 0 : i32
    %dma_start3A_55 = arith.constant 0 : i32
    %dma_start3A_56 = tpu.memref_slice %arg2[%dma_start3A_54, %dma_start3A_55] : memref<1000000x16xf32, #tpu.memory_space<hbm>> -> memref<1000000x16xf32, #tpu.memory_space<hbm>>
    tpu.enqueue_indirect_dma source(%dma_start3A_56 : memref<1000000x16xf32, #tpu.memory_space<hbm>>) target(%dma_start3A_50 : memref<128x16xf32, #tpu.memory_space<vmem>>) offsets(%dma_start3A_53 : memref<128xi32, #tpu.memory_space<vmem>>) semaphore(%arg8 : memref<!tpu.dma_semaphore, #tpu.memory_space<semaphore_mem>>)
    %dma_start3A_57 = arith.constant 0 : i32
    %dma_start3A_58 = arith.constant 4 : i32
    %dma_start3A_59 = arith.constant 0 : i32
    %dma_start3A_60 = arith.constant 512 : i32
    %dma_start3A_61 = arith.constant 0 : i32
    %dma_start3A_62 = tpu.memref_slice %arg6[%dma_start3A_59, %dma_start3A_60, %dma_start3A_61] : memref<2x1024x16xf32, #tpu.memory_space<vmem>> -> memref<1x128x16xf32, #tpu.memory_space<vmem>>
    %dma_start3A_63 = tpu.memref_squeeze %dma_start3A_62 : memref<1x128x16xf32, #tpu.memory_space<vmem>> -> memref<128x16xf32, #tpu.memory_space<vmem>>
    %dma_start3A_64 = arith.constant 0 : i32
    %dma_start3A_65 = tpu.memref_slice %arg5[%dma_start3A_57, %dma_start3A_58, %dma_start3A_64] : memref<2x8x128xi32, #tpu.memory_space<vmem>> -> memref<1x1x128xi32, #tpu.memory_space<vmem>>
    %dma_start3A_66 = tpu.memref_squeeze %dma_start3A_65 : memref<1x1x128xi32, #tpu.memory_space<vmem>> -> memref<128xi32, #tpu.memory_space<vmem>>
    %dma_start3A_67 = arith.constant 0 : i32
    %dma_start3A_68 = arith.constant 0 : i32
    %dma_start3A_69 = tpu.memref_slice %arg2[%dma_start3A_67, %dma_start3A_68] : memref<1000000x16xf32, #tpu.memory_space<hbm>> -> memref<1000000x16xf32, #tpu.memory_space<hbm>>
    tpu.enqueue_indirect_dma source(%dma_start3A_69 : memref<1000000x16xf32, #tpu.memory_space<hbm>>) target(%dma_start3A_63 : memref<128x16xf32, #tpu.memory_space<vmem>>) offsets(%dma_start3A_66 : memref<128xi32, #tpu.memory_space<vmem>>) semaphore(%arg8 : memref<!tpu.dma_semaphore, #tpu.memory_space<semaphore_mem>>)
    %dma_start3A_70 = arith.constant 0 : i32
    %dma_start3A_71 = arith.constant 5 : i32
    %dma_start3A_72 = arith.constant 0 : i32
    %dma_start3A_73 = arith.constant 640 : i32
    %dma_start3A_74 = arith.constant 0 : i32
    %dma_start3A_75 = tpu.memref_slice %arg6[%dma_start3A_72, %dma_start3A_73, %dma_start3A_74] : memref<2x1024x16xf32, #tpu.memory_space<vmem>> -> memref<1x128x16xf32, #tpu.memory_space<vmem>>
    %dma_start3A_76 = tpu.memref_squeeze %dma_start3A_75 : memref<1x128x16xf32, #tpu.memory_space<vmem>> -> memref<128x16xf32, #tpu.memory_space<vmem>>
    %dma_start3A_77 = arith.constant 0 : i32
    %dma_start3A_78 = tpu.memref_slice %arg5[%dma_start3A_70, %dma_start3A_71, %dma_start3A_77] : memref<2x8x128xi32, #tpu.memory_space<vmem>> -> memref<1x1x128xi32, #tpu.memory_space<vmem>>
    %dma_start3A_79 = tpu.memref_squeeze %dma_start3A_78 : memref<1x1x128xi32, #tpu.memory_space<vmem>> -> memref<128xi32, #tpu.memory_space<vmem>>
    %dma_start3A_80 = arith.constant 0 : i32
    %dma_start3A_81 = arith.constant 0 : i32
    %dma_start3A_82 = tpu.memref_slice %arg2[%dma_start3A_80, %dma_start3A_81] : memref<1000000x16xf32, #tpu.memory_space<hbm>> -> memref<1000000x16xf32, #tpu.memory_space<hbm>>
    tpu.enqueue_indirect_dma source(%dma_start3A_82 : memref<1000000x16xf32, #tpu.memory_space<hbm>>) target(%dma_start3A_76 : memref<128x16xf32, #tpu.memory_space<vmem>>) offsets(%dma_start3A_79 : memref<128xi32, #tpu.memory_space<vmem>>) semaphore(%arg8 : memref<!tpu.dma_semaphore, #tpu.memory_space<semaphore_mem>>)
    %dma_start3A_83 = arith.constant 0 : i32
    %dma_start3A_84 = arith.constant 6 : i32
    %dma_start3A_85 = arith.constant 0 : i32
    %dma_start3A_86 = arith.constant 768 : i32
    %dma_start3A_87 = arith.constant 0 : i32
    %dma_start3A_88 = tpu.memref_slice %arg6[%dma_start3A_85, %dma_start3A_86, %dma_start3A_87] : memref<2x1024x16xf32, #tpu.memory_space<vmem>> -> memref<1x128x16xf32, #tpu.memory_space<vmem>>
    %dma_start3A_89 = tpu.memref_squeeze %dma_start3A_88 : memref<1x128x16xf32, #tpu.memory_space<vmem>> -> memref<128x16xf32, #tpu.memory_space<vmem>>
    %dma_start3A_90 = arith.constant 0 : i32
    %dma_start3A_91 = tpu.memref_slice %arg5[%dma_start3A_83, %dma_start3A_84, %dma_start3A_90] : memref<2x8x128xi32, #tpu.memory_space<vmem>> -> memref<1x1x128xi32, #tpu.memory_space<vmem>>
    %dma_start3A_92 = tpu.memref_squeeze %dma_start3A_91 : memref<1x1x128xi32, #tpu.memory_space<vmem>> -> memref<128xi32, #tpu.memory_space<vmem>>
    %dma_start3A_93 = arith.constant 0 : i32
    %dma_start3A_94 = arith.constant 0 : i32
    %dma_start3A_95 = tpu.memref_slice %arg2[%dma_start3A_93, %dma_start3A_94] : memref<1000000x16xf32, #tpu.memory_space<hbm>> -> memref<1000000x16xf32, #tpu.memory_space<hbm>>
    tpu.enqueue_indirect_dma source(%dma_start3A_95 : memref<1000000x16xf32, #tpu.memory_space<hbm>>) target(%dma_start3A_89 : memref<128x16xf32, #tpu.memory_space<vmem>>) offsets(%dma_start3A_92 : memref<128xi32, #tpu.memory_space<vmem>>) semaphore(%arg8 : memref<!tpu.dma_semaphore, #tpu.memory_space<semaphore_mem>>)
    %dma_start3A_96 = arith.constant 0 : i32
    %dma_start3A_97 = arith.constant 7 : i32
    %dma_start3A_98 = arith.constant 0 : i32
    %dma_start3A_99 = arith.constant 896 : i32
    %dma_start3A_100 = arith.constant 0 : i32
    %dma_start3A_101 = tpu.memref_slice %arg6[%dma_start3A_98, %dma_start3A_99, %dma_start3A_100] : memref<2x1024x16xf32, #tpu.memory_space<vmem>> -> memref<1x128x16xf32, #tpu.memory_space<vmem>>
    %dma_start3A_102 = tpu.memref_squeeze %dma_start3A_101 : memref<1x128x16xf32, #tpu.memory_space<vmem>> -> memref<128x16xf32, #tpu.memory_space<vmem>>
    %dma_start3A_103 = arith.constant 0 : i32
    %dma_start3A_104 = tpu.memref_slice %arg5[%dma_start3A_96, %dma_start3A_97, %dma_start3A_103] : memref<2x8x128xi32, #tpu.memory_space<vmem>> -> memref<1x1x128xi32, #tpu.memory_space<vmem>>
    %dma_start3A_105 = tpu.memref_squeeze %dma_start3A_104 : memref<1x1x128xi32, #tpu.memory_space<vmem>> -> memref<128xi32, #tpu.memory_space<vmem>>
    %dma_start3A_106 = arith.constant 0 : i32
    %dma_start3A_107 = arith.constant 0 : i32
    %dma_start3A_108 = tpu.memref_slice %arg2[%dma_start3A_106, %dma_start3A_107] : memref<1000000x16xf32, #tpu.memory_space<hbm>> -> memref<1000000x16xf32, #tpu.memory_space<hbm>>
    tpu.enqueue_indirect_dma source(%dma_start3A_108 : memref<1000000x16xf32, #tpu.memory_space<hbm>>) target(%dma_start3A_102 : memref<128x16xf32, #tpu.memory_space<vmem>>) offsets(%dma_start3A_105 : memref<128xi32, #tpu.memory_space<vmem>>) semaphore(%arg8 : memref<!tpu.dma_semaphore, #tpu.memory_space<semaphore_mem>>)
    %scan3A = arith.constant 0 : i32
    %scan3A_109 = arith.constant 0 : i32
    %scan3A_110 = arith.constant 12 : i32
    %scan3A_111 = arith.addi %scan3A_109, %scan3A_110 : i32
    %scan3A_112 = arith.constant 1 : i32
    scf.for %scan3A_261 = %scan3A_109 to %scan3A_111 step %scan3A_112  : i32 {
      %mul3A_262 = arith.constant 2 : i32
      %mul3A_263 = arith.muli %mul3A_262, %scan3A_261 : i32
      %add3A_264 = arith.addi %mul3A_2, %mul3A_263 : i32
      %add3A_265 = arith.constant 1 : i32
      %add3A_266 = arith.addi %add3A_264, %add3A_265 : i32
      %mul3A_267 = arith.constant 8 : i32
      %mul3A_268 = arith.muli %add3A_266, %mul3A_267 : i32
      %run_scoped3A_269 = arith.constant 1 : i32
      "tpu.region"() ({
        %run_scoped3A_693 = tpu.sem_alloc : memref<!tpu.dma_semaphore, #tpu.memory_space<semaphore_mem>>
        %dma_start3A_694 = arith.constant 0 : i32
        %dma_start3A_695 = arith.constant 0 : i32
        %dma_start3A_696 = tpu.memref_slice %arg5[%run_scoped3A_269, %dma_start3A_694, %dma_start3A_695] : memref<2x8x128xi32, #tpu.memory_space<vmem>> -> memref<1x8x128xi32, #tpu.memory_space<vmem>>
        %dma_start3A_697 = tpu.memref_squeeze %dma_start3A_696 : memref<1x8x128xi32, #tpu.memory_space<vmem>> -> memref<8x128xi32, #tpu.memory_space<vmem>>
        %dma_start3A_698 = arith.constant 0 : i32
        %dma_start3A_699 = tpu.memref_slice %arg3[%mul3A_268, %dma_start3A_698] : memref<6400x128xi32, #tpu.memory_space<hbm>> -> memref<8x128xi32, #tpu.memory_space<hbm>>
        %dma_start3A_700 = arith.constant 0 : i32
        %dma_start3A_701 = arith.constant 0 : i32
        %dma_start3A_702 = tpu.memref_slice %arg5[%run_scoped3A_269, %dma_start3A_700, %dma_start3A_701] : memref<2x8x128xi32, #tpu.memory_space<vmem>> -> memref<1x8x128xi32, #tpu.memory_space<vmem>>
        %dma_start3A_703 = tpu.memref_squeeze %dma_start3A_702 : memref<1x8x128xi32, #tpu.memory_space<vmem>> -> memref<8x128xi32, #tpu.memory_space<vmem>>
        %dma_start3A_704 = arith.constant 0 : i32
        %dma_start3A_705 = tpu.memref_slice %arg3[%mul3A_268, %dma_start3A_704] : memref<6400x128xi32, #tpu.memory_space<hbm>> -> memref<8x128xi32, #tpu.memory_space<hbm>>
        tpu.enqueue_dma source(%dma_start3A_705 : memref<8x128xi32, #tpu.memory_space<hbm>>) target(%dma_start3A_703 : memref<8x128xi32, #tpu.memory_space<vmem>>) target_semaphore(%run_scoped3A_693 : memref<!tpu.dma_semaphore, #tpu.memory_space<semaphore_mem>>)
        %dma_wait3A_706 = arith.constant 0 : i32
        %dma_wait3A_707 = arith.constant 0 : i32
        %dma_wait3A_708 = tpu.memref_slice %arg5[%run_scoped3A_269, %dma_wait3A_706, %dma_wait3A_707] : memref<2x8x128xi32, #tpu.memory_space<vmem>> -> memref<1x8x128xi32, #tpu.memory_space<vmem>>
        %dma_wait3A_709 = tpu.memref_squeeze %dma_wait3A_708 : memref<1x8x128xi32, #tpu.memory_space<vmem>> -> memref<8x128xi32, #tpu.memory_space<vmem>>
        %dma_wait3A_710 = arith.constant 0 : i32
        %dma_wait3A_711 = tpu.memref_slice %arg3[%mul3A_268, %dma_wait3A_710] : memref<6400x128xi32, #tpu.memory_space<hbm>> -> memref<8x128xi32, #tpu.memory_space<hbm>>
        %dma_wait3A_712 = arith.constant 0 : i32
        %dma_wait3A_713 = arith.constant 0 : i32
        %dma_wait3A_714 = tpu.memref_slice %arg5[%run_scoped3A_269, %dma_wait3A_712, %dma_wait3A_713] : memref<2x8x128xi32, #tpu.memory_space<vmem>> -> memref<1x8x128xi32, #tpu.memory_space<vmem>>
        %dma_wait3A_715 = tpu.memref_squeeze %dma_wait3A_714 : memref<1x8x128xi32, #tpu.memory_space<vmem>> -> memref<8x128xi32, #tpu.memory_space<vmem>>
        %dma_wait3A_716 = arith.constant 0 : i32
        %dma_wait3A_717 = tpu.memref_slice %arg3[%mul3A_268, %dma_wait3A_716] : memref<6400x128xi32, #tpu.memory_space<hbm>> -> memref<8x128xi32, #tpu.memory_space<hbm>>
        tpu.wait_dma2 semaphore(%run_scoped3A_693 : memref<!tpu.dma_semaphore, #tpu.memory_space<semaphore_mem>>) src(%dma_wait3A_717 : memref<8x128xi32, #tpu.memory_space<hbm>>) dst(%dma_wait3A_715 : memref<8x128xi32, #tpu.memory_space<vmem>>)
        tpu.yield
      }) : () -> ()
      %dma_start3A_270 = arith.constant 1 : i32
      %dma_start3A_271 = arith.constant 0 : i32
      %dma_start3A_272 = arith.constant 1 : i32
      %dma_start3A_273 = arith.constant 0 : i32
      %dma_start3A_274 = arith.constant 0 : i32
      %dma_start3A_275 = tpu.memref_slice %arg6[%dma_start3A_272, %dma_start3A_273, %dma_start3A_274] : memref<2x1024x16xf32, #tpu.memory_space<vmem>> -> memref<1x128x16xf32, #tpu.memory_space<vmem>>
      %dma_start3A_276 = tpu.memref_squeeze %dma_start3A_275 : memref<1x128x16xf32, #tpu.memory_space<vmem>> -> memref<128x16xf32, #tpu.memory_space<vmem>>
      %dma_start3A_277 = arith.constant 0 : i32
      %dma_start3A_278 = tpu.memref_slice %arg5[%dma_start3A_270, %dma_start3A_271, %dma_start3A_277] : memref<2x8x128xi32, #tpu.memory_space<vmem>> -> memref<1x1x128xi32, #tpu.memory_space<vmem>>
      %dma_start3A_279 = tpu.memref_squeeze %dma_start3A_278 : memref<1x1x128xi32, #tpu.memory_space<vmem>> -> memref<128xi32, #tpu.memory_space<vmem>>
      %dma_start3A_280 = arith.constant 0 : i32
      %dma_start3A_281 = arith.constant 0 : i32
      %dma_start3A_282 = tpu.memref_slice %arg2[%dma_start3A_280, %dma_start3A_281] : memref<1000000x16xf32, #tpu.memory_space<hbm>> -> memref<1000000x16xf32, #tpu.memory_space<hbm>>
      tpu.enqueue_indirect_dma source(%dma_start3A_282 : memref<1000000x16xf32, #tpu.memory_space<hbm>>) target(%dma_start3A_276 : memref<128x16xf32, #tpu.memory_space<vmem>>) offsets(%dma_start3A_279 : memref<128xi32, #tpu.memory_space<vmem>>) semaphore(%arg9 : memref<!tpu.dma_semaphore, #tpu.memory_space<semaphore_mem>>)
      %dma_start3A_283 = arith.constant 1 : i32
      %dma_start3A_284 = arith.constant 1 : i32
      %dma_start3A_285 = arith.constant 1 : i32
      %dma_start3A_286 = arith.constant 128 : i32
      %dma_start3A_287 = arith.constant 0 : i32
      %dma_start3A_288 = tpu.memref_slice %arg6[%dma_start3A_285, %dma_start3A_286, %dma_start3A_287] : memref<2x1024x16xf32, #tpu.memory_space<vmem>> -> memref<1x128x16xf32, #tpu.memory_space<vmem>>
      %dma_start3A_289 = tpu.memref_squeeze %dma_start3A_288 : memref<1x128x16xf32, #tpu.memory_space<vmem>> -> memref<128x16xf32, #tpu.memory_space<vmem>>
      %dma_start3A_290 = arith.constant 0 : i32
      %dma_start3A_291 = tpu.memref_slice %arg5[%dma_start3A_283, %dma_start3A_284, %dma_start3A_290] : memref<2x8x128xi32, #tpu.memory_space<vmem>> -> memref<1x1x128xi32, #tpu.memory_space<vmem>>
      %dma_start3A_292 = tpu.memref_squeeze %dma_start3A_291 : memref<1x1x128xi32, #tpu.memory_space<vmem>> -> memref<128xi32, #tpu.memory_space<vmem>>
      %dma_start3A_293 = arith.constant 0 : i32
      %dma_start3A_294 = arith.constant 0 : i32
      %dma_start3A_295 = tpu.memref_slice %arg2[%dma_start3A_293, %dma_start3A_294] : memref<1000000x16xf32, #tpu.memory_space<hbm>> -> memref<1000000x16xf32, #tpu.memory_space<hbm>>
      tpu.enqueue_indirect_dma source(%dma_start3A_295 : memref<1000000x16xf32, #tpu.memory_space<hbm>>) target(%dma_start3A_289 : memref<128x16xf32, #tpu.memory_space<vmem>>) offsets(%dma_start3A_292 : memref<128xi32, #tpu.memory_space<vmem>>) semaphore(%arg9 : memref<!tpu.dma_semaphore, #tpu.memory_space<semaphore_mem>>)
      %dma_start3A_296 = arith.constant 1 : i32
      %dma_start3A_297 = arith.constant 2 : i32
      %dma_start3A_298 = arith.constant 1 : i32
      %dma_start3A_299 = arith.constant 256 : i32
      %dma_start3A_300 = arith.constant 0 : i32
      %dma_start3A_301 = tpu.memref_slice %arg6[%dma_start3A_298, %dma_start3A_299, %dma_start3A_300] : memref<2x1024x16xf32, #tpu.memory_space<vmem>> -> memref<1x128x16xf32, #tpu.memory_space<vmem>>
      %dma_start3A_302 = tpu.memref_squeeze %dma_start3A_301 : memref<1x128x16xf32, #tpu.memory_space<vmem>> -> memref<128x16xf32, #tpu.memory_space<vmem>>
      %dma_start3A_303 = arith.constant 0 : i32
      %dma_start3A_304 = tpu.memref_slice %arg5[%dma_start3A_296, %dma_start3A_297, %dma_start3A_303] : memref<2x8x128xi32, #tpu.memory_space<vmem>> -> memref<1x1x128xi32, #tpu.memory_space<vmem>>
      %dma_start3A_305 = tpu.memref_squeeze %dma_start3A_304 : memref<1x1x128xi32, #tpu.memory_space<vmem>> -> memref<128xi32, #tpu.memory_space<vmem>>
      %dma_start3A_306 = arith.constant 0 : i32
      %dma_start3A_307 = arith.constant 0 : i32
      %dma_start3A_308 = tpu.memref_slice %arg2[%dma_start3A_306, %dma_start3A_307] : memref<1000000x16xf32, #tpu.memory_space<hbm>> -> memref<1000000x16xf32, #tpu.memory_space<hbm>>
      tpu.enqueue_indirect_dma source(%dma_start3A_308 : memref<1000000x16xf32, #tpu.memory_space<hbm>>) target(%dma_start3A_302 : memref<128x16xf32, #tpu.memory_space<vmem>>) offsets(%dma_start3A_305 : memref<128xi32, #tpu.memory_space<vmem>>) semaphore(%arg9 : memref<!tpu.dma_semaphore, #tpu.memory_space<semaphore_mem>>)
      %dma_start3A_309 = arith.constant 1 : i32
      %dma_start3A_310 = arith.constant 3 : i32
      %dma_start3A_311 = arith.constant 1 : i32
      %dma_start3A_312 = arith.constant 384 : i32
      %dma_start3A_313 = arith.constant 0 : i32
      %dma_start3A_314 = tpu.memref_slice %arg6[%dma_start3A_311, %dma_start3A_312, %dma_start3A_313] : memref<2x1024x16xf32, #tpu.memory_space<vmem>> -> memref<1x128x16xf32, #tpu.memory_space<vmem>>
      %dma_start3A_315 = tpu.memref_squeeze %dma_start3A_314 : memref<1x128x16xf32, #tpu.memory_space<vmem>> -> memref<128x16xf32, #tpu.memory_space<vmem>>
      %dma_start3A_316 = arith.constant 0 : i32
      %dma_start3A_317 = tpu.memref_slice %arg5[%dma_start3A_309, %dma_start3A_310, %dma_start3A_316] : memref<2x8x128xi32, #tpu.memory_space<vmem>> -> memref<1x1x128xi32, #tpu.memory_space<vmem>>
      %dma_start3A_318 = tpu.memref_squeeze %dma_start3A_317 : memref<1x1x128xi32, #tpu.memory_space<vmem>> -> memref<128xi32, #tpu.memory_space<vmem>>
      %dma_start3A_319 = arith.constant 0 : i32
      %dma_start3A_320 = arith.constant 0 : i32
      %dma_start3A_321 = tpu.memref_slice %arg2[%dma_start3A_319, %dma_start3A_320] : memref<1000000x16xf32, #tpu.memory_space<hbm>> -> memref<1000000x16xf32, #tpu.memory_space<hbm>>
      tpu.enqueue_indirect_dma source(%dma_start3A_321 : memref<1000000x16xf32, #tpu.memory_space<hbm>>) target(%dma_start3A_315 : memref<128x16xf32, #tpu.memory_space<vmem>>) offsets(%dma_start3A_318 : memref<128xi32, #tpu.memory_space<vmem>>) semaphore(%arg9 : memref<!tpu.dma_semaphore, #tpu.memory_space<semaphore_mem>>)
      %dma_start3A_322 = arith.constant 1 : i32
      %dma_start3A_323 = arith.constant 4 : i32
      %dma_start3A_324 = arith.constant 1 : i32
      %dma_start3A_325 = arith.constant 512 : i32
      %dma_start3A_326 = arith.constant 0 : i32
      %dma_start3A_327 = tpu.memref_slice %arg6[%dma_start3A_324, %dma_start3A_325, %dma_start3A_326] : memref<2x1024x16xf32, #tpu.memory_space<vmem>> -> memref<1x128x16xf32, #tpu.memory_space<vmem>>
      %dma_start3A_328 = tpu.memref_squeeze %dma_start3A_327 : memref<1x128x16xf32, #tpu.memory_space<vmem>> -> memref<128x16xf32, #tpu.memory_space<vmem>>
      %dma_start3A_329 = arith.constant 0 : i32
      %dma_start3A_330 = tpu.memref_slice %arg5[%dma_start3A_322, %dma_start3A_323, %dma_start3A_329] : memref<2x8x128xi32, #tpu.memory_space<vmem>> -> memref<1x1x128xi32, #tpu.memory_space<vmem>>
      %dma_start3A_331 = tpu.memref_squeeze %dma_start3A_330 : memref<1x1x128xi32, #tpu.memory_space<vmem>> -> memref<128xi32, #tpu.memory_space<vmem>>
      %dma_start3A_332 = arith.constant 0 : i32
      %dma_start3A_333 = arith.constant 0 : i32
      %dma_start3A_334 = tpu.memref_slice %arg2[%dma_start3A_332, %dma_start3A_333] : memref<1000000x16xf32, #tpu.memory_space<hbm>> -> memref<1000000x16xf32, #tpu.memory_space<hbm>>
      tpu.enqueue_indirect_dma source(%dma_start3A_334 : memref<1000000x16xf32, #tpu.memory_space<hbm>>) target(%dma_start3A_328 : memref<128x16xf32, #tpu.memory_space<vmem>>) offsets(%dma_start3A_331 : memref<128xi32, #tpu.memory_space<vmem>>) semaphore(%arg9 : memref<!tpu.dma_semaphore, #tpu.memory_space<semaphore_mem>>)
      %dma_start3A_335 = arith.constant 1 : i32
      %dma_start3A_336 = arith.constant 5 : i32
      %dma_start3A_337 = arith.constant 1 : i32
      %dma_start3A_338 = arith.constant 640 : i32
      %dma_start3A_339 = arith.constant 0 : i32
      %dma_start3A_340 = tpu.memref_slice %arg6[%dma_start3A_337, %dma_start3A_338, %dma_start3A_339] : memref<2x1024x16xf32, #tpu.memory_space<vmem>> -> memref<1x128x16xf32, #tpu.memory_space<vmem>>
      %dma_start3A_341 = tpu.memref_squeeze %dma_start3A_340 : memref<1x128x16xf32, #tpu.memory_space<vmem>> -> memref<128x16xf32, #tpu.memory_space<vmem>>
      %dma_start3A_342 = arith.constant 0 : i32
      %dma_start3A_343 = tpu.memref_slice %arg5[%dma_start3A_335, %dma_start3A_336, %dma_start3A_342] : memref<2x8x128xi32, #tpu.memory_space<vmem>> -> memref<1x1x128xi32, #tpu.memory_space<vmem>>
      %dma_start3A_344 = tpu.memref_squeeze %dma_start3A_343 : memref<1x1x128xi32, #tpu.memory_space<vmem>> -> memref<128xi32, #tpu.memory_space<vmem>>
      %dma_start3A_345 = arith.constant 0 : i32
      %dma_start3A_346 = arith.constant 0 : i32
      %dma_start3A_347 = tpu.memref_slice %arg2[%dma_start3A_345, %dma_start3A_346] : memref<1000000x16xf32, #tpu.memory_space<hbm>> -> memref<1000000x16xf32, #tpu.memory_space<hbm>>
      tpu.enqueue_indirect_dma source(%dma_start3A_347 : memref<1000000x16xf32, #tpu.memory_space<hbm>>) target(%dma_start3A_341 : memref<128x16xf32, #tpu.memory_space<vmem>>) offsets(%dma_start3A_344 : memref<128xi32, #tpu.memory_space<vmem>>) semaphore(%arg9 : memref<!tpu.dma_semaphore, #tpu.memory_space<semaphore_mem>>)
      %dma_start3A_348 = arith.constant 1 : i32
      %dma_start3A_349 = arith.constant 6 : i32
      %dma_start3A_350 = arith.constant 1 : i32
      %dma_start3A_351 = arith.constant 768 : i32
      %dma_start3A_352 = arith.constant 0 : i32
      %dma_start3A_353 = tpu.memref_slice %arg6[%dma_start3A_350, %dma_start3A_351, %dma_start3A_352] : memref<2x1024x16xf32, #tpu.memory_space<vmem>> -> memref<1x128x16xf32, #tpu.memory_space<vmem>>
      %dma_start3A_354 = tpu.memref_squeeze %dma_start3A_353 : memref<1x128x16xf32, #tpu.memory_space<vmem>> -> memref<128x16xf32, #tpu.memory_space<vmem>>
      %dma_start3A_355 = arith.constant 0 : i32
      %dma_start3A_356 = tpu.memref_slice %arg5[%dma_start3A_348, %dma_start3A_349, %dma_start3A_355] : memref<2x8x128xi32, #tpu.memory_space<vmem>> -> memref<1x1x128xi32, #tpu.memory_space<vmem>>
      %dma_start3A_357 = tpu.memref_squeeze %dma_start3A_356 : memref<1x1x128xi32, #tpu.memory_space<vmem>> -> memref<128xi32, #tpu.memory_space<vmem>>
      %dma_start3A_358 = arith.constant 0 : i32
      %dma_start3A_359 = arith.constant 0 : i32
      %dma_start3A_360 = tpu.memref_slice %arg2[%dma_start3A_358, %dma_start3A_359] : memref<1000000x16xf32, #tpu.memory_space<hbm>> -> memref<1000000x16xf32, #tpu.memory_space<hbm>>
      tpu.enqueue_indirect_dma source(%dma_start3A_360 : memref<1000000x16xf32, #tpu.memory_space<hbm>>) target(%dma_start3A_354 : memref<128x16xf32, #tpu.memory_space<vmem>>) offsets(%dma_start3A_357 : memref<128xi32, #tpu.memory_space<vmem>>) semaphore(%arg9 : memref<!tpu.dma_semaphore, #tpu.memory_space<semaphore_mem>>)
      %dma_start3A_361 = arith.constant 1 : i32
      %dma_start3A_362 = arith.constant 7 : i32
      %dma_start3A_363 = arith.constant 1 : i32
      %dma_start3A_364 = arith.constant 896 : i32
      %dma_start3A_365 = arith.constant 0 : i32
      %dma_start3A_366 = tpu.memref_slice %arg6[%dma_start3A_363, %dma_start3A_364, %dma_start3A_365] : memref<2x1024x16xf32, #tpu.memory_space<vmem>> -> memref<1x128x16xf32, #tpu.memory_space<vmem>>
      %dma_start3A_367 = tpu.memref_squeeze %dma_start3A_366 : memref<1x128x16xf32, #tpu.memory_space<vmem>> -> memref<128x16xf32, #tpu.memory_space<vmem>>
      %dma_start3A_368 = arith.constant 0 : i32
      %dma_start3A_369 = tpu.memref_slice %arg5[%dma_start3A_361, %dma_start3A_362, %dma_start3A_368] : memref<2x8x128xi32, #tpu.memory_space<vmem>> -> memref<1x1x128xi32, #tpu.memory_space<vmem>>
      %dma_start3A_370 = tpu.memref_squeeze %dma_start3A_369 : memref<1x1x128xi32, #tpu.memory_space<vmem>> -> memref<128xi32, #tpu.memory_space<vmem>>
      %dma_start3A_371 = arith.constant 0 : i32
      %dma_start3A_372 = arith.constant 0 : i32
      %dma_start3A_373 = tpu.memref_slice %arg2[%dma_start3A_371, %dma_start3A_372] : memref<1000000x16xf32, #tpu.memory_space<hbm>> -> memref<1000000x16xf32, #tpu.memory_space<hbm>>
      tpu.enqueue_indirect_dma source(%dma_start3A_373 : memref<1000000x16xf32, #tpu.memory_space<hbm>>) target(%dma_start3A_367 : memref<128x16xf32, #tpu.memory_space<vmem>>) offsets(%dma_start3A_370 : memref<128xi32, #tpu.memory_space<vmem>>) semaphore(%arg9 : memref<!tpu.dma_semaphore, #tpu.memory_space<semaphore_mem>>)
      %dma_wait3A_374 = arith.constant 0 : i32
      %dma_wait3A_375 = arith.constant 0 : i32
      %dma_wait3A_376 = arith.constant 0 : i32
      %dma_wait3A_377 = arith.constant 0 : i32
      %dma_wait3A_378 = arith.constant 0 : i32
      %dma_wait3A_379 = tpu.memref_slice %arg6[%dma_wait3A_376, %dma_wait3A_377, %dma_wait3A_378] : memref<2x1024x16xf32, #tpu.memory_space<vmem>> -> memref<1x128x16xf32, #tpu.memory_space<vmem>>
      %dma_wait3A_380 = tpu.memref_squeeze %dma_wait3A_379 : memref<1x128x16xf32, #tpu.memory_space<vmem>> -> memref<128x16xf32, #tpu.memory_space<vmem>>
      %dma_wait3A_381 = arith.constant 0 : i32
      %dma_wait3A_382 = tpu.memref_slice %arg5[%dma_wait3A_374, %dma_wait3A_375, %dma_wait3A_381] : memref<2x8x128xi32, #tpu.memory_space<vmem>> -> memref<1x1x128xi32, #tpu.memory_space<vmem>>
      %dma_wait3A_383 = tpu.memref_squeeze %dma_wait3A_382 : memref<1x1x128xi32, #tpu.memory_space<vmem>> -> memref<128xi32, #tpu.memory_space<vmem>>
      %dma_wait3A_384 = arith.constant 0 : i32
      %dma_wait3A_385 = arith.constant 0 : i32
      %dma_wait3A_386 = tpu.memref_slice %arg2[%dma_wait3A_384, %dma_wait3A_385] : memref<1000000x16xf32, #tpu.memory_space<hbm>> -> memref<1000000x16xf32, #tpu.memory_space<hbm>>
      tpu.wait_indirect_dma semaphore(%arg8 : memref<!tpu.dma_semaphore, #tpu.memory_space<semaphore_mem>>) src(%dma_wait3A_386 : memref<1000000x16xf32, #tpu.memory_space<hbm>>) dst(%dma_wait3A_380 : memref<128x16xf32, #tpu.memory_space<vmem>>)
      %dma_wait3A_387 = arith.constant 0 : i32
      %dma_wait3A_388 = arith.constant 1 : i32
      %dma_wait3A_389 = arith.constant 0 : i32
      %dma_wait3A_390 = arith.constant 128 : i32
      %dma_wait3A_391 = arith.constant 0 : i32
      %dma_wait3A_392 = tpu.memref_slice %arg6[%dma_wait3A_389, %dma_wait3A_390, %dma_wait3A_391] : memref<2x1024x16xf32, #tpu.memory_space<vmem>> -> memref<1x128x16xf32, #tpu.memory_space<vmem>>
      %dma_wait3A_393 = tpu.memref_squeeze %dma_wait3A_392 : memref<1x128x16xf32, #tpu.memory_space<vmem>> -> memref<128x16xf32, #tpu.memory_space<vmem>>
      %dma_wait3A_394 = arith.constant 0 : i32
      %dma_wait3A_395 = tpu.memref_slice %arg5[%dma_wait3A_387, %dma_wait3A_388, %dma_wait3A_394] : memref<2x8x128xi32, #tpu.memory_space<vmem>> -> memref<1x1x128xi32, #tpu.memory_space<vmem>>
      %dma_wait3A_396 = tpu.memref_squeeze %dma_wait3A_395 : memref<1x1x128xi32, #tpu.memory_space<vmem>> -> memref<128xi32, #tpu.memory_space<vmem>>
      %dma_wait3A_397 = arith.constant 0 : i32
      %dma_wait3A_398 = arith.constant 0 : i32
      %dma_wait3A_399 = tpu.memref_slice %arg2[%dma_wait3A_397, %dma_wait3A_398] : memref<1000000x16xf32, #tpu.memory_space<hbm>> -> memref<1000000x16xf32, #tpu.memory_space<hbm>>
      tpu.wait_indirect_dma semaphore(%arg8 : memref<!tpu.dma_semaphore, #tpu.memory_space<semaphore_mem>>) src(%dma_wait3A_399 : memref<1000000x16xf32, #tpu.memory_space<hbm>>) dst(%dma_wait3A_393 : memref<128x16xf32, #tpu.memory_space<vmem>>)
      %dma_wait3A_400 = arith.constant 0 : i32
      %dma_wait3A_401 = arith.constant 2 : i32
      %dma_wait3A_402 = arith.constant 0 : i32
      %dma_wait3A_403 = arith.constant 256 : i32
      %dma_wait3A_404 = arith.constant 0 : i32
      %dma_wait3A_405 = tpu.memref_slice %arg6[%dma_wait3A_402, %dma_wait3A_403, %dma_wait3A_404] : memref<2x1024x16xf32, #tpu.memory_space<vmem>> -> memref<1x128x16xf32, #tpu.memory_space<vmem>>
      %dma_wait3A_406 = tpu.memref_squeeze %dma_wait3A_405 : memref<1x128x16xf32, #tpu.memory_space<vmem>> -> memref<128x16xf32, #tpu.memory_space<vmem>>
      %dma_wait3A_407 = arith.constant 0 : i32
      %dma_wait3A_408 = tpu.memref_slice %arg5[%dma_wait3A_400, %dma_wait3A_401, %dma_wait3A_407] : memref<2x8x128xi32, #tpu.memory_space<vmem>> -> memref<1x1x128xi32, #tpu.memory_space<vmem>>
      %dma_wait3A_409 = tpu.memref_squeeze %dma_wait3A_408 : memref<1x1x128xi32, #tpu.memory_space<vmem>> -> memref<128xi32, #tpu.memory_space<vmem>>
      %dma_wait3A_410 = arith.constant 0 : i32
      %dma_wait3A_411 = arith.constant 0 : i32
      %dma_wait3A_412 = tpu.memref_slice %arg2[%dma_wait3A_410, %dma_wait3A_411] : memref<1000000x16xf32, #tpu.memory_space<hbm>> -> memref<1000000x16xf32, #tpu.memory_space<hbm>>
      tpu.wait_indirect_dma semaphore(%arg8 : memref<!tpu.dma_semaphore, #tpu.memory_space<semaphore_mem>>) src(%dma_wait3A_412 : memref<1000000x16xf32, #tpu.memory_space<hbm>>) dst(%dma_wait3A_406 : memref<128x16xf32, #tpu.memory_space<vmem>>)
      %dma_wait3A_413 = arith.constant 0 : i32
      %dma_wait3A_414 = arith.constant 3 : i32
      %dma_wait3A_415 = arith.constant 0 : i32
      %dma_wait3A_416 = arith.constant 384 : i32
      %dma_wait3A_417 = arith.constant 0 : i32
      %dma_wait3A_418 = tpu.memref_slice %arg6[%dma_wait3A_415, %dma_wait3A_416, %dma_wait3A_417] : memref<2x1024x16xf32, #tpu.memory_space<vmem>> -> memref<1x128x16xf32, #tpu.memory_space<vmem>>
      %dma_wait3A_419 = tpu.memref_squeeze %dma_wait3A_418 : memref<1x128x16xf32, #tpu.memory_space<vmem>> -> memref<128x16xf32, #tpu.memory_space<vmem>>
      %dma_wait3A_420 = arith.constant 0 : i32
      %dma_wait3A_421 = tpu.memref_slice %arg5[%dma_wait3A_413, %dma_wait3A_414, %dma_wait3A_420] : memref<2x8x128xi32, #tpu.memory_space<vmem>> -> memref<1x1x128xi32, #tpu.memory_space<vmem>>
      %dma_wait3A_422 = tpu.memref_squeeze %dma_wait3A_421 : memref<1x1x128xi32, #tpu.memory_space<vmem>> -> memref<128xi32, #tpu.memory_space<vmem>>
      %dma_wait3A_423 = arith.constant 0 : i32
      %dma_wait3A_424 = arith.constant 0 : i32
      %dma_wait3A_425 = tpu.memref_slice %arg2[%dma_wait3A_423, %dma_wait3A_424] : memref<1000000x16xf32, #tpu.memory_space<hbm>> -> memref<1000000x16xf32, #tpu.memory_space<hbm>>
      tpu.wait_indirect_dma semaphore(%arg8 : memref<!tpu.dma_semaphore, #tpu.memory_space<semaphore_mem>>) src(%dma_wait3A_425 : memref<1000000x16xf32, #tpu.memory_space<hbm>>) dst(%dma_wait3A_419 : memref<128x16xf32, #tpu.memory_space<vmem>>)
      %dma_wait3A_426 = arith.constant 0 : i32
      %dma_wait3A_427 = arith.constant 4 : i32
      %dma_wait3A_428 = arith.constant 0 : i32
      %dma_wait3A_429 = arith.constant 512 : i32
      %dma_wait3A_430 = arith.constant 0 : i32
      %dma_wait3A_431 = tpu.memref_slice %arg6[%dma_wait3A_428, %dma_wait3A_429, %dma_wait3A_430] : memref<2x1024x16xf32, #tpu.memory_space<vmem>> -> memref<1x128x16xf32, #tpu.memory_space<vmem>>
      %dma_wait3A_432 = tpu.memref_squeeze %dma_wait3A_431 : memref<1x128x16xf32, #tpu.memory_space<vmem>> -> memref<128x16xf32, #tpu.memory_space<vmem>>
      %dma_wait3A_433 = arith.constant 0 : i32
      %dma_wait3A_434 = tpu.memref_slice %arg5[%dma_wait3A_426, %dma_wait3A_427, %dma_wait3A_433] : memref<2x8x128xi32, #tpu.memory_space<vmem>> -> memref<1x1x128xi32, #tpu.memory_space<vmem>>
      %dma_wait3A_435 = tpu.memref_squeeze %dma_wait3A_434 : memref<1x1x128xi32, #tpu.memory_space<vmem>> -> memref<128xi32, #tpu.memory_space<vmem>>
      %dma_wait3A_436 = arith.constant 0 : i32
      %dma_wait3A_437 = arith.constant 0 : i32
      %dma_wait3A_438 = tpu.memref_slice %arg2[%dma_wait3A_436, %dma_wait3A_437] : memref<1000000x16xf32, #tpu.memory_space<hbm>> -> memref<1000000x16xf32, #tpu.memory_space<hbm>>
      tpu.wait_indirect_dma semaphore(%arg8 : memref<!tpu.dma_semaphore, #tpu.memory_space<semaphore_mem>>) src(%dma_wait3A_438 : memref<1000000x16xf32, #tpu.memory_space<hbm>>) dst(%dma_wait3A_432 : memref<128x16xf32, #tpu.memory_space<vmem>>)
      %dma_wait3A_439 = arith.constant 0 : i32
      %dma_wait3A_440 = arith.constant 5 : i32
      %dma_wait3A_441 = arith.constant 0 : i32
      %dma_wait3A_442 = arith.constant 640 : i32
      %dma_wait3A_443 = arith.constant 0 : i32
      %dma_wait3A_444 = tpu.memref_slice %arg6[%dma_wait3A_441, %dma_wait3A_442, %dma_wait3A_443] : memref<2x1024x16xf32, #tpu.memory_space<vmem>> -> memref<1x128x16xf32, #tpu.memory_space<vmem>>
      %dma_wait3A_445 = tpu.memref_squeeze %dma_wait3A_444 : memref<1x128x16xf32, #tpu.memory_space<vmem>> -> memref<128x16xf32, #tpu.memory_space<vmem>>
      %dma_wait3A_446 = arith.constant 0 : i32
      %dma_wait3A_447 = tpu.memref_slice %arg5[%dma_wait3A_439, %dma_wait3A_440, %dma_wait3A_446] : memref<2x8x128xi32, #tpu.memory_space<vmem>> -> memref<1x1x128xi32, #tpu.memory_space<vmem>>
      %dma_wait3A_448 = tpu.memref_squeeze %dma_wait3A_447 : memref<1x1x128xi32, #tpu.memory_space<vmem>> -> memref<128xi32, #tpu.memory_space<vmem>>
      %dma_wait3A_449 = arith.constant 0 : i32
      %dma_wait3A_450 = arith.constant 0 : i32
      %dma_wait3A_451 = tpu.memref_slice %arg2[%dma_wait3A_449, %dma_wait3A_450] : memref<1000000x16xf32, #tpu.memory_space<hbm>> -> memref<1000000x16xf32, #tpu.memory_space<hbm>>
      tpu.wait_indirect_dma semaphore(%arg8 : memref<!tpu.dma_semaphore, #tpu.memory_space<semaphore_mem>>) src(%dma_wait3A_451 : memref<1000000x16xf32, #tpu.memory_space<hbm>>) dst(%dma_wait3A_445 : memref<128x16xf32, #tpu.memory_space<vmem>>)
      %dma_wait3A_452 = arith.constant 0 : i32
      %dma_wait3A_453 = arith.constant 6 : i32
      %dma_wait3A_454 = arith.constant 0 : i32
      %dma_wait3A_455 = arith.constant 768 : i32
      %dma_wait3A_456 = arith.constant 0 : i32
      %dma_wait3A_457 = tpu.memref_slice %arg6[%dma_wait3A_454, %dma_wait3A_455, %dma_wait3A_456] : memref<2x1024x16xf32, #tpu.memory_space<vmem>> -> memref<1x128x16xf32, #tpu.memory_space<vmem>>
      %dma_wait3A_458 = tpu.memref_squeeze %dma_wait3A_457 : memref<1x128x16xf32, #tpu.memory_space<vmem>> -> memref<128x16xf32, #tpu.memory_space<vmem>>
      %dma_wait3A_459 = arith.constant 0 : i32
      %dma_wait3A_460 = tpu.memref_slice %arg5[%dma_wait3A_452, %dma_wait3A_453, %dma_wait3A_459] : memref<2x8x128xi32, #tpu.memory_space<vmem>> -> memref<1x1x128xi32, #tpu.memory_space<vmem>>
      %dma_wait3A_461 = tpu.memref_squeeze %dma_wait3A_460 : memref<1x1x128xi32, #tpu.memory_space<vmem>> -> memref<128xi32, #tpu.memory_space<vmem>>
      %dma_wait3A_462 = arith.constant 0 : i32
      %dma_wait3A_463 = arith.constant 0 : i32
      %dma_wait3A_464 = tpu.memref_slice %arg2[%dma_wait3A_462, %dma_wait3A_463] : memref<1000000x16xf32, #tpu.memory_space<hbm>> -> memref<1000000x16xf32, #tpu.memory_space<hbm>>
      tpu.wait_indirect_dma semaphore(%arg8 : memref<!tpu.dma_semaphore, #tpu.memory_space<semaphore_mem>>) src(%dma_wait3A_464 : memref<1000000x16xf32, #tpu.memory_space<hbm>>) dst(%dma_wait3A_458 : memref<128x16xf32, #tpu.memory_space<vmem>>)
      %dma_wait3A_465 = arith.constant 0 : i32
      %dma_wait3A_466 = arith.constant 7 : i32
      %dma_wait3A_467 = arith.constant 0 : i32
      %dma_wait3A_468 = arith.constant 896 : i32
      %dma_wait3A_469 = arith.constant 0 : i32
      %dma_wait3A_470 = tpu.memref_slice %arg6[%dma_wait3A_467, %dma_wait3A_468, %dma_wait3A_469] : memref<2x1024x16xf32, #tpu.memory_space<vmem>> -> memref<1x128x16xf32, #tpu.memory_space<vmem>>
      %dma_wait3A_471 = tpu.memref_squeeze %dma_wait3A_470 : memref<1x128x16xf32, #tpu.memory_space<vmem>> -> memref<128x16xf32, #tpu.memory_space<vmem>>
      %dma_wait3A_472 = arith.constant 0 : i32
      %dma_wait3A_473 = tpu.memref_slice %arg5[%dma_wait3A_465, %dma_wait3A_466, %dma_wait3A_472] : memref<2x8x128xi32, #tpu.memory_space<vmem>> -> memref<1x1x128xi32, #tpu.memory_space<vmem>>
      %dma_wait3A_474 = tpu.memref_squeeze %dma_wait3A_473 : memref<1x1x128xi32, #tpu.memory_space<vmem>> -> memref<128xi32, #tpu.memory_space<vmem>>
      %dma_wait3A_475 = arith.constant 0 : i32
      %dma_wait3A_476 = arith.constant 0 : i32
      %dma_wait3A_477 = tpu.memref_slice %arg2[%dma_wait3A_475, %dma_wait3A_476] : memref<1000000x16xf32, #tpu.memory_space<hbm>> -> memref<1000000x16xf32, #tpu.memory_space<hbm>>
      tpu.wait_indirect_dma semaphore(%arg8 : memref<!tpu.dma_semaphore, #tpu.memory_space<semaphore_mem>>) src(%dma_wait3A_477 : memref<1000000x16xf32, #tpu.memory_space<hbm>>) dst(%dma_wait3A_471 : memref<128x16xf32, #tpu.memory_space<vmem>>)
      %scan3A_478 = arith.constant 0 : i32
      %scan3A_479 = arith.constant 0 : i32
      %scan3A_480 = arith.constant 64 : i32
      %scan3A_481 = arith.addi %scan3A_479, %scan3A_480 : i32
      %scan3A_482 = arith.constant 1 : i32
      scf.for %scan3A_693 = %scan3A_479 to %scan3A_481 step %scan3A_482  : i32 {
        %mul3A_694 = arith.constant 16 : i32
        %mul3A_695 = arith.muli %scan3A_693, %mul3A_694 : i32
        %add3A_696 = arith.constant 0 : i32
        %add3A_697 = arith.addi %mul3A_695, %add3A_696 : i32
        %get3A = arith.constant 0 : i32
        %get3A_698 = arith.index_cast %get3A : i32 to index
        %get3A_699 = arith.index_cast %add3A_697 : i32 to index
        %get3A_700 = arith.constant 0 : index
        %get3A_701 = tpu.vector_load %arg6[%get3A_698, %get3A_699, %get3A_700] {strides = array<i32>} : memref<2x1024x16xf32, #tpu.memory_space<vmem>>, vector<16xf32>,
        %add3A_702 = vector.broadcast %add3A_697 : i32 to vector<16xi32>
        %add3A_703 = arith.addi %broadcast_in_dim3A_3, %add3A_702 : vector<16xi32>
        tpu.vector_store_idx %arg7[%iota3A, %add3A_703], %get3A_701 : memref<16x1025xf32, #tpu.memory_space<vmem>>[vector<16xi32>, vector<16xi32>], vector<16xf32>,
        %mul3A_704 = arith.constant 16 : i32
        %mul3A_705 = arith.muli %scan3A_693, %mul3A_704 : i32
        %add3A_706 = arith.constant 1 : i32
        %add3A_707 = arith.addi %mul3A_705, %add3A_706 : i32
        %get3A_708 = arith.constant 0 : i32
        %get3A_709 = arith.index_cast %get3A_708 : i32 to index
        %get3A_710 = arith.index_cast %add3A_707 : i32 to index
        %get3A_711 = arith.constant 0 : index
        %get3A_712 = tpu.vector_load %arg6[%get3A_709, %get3A_710, %get3A_711] {strides = array<i32>} : memref<2x1024x16xf32, #tpu.memory_space<vmem>>, vector<16xf32>,
        %add3A_713 = vector.broadcast %add3A_707 : i32 to vector<16xi32>
        %add3A_714 = arith.addi %broadcast_in_dim3A_3, %add3A_713 : vector<16xi32>
        tpu.vector_store_idx %arg7[%iota3A, %add3A_714], %get3A_712 : memref<16x1025xf32, #tpu.memory_space<vmem>>[vector<16xi32>, vector<16xi32>], vector<16xf32>,
        %mul3A_715 = arith.constant 16 : i32
        %mul3A_716 = arith.muli %scan3A_693, %mul3A_715 : i32
        %add3A_717 = arith.constant 2 : i32
        %add3A_718 = arith.addi %mul3A_716, %add3A_717 : i32
        %get3A_719 = arith.constant 0 : i32
        %get3A_720 = arith.index_cast %get3A_719 : i32 to index
        %get3A_721 = arith.index_cast %add3A_718 : i32 to index
        %get3A_722 = arith.constant 0 : index
        %get3A_723 = tpu.vector_load %arg6[%get3A_720, %get3A_721, %get3A_722] {strides = array<i32>} : memref<2x1024x16xf32, #tpu.memory_space<vmem>>, vector<16xf32>,
        %add3A_724 = vector.broadcast %add3A_718 : i32 to vector<16xi32>
        %add3A_725 = arith.addi %broadcast_in_dim3A_3, %add3A_724 : vector<16xi32>
        tpu.vector_store_idx %arg7[%iota3A, %add3A_725], %get3A_723 : memref<16x1025xf32, #tpu.memory_space<vmem>>[vector<16xi32>, vector<16xi32>], vector<16xf32>,
        %mul3A_726 = arith.constant 16 : i32
        %mul3A_727 = arith.muli %scan3A_693, %mul3A_726 : i32
        %add3A_728 = arith.constant 3 : i32
        %add3A_729 = arith.addi %mul3A_727, %add3A_728 : i32
        %get3A_730 = arith.constant 0 : i32
        %get3A_731 = arith.index_cast %get3A_730 : i32 to index
        %get3A_732 = arith.index_cast %add3A_729 : i32 to index
        %get3A_733 = arith.constant 0 : index
        %get3A_734 = tpu.vector_load %arg6[%get3A_731, %get3A_732, %get3A_733] {strides = array<i32>} : memref<2x1024x16xf32, #tpu.memory_space<vmem>>, vector<16xf32>,
        %add3A_735 = vector.broadcast %add3A_729 : i32 to vector<16xi32>
        %add3A_736 = arith.addi %broadcast_in_dim3A_3, %add3A_735 : vector<16xi32>
        tpu.vector_store_idx %arg7[%iota3A, %add3A_736], %get3A_734 : memref<16x1025xf32, #tpu.memory_space<vmem>>[vector<16xi32>, vector<16xi32>], vector<16xf32>,
        %mul3A_737 = arith.constant 16 : i32
        %mul3A_738 = arith.muli %scan3A_693, %mul3A_737 : i32
        %add3A_739 = arith.constant 4 : i32
        %add3A_740 = arith.addi %mul3A_738, %add3A_739 : i32
        %get3A_741 = arith.constant 0 : i32
        %get3A_742 = arith.index_cast %get3A_741 : i32 to index
        %get3A_743 = arith.index_cast %add3A_740 : i32 to index
        %get3A_744 = arith.constant 0 : index
        %get3A_745 = tpu.vector_load %arg6[%get3A_742, %get3A_743, %get3A_744] {strides = array<i32>} : memref<2x1024x16xf32, #tpu.memory_space<vmem>>, vector<16xf32>,
        %add3A_746 = vector.broadcast %add3A_740 : i32 to vector<16xi32>
        %add3A_747 = arith.addi %broadcast_in_dim3A_3, %add3A_746 : vector<16xi32>
        tpu.vector_store_idx %arg7[%iota3A, %add3A_747], %get3A_745 : memref<16x1025xf32, #tpu.memory_space<vmem>>[vector<16xi32>, vector<16xi32>], vector<16xf32>,
        %mul3A_748 = arith.constant 16 : i32
        %mul3A_749 = arith.muli %scan3A_693, %mul3A_748 : i32
        %add3A_750 = arith.constant 5 : i32
        %add3A_751 = arith.addi %mul3A_749, %add3A_750 : i32
        %get3A_752 = arith.constant 0 : i32
        %get3A_753 = arith.index_cast %get3A_752 : i32 to index
        %get3A_754 = arith.index_cast %add3A_751 : i32 to index
        %get3A_755 = arith.constant 0 : index
        %get3A_756 = tpu.vector_load %arg6[%get3A_753, %get3A_754, %get3A_755] {strides = array<i32>} : memref<2x1024x16xf32, #tpu.memory_space<vmem>>, vector<16xf32>,
        %add3A_757 = vector.broadcast %add3A_751 : i32 to vector<16xi32>
        %add3A_758 = arith.addi %broadcast_in_dim3A_3, %add3A_757 : vector<16xi32>
        tpu.vector_store_idx %arg7[%iota3A, %add3A_758], %get3A_756 : memref<16x1025xf32, #tpu.memory_space<vmem>>[vector<16xi32>, vector<16xi32>], vector<16xf32>,
        %mul3A_759 = arith.constant 16 : i32
        %mul3A_760 = arith.muli %scan3A_693, %mul3A_759 : i32
        %add3A_761 = arith.constant 6 : i32
        %add3A_762 = arith.addi %mul3A_760, %add3A_761 : i32
        %get3A_763 = arith.constant 0 : i32
        %get3A_764 = arith.index_cast %get3A_763 : i32 to index
        %get3A_765 = arith.index_cast %add3A_762 : i32 to index
        %get3A_766 = arith.constant 0 : index
        %get3A_767 = tpu.vector_load %arg6[%get3A_764, %get3A_765, %get3A_766] {strides = array<i32>} : memref<2x1024x16xf32, #tpu.memory_space<vmem>>, vector<16xf32>,
        %add3A_768 = vector.broadcast %add3A_762 : i32 to vector<16xi32>
        %add3A_769 = arith.addi %broadcast_in_dim3A_3, %add3A_768 : vector<16xi32>
        tpu.vector_store_idx %arg7[%iota3A, %add3A_769], %get3A_767 : memref<16x1025xf32, #tpu.memory_space<vmem>>[vector<16xi32>, vector<16xi32>], vector<16xf32>,
        %mul3A_770 = arith.constant 16 : i32
        %mul3A_771 = arith.muli %scan3A_693, %mul3A_770 : i32
        %add3A_772 = arith.constant 7 : i32
        %add3A_773 = arith.addi %mul3A_771, %add3A_772 : i32
        %get3A_774 = arith.constant 0 : i32
        %get3A_775 = arith.index_cast %get3A_774 : i32 to index
        %get3A_776 = arith.index_cast %add3A_773 : i32 to index
        %get3A_777 = arith.constant 0 : index
        %get3A_778 = tpu.vector_load %arg6[%get3A_775, %get3A_776, %get3A_777] {strides = array<i32>} : memref<2x1024x16xf32, #tpu.memory_space<vmem>>, vector<16xf32>,
        %add3A_779 = vector.broadcast %add3A_773 : i32 to vector<16xi32>
        %add3A_780 = arith.addi %broadcast_in_dim3A_3, %add3A_779 : vector<16xi32>
        tpu.vector_store_idx %arg7[%iota3A, %add3A_780], %get3A_778 : memref<16x1025xf32, #tpu.memory_space<vmem>>[vector<16xi32>, vector<16xi32>], vector<16xf32>,
        %mul3A_781 = arith.constant 16 : i32
        %mul3A_782 = arith.muli %scan3A_693, %mul3A_781 : i32
        %add3A_783 = arith.constant 8 : i32
        %add3A_784 = arith.addi %mul3A_782, %add3A_783 : i32
        %get3A_785 = arith.constant 0 : i32
        %get3A_786 = arith.index_cast %get3A_785 : i32 to index
        %get3A_787 = arith.index_cast %add3A_784 : i32 to index
        %get3A_788 = arith.constant 0 : index
        %get3A_789 = tpu.vector_load %arg6[%get3A_786, %get3A_787, %get3A_788] {strides = array<i32>} : memref<2x1024x16xf32, #tpu.memory_space<vmem>>, vector<16xf32>,
        %add3A_790 = vector.broadcast %add3A_784 : i32 to vector<16xi32>
        %add3A_791 = arith.addi %broadcast_in_dim3A_3, %add3A_790 : vector<16xi32>
        tpu.vector_store_idx %arg7[%iota3A, %add3A_791], %get3A_789 : memref<16x1025xf32, #tpu.memory_space<vmem>>[vector<16xi32>, vector<16xi32>], vector<16xf32>,
        %mul3A_792 = arith.constant 16 : i32
        %mul3A_793 = arith.muli %scan3A_693, %mul3A_792 : i32
        %add3A_794 = arith.constant 9 : i32
        %add3A_795 = arith.addi %mul3A_793, %add3A_794 : i32
        %get3A_796 = arith.constant 0 : i32
        %get3A_797 = arith.index_cast %get3A_796 : i32 to index
        %get3A_798 = arith.index_cast %add3A_795 : i32 to index
        %get3A_799 = arith.constant 0 : index
        %get3A_800 = tpu.vector_load %arg6[%get3A_797, %get3A_798, %get3A_799] {strides = array<i32>} : memref<2x1024x16xf32, #tpu.memory_space<vmem>>, vector<16xf32>,
        %add3A_801 = vector.broadcast %add3A_795 : i32 to vector<16xi32>
        %add3A_802 = arith.addi %broadcast_in_dim3A_3, %add3A_801 : vector<16xi32>
        tpu.vector_store_idx %arg7[%iota3A, %add3A_802], %get3A_800 : memref<16x1025xf32, #tpu.memory_space<vmem>>[vector<16xi32>, vector<16xi32>], vector<16xf32>,
        %mul3A_803 = arith.constant 16 : i32
        %mul3A_804 = arith.muli %scan3A_693, %mul3A_803 : i32
        %add3A_805 = arith.constant 10 : i32
        %add3A_806 = arith.addi %mul3A_804, %add3A_805 : i32
        %get3A_807 = arith.constant 0 : i32
        %get3A_808 = arith.index_cast %get3A_807 : i32 to index
        %get3A_809 = arith.index_cast %add3A_806 : i32 to index
        %get3A_810 = arith.constant 0 : index
        %get3A_811 = tpu.vector_load %arg6[%get3A_808, %get3A_809, %get3A_810] {strides = array<i32>} : memref<2x1024x16xf32, #tpu.memory_space<vmem>>, vector<16xf32>,
        %add3A_812 = vector.broadcast %add3A_806 : i32 to vector<16xi32>
        %add3A_813 = arith.addi %broadcast_in_dim3A_3, %add3A_812 : vector<16xi32>
        tpu.vector_store_idx %arg7[%iota3A, %add3A_813], %get3A_811 : memref<16x1025xf32, #tpu.memory_space<vmem>>[vector<16xi32>, vector<16xi32>], vector<16xf32>,
        %mul3A_814 = arith.constant 16 : i32
        %mul3A_815 = arith.muli %scan3A_693, %mul3A_814 : i32
        %add3A_816 = arith.constant 11 : i32
        %add3A_817 = arith.addi %mul3A_815, %add3A_816 : i32
        %get3A_818 = arith.constant 0 : i32
        %get3A_819 = arith.index_cast %get3A_818 : i32 to index
        %get3A_820 = arith.index_cast %add3A_817 : i32 to index
        %get3A_821 = arith.constant 0 : index
        %get3A_822 = tpu.vector_load %arg6[%get3A_819, %get3A_820, %get3A_821] {strides = array<i32>} : memref<2x1024x16xf32, #tpu.memory_space<vmem>>, vector<16xf32>,
        %add3A_823 = vector.broadcast %add3A_817 : i32 to vector<16xi32>
        %add3A_824 = arith.addi %broadcast_in_dim3A_3, %add3A_823 : vector<16xi32>
        tpu.vector_store_idx %arg7[%iota3A, %add3A_824], %get3A_822 : memref<16x1025xf32, #tpu.memory_space<vmem>>[vector<16xi32>, vector<16xi32>], vector<16xf32>,
        %mul3A_825 = arith.constant 16 : i32
        %mul3A_826 = arith.muli %scan3A_693, %mul3A_825 : i32
        %add3A_827 = arith.constant 12 : i32
        %add3A_828 = arith.addi %mul3A_826, %add3A_827 : i32
        %get3A_829 = arith.constant 0 : i32
        %get3A_830 = arith.index_cast %get3A_829 : i32 to index
        %get3A_831 = arith.index_cast %add3A_828 : i32 to index
        %get3A_832 = arith.constant 0 : index
        %get3A_833 = tpu.vector_load %arg6[%get3A_830, %get3A_831, %get3A_832] {strides = array<i32>} : memref<2x1024x16xf32, #tpu.memory_space<vmem>>, vector<16xf32>,
        %add3A_834 = vector.broadcast %add3A_828 : i32 to vector<16xi32>
        %add3A_835 = arith.addi %broadcast_in_dim3A_3, %add3A_834 : vector<16xi32>
        tpu.vector_store_idx %arg7[%iota3A, %add3A_835], %get3A_833 : memref<16x1025xf32, #tpu.memory_space<vmem>>[vector<16xi32>, vector<16xi32>], vector<16xf32>,
        %mul3A_836 = arith.constant 16 : i32
        %mul3A_837 = arith.muli %scan3A_693, %mul3A_836 : i32
        %add3A_838 = arith.constant 13 : i32
        %add3A_839 = arith.addi %mul3A_837, %add3A_838 : i32
        %get3A_840 = arith.constant 0 : i32
        %get3A_841 = arith.index_cast %get3A_840 : i32 to index
        %get3A_842 = arith.index_cast %add3A_839 : i32 to index
        %get3A_843 = arith.constant 0 : index
        %get3A_844 = tpu.vector_load %arg6[%get3A_841, %get3A_842, %get3A_843] {strides = array<i32>} : memref<2x1024x16xf32, #tpu.memory_space<vmem>>, vector<16xf32>,
        %add3A_845 = vector.broadcast %add3A_839 : i32 to vector<16xi32>
        %add3A_846 = arith.addi %broadcast_in_dim3A_3, %add3A_845 : vector<16xi32>
        tpu.vector_store_idx %arg7[%iota3A, %add3A_846], %get3A_844 : memref<16x1025xf32, #tpu.memory_space<vmem>>[vector<16xi32>, vector<16xi32>], vector<16xf32>,
        %mul3A_847 = arith.constant 16 : i32
        %mul3A_848 = arith.muli %scan3A_693, %mul3A_847 : i32
        %add3A_849 = arith.constant 14 : i32
        %add3A_850 = arith.addi %mul3A_848, %add3A_849 : i32
        %get3A_851 = arith.constant 0 : i32
        %get3A_852 = arith.index_cast %get3A_851 : i32 to index
        %get3A_853 = arith.index_cast %add3A_850 : i32 to index
        %get3A_854 = arith.constant 0 : index
        %get3A_855 = tpu.vector_load %arg6[%get3A_852, %get3A_853, %get3A_854] {strides = array<i32>} : memref<2x1024x16xf32, #tpu.memory_space<vmem>>, vector<16xf32>,
        %add3A_856 = vector.broadcast %add3A_850 : i32 to vector<16xi32>
        %add3A_857 = arith.addi %broadcast_in_dim3A_3, %add3A_856 : vector<16xi32>
        tpu.vector_store_idx %arg7[%iota3A, %add3A_857], %get3A_855 : memref<16x1025xf32, #tpu.memory_space<vmem>>[vector<16xi32>, vector<16xi32>], vector<16xf32>,
        %mul3A_858 = arith.constant 16 : i32
        %mul3A_859 = arith.muli %scan3A_693, %mul3A_858 : i32
        %add3A_860 = arith.constant 15 : i32
        %add3A_861 = arith.addi %mul3A_859, %add3A_860 : i32
        %get3A_862 = arith.constant 0 : i32
        %get3A_863 = arith.index_cast %get3A_862 : i32 to index
        %get3A_864 = arith.index_cast %add3A_861 : i32 to index
        %get3A_865 = arith.constant 0 : index
        %get3A_866 = tpu.vector_load %arg6[%get3A_863, %get3A_864, %get3A_865] {strides = array<i32>} : memref<2x1024x16xf32, #tpu.memory_space<vmem>>, vector<16xf32>,
        %add3A_867 = vector.broadcast %add3A_861 : i32 to vector<16xi32>
        %add3A_868 = arith.addi %broadcast_in_dim3A_3, %add3A_867 : vector<16xi32>
        tpu.vector_store_idx %arg7[%iota3A, %add3A_868], %get3A_866 : memref<16x1025xf32, #tpu.memory_space<vmem>>[vector<16xi32>, vector<16xi32>], vector<16xf32>,
      }
      %scan3A_483 = arith.constant 64 : i32
      %jit3A_484 = arith.constant 16 : i32
      %div3A_485 = arith.divsi %add3A_264, %jit3A_484 : i32
      %sign3A_486 = arith.constant 0 : i32
      %sign3A_487 = arith.cmpi sgt, %add3A_264, %sign3A_486 : i32
      %sign3A_488 = arith.extui %sign3A_487 : i1 to i32
      %sign3A_489 = arith.constant 0 : i32
      %sign3A_490 = arith.cmpi slt, %add3A_264, %sign3A_489 : i32
      %sign3A_491 = arith.extui %sign3A_490 : i1 to i32
      %sign3A_492 = arith.subi %sign3A_488, %sign3A_491 : i32
      %sign3A_493 = arith.constant 0 : i32
      %sign3A_494 = arith.cmpi sgt, %jit3A_484, %sign3A_493 : i32
      %sign3A_495 = arith.extui %sign3A_494 : i1 to i32
      %sign3A_496 = arith.constant 0 : i32
      %sign3A_497 = arith.cmpi slt, %jit3A_484, %sign3A_496 : i32
      %sign3A_498 = arith.extui %sign3A_497 : i1 to i32
      %sign3A_499 = arith.subi %sign3A_495, %sign3A_498 : i32
      %ne3A_500 = arith.cmpi ne, %sign3A_492, %sign3A_499 : i32
      %rem3A_501 = arith.remsi %add3A_264, %jit3A_484 : i32
      %ne3A_502 = arith.constant 0 : i32
      %ne3A_503 = arith.cmpi ne, %rem3A_501, %ne3A_502 : i32
      %and3A_504 = arith.andi %ne3A_500, %ne3A_503 : i1
      %sub3A_505 = arith.constant 1 : i32
      %sub3A_506 = arith.subi %div3A_485, %sub3A_505 : i32
      %select_n3A_507 = arith.select %and3A_504, %sub3A_506, %div3A_485 : i32
      %jit3A_508 = arith.constant 16 : i32
      %eq3A_509 = arith.constant 0 : i32
      %eq3A_510 = arith.cmpi eq, %jit3A_508, %eq3A_509 : i32
      %jit3A_511 = arith.constant 1 : i32
      %select_n3A_512 = arith.select %eq3A_510, %jit3A_511, %jit3A_508 : i32
      %rem3A_513 = arith.remsi %add3A_264, %select_n3A_512 : i32
      %ne3A_514 = arith.constant 0 : i32
      %ne3A_515 = arith.cmpi ne, %rem3A_513, %ne3A_514 : i32
      %lt3A_516 = arith.constant 0 : i32
      %lt3A_517 = arith.cmpi slt, %rem3A_513, %lt3A_516 : i32
      %lt3A_518 = arith.constant 0 : i32
      %lt3A_519 = arith.cmpi slt, %select_n3A_512, %lt3A_518 : i32
      %ne3A_520 = arith.xori %lt3A_517, %lt3A_519 : i1
      %and3A_521 = arith.andi %ne3A_520, %ne3A_515 : i1
      %add3A_522 = arith.addi %rem3A_513, %select_n3A_512 : i32
      %select_n3A_523 = arith.select %and3A_521, %add3A_522, %rem3A_513 : i32
      %mul3A_524 = arith.constant 16 : i32
      %mul3A_525 = arith.muli %select_n3A_507, %mul3A_524 : i32
      %mul3A_526 = arith.constant 1024 : i32
      %mul3A_527 = arith.muli %select_n3A_523, %mul3A_526 : i32
      "tpu.region"() ({
        %run_scoped3A_693 = tpu.sem_alloc : memref<!tpu.dma_semaphore, #tpu.memory_space<semaphore_mem>>
        %dma_start3A_694 = arith.constant 0 : i32
        %dma_start3A_695 = arith.constant 0 : i32
        %dma_start3A_696 = tpu.memref_slice %arg7[%dma_start3A_694, %dma_start3A_695] : memref<16x1025xf32, #tpu.memory_space<vmem>> -> memref<16x1024xf32, #tpu.memory_space<vmem>>
        %dma_start3A_697 = tpu.memref_slice %arg4[%mul3A_525, %mul3A_527] : memref<800x16384xf32, #tpu.memory_space<hbm>> -> memref<16x1024xf32, #tpu.memory_space<hbm>>
        %dma_start3A_698 = tpu.memref_slice %arg4[%mul3A_525, %mul3A_527] : memref<800x16384xf32, #tpu.memory_space<hbm>> -> memref<16x1024xf32, #tpu.memory_space<hbm>>
        %dma_start3A_699 = arith.constant 0 : i32
        %dma_start3A_700 = arith.constant 0 : i32
        %dma_start3A_701 = tpu.memref_slice %arg7[%dma_start3A_699, %dma_start3A_700] : memref<16x1025xf32, #tpu.memory_space<vmem>> -> memref<16x1024xf32, #tpu.memory_space<vmem>>
        tpu.enqueue_dma source(%dma_start3A_701 : memref<16x1024xf32, #tpu.memory_space<vmem>>) target(%dma_start3A_698 : memref<16x1024xf32, #tpu.memory_space<hbm>>) target_semaphore(%run_scoped3A_693 : memref<!tpu.dma_semaphore, #tpu.memory_space<semaphore_mem>>)
        %dma_wait3A_702 = arith.constant 0 : i32
        %dma_wait3A_703 = arith.constant 0 : i32
        %dma_wait3A_704 = tpu.memref_slice %arg7[%dma_wait3A_702, %dma_wait3A_703] : memref<16x1025xf32, #tpu.memory_space<vmem>> -> memref<16x1024xf32, #tpu.memory_space<vmem>>
        %dma_wait3A_705 = tpu.memref_slice %arg4[%mul3A_525, %mul3A_527] : memref<800x16384xf32, #tpu.memory_space<hbm>> -> memref<16x1024xf32, #tpu.memory_space<hbm>>
        %dma_wait3A_706 = tpu.memref_slice %arg4[%mul3A_525, %mul3A_527] : memref<800x16384xf32, #tpu.memory_space<hbm>> -> memref<16x1024xf32, #tpu.memory_space<hbm>>
        %dma_wait3A_707 = arith.constant 0 : i32
        %dma_wait3A_708 = arith.constant 0 : i32
        %dma_wait3A_709 = tpu.memref_slice %arg7[%dma_wait3A_707, %dma_wait3A_708] : memref<16x1025xf32, #tpu.memory_space<vmem>> -> memref<16x1024xf32, #tpu.memory_space<vmem>>
        tpu.wait_dma2 semaphore(%run_scoped3A_693 : memref<!tpu.dma_semaphore, #tpu.memory_space<semaphore_mem>>) src(%dma_wait3A_709 : memref<16x1024xf32, #tpu.memory_space<vmem>>) dst(%dma_wait3A_706 : memref<16x1024xf32, #tpu.memory_space<hbm>>)
        tpu.yield
      }) : () -> ()
      %mul3A_528 = arith.constant 2 : i32
      %mul3A_529 = arith.muli %mul3A_528, %scan3A_261 : i32
      %add3A_530 = arith.constant 2 : i32
      %add3A_531 = arith.addi %mul3A_529, %add3A_530 : i32
      %lt3A_532 = arith.constant 25 : i32
      %lt3A_533 = arith.cmpi slt, %add3A_531, %lt3A_532 : i32
      %convert_element_type3A = arith.extui %lt3A_533 : i1 to i32
      %cond3A = arith.constant 0 : i32
      %cond3A_534 = arith.cmpi ne, %convert_element_type3A, %cond3A : i32
      scf.if %cond3A_534 {
        %add3A_693 = arith.constant 2 : i32
        %add3A_694 = arith.addi %add3A_264, %add3A_693 : i32
        %mul3A_695 = arith.constant 8 : i32
        %mul3A_696 = arith.muli %add3A_694, %mul3A_695 : i32
        %run_scoped3A_697 = arith.constant 0 : i32
        "tpu.region"() ({
          %run_scoped3A_802 = tpu.sem_alloc : memref<!tpu.dma_semaphore, #tpu.memory_space<semaphore_mem>>
          %dma_start3A_803 = arith.constant 0 : i32
          %dma_start3A_804 = arith.constant 0 : i32
          %dma_start3A_805 = tpu.memref_slice %arg5[%run_scoped3A_697, %dma_start3A_803, %dma_start3A_804] : memref<2x8x128xi32, #tpu.memory_space<vmem>> -> memref<1x8x128xi32, #tpu.memory_space<vmem>>
          %dma_start3A_806 = tpu.memref_squeeze %dma_start3A_805 : memref<1x8x128xi32, #tpu.memory_space<vmem>> -> memref<8x128xi32, #tpu.memory_space<vmem>>
          %dma_start3A_807 = arith.constant 0 : i32
          %dma_start3A_808 = tpu.memref_slice %arg3[%mul3A_696, %dma_start3A_807] : memref<6400x128xi32, #tpu.memory_space<hbm>> -> memref<8x128xi32, #tpu.memory_space<hbm>>
          %dma_start3A_809 = arith.constant 0 : i32
          %dma_start3A_810 = arith.constant 0 : i32
          %dma_start3A_811 = tpu.memref_slice %arg5[%run_scoped3A_697, %dma_start3A_809, %dma_start3A_810] : memref<2x8x128xi32, #tpu.memory_space<vmem>> -> memref<1x8x128xi32, #tpu.memory_space<vmem>>
          %dma_start3A_812 = tpu.memref_squeeze %dma_start3A_811 : memref<1x8x128xi32, #tpu.memory_space<vmem>> -> memref<8x128xi32, #tpu.memory_space<vmem>>
          %dma_start3A_813 = arith.constant 0 : i32
          %dma_start3A_814 = tpu.memref_slice %arg3[%mul3A_696, %dma_start3A_813] : memref<6400x128xi32, #tpu.memory_space<hbm>> -> memref<8x128xi32, #tpu.memory_space<hbm>>
          tpu.enqueue_dma source(%dma_start3A_814 : memref<8x128xi32, #tpu.memory_space<hbm>>) target(%dma_start3A_812 : memref<8x128xi32, #tpu.memory_space<vmem>>) target_semaphore(%run_scoped3A_802 : memref<!tpu.dma_semaphore, #tpu.memory_space<semaphore_mem>>)
          %dma_wait3A_815 = arith.constant 0 : i32
          %dma_wait3A_816 = arith.constant 0 : i32
          %dma_wait3A_817 = tpu.memref_slice %arg5[%run_scoped3A_697, %dma_wait3A_815, %dma_wait3A_816] : memref<2x8x128xi32, #tpu.memory_space<vmem>> -> memref<1x8x128xi32, #tpu.memory_space<vmem>>
          %dma_wait3A_818 = tpu.memref_squeeze %dma_wait3A_817 : memref<1x8x128xi32, #tpu.memory_space<vmem>> -> memref<8x128xi32, #tpu.memory_space<vmem>>
          %dma_wait3A_819 = arith.constant 0 : i32
          %dma_wait3A_820 = tpu.memref_slice %arg3[%mul3A_696, %dma_wait3A_819] : memref<6400x128xi32, #tpu.memory_space<hbm>> -> memref<8x128xi32, #tpu.memory_space<hbm>>
          %dma_wait3A_821 = arith.constant 0 : i32
          %dma_wait3A_822 = arith.constant 0 : i32
          %dma_wait3A_823 = tpu.memref_slice %arg5[%run_scoped3A_697, %dma_wait3A_821, %dma_wait3A_822] : memref<2x8x128xi32, #tpu.memory_space<vmem>> -> memref<1x8x128xi32, #tpu.memory_space<vmem>>
          %dma_wait3A_824 = tpu.memref_squeeze %dma_wait3A_823 : memref<1x8x128xi32, #tpu.memory_space<vmem>> -> memref<8x128xi32, #tpu.memory_space<vmem>>
          %dma_wait3A_825 = arith.constant 0 : i32
          %dma_wait3A_826 = tpu.memref_slice %arg3[%mul3A_696, %dma_wait3A_825] : memref<6400x128xi32, #tpu.memory_space<hbm>> -> memref<8x128xi32, #tpu.memory_space<hbm>>
          tpu.wait_dma2 semaphore(%run_scoped3A_802 : memref<!tpu.dma_semaphore, #tpu.memory_space<semaphore_mem>>) src(%dma_wait3A_826 : memref<8x128xi32, #tpu.memory_space<hbm>>) dst(%dma_wait3A_824 : memref<8x128xi32, #tpu.memory_space<vmem>>)
          tpu.yield
        }) : () -> ()
        %dma_start3A_698 = arith.constant 0 : i32
        %dma_start3A_699 = arith.constant 0 : i32
        %dma_start3A_700 = arith.constant 0 : i32
        %dma_start3A_701 = arith.constant 0 : i32
        %dma_start3A_702 = arith.constant 0 : i32
        %dma_start3A_703 = tpu.memref_slice %arg6[%dma_start3A_700, %dma_start3A_701, %dma_start3A_702] : memref<2x1024x16xf32, #tpu.memory_space<vmem>> -> memref<1x128x16xf32, #tpu.memory_space<vmem>>
        %dma_start3A_704 = tpu.memref_squeeze %dma_start3A_703 : memref<1x128x16xf32, #tpu.memory_space<vmem>> -> memref<128x16xf32, #tpu.memory_space<vmem>>
        %dma_start3A_705 = arith.constant 0 : i32
        %dma_start3A_706 = tpu.memref_slice %arg5[%dma_start3A_698, %dma_start3A_699, %dma_start3A_705] : memref<2x8x128xi32, #tpu.memory_space<vmem>> -> memref<1x1x128xi32, #tpu.memory_space<vmem>>
        %dma_start3A_707 = tpu.memref_squeeze %dma_start3A_706 : memref<1x1x128xi32, #tpu.memory_space<vmem>> -> memref<128xi32, #tpu.memory_space<vmem>>
        %dma_start3A_708 = arith.constant 0 : i32
        %dma_start3A_709 = arith.constant 0 : i32
        %dma_start3A_710 = tpu.memref_slice %arg2[%dma_start3A_708, %dma_start3A_709] : memref<1000000x16xf32, #tpu.memory_space<hbm>> -> memref<1000000x16xf32, #tpu.memory_space<hbm>>
        tpu.enqueue_indirect_dma source(%dma_start3A_710 : memref<1000000x16xf32, #tpu.memory_space<hbm>>) target(%dma_start3A_704 : memref<128x16xf32, #tpu.memory_space<vmem>>) offsets(%dma_start3A_707 : memref<128xi32, #tpu.memory_space<vmem>>) semaphore(%arg8 : memref<!tpu.dma_semaphore, #tpu.memory_space<semaphore_mem>>)
        %dma_start3A_711 = arith.constant 0 : i32
        %dma_start3A_712 = arith.constant 1 : i32
        %dma_start3A_713 = arith.constant 0 : i32
        %dma_start3A_714 = arith.constant 128 : i32
        %dma_start3A_715 = arith.constant 0 : i32
        %dma_start3A_716 = tpu.memref_slice %arg6[%dma_start3A_713, %dma_start3A_714, %dma_start3A_715] : memref<2x1024x16xf32, #tpu.memory_space<vmem>> -> memref<1x128x16xf32, #tpu.memory_space<vmem>>
        %dma_start3A_717 = tpu.memref_squeeze %dma_start3A_716 : memref<1x128x16xf32, #tpu.memory_space<vmem>> -> memref<128x16xf32, #tpu.memory_space<vmem>>
        %dma_start3A_718 = arith.constant 0 : i32
        %dma_start3A_719 = tpu.memref_slice %arg5[%dma_start3A_711, %dma_start3A_712, %dma_start3A_718] : memref<2x8x128xi32, #tpu.memory_space<vmem>> -> memref<1x1x128xi32, #tpu.memory_space<vmem>>
        %dma_start3A_720 = tpu.memref_squeeze %dma_start3A_719 : memref<1x1x128xi32, #tpu.memory_space<vmem>> -> memref<128xi32, #tpu.memory_space<vmem>>
        %dma_start3A_721 = arith.constant 0 : i32
        %dma_start3A_722 = arith.constant 0 : i32
        %dma_start3A_723 = tpu.memref_slice %arg2[%dma_start3A_721, %dma_start3A_722] : memref<1000000x16xf32, #tpu.memory_space<hbm>> -> memref<1000000x16xf32, #tpu.memory_space<hbm>>
        tpu.enqueue_indirect_dma source(%dma_start3A_723 : memref<1000000x16xf32, #tpu.memory_space<hbm>>) target(%dma_start3A_717 : memref<128x16xf32, #tpu.memory_space<vmem>>) offsets(%dma_start3A_720 : memref<128xi32, #tpu.memory_space<vmem>>) semaphore(%arg8 : memref<!tpu.dma_semaphore, #tpu.memory_space<semaphore_mem>>)
        %dma_start3A_724 = arith.constant 0 : i32
        %dma_start3A_725 = arith.constant 2 : i32
        %dma_start3A_726 = arith.constant 0 : i32
        %dma_start3A_727 = arith.constant 256 : i32
        %dma_start3A_728 = arith.constant 0 : i32
        %dma_start3A_729 = tpu.memref_slice %arg6[%dma_start3A_726, %dma_start3A_727, %dma_start3A_728] : memref<2x1024x16xf32, #tpu.memory_space<vmem>> -> memref<1x128x16xf32, #tpu.memory_space<vmem>>
        %dma_start3A_730 = tpu.memref_squeeze %dma_start3A_729 : memref<1x128x16xf32, #tpu.memory_space<vmem>> -> memref<128x16xf32, #tpu.memory_space<vmem>>
        %dma_start3A_731 = arith.constant 0 : i32
        %dma_start3A_732 = tpu.memref_slice %arg5[%dma_start3A_724, %dma_start3A_725, %dma_start3A_731] : memref<2x8x128xi32, #tpu.memory_space<vmem>> -> memref<1x1x128xi32, #tpu.memory_space<vmem>>
        %dma_start3A_733 = tpu.memref_squeeze %dma_start3A_732 : memref<1x1x128xi32, #tpu.memory_space<vmem>> -> memref<128xi32, #tpu.memory_space<vmem>>
        %dma_start3A_734 = arith.constant 0 : i32
        %dma_start3A_735 = arith.constant 0 : i32
        %dma_start3A_736 = tpu.memref_slice %arg2[%dma_start3A_734, %dma_start3A_735] : memref<1000000x16xf32, #tpu.memory_space<hbm>> -> memref<1000000x16xf32, #tpu.memory_space<hbm>>
        tpu.enqueue_indirect_dma source(%dma_start3A_736 : memref<1000000x16xf32, #tpu.memory_space<hbm>>) target(%dma_start3A_730 : memref<128x16xf32, #tpu.memory_space<vmem>>) offsets(%dma_start3A_733 : memref<128xi32, #tpu.memory_space<vmem>>) semaphore(%arg8 : memref<!tpu.dma_semaphore, #tpu.memory_space<semaphore_mem>>)
        %dma_start3A_737 = arith.constant 0 : i32
        %dma_start3A_738 = arith.constant 3 : i32
        %dma_start3A_739 = arith.constant 0 : i32
        %dma_start3A_740 = arith.constant 384 : i32
        %dma_start3A_741 = arith.constant 0 : i32
        %dma_start3A_742 = tpu.memref_slice %arg6[%dma_start3A_739, %dma_start3A_740, %dma_start3A_741] : memref<2x1024x16xf32, #tpu.memory_space<vmem>> -> memref<1x128x16xf32, #tpu.memory_space<vmem>>
        %dma_start3A_743 = tpu.memref_squeeze %dma_start3A_742 : memref<1x128x16xf32, #tpu.memory_space<vmem>> -> memref<128x16xf32, #tpu.memory_space<vmem>>
        %dma_start3A_744 = arith.constant 0 : i32
        %dma_start3A_745 = tpu.memref_slice %arg5[%dma_start3A_737, %dma_start3A_738, %dma_start3A_744] : memref<2x8x128xi32, #tpu.memory_space<vmem>> -> memref<1x1x128xi32, #tpu.memory_space<vmem>>
        %dma_start3A_746 = tpu.memref_squeeze %dma_start3A_745 : memref<1x1x128xi32, #tpu.memory_space<vmem>> -> memref<128xi32, #tpu.memory_space<vmem>>
        %dma_start3A_747 = arith.constant 0 : i32
        %dma_start3A_748 = arith.constant 0 : i32
        %dma_start3A_749 = tpu.memref_slice %arg2[%dma_start3A_747, %dma_start3A_748] : memref<1000000x16xf32, #tpu.memory_space<hbm>> -> memref<1000000x16xf32, #tpu.memory_space<hbm>>
        tpu.enqueue_indirect_dma source(%dma_start3A_749 : memref<1000000x16xf32, #tpu.memory_space<hbm>>) target(%dma_start3A_743 : memref<128x16xf32, #tpu.memory_space<vmem>>) offsets(%dma_start3A_746 : memref<128xi32, #tpu.memory_space<vmem>>) semaphore(%arg8 : memref<!tpu.dma_semaphore, #tpu.memory_space<semaphore_mem>>)
        %dma_start3A_750 = arith.constant 0 : i32
        %dma_start3A_751 = arith.constant 4 : i32
        %dma_start3A_752 = arith.constant 0 : i32
        %dma_start3A_753 = arith.constant 512 : i32
        %dma_start3A_754 = arith.constant 0 : i32
        %dma_start3A_755 = tpu.memref_slice %arg6[%dma_start3A_752, %dma_start3A_753, %dma_start3A_754] : memref<2x1024x16xf32, #tpu.memory_space<vmem>> -> memref<1x128x16xf32, #tpu.memory_space<vmem>>
        %dma_start3A_756 = tpu.memref_squeeze %dma_start3A_755 : memref<1x128x16xf32, #tpu.memory_space<vmem>> -> memref<128x16xf32, #tpu.memory_space<vmem>>
        %dma_start3A_757 = arith.constant 0 : i32
        %dma_start3A_758 = tpu.memref_slice %arg5[%dma_start3A_750, %dma_start3A_751, %dma_start3A_757] : memref<2x8x128xi32, #tpu.memory_space<vmem>> -> memref<1x1x128xi32, #tpu.memory_space<vmem>>
        %dma_start3A_759 = tpu.memref_squeeze %dma_start3A_758 : memref<1x1x128xi32, #tpu.memory_space<vmem>> -> memref<128xi32, #tpu.memory_space<vmem>>
        %dma_start3A_760 = arith.constant 0 : i32
        %dma_start3A_761 = arith.constant 0 : i32
        %dma_start3A_762 = tpu.memref_slice %arg2[%dma_start3A_760, %dma_start3A_761] : memref<1000000x16xf32, #tpu.memory_space<hbm>> -> memref<1000000x16xf32, #tpu.memory_space<hbm>>
        tpu.enqueue_indirect_dma source(%dma_start3A_762 : memref<1000000x16xf32, #tpu.memory_space<hbm>>) target(%dma_start3A_756 : memref<128x16xf32, #tpu.memory_space<vmem>>) offsets(%dma_start3A_759 : memref<128xi32, #tpu.memory_space<vmem>>) semaphore(%arg8 : memref<!tpu.dma_semaphore, #tpu.memory_space<semaphore_mem>>)
        %dma_start3A_763 = arith.constant 0 : i32
        %dma_start3A_764 = arith.constant 5 : i32
        %dma_start3A_765 = arith.constant 0 : i32
        %dma_start3A_766 = arith.constant 640 : i32
        %dma_start3A_767 = arith.constant 0 : i32
        %dma_start3A_768 = tpu.memref_slice %arg6[%dma_start3A_765, %dma_start3A_766, %dma_start3A_767] : memref<2x1024x16xf32, #tpu.memory_space<vmem>> -> memref<1x128x16xf32, #tpu.memory_space<vmem>>
        %dma_start3A_769 = tpu.memref_squeeze %dma_start3A_768 : memref<1x128x16xf32, #tpu.memory_space<vmem>> -> memref<128x16xf32, #tpu.memory_space<vmem>>
        %dma_start3A_770 = arith.constant 0 : i32
        %dma_start3A_771 = tpu.memref_slice %arg5[%dma_start3A_763, %dma_start3A_764, %dma_start3A_770] : memref<2x8x128xi32, #tpu.memory_space<vmem>> -> memref<1x1x128xi32, #tpu.memory_space<vmem>>
        %dma_start3A_772 = tpu.memref_squeeze %dma_start3A_771 : memref<1x1x128xi32, #tpu.memory_space<vmem>> -> memref<128xi32, #tpu.memory_space<vmem>>
        %dma_start3A_773 = arith.constant 0 : i32
        %dma_start3A_774 = arith.constant 0 : i32
        %dma_start3A_775 = tpu.memref_slice %arg2[%dma_start3A_773, %dma_start3A_774] : memref<1000000x16xf32, #tpu.memory_space<hbm>> -> memref<1000000x16xf32, #tpu.memory_space<hbm>>
        tpu.enqueue_indirect_dma source(%dma_start3A_775 : memref<1000000x16xf32, #tpu.memory_space<hbm>>) target(%dma_start3A_769 : memref<128x16xf32, #tpu.memory_space<vmem>>) offsets(%dma_start3A_772 : memref<128xi32, #tpu.memory_space<vmem>>) semaphore(%arg8 : memref<!tpu.dma_semaphore, #tpu.memory_space<semaphore_mem>>)
        %dma_start3A_776 = arith.constant 0 : i32
        %dma_start3A_777 = arith.constant 6 : i32
        %dma_start3A_778 = arith.constant 0 : i32
        %dma_start3A_779 = arith.constant 768 : i32
        %dma_start3A_780 = arith.constant 0 : i32
        %dma_start3A_781 = tpu.memref_slice %arg6[%dma_start3A_778, %dma_start3A_779, %dma_start3A_780] : memref<2x1024x16xf32, #tpu.memory_space<vmem>> -> memref<1x128x16xf32, #tpu.memory_space<vmem>>
        %dma_start3A_782 = tpu.memref_squeeze %dma_start3A_781 : memref<1x128x16xf32, #tpu.memory_space<vmem>> -> memref<128x16xf32, #tpu.memory_space<vmem>>
        %dma_start3A_783 = arith.constant 0 : i32
        %dma_start3A_784 = tpu.memref_slice %arg5[%dma_start3A_776, %dma_start3A_777, %dma_start3A_783] : memref<2x8x128xi32, #tpu.memory_space<vmem>> -> memref<1x1x128xi32, #tpu.memory_space<vmem>>
        %dma_start3A_785 = tpu.memref_squeeze %dma_start3A_784 : memref<1x1x128xi32, #tpu.memory_space<vmem>> -> memref<128xi32, #tpu.memory_space<vmem>>
        %dma_start3A_786 = arith.constant 0 : i32
        %dma_start3A_787 = arith.constant 0 : i32
        %dma_start3A_788 = tpu.memref_slice %arg2[%dma_start3A_786, %dma_start3A_787] : memref<1000000x16xf32, #tpu.memory_space<hbm>> -> memref<1000000x16xf32, #tpu.memory_space<hbm>>
        tpu.enqueue_indirect_dma source(%dma_start3A_788 : memref<1000000x16xf32, #tpu.memory_space<hbm>>) target(%dma_start3A_782 : memref<128x16xf32, #tpu.memory_space<vmem>>) offsets(%dma_start3A_785 : memref<128xi32, #tpu.memory_space<vmem>>) semaphore(%arg8 : memref<!tpu.dma_semaphore, #tpu.memory_space<semaphore_mem>>)
        %dma_start3A_789 = arith.constant 0 : i32
        %dma_start3A_790 = arith.constant 7 : i32
        %dma_start3A_791 = arith.constant 0 : i32
        %dma_start3A_792 = arith.constant 896 : i32
        %dma_start3A_793 = arith.constant 0 : i32
        %dma_start3A_794 = tpu.memref_slice %arg6[%dma_start3A_791, %dma_start3A_792, %dma_start3A_793] : memref<2x1024x16xf32, #tpu.memory_space<vmem>> -> memref<1x128x16xf32, #tpu.memory_space<vmem>>
        %dma_start3A_795 = tpu.memref_squeeze %dma_start3A_794 : memref<1x128x16xf32, #tpu.memory_space<vmem>> -> memref<128x16xf32, #tpu.memory_space<vmem>>
        %dma_start3A_796 = arith.constant 0 : i32
        %dma_start3A_797 = tpu.memref_slice %arg5[%dma_start3A_789, %dma_start3A_790, %dma_start3A_796] : memref<2x8x128xi32, #tpu.memory_space<vmem>> -> memref<1x1x128xi32, #tpu.memory_space<vmem>>
        %dma_start3A_798 = tpu.memref_squeeze %dma_start3A_797 : memref<1x1x128xi32, #tpu.memory_space<vmem>> -> memref<128xi32, #tpu.memory_space<vmem>>
        %dma_start3A_799 = arith.constant 0 : i32
        %dma_start3A_800 = arith.constant 0 : i32
        %dma_start3A_801 = tpu.memref_slice %arg2[%dma_start3A_799, %dma_start3A_800] : memref<1000000x16xf32, #tpu.memory_space<hbm>> -> memref<1000000x16xf32, #tpu.memory_space<hbm>>
        tpu.enqueue_indirect_dma source(%dma_start3A_801 : memref<1000000x16xf32, #tpu.memory_space<hbm>>) target(%dma_start3A_795 : memref<128x16xf32, #tpu.memory_space<vmem>>) offsets(%dma_start3A_798 : memref<128xi32, #tpu.memory_space<vmem>>) semaphore(%arg8 : memref<!tpu.dma_semaphore, #tpu.memory_space<semaphore_mem>>)
      } else {
      }
      %add3A_535 = arith.constant 1 : i32
      %add3A_536 = arith.addi %add3A_264, %add3A_535 : i32
      %dma_wait3A_537 = arith.constant 1 : i32
      %dma_wait3A_538 = arith.constant 0 : i32
      %dma_wait3A_539 = arith.constant 1 : i32
      %dma_wait3A_540 = arith.constant 0 : i32
      %dma_wait3A_541 = arith.constant 0 : i32
      %dma_wait3A_542 = tpu.memref_slice %arg6[%dma_wait3A_539, %dma_wait3A_540, %dma_wait3A_541] : memref<2x1024x16xf32, #tpu.memory_space<vmem>> -> memref<1x128x16xf32, #tpu.memory_space<vmem>>
      %dma_wait3A_543 = tpu.memref_squeeze %dma_wait3A_542 : memref<1x128x16xf32, #tpu.memory_space<vmem>> -> memref<128x16xf32, #tpu.memory_space<vmem>>
      %dma_wait3A_544 = arith.constant 0 : i32
      %dma_wait3A_545 = tpu.memref_slice %arg5[%dma_wait3A_537, %dma_wait3A_538, %dma_wait3A_544] : memref<2x8x128xi32, #tpu.memory_space<vmem>> -> memref<1x1x128xi32, #tpu.memory_space<vmem>>
      %dma_wait3A_546 = tpu.memref_squeeze %dma_wait3A_545 : memref<1x1x128xi32, #tpu.memory_space<vmem>> -> memref<128xi32, #tpu.memory_space<vmem>>
      %dma_wait3A_547 = arith.constant 0 : i32
      %dma_wait3A_548 = arith.constant 0 : i32
      %dma_wait3A_549 = tpu.memref_slice %arg2[%dma_wait3A_547, %dma_wait3A_548] : memref<1000000x16xf32, #tpu.memory_space<hbm>> -> memref<1000000x16xf32, #tpu.memory_space<hbm>>
      tpu.wait_indirect_dma semaphore(%arg9 : memref<!tpu.dma_semaphore, #tpu.memory_space<semaphore_mem>>) src(%dma_wait3A_549 : memref<1000000x16xf32, #tpu.memory_space<hbm>>) dst(%dma_wait3A_543 : memref<128x16xf32, #tpu.memory_space<vmem>>)
      %dma_wait3A_550 = arith.constant 1 : i32
      %dma_wait3A_551 = arith.constant 1 : i32
      %dma_wait3A_552 = arith.constant 1 : i32
      %dma_wait3A_553 = arith.constant 128 : i32
      %dma_wait3A_554 = arith.constant 0 : i32
      %dma_wait3A_555 = tpu.memref_slice %arg6[%dma_wait3A_552, %dma_wait3A_553, %dma_wait3A_554] : memref<2x1024x16xf32, #tpu.memory_space<vmem>> -> memref<1x128x16xf32, #tpu.memory_space<vmem>>
      %dma_wait3A_556 = tpu.memref_squeeze %dma_wait3A_555 : memref<1x128x16xf32, #tpu.memory_space<vmem>> -> memref<128x16xf32, #tpu.memory_space<vmem>>
      %dma_wait3A_557 = arith.constant 0 : i32
      %dma_wait3A_558 = tpu.memref_slice %arg5[%dma_wait3A_550, %dma_wait3A_551, %dma_wait3A_557] : memref<2x8x128xi32, #tpu.memory_space<vmem>> -> memref<1x1x128xi32, #tpu.memory_space<vmem>>
      %dma_wait3A_559 = tpu.memref_squeeze %dma_wait3A_558 : memref<1x1x128xi32, #tpu.memory_space<vmem>> -> memref<128xi32, #tpu.memory_space<vmem>>
      %dma_wait3A_560 = arith.constant 0 : i32
      %dma_wait3A_561 = arith.constant 0 : i32
      %dma_wait3A_562 = tpu.memref_slice %arg2[%dma_wait3A_560, %dma_wait3A_561] : memref<1000000x16xf32, #tpu.memory_space<hbm>> -> memref<1000000x16xf32, #tpu.memory_space<hbm>>
      tpu.wait_indirect_dma semaphore(%arg9 : memref<!tpu.dma_semaphore, #tpu.memory_space<semaphore_mem>>) src(%dma_wait3A_562 : memref<1000000x16xf32, #tpu.memory_space<hbm>>) dst(%dma_wait3A_556 : memref<128x16xf32, #tpu.memory_space<vmem>>)
      %dma_wait3A_563 = arith.constant 1 : i32
      %dma_wait3A_564 = arith.constant 2 : i32
      %dma_wait3A_565 = arith.constant 1 : i32
      %dma_wait3A_566 = arith.constant 256 : i32
      %dma_wait3A_567 = arith.constant 0 : i32
      %dma_wait3A_568 = tpu.memref_slice %arg6[%dma_wait3A_565, %dma_wait3A_566, %dma_wait3A_567] : memref<2x1024x16xf32, #tpu.memory_space<vmem>> -> memref<1x128x16xf32, #tpu.memory_space<vmem>>
      %dma_wait3A_569 = tpu.memref_squeeze %dma_wait3A_568 : memref<1x128x16xf32, #tpu.memory_space<vmem>> -> memref<128x16xf32, #tpu.memory_space<vmem>>
      %dma_wait3A_570 = arith.constant 0 : i32
      %dma_wait3A_571 = tpu.memref_slice %arg5[%dma_wait3A_563, %dma_wait3A_564, %dma_wait3A_570] : memref<2x8x128xi32, #tpu.memory_space<vmem>> -> memref<1x1x128xi32, #tpu.memory_space<vmem>>
      %dma_wait3A_572 = tpu.memref_squeeze %dma_wait3A_571 : memref<1x1x128xi32, #tpu.memory_space<vmem>> -> memref<128xi32, #tpu.memory_space<vmem>>
      %dma_wait3A_573 = arith.constant 0 : i32
      %dma_wait3A_574 = arith.constant 0 : i32
      %dma_wait3A_575 = tpu.memref_slice %arg2[%dma_wait3A_573, %dma_wait3A_574] : memref<1000000x16xf32, #tpu.memory_space<hbm>> -> memref<1000000x16xf32, #tpu.memory_space<hbm>>
      tpu.wait_indirect_dma semaphore(%arg9 : memref<!tpu.dma_semaphore, #tpu.memory_space<semaphore_mem>>) src(%dma_wait3A_575 : memref<1000000x16xf32, #tpu.memory_space<hbm>>) dst(%dma_wait3A_569 : memref<128x16xf32, #tpu.memory_space<vmem>>)
      %dma_wait3A_576 = arith.constant 1 : i32
      %dma_wait3A_577 = arith.constant 3 : i32
      %dma_wait3A_578 = arith.constant 1 : i32
      %dma_wait3A_579 = arith.constant 384 : i32
      %dma_wait3A_580 = arith.constant 0 : i32
      %dma_wait3A_581 = tpu.memref_slice %arg6[%dma_wait3A_578, %dma_wait3A_579, %dma_wait3A_580] : memref<2x1024x16xf32, #tpu.memory_space<vmem>> -> memref<1x128x16xf32, #tpu.memory_space<vmem>>
      %dma_wait3A_582 = tpu.memref_squeeze %dma_wait3A_581 : memref<1x128x16xf32, #tpu.memory_space<vmem>> -> memref<128x16xf32, #tpu.memory_space<vmem>>
      %dma_wait3A_583 = arith.constant 0 : i32
      %dma_wait3A_584 = tpu.memref_slice %arg5[%dma_wait3A_576, %dma_wait3A_577, %dma_wait3A_583] : memref<2x8x128xi32, #tpu.memory_space<vmem>> -> memref<1x1x128xi32, #tpu.memory_space<vmem>>
      %dma_wait3A_585 = tpu.memref_squeeze %dma_wait3A_584 : memref<1x1x128xi32, #tpu.memory_space<vmem>> -> memref<128xi32, #tpu.memory_space<vmem>>
      %dma_wait3A_586 = arith.constant 0 : i32
      %dma_wait3A_587 = arith.constant 0 : i32
      %dma_wait3A_588 = tpu.memref_slice %arg2[%dma_wait3A_586, %dma_wait3A_587] : memref<1000000x16xf32, #tpu.memory_space<hbm>> -> memref<1000000x16xf32, #tpu.memory_space<hbm>>
      tpu.wait_indirect_dma semaphore(%arg9 : memref<!tpu.dma_semaphore, #tpu.memory_space<semaphore_mem>>) src(%dma_wait3A_588 : memref<1000000x16xf32, #tpu.memory_space<hbm>>) dst(%dma_wait3A_582 : memref<128x16xf32, #tpu.memory_space<vmem>>)
      %dma_wait3A_589 = arith.constant 1 : i32
      %dma_wait3A_590 = arith.constant 4 : i32
      %dma_wait3A_591 = arith.constant 1 : i32
      %dma_wait3A_592 = arith.constant 512 : i32
      %dma_wait3A_593 = arith.constant 0 : i32
      %dma_wait3A_594 = tpu.memref_slice %arg6[%dma_wait3A_591, %dma_wait3A_592, %dma_wait3A_593] : memref<2x1024x16xf32, #tpu.memory_space<vmem>> -> memref<1x128x16xf32, #tpu.memory_space<vmem>>
      %dma_wait3A_595 = tpu.memref_squeeze %dma_wait3A_594 : memref<1x128x16xf32, #tpu.memory_space<vmem>> -> memref<128x16xf32, #tpu.memory_space<vmem>>
      %dma_wait3A_596 = arith.constant 0 : i32
      %dma_wait3A_597 = tpu.memref_slice %arg5[%dma_wait3A_589, %dma_wait3A_590, %dma_wait3A_596] : memref<2x8x128xi32, #tpu.memory_space<vmem>> -> memref<1x1x128xi32, #tpu.memory_space<vmem>>
      %dma_wait3A_598 = tpu.memref_squeeze %dma_wait3A_597 : memref<1x1x128xi32, #tpu.memory_space<vmem>> -> memref<128xi32, #tpu.memory_space<vmem>>
      %dma_wait3A_599 = arith.constant 0 : i32
      %dma_wait3A_600 = arith.constant 0 : i32
      %dma_wait3A_601 = tpu.memref_slice %arg2[%dma_wait3A_599, %dma_wait3A_600] : memref<1000000x16xf32, #tpu.memory_space<hbm>> -> memref<1000000x16xf32, #tpu.memory_space<hbm>>
      tpu.wait_indirect_dma semaphore(%arg9 : memref<!tpu.dma_semaphore, #tpu.memory_space<semaphore_mem>>) src(%dma_wait3A_601 : memref<1000000x16xf32, #tpu.memory_space<hbm>>) dst(%dma_wait3A_595 : memref<128x16xf32, #tpu.memory_space<vmem>>)
      %dma_wait3A_602 = arith.constant 1 : i32
      %dma_wait3A_603 = arith.constant 5 : i32
      %dma_wait3A_604 = arith.constant 1 : i32
      %dma_wait3A_605 = arith.constant 640 : i32
      %dma_wait3A_606 = arith.constant 0 : i32
      %dma_wait3A_607 = tpu.memref_slice %arg6[%dma_wait3A_604, %dma_wait3A_605, %dma_wait3A_606] : memref<2x1024x16xf32, #tpu.memory_space<vmem>> -> memref<1x128x16xf32, #tpu.memory_space<vmem>>
      %dma_wait3A_608 = tpu.memref_squeeze %dma_wait3A_607 : memref<1x128x16xf32, #tpu.memory_space<vmem>> -> memref<128x16xf32, #tpu.memory_space<vmem>>
      %dma_wait3A_609 = arith.constant 0 : i32
      %dma_wait3A_610 = tpu.memref_slice %arg5[%dma_wait3A_602, %dma_wait3A_603, %dma_wait3A_609] : memref<2x8x128xi32, #tpu.memory_space<vmem>> -> memref<1x1x128xi32, #tpu.memory_space<vmem>>
      %dma_wait3A_611 = tpu.memref_squeeze %dma_wait3A_610 : memref<1x1x128xi32, #tpu.memory_space<vmem>> -> memref<128xi32, #tpu.memory_space<vmem>>
      %dma_wait3A_612 = arith.constant 0 : i32
      %dma_wait3A_613 = arith.constant 0 : i32
      %dma_wait3A_614 = tpu.memref_slice %arg2[%dma_wait3A_612, %dma_wait3A_613] : memref<1000000x16xf32, #tpu.memory_space<hbm>> -> memref<1000000x16xf32, #tpu.memory_space<hbm>>
      tpu.wait_indirect_dma semaphore(%arg9 : memref<!tpu.dma_semaphore, #tpu.memory_space<semaphore_mem>>) src(%dma_wait3A_614 : memref<1000000x16xf32, #tpu.memory_space<hbm>>) dst(%dma_wait3A_608 : memref<128x16xf32, #tpu.memory_space<vmem>>)
      %dma_wait3A_615 = arith.constant 1 : i32
      %dma_wait3A_616 = arith.constant 6 : i32
      %dma_wait3A_617 = arith.constant 1 : i32
      %dma_wait3A_618 = arith.constant 768 : i32
      %dma_wait3A_619 = arith.constant 0 : i32
      %dma_wait3A_620 = tpu.memref_slice %arg6[%dma_wait3A_617, %dma_wait3A_618, %dma_wait3A_619] : memref<2x1024x16xf32, #tpu.memory_space<vmem>> -> memref<1x128x16xf32, #tpu.memory_space<vmem>>
      %dma_wait3A_621 = tpu.memref_squeeze %dma_wait3A_620 : memref<1x128x16xf32, #tpu.memory_space<vmem>> -> memref<128x16xf32, #tpu.memory_space<vmem>>
      %dma_wait3A_622 = arith.constant 0 : i32
      %dma_wait3A_623 = tpu.memref_slice %arg5[%dma_wait3A_615, %dma_wait3A_616, %dma_wait3A_622] : memref<2x8x128xi32, #tpu.memory_space<vmem>> -> memref<1x1x128xi32, #tpu.memory_space<vmem>>
      %dma_wait3A_624 = tpu.memref_squeeze %dma_wait3A_623 : memref<1x1x128xi32, #tpu.memory_space<vmem>> -> memref<128xi32, #tpu.memory_space<vmem>>
      %dma_wait3A_625 = arith.constant 0 : i32
      %dma_wait3A_626 = arith.constant 0 : i32
      %dma_wait3A_627 = tpu.memref_slice %arg2[%dma_wait3A_625, %dma_wait3A_626] : memref<1000000x16xf32, #tpu.memory_space<hbm>> -> memref<1000000x16xf32, #tpu.memory_space<hbm>>
      tpu.wait_indirect_dma semaphore(%arg9 : memref<!tpu.dma_semaphore, #tpu.memory_space<semaphore_mem>>) src(%dma_wait3A_627 : memref<1000000x16xf32, #tpu.memory_space<hbm>>) dst(%dma_wait3A_621 : memref<128x16xf32, #tpu.memory_space<vmem>>)
      %dma_wait3A_628 = arith.constant 1 : i32
      %dma_wait3A_629 = arith.constant 7 : i32
      %dma_wait3A_630 = arith.constant 1 : i32
      %dma_wait3A_631 = arith.constant 896 : i32
      %dma_wait3A_632 = arith.constant 0 : i32
      %dma_wait3A_633 = tpu.memref_slice %arg6[%dma_wait3A_630, %dma_wait3A_631, %dma_wait3A_632] : memref<2x1024x16xf32, #tpu.memory_space<vmem>> -> memref<1x128x16xf32, #tpu.memory_space<vmem>>
      %dma_wait3A_634 = tpu.memref_squeeze %dma_wait3A_633 : memref<1x128x16xf32, #tpu.memory_space<vmem>> -> memref<128x16xf32, #tpu.memory_space<vmem>>
      %dma_wait3A_635 = arith.constant 0 : i32
      %dma_wait3A_636 = tpu.memref_slice %arg5[%dma_wait3A_628, %dma_wait3A_629, %dma_wait3A_635] : memref<2x8x128xi32, #tpu.memory_space<vmem>> -> memref<1x1x128xi32, #tpu.memory_space<vmem>>
      %dma_wait3A_637 = tpu.memref_squeeze %dma_wait3A_636 : memref<1x1x128xi32, #tpu.memory_space<vmem>> -> memref<128xi32, #tpu.memory_space<vmem>>
      %dma_wait3A_638 = arith.constant 0 : i32
      %dma_wait3A_639 = arith.constant 0 : i32
      %dma_wait3A_640 = tpu.memref_slice %arg2[%dma_wait3A_638, %dma_wait3A_639] : memref<1000000x16xf32, #tpu.memory_space<hbm>> -> memref<1000000x16xf32, #tpu.memory_space<hbm>>
      tpu.wait_indirect_dma semaphore(%arg9 : memref<!tpu.dma_semaphore, #tpu.memory_space<semaphore_mem>>) src(%dma_wait3A_640 : memref<1000000x16xf32, #tpu.memory_space<hbm>>) dst(%dma_wait3A_634 : memref<128x16xf32, #tpu.memory_space<vmem>>)
      %add3A_641 = arith.constant 1 : i32
      %add3A_642 = arith.addi %add3A_264, %add3A_641 : i32
      %scan3A_643 = arith.constant 0 : i32
      %scan3A_644 = arith.constant 0 : i32
      %scan3A_645 = arith.constant 64 : i32
      %scan3A_646 = arith.addi %scan3A_644, %scan3A_645 : i32
      %scan3A_647 = arith.constant 1 : i32
      scf.for %scan3A_693 = %scan3A_644 to %scan3A_646 step %scan3A_647  : i32 {
        %mul3A_694 = arith.constant 16 : i32
        %mul3A_695 = arith.muli %scan3A_693, %mul3A_694 : i32
        %add3A_696 = arith.constant 0 : i32
        %add3A_697 = arith.addi %mul3A_695, %add3A_696 : i32
        %get3A = arith.constant 1 : i32
        %get3A_698 = arith.index_cast %get3A : i32 to index
        %get3A_699 = arith.index_cast %add3A_697 : i32 to index
        %get3A_700 = arith.constant 0 : index
        %get3A_701 = tpu.vector_load %arg6[%get3A_698, %get3A_699, %get3A_700] {strides = array<i32>} : memref<2x1024x16xf32, #tpu.memory_space<vmem>>, vector<16xf32>,
        %add3A_702 = vector.broadcast %add3A_697 : i32 to vector<16xi32>
        %add3A_703 = arith.addi %broadcast_in_dim3A_3, %add3A_702 : vector<16xi32>
        tpu.vector_store_idx %arg7[%iota3A, %add3A_703], %get3A_701 : memref<16x1025xf32, #tpu.memory_space<vmem>>[vector<16xi32>, vector<16xi32>], vector<16xf32>,
        %mul3A_704 = arith.constant 16 : i32
        %mul3A_705 = arith.muli %scan3A_693, %mul3A_704 : i32
        %add3A_706 = arith.constant 1 : i32
        %add3A_707 = arith.addi %mul3A_705, %add3A_706 : i32
        %get3A_708 = arith.constant 1 : i32
        %get3A_709 = arith.index_cast %get3A_708 : i32 to index
        %get3A_710 = arith.index_cast %add3A_707 : i32 to index
        %get3A_711 = arith.constant 0 : index
        %get3A_712 = tpu.vector_load %arg6[%get3A_709, %get3A_710, %get3A_711] {strides = array<i32>} : memref<2x1024x16xf32, #tpu.memory_space<vmem>>, vector<16xf32>,
        %add3A_713 = vector.broadcast %add3A_707 : i32 to vector<16xi32>
        %add3A_714 = arith.addi %broadcast_in_dim3A_3, %add3A_713 : vector<16xi32>
        tpu.vector_store_idx %arg7[%iota3A, %add3A_714], %get3A_712 : memref<16x1025xf32, #tpu.memory_space<vmem>>[vector<16xi32>, vector<16xi32>], vector<16xf32>,
        %mul3A_715 = arith.constant 16 : i32
        %mul3A_716 = arith.muli %scan3A_693, %mul3A_715 : i32
        %add3A_717 = arith.constant 2 : i32
        %add3A_718 = arith.addi %mul3A_716, %add3A_717 : i32
        %get3A_719 = arith.constant 1 : i32
        %get3A_720 = arith.index_cast %get3A_719 : i32 to index
        %get3A_721 = arith.index_cast %add3A_718 : i32 to index
        %get3A_722 = arith.constant 0 : index
        %get3A_723 = tpu.vector_load %arg6[%get3A_720, %get3A_721, %get3A_722] {strides = array<i32>} : memref<2x1024x16xf32, #tpu.memory_space<vmem>>, vector<16xf32>,
        %add3A_724 = vector.broadcast %add3A_718 : i32 to vector<16xi32>
        %add3A_725 = arith.addi %broadcast_in_dim3A_3, %add3A_724 : vector<16xi32>
        tpu.vector_store_idx %arg7[%iota3A, %add3A_725], %get3A_723 : memref<16x1025xf32, #tpu.memory_space<vmem>>[vector<16xi32>, vector<16xi32>], vector<16xf32>,
        %mul3A_726 = arith.constant 16 : i32
        %mul3A_727 = arith.muli %scan3A_693, %mul3A_726 : i32
        %add3A_728 = arith.constant 3 : i32
        %add3A_729 = arith.addi %mul3A_727, %add3A_728 : i32
        %get3A_730 = arith.constant 1 : i32
        %get3A_731 = arith.index_cast %get3A_730 : i32 to index
        %get3A_732 = arith.index_cast %add3A_729 : i32 to index
        %get3A_733 = arith.constant 0 : index
        %get3A_734 = tpu.vector_load %arg6[%get3A_731, %get3A_732, %get3A_733] {strides = array<i32>} : memref<2x1024x16xf32, #tpu.memory_space<vmem>>, vector<16xf32>,
        %add3A_735 = vector.broadcast %add3A_729 : i32 to vector<16xi32>
        %add3A_736 = arith.addi %broadcast_in_dim3A_3, %add3A_735 : vector<16xi32>
        tpu.vector_store_idx %arg7[%iota3A, %add3A_736], %get3A_734 : memref<16x1025xf32, #tpu.memory_space<vmem>>[vector<16xi32>, vector<16xi32>], vector<16xf32>,
        %mul3A_737 = arith.constant 16 : i32
        %mul3A_738 = arith.muli %scan3A_693, %mul3A_737 : i32
        %add3A_739 = arith.constant 4 : i32
        %add3A_740 = arith.addi %mul3A_738, %add3A_739 : i32
        %get3A_741 = arith.constant 1 : i32
        %get3A_742 = arith.index_cast %get3A_741 : i32 to index
        %get3A_743 = arith.index_cast %add3A_740 : i32 to index
        %get3A_744 = arith.constant 0 : index
        %get3A_745 = tpu.vector_load %arg6[%get3A_742, %get3A_743, %get3A_744] {strides = array<i32>} : memref<2x1024x16xf32, #tpu.memory_space<vmem>>, vector<16xf32>,
        %add3A_746 = vector.broadcast %add3A_740 : i32 to vector<16xi32>
        %add3A_747 = arith.addi %broadcast_in_dim3A_3, %add3A_746 : vector<16xi32>
        tpu.vector_store_idx %arg7[%iota3A, %add3A_747], %get3A_745 : memref<16x1025xf32, #tpu.memory_space<vmem>>[vector<16xi32>, vector<16xi32>], vector<16xf32>,
        %mul3A_748 = arith.constant 16 : i32
        %mul3A_749 = arith.muli %scan3A_693, %mul3A_748 : i32
        %add3A_750 = arith.constant 5 : i32
        %add3A_751 = arith.addi %mul3A_749, %add3A_750 : i32
        %get3A_752 = arith.constant 1 : i32
        %get3A_753 = arith.index_cast %get3A_752 : i32 to index
        %get3A_754 = arith.index_cast %add3A_751 : i32 to index
        %get3A_755 = arith.constant 0 : index
        %get3A_756 = tpu.vector_load %arg6[%get3A_753, %get3A_754, %get3A_755] {strides = array<i32>} : memref<2x1024x16xf32, #tpu.memory_space<vmem>>, vector<16xf32>,
        %add3A_757 = vector.broadcast %add3A_751 : i32 to vector<16xi32>
        %add3A_758 = arith.addi %broadcast_in_dim3A_3, %add3A_757 : vector<16xi32>
        tpu.vector_store_idx %arg7[%iota3A, %add3A_758], %get3A_756 : memref<16x1025xf32, #tpu.memory_space<vmem>>[vector<16xi32>, vector<16xi32>], vector<16xf32>,
        %mul3A_759 = arith.constant 16 : i32
        %mul3A_760 = arith.muli %scan3A_693, %mul3A_759 : i32
        %add3A_761 = arith.constant 6 : i32
        %add3A_762 = arith.addi %mul3A_760, %add3A_761 : i32
        %get3A_763 = arith.constant 1 : i32
        %get3A_764 = arith.index_cast %get3A_763 : i32 to index
        %get3A_765 = arith.index_cast %add3A_762 : i32 to index
        %get3A_766 = arith.constant 0 : index
        %get3A_767 = tpu.vector_load %arg6[%get3A_764, %get3A_765, %get3A_766] {strides = array<i32>} : memref<2x1024x16xf32, #tpu.memory_space<vmem>>, vector<16xf32>,
        %add3A_768 = vector.broadcast %add3A_762 : i32 to vector<16xi32>
        %add3A_769 = arith.addi %broadcast_in_dim3A_3, %add3A_768 : vector<16xi32>
        tpu.vector_store_idx %arg7[%iota3A, %add3A_769], %get3A_767 : memref<16x1025xf32, #tpu.memory_space<vmem>>[vector<16xi32>, vector<16xi32>], vector<16xf32>,
        %mul3A_770 = arith.constant 16 : i32
        %mul3A_771 = arith.muli %scan3A_693, %mul3A_770 : i32
        %add3A_772 = arith.constant 7 : i32
        %add3A_773 = arith.addi %mul3A_771, %add3A_772 : i32
        %get3A_774 = arith.constant 1 : i32
        %get3A_775 = arith.index_cast %get3A_774 : i32 to index
        %get3A_776 = arith.index_cast %add3A_773 : i32 to index
        %get3A_777 = arith.constant 0 : index
        %get3A_778 = tpu.vector_load %arg6[%get3A_775, %get3A_776, %get3A_777] {strides = array<i32>} : memref<2x1024x16xf32, #tpu.memory_space<vmem>>, vector<16xf32>,
        %add3A_779 = vector.broadcast %add3A_773 : i32 to vector<16xi32>
        %add3A_780 = arith.addi %broadcast_in_dim3A_3, %add3A_779 : vector<16xi32>
        tpu.vector_store_idx %arg7[%iota3A, %add3A_780], %get3A_778 : memref<16x1025xf32, #tpu.memory_space<vmem>>[vector<16xi32>, vector<16xi32>], vector<16xf32>,
        %mul3A_781 = arith.constant 16 : i32
        %mul3A_782 = arith.muli %scan3A_693, %mul3A_781 : i32
        %add3A_783 = arith.constant 8 : i32
        %add3A_784 = arith.addi %mul3A_782, %add3A_783 : i32
        %get3A_785 = arith.constant 1 : i32
        %get3A_786 = arith.index_cast %get3A_785 : i32 to index
        %get3A_787 = arith.index_cast %add3A_784 : i32 to index
        %get3A_788 = arith.constant 0 : index
        %get3A_789 = tpu.vector_load %arg6[%get3A_786, %get3A_787, %get3A_788] {strides = array<i32>} : memref<2x1024x16xf32, #tpu.memory_space<vmem>>, vector<16xf32>,
        %add3A_790 = vector.broadcast %add3A_784 : i32 to vector<16xi32>
        %add3A_791 = arith.addi %broadcast_in_dim3A_3, %add3A_790 : vector<16xi32>
        tpu.vector_store_idx %arg7[%iota3A, %add3A_791], %get3A_789 : memref<16x1025xf32, #tpu.memory_space<vmem>>[vector<16xi32>, vector<16xi32>], vector<16xf32>,
        %mul3A_792 = arith.constant 16 : i32
        %mul3A_793 = arith.muli %scan3A_693, %mul3A_792 : i32
        %add3A_794 = arith.constant 9 : i32
        %add3A_795 = arith.addi %mul3A_793, %add3A_794 : i32
        %get3A_796 = arith.constant 1 : i32
        %get3A_797 = arith.index_cast %get3A_796 : i32 to index
        %get3A_798 = arith.index_cast %add3A_795 : i32 to index
        %get3A_799 = arith.constant 0 : index
        %get3A_800 = tpu.vector_load %arg6[%get3A_797, %get3A_798, %get3A_799] {strides = array<i32>} : memref<2x1024x16xf32, #tpu.memory_space<vmem>>, vector<16xf32>,
        %add3A_801 = vector.broadcast %add3A_795 : i32 to vector<16xi32>
        %add3A_802 = arith.addi %broadcast_in_dim3A_3, %add3A_801 : vector<16xi32>
        tpu.vector_store_idx %arg7[%iota3A, %add3A_802], %get3A_800 : memref<16x1025xf32, #tpu.memory_space<vmem>>[vector<16xi32>, vector<16xi32>], vector<16xf32>,
        %mul3A_803 = arith.constant 16 : i32
        %mul3A_804 = arith.muli %scan3A_693, %mul3A_803 : i32
        %add3A_805 = arith.constant 10 : i32
        %add3A_806 = arith.addi %mul3A_804, %add3A_805 : i32
        %get3A_807 = arith.constant 1 : i32
        %get3A_808 = arith.index_cast %get3A_807 : i32 to index
        %get3A_809 = arith.index_cast %add3A_806 : i32 to index
        %get3A_810 = arith.constant 0 : index
        %get3A_811 = tpu.vector_load %arg6[%get3A_808, %get3A_809, %get3A_810] {strides = array<i32>} : memref<2x1024x16xf32, #tpu.memory_space<vmem>>, vector<16xf32>,
        %add3A_812 = vector.broadcast %add3A_806 : i32 to vector<16xi32>
        %add3A_813 = arith.addi %broadcast_in_dim3A_3, %add3A_812 : vector<16xi32>
        tpu.vector_store_idx %arg7[%iota3A, %add3A_813], %get3A_811 : memref<16x1025xf32, #tpu.memory_space<vmem>>[vector<16xi32>, vector<16xi32>], vector<16xf32>,
        %mul3A_814 = arith.constant 16 : i32
        %mul3A_815 = arith.muli %scan3A_693, %mul3A_814 : i32
        %add3A_816 = arith.constant 11 : i32
        %add3A_817 = arith.addi %mul3A_815, %add3A_816 : i32
        %get3A_818 = arith.constant 1 : i32
        %get3A_819 = arith.index_cast %get3A_818 : i32 to index
        %get3A_820 = arith.index_cast %add3A_817 : i32 to index
        %get3A_821 = arith.constant 0 : index
        %get3A_822 = tpu.vector_load %arg6[%get3A_819, %get3A_820, %get3A_821] {strides = array<i32>} : memref<2x1024x16xf32, #tpu.memory_space<vmem>>, vector<16xf32>,
        %add3A_823 = vector.broadcast %add3A_817 : i32 to vector<16xi32>
        %add3A_824 = arith.addi %broadcast_in_dim3A_3, %add3A_823 : vector<16xi32>
        tpu.vector_store_idx %arg7[%iota3A, %add3A_824], %get3A_822 : memref<16x1025xf32, #tpu.memory_space<vmem>>[vector<16xi32>, vector<16xi32>], vector<16xf32>,
        %mul3A_825 = arith.constant 16 : i32
        %mul3A_826 = arith.muli %scan3A_693, %mul3A_825 : i32
        %add3A_827 = arith.constant 12 : i32
        %add3A_828 = arith.addi %mul3A_826, %add3A_827 : i32
        %get3A_829 = arith.constant 1 : i32
        %get3A_830 = arith.index_cast %get3A_829 : i32 to index
        %get3A_831 = arith.index_cast %add3A_828 : i32 to index
        %get3A_832 = arith.constant 0 : index
        %get3A_833 = tpu.vector_load %arg6[%get3A_830, %get3A_831, %get3A_832] {strides = array<i32>} : memref<2x1024x16xf32, #tpu.memory_space<vmem>>, vector<16xf32>,
        %add3A_834 = vector.broadcast %add3A_828 : i32 to vector<16xi32>
        %add3A_835 = arith.addi %broadcast_in_dim3A_3, %add3A_834 : vector<16xi32>
        tpu.vector_store_idx %arg7[%iota3A, %add3A_835], %get3A_833 : memref<16x1025xf32, #tpu.memory_space<vmem>>[vector<16xi32>, vector<16xi32>], vector<16xf32>,
        %mul3A_836 = arith.constant 16 : i32
        %mul3A_837 = arith.muli %scan3A_693, %mul3A_836 : i32
        %add3A_838 = arith.constant 13 : i32
        %add3A_839 = arith.addi %mul3A_837, %add3A_838 : i32
        %get3A_840 = arith.constant 1 : i32
        %get3A_841 = arith.index_cast %get3A_840 : i32 to index
        %get3A_842 = arith.index_cast %add3A_839 : i32 to index
        %get3A_843 = arith.constant 0 : index
        %get3A_844 = tpu.vector_load %arg6[%get3A_841, %get3A_842, %get3A_843] {strides = array<i32>} : memref<2x1024x16xf32, #tpu.memory_space<vmem>>, vector<16xf32>,
        %add3A_845 = vector.broadcast %add3A_839 : i32 to vector<16xi32>
        %add3A_846 = arith.addi %broadcast_in_dim3A_3, %add3A_845 : vector<16xi32>
        tpu.vector_store_idx %arg7[%iota3A, %add3A_846], %get3A_844 : memref<16x1025xf32, #tpu.memory_space<vmem>>[vector<16xi32>, vector<16xi32>], vector<16xf32>,
        %mul3A_847 = arith.constant 16 : i32
        %mul3A_848 = arith.muli %scan3A_693, %mul3A_847 : i32
        %add3A_849 = arith.constant 14 : i32
        %add3A_850 = arith.addi %mul3A_848, %add3A_849 : i32
        %get3A_851 = arith.constant 1 : i32
        %get3A_852 = arith.index_cast %get3A_851 : i32 to index
        %get3A_853 = arith.index_cast %add3A_850 : i32 to index
        %get3A_854 = arith.constant 0 : index
        %get3A_855 = tpu.vector_load %arg6[%get3A_852, %get3A_853, %get3A_854] {strides = array<i32>} : memref<2x1024x16xf32, #tpu.memory_space<vmem>>, vector<16xf32>,
        %add3A_856 = vector.broadcast %add3A_850 : i32 to vector<16xi32>
        %add3A_857 = arith.addi %broadcast_in_dim3A_3, %add3A_856 : vector<16xi32>
        tpu.vector_store_idx %arg7[%iota3A, %add3A_857], %get3A_855 : memref<16x1025xf32, #tpu.memory_space<vmem>>[vector<16xi32>, vector<16xi32>], vector<16xf32>,
        %mul3A_858 = arith.constant 16 : i32
        %mul3A_859 = arith.muli %scan3A_693, %mul3A_858 : i32
        %add3A_860 = arith.constant 15 : i32
        %add3A_861 = arith.addi %mul3A_859, %add3A_860 : i32
        %get3A_862 = arith.constant 1 : i32
        %get3A_863 = arith.index_cast %get3A_862 : i32 to index
        %get3A_864 = arith.index_cast %add3A_861 : i32 to index
        %get3A_865 = arith.constant 0 : index
        %get3A_866 = tpu.vector_load %arg6[%get3A_863, %get3A_864, %get3A_865] {strides = array<i32>} : memref<2x1024x16xf32, #tpu.memory_space<vmem>>, vector<16xf32>,
        %add3A_867 = vector.broadcast %add3A_861 : i32 to vector<16xi32>
        %add3A_868 = arith.addi %broadcast_in_dim3A_3, %add3A_867 : vector<16xi32>
        tpu.vector_store_idx %arg7[%iota3A, %add3A_868], %get3A_866 : memref<16x1025xf32, #tpu.memory_space<vmem>>[vector<16xi32>, vector<16xi32>], vector<16xf32>,
      }
      %scan3A_648 = arith.constant 64 : i32
      %jit3A_649 = arith.constant 16 : i32
      %div3A_650 = arith.divsi %add3A_642, %jit3A_649 : i32
      %sign3A_651 = arith.constant 0 : i32
      %sign3A_652 = arith.cmpi sgt, %add3A_642, %sign3A_651 : i32
      %sign3A_653 = arith.extui %sign3A_652 : i1 to i32
      %sign3A_654 = arith.constant 0 : i32
      %sign3A_655 = arith.cmpi slt, %add3A_642, %sign3A_654 : i32
      %sign3A_656 = arith.extui %sign3A_655 : i1 to i32
      %sign3A_657 = arith.subi %sign3A_653, %sign3A_656 : i32
      %sign3A_658 = arith.constant 0 : i32
      %sign3A_659 = arith.cmpi sgt, %jit3A_649, %sign3A_658 : i32
      %sign3A_660 = arith.extui %sign3A_659 : i1 to i32
      %sign3A_661 = arith.constant 0 : i32
      %sign3A_662 = arith.cmpi slt, %jit3A_649, %sign3A_661 : i32
      %sign3A_663 = arith.extui %sign3A_662 : i1 to i32
      %sign3A_664 = arith.subi %sign3A_660, %sign3A_663 : i32
      %ne3A_665 = arith.cmpi ne, %sign3A_657, %sign3A_664 : i32
      %rem3A_666 = arith.remsi %add3A_642, %jit3A_649 : i32
      %ne3A_667 = arith.constant 0 : i32
      %ne3A_668 = arith.cmpi ne, %rem3A_666, %ne3A_667 : i32
      %and3A_669 = arith.andi %ne3A_665, %ne3A_668 : i1
      %sub3A_670 = arith.constant 1 : i32
      %sub3A_671 = arith.subi %div3A_650, %sub3A_670 : i32
      %select_n3A_672 = arith.select %and3A_669, %sub3A_671, %div3A_650 : i32
      %jit3A_673 = arith.constant 16 : i32
      %eq3A_674 = arith.constant 0 : i32
      %eq3A_675 = arith.cmpi eq, %jit3A_673, %eq3A_674 : i32
      %jit3A_676 = arith.constant 1 : i32
      %select_n3A_677 = arith.select %eq3A_675, %jit3A_676, %jit3A_673 : i32
      %rem3A_678 = arith.remsi %add3A_642, %select_n3A_677 : i32
      %ne3A_679 = arith.constant 0 : i32
      %ne3A_680 = arith.cmpi ne, %rem3A_678, %ne3A_679 : i32
      %lt3A_681 = arith.constant 0 : i32
      %lt3A_682 = arith.cmpi slt, %rem3A_678, %lt3A_681 : i32
      %lt3A_683 = arith.constant 0 : i32
      %lt3A_684 = arith.cmpi slt, %select_n3A_677, %lt3A_683 : i32
      %ne3A_685 = arith.xori %lt3A_682, %lt3A_684 : i1
      %and3A_686 = arith.andi %ne3A_685, %ne3A_680 : i1
      %add3A_687 = arith.addi %rem3A_678, %select_n3A_677 : i32
      %select_n3A_688 = arith.select %and3A_686, %add3A_687, %rem3A_678 : i32
      %mul3A_689 = arith.constant 16 : i32
      %mul3A_690 = arith.muli %select_n3A_672, %mul3A_689 : i32
      %mul3A_691 = arith.constant 1024 : i32
      %mul3A_692 = arith.muli %select_n3A_688, %mul3A_691 : i32
      "tpu.region"() ({
        %run_scoped3A_693 = tpu.sem_alloc : memref<!tpu.dma_semaphore, #tpu.memory_space<semaphore_mem>>
        %dma_start3A_694 = arith.constant 0 : i32
        %dma_start3A_695 = arith.constant 0 : i32
        %dma_start3A_696 = tpu.memref_slice %arg7[%dma_start3A_694, %dma_start3A_695] : memref<16x1025xf32, #tpu.memory_space<vmem>> -> memref<16x1024xf32, #tpu.memory_space<vmem>>
        %dma_start3A_697 = tpu.memref_slice %arg4[%mul3A_690, %mul3A_692] : memref<800x16384xf32, #tpu.memory_space<hbm>> -> memref<16x1024xf32, #tpu.memory_space<hbm>>
        %dma_start3A_698 = tpu.memref_slice %arg4[%mul3A_690, %mul3A_692] : memref<800x16384xf32, #tpu.memory_space<hbm>> -> memref<16x1024xf32, #tpu.memory_space<hbm>>
        %dma_start3A_699 = arith.constant 0 : i32
        %dma_start3A_700 = arith.constant 0 : i32
        %dma_start3A_701 = tpu.memref_slice %arg7[%dma_start3A_699, %dma_start3A_700] : memref<16x1025xf32, #tpu.memory_space<vmem>> -> memref<16x1024xf32, #tpu.memory_space<vmem>>
        tpu.enqueue_dma source(%dma_start3A_701 : memref<16x1024xf32, #tpu.memory_space<vmem>>) target(%dma_start3A_698 : memref<16x1024xf32, #tpu.memory_space<hbm>>) target_semaphore(%run_scoped3A_693 : memref<!tpu.dma_semaphore, #tpu.memory_space<semaphore_mem>>)
        %dma_wait3A_702 = arith.constant 0 : i32
        %dma_wait3A_703 = arith.constant 0 : i32
        %dma_wait3A_704 = tpu.memref_slice %arg7[%dma_wait3A_702, %dma_wait3A_703] : memref<16x1025xf32, #tpu.memory_space<vmem>> -> memref<16x1024xf32, #tpu.memory_space<vmem>>
        %dma_wait3A_705 = tpu.memref_slice %arg4[%mul3A_690, %mul3A_692] : memref<800x16384xf32, #tpu.memory_space<hbm>> -> memref<16x1024xf32, #tpu.memory_space<hbm>>
        %dma_wait3A_706 = tpu.memref_slice %arg4[%mul3A_690, %mul3A_692] : memref<800x16384xf32, #tpu.memory_space<hbm>> -> memref<16x1024xf32, #tpu.memory_space<hbm>>
        %dma_wait3A_707 = arith.constant 0 : i32
        %dma_wait3A_708 = arith.constant 0 : i32
        %dma_wait3A_709 = tpu.memref_slice %arg7[%dma_wait3A_707, %dma_wait3A_708] : memref<16x1025xf32, #tpu.memory_space<vmem>> -> memref<16x1024xf32, #tpu.memory_space<vmem>>
        tpu.wait_dma2 semaphore(%run_scoped3A_693 : memref<!tpu.dma_semaphore, #tpu.memory_space<semaphore_mem>>) src(%dma_wait3A_709 : memref<16x1024xf32, #tpu.memory_space<vmem>>) dst(%dma_wait3A_706 : memref<16x1024xf32, #tpu.memory_space<hbm>>)
        tpu.yield
      }) : () -> ()
    }
    %scan3A_113 = arith.constant 12 : i32
    %add3A_114 = arith.constant 25 : i32
    %add3A_115 = arith.addi %mul3A_2, %add3A_114 : i32
    %sub3A = arith.constant 1 : i32
    %sub3A_116 = arith.subi %add3A_115, %sub3A : i32
    %dma_wait3A = arith.constant 0 : i32
    %dma_wait3A_117 = arith.constant 0 : i32
    %dma_wait3A_118 = arith.constant 0 : i32
    %dma_wait3A_119 = arith.constant 0 : i32
    %dma_wait3A_120 = arith.constant 0 : i32
    %dma_wait3A_121 = tpu.memref_slice %arg6[%dma_wait3A_118, %dma_wait3A_119, %dma_wait3A_120] : memref<2x1024x16xf32, #tpu.memory_space<vmem>> -> memref<1x128x16xf32, #tpu.memory_space<vmem>>
    %dma_wait3A_122 = tpu.memref_squeeze %dma_wait3A_121 : memref<1x128x16xf32, #tpu.memory_space<vmem>> -> memref<128x16xf32, #tpu.memory_space<vmem>>
    %dma_wait3A_123 = arith.constant 0 : i32
    %dma_wait3A_124 = tpu.memref_slice %arg5[%dma_wait3A, %dma_wait3A_117, %dma_wait3A_123] : memref<2x8x128xi32, #tpu.memory_space<vmem>> -> memref<1x1x128xi32, #tpu.memory_space<vmem>>
    %dma_wait3A_125 = tpu.memref_squeeze %dma_wait3A_124 : memref<1x1x128xi32, #tpu.memory_space<vmem>> -> memref<128xi32, #tpu.memory_space<vmem>>
    %dma_wait3A_126 = arith.constant 0 : i32
    %dma_wait3A_127 = arith.constant 0 : i32
    %dma_wait3A_128 = tpu.memref_slice %arg2[%dma_wait3A_126, %dma_wait3A_127] : memref<1000000x16xf32, #tpu.memory_space<hbm>> -> memref<1000000x16xf32, #tpu.memory_space<hbm>>
    tpu.wait_indirect_dma semaphore(%arg8 : memref<!tpu.dma_semaphore, #tpu.memory_space<semaphore_mem>>) src(%dma_wait3A_128 : memref<1000000x16xf32, #tpu.memory_space<hbm>>) dst(%dma_wait3A_122 : memref<128x16xf32, #tpu.memory_space<vmem>>)
    %dma_wait3A_129 = arith.constant 0 : i32
    %dma_wait3A_130 = arith.constant 1 : i32
    %dma_wait3A_131 = arith.constant 0 : i32
    %dma_wait3A_132 = arith.constant 128 : i32
    %dma_wait3A_133 = arith.constant 0 : i32
    %dma_wait3A_134 = tpu.memref_slice %arg6[%dma_wait3A_131, %dma_wait3A_132, %dma_wait3A_133] : memref<2x1024x16xf32, #tpu.memory_space<vmem>> -> memref<1x128x16xf32, #tpu.memory_space<vmem>>
    %dma_wait3A_135 = tpu.memref_squeeze %dma_wait3A_134 : memref<1x128x16xf32, #tpu.memory_space<vmem>> -> memref<128x16xf32, #tpu.memory_space<vmem>>
    %dma_wait3A_136 = arith.constant 0 : i32
    %dma_wait3A_137 = tpu.memref_slice %arg5[%dma_wait3A_129, %dma_wait3A_130, %dma_wait3A_136] : memref<2x8x128xi32, #tpu.memory_space<vmem>> -> memref<1x1x128xi32, #tpu.memory_space<vmem>>
    %dma_wait3A_138 = tpu.memref_squeeze %dma_wait3A_137 : memref<1x1x128xi32, #tpu.memory_space<vmem>> -> memref<128xi32, #tpu.memory_space<vmem>>
    %dma_wait3A_139 = arith.constant 0 : i32
    %dma_wait3A_140 = arith.constant 0 : i32
    %dma_wait3A_141 = tpu.memref_slice %arg2[%dma_wait3A_139, %dma_wait3A_140] : memref<1000000x16xf32, #tpu.memory_space<hbm>> -> memref<1000000x16xf32, #tpu.memory_space<hbm>>
    tpu.wait_indirect_dma semaphore(%arg8 : memref<!tpu.dma_semaphore, #tpu.memory_space<semaphore_mem>>) src(%dma_wait3A_141 : memref<1000000x16xf32, #tpu.memory_space<hbm>>) dst(%dma_wait3A_135 : memref<128x16xf32, #tpu.memory_space<vmem>>)
    %dma_wait3A_142 = arith.constant 0 : i32
    %dma_wait3A_143 = arith.constant 2 : i32
    %dma_wait3A_144 = arith.constant 0 : i32
    %dma_wait3A_145 = arith.constant 256 : i32
    %dma_wait3A_146 = arith.constant 0 : i32
    %dma_wait3A_147 = tpu.memref_slice %arg6[%dma_wait3A_144, %dma_wait3A_145, %dma_wait3A_146] : memref<2x1024x16xf32, #tpu.memory_space<vmem>> -> memref<1x128x16xf32, #tpu.memory_space<vmem>>
    %dma_wait3A_148 = tpu.memref_squeeze %dma_wait3A_147 : memref<1x128x16xf32, #tpu.memory_space<vmem>> -> memref<128x16xf32, #tpu.memory_space<vmem>>
    %dma_wait3A_149 = arith.constant 0 : i32
    %dma_wait3A_150 = tpu.memref_slice %arg5[%dma_wait3A_142, %dma_wait3A_143, %dma_wait3A_149] : memref<2x8x128xi32, #tpu.memory_space<vmem>> -> memref<1x1x128xi32, #tpu.memory_space<vmem>>
    %dma_wait3A_151 = tpu.memref_squeeze %dma_wait3A_150 : memref<1x1x128xi32, #tpu.memory_space<vmem>> -> memref<128xi32, #tpu.memory_space<vmem>>
    %dma_wait3A_152 = arith.constant 0 : i32
    %dma_wait3A_153 = arith.constant 0 : i32
    %dma_wait3A_154 = tpu.memref_slice %arg2[%dma_wait3A_152, %dma_wait3A_153] : memref<1000000x16xf32, #tpu.memory_space<hbm>> -> memref<1000000x16xf32, #tpu.memory_space<hbm>>
    tpu.wait_indirect_dma semaphore(%arg8 : memref<!tpu.dma_semaphore, #tpu.memory_space<semaphore_mem>>) src(%dma_wait3A_154 : memref<1000000x16xf32, #tpu.memory_space<hbm>>) dst(%dma_wait3A_148 : memref<128x16xf32, #tpu.memory_space<vmem>>)
    %dma_wait3A_155 = arith.constant 0 : i32
    %dma_wait3A_156 = arith.constant 3 : i32
    %dma_wait3A_157 = arith.constant 0 : i32
    %dma_wait3A_158 = arith.constant 384 : i32
    %dma_wait3A_159 = arith.constant 0 : i32
    %dma_wait3A_160 = tpu.memref_slice %arg6[%dma_wait3A_157, %dma_wait3A_158, %dma_wait3A_159] : memref<2x1024x16xf32, #tpu.memory_space<vmem>> -> memref<1x128x16xf32, #tpu.memory_space<vmem>>
    %dma_wait3A_161 = tpu.memref_squeeze %dma_wait3A_160 : memref<1x128x16xf32, #tpu.memory_space<vmem>> -> memref<128x16xf32, #tpu.memory_space<vmem>>
    %dma_wait3A_162 = arith.constant 0 : i32
    %dma_wait3A_163 = tpu.memref_slice %arg5[%dma_wait3A_155, %dma_wait3A_156, %dma_wait3A_162] : memref<2x8x128xi32, #tpu.memory_space<vmem>> -> memref<1x1x128xi32, #tpu.memory_space<vmem>>
    %dma_wait3A_164 = tpu.memref_squeeze %dma_wait3A_163 : memref<1x1x128xi32, #tpu.memory_space<vmem>> -> memref<128xi32, #tpu.memory_space<vmem>>
    %dma_wait3A_165 = arith.constant 0 : i32
    %dma_wait3A_166 = arith.constant 0 : i32
    %dma_wait3A_167 = tpu.memref_slice %arg2[%dma_wait3A_165, %dma_wait3A_166] : memref<1000000x16xf32, #tpu.memory_space<hbm>> -> memref<1000000x16xf32, #tpu.memory_space<hbm>>
    tpu.wait_indirect_dma semaphore(%arg8 : memref<!tpu.dma_semaphore, #tpu.memory_space<semaphore_mem>>) src(%dma_wait3A_167 : memref<1000000x16xf32, #tpu.memory_space<hbm>>) dst(%dma_wait3A_161 : memref<128x16xf32, #tpu.memory_space<vmem>>)
    %dma_wait3A_168 = arith.constant 0 : i32
    %dma_wait3A_169 = arith.constant 4 : i32
    %dma_wait3A_170 = arith.constant 0 : i32
    %dma_wait3A_171 = arith.constant 512 : i32
    %dma_wait3A_172 = arith.constant 0 : i32
    %dma_wait3A_173 = tpu.memref_slice %arg6[%dma_wait3A_170, %dma_wait3A_171, %dma_wait3A_172] : memref<2x1024x16xf32, #tpu.memory_space<vmem>> -> memref<1x128x16xf32, #tpu.memory_space<vmem>>
    %dma_wait3A_174 = tpu.memref_squeeze %dma_wait3A_173 : memref<1x128x16xf32, #tpu.memory_space<vmem>> -> memref<128x16xf32, #tpu.memory_space<vmem>>
    %dma_wait3A_175 = arith.constant 0 : i32
    %dma_wait3A_176 = tpu.memref_slice %arg5[%dma_wait3A_168, %dma_wait3A_169, %dma_wait3A_175] : memref<2x8x128xi32, #tpu.memory_space<vmem>> -> memref<1x1x128xi32, #tpu.memory_space<vmem>>
    %dma_wait3A_177 = tpu.memref_squeeze %dma_wait3A_176 : memref<1x1x128xi32, #tpu.memory_space<vmem>> -> memref<128xi32, #tpu.memory_space<vmem>>
    %dma_wait3A_178 = arith.constant 0 : i32
    %dma_wait3A_179 = arith.constant 0 : i32
    %dma_wait3A_180 = tpu.memref_slice %arg2[%dma_wait3A_178, %dma_wait3A_179] : memref<1000000x16xf32, #tpu.memory_space<hbm>> -> memref<1000000x16xf32, #tpu.memory_space<hbm>>
    tpu.wait_indirect_dma semaphore(%arg8 : memref<!tpu.dma_semaphore, #tpu.memory_space<semaphore_mem>>) src(%dma_wait3A_180 : memref<1000000x16xf32, #tpu.memory_space<hbm>>) dst(%dma_wait3A_174 : memref<128x16xf32, #tpu.memory_space<vmem>>)
    %dma_wait3A_181 = arith.constant 0 : i32
    %dma_wait3A_182 = arith.constant 5 : i32
    %dma_wait3A_183 = arith.constant 0 : i32
    %dma_wait3A_184 = arith.constant 640 : i32
    %dma_wait3A_185 = arith.constant 0 : i32
    %dma_wait3A_186 = tpu.memref_slice %arg6[%dma_wait3A_183, %dma_wait3A_184, %dma_wait3A_185] : memref<2x1024x16xf32, #tpu.memory_space<vmem>> -> memref<1x128x16xf32, #tpu.memory_space<vmem>>
    %dma_wait3A_187 = tpu.memref_squeeze %dma_wait3A_186 : memref<1x128x16xf32, #tpu.memory_space<vmem>> -> memref<128x16xf32, #tpu.memory_space<vmem>>
    %dma_wait3A_188 = arith.constant 0 : i32
    %dma_wait3A_189 = tpu.memref_slice %arg5[%dma_wait3A_181, %dma_wait3A_182, %dma_wait3A_188] : memref<2x8x128xi32, #tpu.memory_space<vmem>> -> memref<1x1x128xi32, #tpu.memory_space<vmem>>
    %dma_wait3A_190 = tpu.memref_squeeze %dma_wait3A_189 : memref<1x1x128xi32, #tpu.memory_space<vmem>> -> memref<128xi32, #tpu.memory_space<vmem>>
    %dma_wait3A_191 = arith.constant 0 : i32
    %dma_wait3A_192 = arith.constant 0 : i32
    %dma_wait3A_193 = tpu.memref_slice %arg2[%dma_wait3A_191, %dma_wait3A_192] : memref<1000000x16xf32, #tpu.memory_space<hbm>> -> memref<1000000x16xf32, #tpu.memory_space<hbm>>
    tpu.wait_indirect_dma semaphore(%arg8 : memref<!tpu.dma_semaphore, #tpu.memory_space<semaphore_mem>>) src(%dma_wait3A_193 : memref<1000000x16xf32, #tpu.memory_space<hbm>>) dst(%dma_wait3A_187 : memref<128x16xf32, #tpu.memory_space<vmem>>)
    %dma_wait3A_194 = arith.constant 0 : i32
    %dma_wait3A_195 = arith.constant 6 : i32
    %dma_wait3A_196 = arith.constant 0 : i32
    %dma_wait3A_197 = arith.constant 768 : i32
    %dma_wait3A_198 = arith.constant 0 : i32
    %dma_wait3A_199 = tpu.memref_slice %arg6[%dma_wait3A_196, %dma_wait3A_197, %dma_wait3A_198] : memref<2x1024x16xf32, #tpu.memory_space<vmem>> -> memref<1x128x16xf32, #tpu.memory_space<vmem>>
    %dma_wait3A_200 = tpu.memref_squeeze %dma_wait3A_199 : memref<1x128x16xf32, #tpu.memory_space<vmem>> -> memref<128x16xf32, #tpu.memory_space<vmem>>
    %dma_wait3A_201 = arith.constant 0 : i32
    %dma_wait3A_202 = tpu.memref_slice %arg5[%dma_wait3A_194, %dma_wait3A_195, %dma_wait3A_201] : memref<2x8x128xi32, #tpu.memory_space<vmem>> -> memref<1x1x128xi32, #tpu.memory_space<vmem>>
    %dma_wait3A_203 = tpu.memref_squeeze %dma_wait3A_202 : memref<1x1x128xi32, #tpu.memory_space<vmem>> -> memref<128xi32, #tpu.memory_space<vmem>>
    %dma_wait3A_204 = arith.constant 0 : i32
    %dma_wait3A_205 = arith.constant 0 : i32
    %dma_wait3A_206 = tpu.memref_slice %arg2[%dma_wait3A_204, %dma_wait3A_205] : memref<1000000x16xf32, #tpu.memory_space<hbm>> -> memref<1000000x16xf32, #tpu.memory_space<hbm>>
    tpu.wait_indirect_dma semaphore(%arg8 : memref<!tpu.dma_semaphore, #tpu.memory_space<semaphore_mem>>) src(%dma_wait3A_206 : memref<1000000x16xf32, #tpu.memory_space<hbm>>) dst(%dma_wait3A_200 : memref<128x16xf32, #tpu.memory_space<vmem>>)
    %dma_wait3A_207 = arith.constant 0 : i32
    %dma_wait3A_208 = arith.constant 7 : i32
    %dma_wait3A_209 = arith.constant 0 : i32
    %dma_wait3A_210 = arith.constant 896 : i32
    %dma_wait3A_211 = arith.constant 0 : i32
    %dma_wait3A_212 = tpu.memref_slice %arg6[%dma_wait3A_209, %dma_wait3A_210, %dma_wait3A_211] : memref<2x1024x16xf32, #tpu.memory_space<vmem>> -> memref<1x128x16xf32, #tpu.memory_space<vmem>>
    %dma_wait3A_213 = tpu.memref_squeeze %dma_wait3A_212 : memref<1x128x16xf32, #tpu.memory_space<vmem>> -> memref<128x16xf32, #tpu.memory_space<vmem>>
    %dma_wait3A_214 = arith.constant 0 : i32
    %dma_wait3A_215 = tpu.memref_slice %arg5[%dma_wait3A_207, %dma_wait3A_208, %dma_wait3A_214] : memref<2x8x128xi32, #tpu.memory_space<vmem>> -> memref<1x1x128xi32, #tpu.memory_space<vmem>>
    %dma_wait3A_216 = tpu.memref_squeeze %dma_wait3A_215 : memref<1x1x128xi32, #tpu.memory_space<vmem>> -> memref<128xi32, #tpu.memory_space<vmem>>
    %dma_wait3A_217 = arith.constant 0 : i32
    %dma_wait3A_218 = arith.constant 0 : i32
    %dma_wait3A_219 = tpu.memref_slice %arg2[%dma_wait3A_217, %dma_wait3A_218] : memref<1000000x16xf32, #tpu.memory_space<hbm>> -> memref<1000000x16xf32, #tpu.memory_space<hbm>>
    tpu.wait_indirect_dma semaphore(%arg8 : memref<!tpu.dma_semaphore, #tpu.memory_space<semaphore_mem>>) src(%dma_wait3A_219 : memref<1000000x16xf32, #tpu.memory_space<hbm>>) dst(%dma_wait3A_213 : memref<128x16xf32, #tpu.memory_space<vmem>>)
    %scan3A_220 = arith.constant 0 : i32
    %scan3A_221 = arith.constant 0 : i32
    %scan3A_222 = arith.constant 64 : i32
    %scan3A_223 = arith.addi %scan3A_221, %scan3A_222 : i32
    %scan3A_224 = arith.constant 1 : i32
    scf.for %scan3A_261 = %scan3A_221 to %scan3A_223 step %scan3A_224  : i32 {
      %mul3A_262 = arith.constant 16 : i32
      %mul3A_263 = arith.muli %scan3A_261, %mul3A_262 : i32
      %add3A_264 = arith.constant 0 : i32
      %add3A_265 = arith.addi %mul3A_263, %add3A_264 : i32
      %get3A = arith.constant 0 : i32
      %get3A_266 = arith.index_cast %get3A : i32 to index
      %get3A_267 = arith.index_cast %add3A_265 : i32 to index
      %get3A_268 = arith.constant 0 : index
      %get3A_269 = tpu.vector_load %arg6[%get3A_266, %get3A_267, %get3A_268] {strides = array<i32>} : memref<2x1024x16xf32, #tpu.memory_space<vmem>>, vector<16xf32>,
      %add3A_270 = vector.broadcast %add3A_265 : i32 to vector<16xi32>
      %add3A_271 = arith.addi %broadcast_in_dim3A_3, %add3A_270 : vector<16xi32>
      tpu.vector_store_idx %arg7[%iota3A, %add3A_271], %get3A_269 : memref<16x1025xf32, #tpu.memory_space<vmem>>[vector<16xi32>, vector<16xi32>], vector<16xf32>,
      %mul3A_272 = arith.constant 16 : i32
      %mul3A_273 = arith.muli %scan3A_261, %mul3A_272 : i32
      %add3A_274 = arith.constant 1 : i32
      %add3A_275 = arith.addi %mul3A_273, %add3A_274 : i32
      %get3A_276 = arith.constant 0 : i32
      %get3A_277 = arith.index_cast %get3A_276 : i32 to index
      %get3A_278 = arith.index_cast %add3A_275 : i32 to index
      %get3A_279 = arith.constant 0 : index
      %get3A_280 = tpu.vector_load %arg6[%get3A_277, %get3A_278, %get3A_279] {strides = array<i32>} : memref<2x1024x16xf32, #tpu.memory_space<vmem>>, vector<16xf32>,
      %add3A_281 = vector.broadcast %add3A_275 : i32 to vector<16xi32>
      %add3A_282 = arith.addi %broadcast_in_dim3A_3, %add3A_281 : vector<16xi32>
      tpu.vector_store_idx %arg7[%iota3A, %add3A_282], %get3A_280 : memref<16x1025xf32, #tpu.memory_space<vmem>>[vector<16xi32>, vector<16xi32>], vector<16xf32>,
      %mul3A_283 = arith.constant 16 : i32
      %mul3A_284 = arith.muli %scan3A_261, %mul3A_283 : i32
      %add3A_285 = arith.constant 2 : i32
      %add3A_286 = arith.addi %mul3A_284, %add3A_285 : i32
      %get3A_287 = arith.constant 0 : i32
      %get3A_288 = arith.index_cast %get3A_287 : i32 to index
      %get3A_289 = arith.index_cast %add3A_286 : i32 to index
      %get3A_290 = arith.constant 0 : index
      %get3A_291 = tpu.vector_load %arg6[%get3A_288, %get3A_289, %get3A_290] {strides = array<i32>} : memref<2x1024x16xf32, #tpu.memory_space<vmem>>, vector<16xf32>,
      %add3A_292 = vector.broadcast %add3A_286 : i32 to vector<16xi32>
      %add3A_293 = arith.addi %broadcast_in_dim3A_3, %add3A_292 : vector<16xi32>
      tpu.vector_store_idx %arg7[%iota3A, %add3A_293], %get3A_291 : memref<16x1025xf32, #tpu.memory_space<vmem>>[vector<16xi32>, vector<16xi32>], vector<16xf32>,
      %mul3A_294 = arith.constant 16 : i32
      %mul3A_295 = arith.muli %scan3A_261, %mul3A_294 : i32
      %add3A_296 = arith.constant 3 : i32
      %add3A_297 = arith.addi %mul3A_295, %add3A_296 : i32
      %get3A_298 = arith.constant 0 : i32
      %get3A_299 = arith.index_cast %get3A_298 : i32 to index
      %get3A_300 = arith.index_cast %add3A_297 : i32 to index
      %get3A_301 = arith.constant 0 : index
      %get3A_302 = tpu.vector_load %arg6[%get3A_299, %get3A_300, %get3A_301] {strides = array<i32>} : memref<2x1024x16xf32, #tpu.memory_space<vmem>>, vector<16xf32>,
      %add3A_303 = vector.broadcast %add3A_297 : i32 to vector<16xi32>
      %add3A_304 = arith.addi %broadcast_in_dim3A_3, %add3A_303 : vector<16xi32>
      tpu.vector_store_idx %arg7[%iota3A, %add3A_304], %get3A_302 : memref<16x1025xf32, #tpu.memory_space<vmem>>[vector<16xi32>, vector<16xi32>], vector<16xf32>,
      %mul3A_305 = arith.constant 16 : i32
      %mul3A_306 = arith.muli %scan3A_261, %mul3A_305 : i32
      %add3A_307 = arith.constant 4 : i32
      %add3A_308 = arith.addi %mul3A_306, %add3A_307 : i32
      %get3A_309 = arith.constant 0 : i32
      %get3A_310 = arith.index_cast %get3A_309 : i32 to index
      %get3A_311 = arith.index_cast %add3A_308 : i32 to index
      %get3A_312 = arith.constant 0 : index
      %get3A_313 = tpu.vector_load %arg6[%get3A_310, %get3A_311, %get3A_312] {strides = array<i32>} : memref<2x1024x16xf32, #tpu.memory_space<vmem>>, vector<16xf32>,
      %add3A_314 = vector.broadcast %add3A_308 : i32 to vector<16xi32>
      %add3A_315 = arith.addi %broadcast_in_dim3A_3, %add3A_314 : vector<16xi32>
      tpu.vector_store_idx %arg7[%iota3A, %add3A_315], %get3A_313 : memref<16x1025xf32, #tpu.memory_space<vmem>>[vector<16xi32>, vector<16xi32>], vector<16xf32>,
      %mul3A_316 = arith.constant 16 : i32
      %mul3A_317 = arith.muli %scan3A_261, %mul3A_316 : i32
      %add3A_318 = arith.constant 5 : i32
      %add3A_319 = arith.addi %mul3A_317, %add3A_318 : i32
      %get3A_320 = arith.constant 0 : i32
      %get3A_321 = arith.index_cast %get3A_320 : i32 to index
      %get3A_322 = arith.index_cast %add3A_319 : i32 to index
      %get3A_323 = arith.constant 0 : index
      %get3A_324 = tpu.vector_load %arg6[%get3A_321, %get3A_322, %get3A_323] {strides = array<i32>} : memref<2x1024x16xf32, #tpu.memory_space<vmem>>, vector<16xf32>,
      %add3A_325 = vector.broadcast %add3A_319 : i32 to vector<16xi32>
      %add3A_326 = arith.addi %broadcast_in_dim3A_3, %add3A_325 : vector<16xi32>
      tpu.vector_store_idx %arg7[%iota3A, %add3A_326], %get3A_324 : memref<16x1025xf32, #tpu.memory_space<vmem>>[vector<16xi32>, vector<16xi32>], vector<16xf32>,
      %mul3A_327 = arith.constant 16 : i32
      %mul3A_328 = arith.muli %scan3A_261, %mul3A_327 : i32
      %add3A_329 = arith.constant 6 : i32
      %add3A_330 = arith.addi %mul3A_328, %add3A_329 : i32
      %get3A_331 = arith.constant 0 : i32
      %get3A_332 = arith.index_cast %get3A_331 : i32 to index
      %get3A_333 = arith.index_cast %add3A_330 : i32 to index
      %get3A_334 = arith.constant 0 : index
      %get3A_335 = tpu.vector_load %arg6[%get3A_332, %get3A_333, %get3A_334] {strides = array<i32>} : memref<2x1024x16xf32, #tpu.memory_space<vmem>>, vector<16xf32>,
      %add3A_336 = vector.broadcast %add3A_330 : i32 to vector<16xi32>
      %add3A_337 = arith.addi %broadcast_in_dim3A_3, %add3A_336 : vector<16xi32>
      tpu.vector_store_idx %arg7[%iota3A, %add3A_337], %get3A_335 : memref<16x1025xf32, #tpu.memory_space<vmem>>[vector<16xi32>, vector<16xi32>], vector<16xf32>,
      %mul3A_338 = arith.constant 16 : i32
      %mul3A_339 = arith.muli %scan3A_261, %mul3A_338 : i32
      %add3A_340 = arith.constant 7 : i32
      %add3A_341 = arith.addi %mul3A_339, %add3A_340 : i32
      %get3A_342 = arith.constant 0 : i32
      %get3A_343 = arith.index_cast %get3A_342 : i32 to index
      %get3A_344 = arith.index_cast %add3A_341 : i32 to index
      %get3A_345 = arith.constant 0 : index
      %get3A_346 = tpu.vector_load %arg6[%get3A_343, %get3A_344, %get3A_345] {strides = array<i32>} : memref<2x1024x16xf32, #tpu.memory_space<vmem>>, vector<16xf32>,
      %add3A_347 = vector.broadcast %add3A_341 : i32 to vector<16xi32>
      %add3A_348 = arith.addi %broadcast_in_dim3A_3, %add3A_347 : vector<16xi32>
      tpu.vector_store_idx %arg7[%iota3A, %add3A_348], %get3A_346 : memref<16x1025xf32, #tpu.memory_space<vmem>>[vector<16xi32>, vector<16xi32>], vector<16xf32>,
      %mul3A_349 = arith.constant 16 : i32
      %mul3A_350 = arith.muli %scan3A_261, %mul3A_349 : i32
      %add3A_351 = arith.constant 8 : i32
      %add3A_352 = arith.addi %mul3A_350, %add3A_351 : i32
      %get3A_353 = arith.constant 0 : i32
      %get3A_354 = arith.index_cast %get3A_353 : i32 to index
      %get3A_355 = arith.index_cast %add3A_352 : i32 to index
      %get3A_356 = arith.constant 0 : index
      %get3A_357 = tpu.vector_load %arg6[%get3A_354, %get3A_355, %get3A_356] {strides = array<i32>} : memref<2x1024x16xf32, #tpu.memory_space<vmem>>, vector<16xf32>,
      %add3A_358 = vector.broadcast %add3A_352 : i32 to vector<16xi32>
      %add3A_359 = arith.addi %broadcast_in_dim3A_3, %add3A_358 : vector<16xi32>
      tpu.vector_store_idx %arg7[%iota3A, %add3A_359], %get3A_357 : memref<16x1025xf32, #tpu.memory_space<vmem>>[vector<16xi32>, vector<16xi32>], vector<16xf32>,
      %mul3A_360 = arith.constant 16 : i32
      %mul3A_361 = arith.muli %scan3A_261, %mul3A_360 : i32
      %add3A_362 = arith.constant 9 : i32
      %add3A_363 = arith.addi %mul3A_361, %add3A_362 : i32
      %get3A_364 = arith.constant 0 : i32
      %get3A_365 = arith.index_cast %get3A_364 : i32 to index
      %get3A_366 = arith.index_cast %add3A_363 : i32 to index
      %get3A_367 = arith.constant 0 : index
      %get3A_368 = tpu.vector_load %arg6[%get3A_365, %get3A_366, %get3A_367] {strides = array<i32>} : memref<2x1024x16xf32, #tpu.memory_space<vmem>>, vector<16xf32>,
      %add3A_369 = vector.broadcast %add3A_363 : i32 to vector<16xi32>
      %add3A_370 = arith.addi %broadcast_in_dim3A_3, %add3A_369 : vector<16xi32>
      tpu.vector_store_idx %arg7[%iota3A, %add3A_370], %get3A_368 : memref<16x1025xf32, #tpu.memory_space<vmem>>[vector<16xi32>, vector<16xi32>], vector<16xf32>,
      %mul3A_371 = arith.constant 16 : i32
      %mul3A_372 = arith.muli %scan3A_261, %mul3A_371 : i32
      %add3A_373 = arith.constant 10 : i32
      %add3A_374 = arith.addi %mul3A_372, %add3A_373 : i32
      %get3A_375 = arith.constant 0 : i32
      %get3A_376 = arith.index_cast %get3A_375 : i32 to index
      %get3A_377 = arith.index_cast %add3A_374 : i32 to index
      %get3A_378 = arith.constant 0 : index
      %get3A_379 = tpu.vector_load %arg6[%get3A_376, %get3A_377, %get3A_378] {strides = array<i32>} : memref<2x1024x16xf32, #tpu.memory_space<vmem>>, vector<16xf32>,
      %add3A_380 = vector.broadcast %add3A_374 : i32 to vector<16xi32>
      %add3A_381 = arith.addi %broadcast_in_dim3A_3, %add3A_380 : vector<16xi32>
      tpu.vector_store_idx %arg7[%iota3A, %add3A_381], %get3A_379 : memref<16x1025xf32, #tpu.memory_space<vmem>>[vector<16xi32>, vector<16xi32>], vector<16xf32>,
      %mul3A_382 = arith.constant 16 : i32
      %mul3A_383 = arith.muli %scan3A_261, %mul3A_382 : i32
      %add3A_384 = arith.constant 11 : i32
      %add3A_385 = arith.addi %mul3A_383, %add3A_384 : i32
      %get3A_386 = arith.constant 0 : i32
      %get3A_387 = arith.index_cast %get3A_386 : i32 to index
      %get3A_388 = arith.index_cast %add3A_385 : i32 to index
      %get3A_389 = arith.constant 0 : index
      %get3A_390 = tpu.vector_load %arg6[%get3A_387, %get3A_388, %get3A_389] {strides = array<i32>} : memref<2x1024x16xf32, #tpu.memory_space<vmem>>, vector<16xf32>,
      %add3A_391 = vector.broadcast %add3A_385 : i32 to vector<16xi32>
      %add3A_392 = arith.addi %broadcast_in_dim3A_3, %add3A_391 : vector<16xi32>
      tpu.vector_store_idx %arg7[%iota3A, %add3A_392], %get3A_390 : memref<16x1025xf32, #tpu.memory_space<vmem>>[vector<16xi32>, vector<16xi32>], vector<16xf32>,
      %mul3A_393 = arith.constant 16 : i32
      %mul3A_394 = arith.muli %scan3A_261, %mul3A_393 : i32
      %add3A_395 = arith.constant 12 : i32
      %add3A_396 = arith.addi %mul3A_394, %add3A_395 : i32
      %get3A_397 = arith.constant 0 : i32
      %get3A_398 = arith.index_cast %get3A_397 : i32 to index
      %get3A_399 = arith.index_cast %add3A_396 : i32 to index
      %get3A_400 = arith.constant 0 : index
      %get3A_401 = tpu.vector_load %arg6[%get3A_398, %get3A_399, %get3A_400] {strides = array<i32>} : memref<2x1024x16xf32, #tpu.memory_space<vmem>>, vector<16xf32>,
      %add3A_402 = vector.broadcast %add3A_396 : i32 to vector<16xi32>
      %add3A_403 = arith.addi %broadcast_in_dim3A_3, %add3A_402 : vector<16xi32>
      tpu.vector_store_idx %arg7[%iota3A, %add3A_403], %get3A_401 : memref<16x1025xf32, #tpu.memory_space<vmem>>[vector<16xi32>, vector<16xi32>], vector<16xf32>,
      %mul3A_404 = arith.constant 16 : i32
      %mul3A_405 = arith.muli %scan3A_261, %mul3A_404 : i32
      %add3A_406 = arith.constant 13 : i32
      %add3A_407 = arith.addi %mul3A_405, %add3A_406 : i32
      %get3A_408 = arith.constant 0 : i32
      %get3A_409 = arith.index_cast %get3A_408 : i32 to index
      %get3A_410 = arith.index_cast %add3A_407 : i32 to index
      %get3A_411 = arith.constant 0 : index
      %get3A_412 = tpu.vector_load %arg6[%get3A_409, %get3A_410, %get3A_411] {strides = array<i32>} : memref<2x1024x16xf32, #tpu.memory_space<vmem>>, vector<16xf32>,
      %add3A_413 = vector.broadcast %add3A_407 : i32 to vector<16xi32>
      %add3A_414 = arith.addi %broadcast_in_dim3A_3, %add3A_413 : vector<16xi32>
      tpu.vector_store_idx %arg7[%iota3A, %add3A_414], %get3A_412 : memref<16x1025xf32, #tpu.memory_space<vmem>>[vector<16xi32>, vector<16xi32>], vector<16xf32>,
      %mul3A_415 = arith.constant 16 : i32
      %mul3A_416 = arith.muli %scan3A_261, %mul3A_415 : i32
      %add3A_417 = arith.constant 14 : i32
      %add3A_418 = arith.addi %mul3A_416, %add3A_417 : i32
      %get3A_419 = arith.constant 0 : i32
      %get3A_420 = arith.index_cast %get3A_419 : i32 to index
      %get3A_421 = arith.index_cast %add3A_418 : i32 to index
      %get3A_422 = arith.constant 0 : index
      %get3A_423 = tpu.vector_load %arg6[%get3A_420, %get3A_421, %get3A_422] {strides = array<i32>} : memref<2x1024x16xf32, #tpu.memory_space<vmem>>, vector<16xf32>,
      %add3A_424 = vector.broadcast %add3A_418 : i32 to vector<16xi32>
      %add3A_425 = arith.addi %broadcast_in_dim3A_3, %add3A_424 : vector<16xi32>
      tpu.vector_store_idx %arg7[%iota3A, %add3A_425], %get3A_423 : memref<16x1025xf32, #tpu.memory_space<vmem>>[vector<16xi32>, vector<16xi32>], vector<16xf32>,
      %mul3A_426 = arith.constant 16 : i32
      %mul3A_427 = arith.muli %scan3A_261, %mul3A_426 : i32
      %add3A_428 = arith.constant 15 : i32
      %add3A_429 = arith.addi %mul3A_427, %add3A_428 : i32
      %get3A_430 = arith.constant 0 : i32
      %get3A_431 = arith.index_cast %get3A_430 : i32 to index
      %get3A_432 = arith.index_cast %add3A_429 : i32 to index
      %get3A_433 = arith.constant 0 : index
      %get3A_434 = tpu.vector_load %arg6[%get3A_431, %get3A_432, %get3A_433] {strides = array<i32>} : memref<2x1024x16xf32, #tpu.memory_space<vmem>>, vector<16xf32>,
      %add3A_435 = vector.broadcast %add3A_429 : i32 to vector<16xi32>
      %add3A_436 = arith.addi %broadcast_in_dim3A_3, %add3A_435 : vector<16xi32>
      tpu.vector_store_idx %arg7[%iota3A, %add3A_436], %get3A_434 : memref<16x1025xf32, #tpu.memory_space<vmem>>[vector<16xi32>, vector<16xi32>], vector<16xf32>,
    }
    %scan3A_225 = arith.constant 64 : i32
    %jit3A = arith.constant 16 : i32
    %div3A = arith.divsi %sub3A_116, %jit3A : i32
    %sign3A = arith.constant 0 : i32
    %sign3A_226 = arith.cmpi sgt, %sub3A_116, %sign3A : i32
    %sign3A_227 = arith.extui %sign3A_226 : i1 to i32
    %sign3A_228 = arith.constant 0 : i32
    %sign3A_229 = arith.cmpi slt, %sub3A_116, %sign3A_228 : i32
    %sign3A_230 = arith.extui %sign3A_229 : i1 to i32
    %sign3A_231 = arith.subi %sign3A_227, %sign3A_230 : i32
    %sign3A_232 = arith.constant 0 : i32
    %sign3A_233 = arith.cmpi sgt, %jit3A, %sign3A_232 : i32
    %sign3A_234 = arith.extui %sign3A_233 : i1 to i32
    %sign3A_235 = arith.constant 0 : i32
    %sign3A_236 = arith.cmpi slt, %jit3A, %sign3A_235 : i32
    %sign3A_237 = arith.extui %sign3A_236 : i1 to i32
    %sign3A_238 = arith.subi %sign3A_234, %sign3A_237 : i32
    %ne3A = arith.cmpi ne, %sign3A_231, %sign3A_238 : i32
    %rem3A = arith.remsi %sub3A_116, %jit3A : i32
    %ne3A_239 = arith.constant 0 : i32
    %ne3A_240 = arith.cmpi ne, %rem3A, %ne3A_239 : i32
    %and3A = arith.andi %ne3A, %ne3A_240 : i1
    %sub3A_241 = arith.constant 1 : i32
    %sub3A_242 = arith.subi %div3A, %sub3A_241 : i32
    %select_n3A = arith.select %and3A, %sub3A_242, %div3A : i32
    %jit3A_243 = arith.constant 16 : i32
    %eq3A = arith.constant 0 : i32
    %eq3A_244 = arith.cmpi eq, %jit3A_243, %eq3A : i32
    %jit3A_245 = arith.constant 1 : i32
    %select_n3A_246 = arith.select %eq3A_244, %jit3A_245, %jit3A_243 : i32
    %rem3A_247 = arith.remsi %sub3A_116, %select_n3A_246 : i32
    %ne3A_248 = arith.constant 0 : i32
    %ne3A_249 = arith.cmpi ne, %rem3A_247, %ne3A_248 : i32
    %lt3A = arith.constant 0 : i32
    %lt3A_250 = arith.cmpi slt, %rem3A_247, %lt3A : i32
    %lt3A_251 = arith.constant 0 : i32
    %lt3A_252 = arith.cmpi slt, %select_n3A_246, %lt3A_251 : i32
    %ne3A_253 = arith.xori %lt3A_250, %lt3A_252 : i1
    %and3A_254 = arith.andi %ne3A_253, %ne3A_249 : i1
    %add3A_255 = arith.addi %rem3A_247, %select_n3A_246 : i32
    %select_n3A_256 = arith.select %and3A_254, %add3A_255, %rem3A_247 : i32
    %mul3A_257 = arith.constant 16 : i32
    %mul3A_258 = arith.muli %select_n3A, %mul3A_257 : i32
    %mul3A_259 = arith.constant 1024 : i32
    %mul3A_260 = arith.muli %select_n3A_256, %mul3A_259 : i32
    "tpu.region"() ({
      %run_scoped3A_261 = tpu.sem_alloc : memref<!tpu.dma_semaphore, #tpu.memory_space<semaphore_mem>>
      %dma_start3A_262 = arith.constant 0 : i32
      %dma_start3A_263 = arith.constant 0 : i32
      %dma_start3A_264 = tpu.memref_slice %arg7[%dma_start3A_262, %dma_start3A_263] : memref<16x1025xf32, #tpu.memory_space<vmem>> -> memref<16x1024xf32, #tpu.memory_space<vmem>>
      %dma_start3A_265 = tpu.memref_slice %arg4[%mul3A_258, %mul3A_260] : memref<800x16384xf32, #tpu.memory_space<hbm>> -> memref<16x1024xf32, #tpu.memory_space<hbm>>
      %dma_start3A_266 = tpu.memref_slice %arg4[%mul3A_258, %mul3A_260] : memref<800x16384xf32, #tpu.memory_space<hbm>> -> memref<16x1024xf32, #tpu.memory_space<hbm>>
      %dma_start3A_267 = arith.constant 0 : i32
      %dma_start3A_268 = arith.constant 0 : i32
      %dma_start3A_269 = tpu.memref_slice %arg7[%dma_start3A_267, %dma_start3A_268] : memref<16x1025xf32, #tpu.memory_space<vmem>> -> memref<16x1024xf32, #tpu.memory_space<vmem>>
      tpu.enqueue_dma source(%dma_start3A_269 : memref<16x1024xf32, #tpu.memory_space<vmem>>) target(%dma_start3A_266 : memref<16x1024xf32, #tpu.memory_space<hbm>>) target_semaphore(%run_scoped3A_261 : memref<!tpu.dma_semaphore, #tpu.memory_space<semaphore_mem>>)
      %dma_wait3A_270 = arith.constant 0 : i32
      %dma_wait3A_271 = arith.constant 0 : i32
      %dma_wait3A_272 = tpu.memref_slice %arg7[%dma_wait3A_270, %dma_wait3A_271] : memref<16x1025xf32, #tpu.memory_space<vmem>> -> memref<16x1024xf32, #tpu.memory_space<vmem>>
      %dma_wait3A_273 = tpu.memref_slice %arg4[%mul3A_258, %mul3A_260] : memref<800x16384xf32, #tpu.memory_space<hbm>> -> memref<16x1024xf32, #tpu.memory_space<hbm>>
      %dma_wait3A_274 = tpu.memref_slice %arg4[%mul3A_258, %mul3A_260] : memref<800x16384xf32, #tpu.memory_space<hbm>> -> memref<16x1024xf32, #tpu.memory_space<hbm>>
      %dma_wait3A_275 = arith.constant 0 : i32
      %dma_wait3A_276 = arith.constant 0 : i32
      %dma_wait3A_277 = tpu.memref_slice %arg7[%dma_wait3A_275, %dma_wait3A_276] : memref<16x1025xf32, #tpu.memory_space<vmem>> -> memref<16x1024xf32, #tpu.memory_space<vmem>>
      tpu.wait_dma2 semaphore(%run_scoped3A_261 : memref<!tpu.dma_semaphore, #tpu.memory_space<semaphore_mem>>) src(%dma_wait3A_277 : memref<16x1024xf32, #tpu.memory_space<vmem>>) dst(%dma_wait3A_274 : memref<16x1024xf32, #tpu.memory_space<hbm>>)
      tpu.yield
    }) : () -> ()
    return
  }
}

module attributes {stable_mosaic.version = 14 : i64} {
  func.func @_proj_body(%arg0: i32, %arg1: memref<1x16x128x128xf32, #tpu.memory_space<vmem>>, %arg2: memref<64x16xf32, #tpu.memory_space<vmem>>, %arg3: memref<1x64x16384xf32, #tpu.memory_space<vmem>>) attributes {dimension_semantics = [#tpu.dimension_semantics<arbitrary>], iteration_bounds = array<i64: 50>, scalar_prefetch = 0 : i64, scratch_operands = 0 : i64, tpu.core_type = #tpu.core_type<tc>, window_params = [{transform_indices = @transform_0, window_bounds = array<i64: 1, 16, 128, 128>}, {pipeline_mode = #tpu.pipeline_mode<synchronous>, transform_indices = @transform_1, window_bounds = array<i64: 64, 16>}, {transform_indices = @transform_2, window_bounds = array<i64: 1, 64, 16384>}]} {
    %get3A = arith.constant 0 : index
    %get3A_0 = arith.constant 0 : index
    %get3A_1 = vector.load %arg2[%get3A, %get3A_0] : memref<64x16xf32, #tpu.memory_space<vmem>>, vector<64x16xf32>
    %get3A_2 = arith.constant 0 : index
    %get3A_3 = arith.constant 0 : index
    %get3A_4 = arith.constant 0 : index
    %get3A_5 = arith.constant 0 : index
    %get3A_6 = vector.load %arg1[%get3A_2, %get3A_3, %get3A_4, %get3A_5] : memref<1x16x128x128xf32, #tpu.memory_space<vmem>>, vector<1x16x1x128xf32>
    %get3A_7 = vector.shape_cast %get3A_6 : vector<1x16x1x128xf32> to vector<16x128xf32>
    %dot_general3A = arith.constant dense<0.000000e+00> : vector<64x128xf32>
    %dot_general3A_8 = tpu.matmul %get3A_1, %get3A_7, %dot_general3A {dimension_numbers = #tpu.dot_dimension_numbers<[1], [0], [0], [1], [0, 0, 1, 1], [], []>, transpose_lhs_hint = false} : vector<64x16xf32>, vector<16x128xf32>, vector<64x128xf32> -> vector<64x128xf32>
    %swap3A = arith.constant 0 : index
    %swap3A_9 = arith.constant 0 : index
    %swap3A_10 = arith.constant 0 : index
    %swap3A_11 = vector.load %arg3[%swap3A, %swap3A_9, %swap3A_10] : memref<1x64x16384xf32, #tpu.memory_space<vmem>>, vector<1x64x128xf32>
    %swap3A_12 = vector.shape_cast %swap3A_11 : vector<1x64x128xf32> to vector<64x128xf32>
    %swap3A_13 = vector.shape_cast %dot_general3A_8 : vector<64x128xf32> to vector<1x64x128xf32>
    tpu.vector_store %arg3[%swap3A, %swap3A_9, %swap3A_10], %swap3A_13 {strides = array<i32>} : memref<1x64x16384xf32, #tpu.memory_space<vmem>>, vector<1x64x128xf32>,
    %get3A_14 = arith.constant 0 : index
    %get3A_15 = arith.constant 0 : index
    %get3A_16 = arith.constant 1 : index
    %get3A_17 = arith.constant 0 : index
    %get3A_18 = vector.load %arg1[%get3A_14, %get3A_15, %get3A_16, %get3A_17] : memref<1x16x128x128xf32, #tpu.memory_space<vmem>>, vector<1x16x1x128xf32>
    %get3A_19 = vector.shape_cast %get3A_18 : vector<1x16x1x128xf32> to vector<16x128xf32>
    %dot_general3A_20 = arith.constant dense<0.000000e+00> : vector<64x128xf32>
    %dot_general3A_21 = tpu.matmul %get3A_1, %get3A_19, %dot_general3A_20 {dimension_numbers = #tpu.dot_dimension_numbers<[1], [0], [0], [1], [0, 0, 1, 1], [], []>, transpose_lhs_hint = false} : vector<64x16xf32>, vector<16x128xf32>, vector<64x128xf32> -> vector<64x128xf32>
    %swap3A_22 = arith.constant 0 : index
    %swap3A_23 = arith.constant 0 : index
    %swap3A_24 = arith.constant 128 : index
    %swap3A_25 = vector.load %arg3[%swap3A_22, %swap3A_23, %swap3A_24] : memref<1x64x16384xf32, #tpu.memory_space<vmem>>, vector<1x64x128xf32>
    %swap3A_26 = vector.shape_cast %swap3A_25 : vector<1x64x128xf32> to vector<64x128xf32>
    %swap3A_27 = vector.shape_cast %dot_general3A_21 : vector<64x128xf32> to vector<1x64x128xf32>
    tpu.vector_store %arg3[%swap3A_22, %swap3A_23, %swap3A_24], %swap3A_27 {strides = array<i32>} : memref<1x64x16384xf32, #tpu.memory_space<vmem>>, vector<1x64x128xf32>,
    %get3A_28 = arith.constant 0 : index
    %get3A_29 = arith.constant 0 : index
    %get3A_30 = arith.constant 2 : index
    %get3A_31 = arith.constant 0 : index
    %get3A_32 = vector.load %arg1[%get3A_28, %get3A_29, %get3A_30, %get3A_31] : memref<1x16x128x128xf32, #tpu.memory_space<vmem>>, vector<1x16x1x128xf32>
    %get3A_33 = vector.shape_cast %get3A_32 : vector<1x16x1x128xf32> to vector<16x128xf32>
    %dot_general3A_34 = arith.constant dense<0.000000e+00> : vector<64x128xf32>
    %dot_general3A_35 = tpu.matmul %get3A_1, %get3A_33, %dot_general3A_34 {dimension_numbers = #tpu.dot_dimension_numbers<[1], [0], [0], [1], [0, 0, 1, 1], [], []>, transpose_lhs_hint = false} : vector<64x16xf32>, vector<16x128xf32>, vector<64x128xf32> -> vector<64x128xf32>
    %swap3A_36 = arith.constant 0 : index
    %swap3A_37 = arith.constant 0 : index
    %swap3A_38 = arith.constant 256 : index
    %swap3A_39 = vector.load %arg3[%swap3A_36, %swap3A_37, %swap3A_38] : memref<1x64x16384xf32, #tpu.memory_space<vmem>>, vector<1x64x128xf32>
    %swap3A_40 = vector.shape_cast %swap3A_39 : vector<1x64x128xf32> to vector<64x128xf32>
    %swap3A_41 = vector.shape_cast %dot_general3A_35 : vector<64x128xf32> to vector<1x64x128xf32>
    tpu.vector_store %arg3[%swap3A_36, %swap3A_37, %swap3A_38], %swap3A_41 {strides = array<i32>} : memref<1x64x16384xf32, #tpu.memory_space<vmem>>, vector<1x64x128xf32>,
    %get3A_42 = arith.constant 0 : index
    %get3A_43 = arith.constant 0 : index
    %get3A_44 = arith.constant 3 : index
    %get3A_45 = arith.constant 0 : index
    %get3A_46 = vector.load %arg1[%get3A_42, %get3A_43, %get3A_44, %get3A_45] : memref<1x16x128x128xf32, #tpu.memory_space<vmem>>, vector<1x16x1x128xf32>
    %get3A_47 = vector.shape_cast %get3A_46 : vector<1x16x1x128xf32> to vector<16x128xf32>
    %dot_general3A_48 = arith.constant dense<0.000000e+00> : vector<64x128xf32>
    %dot_general3A_49 = tpu.matmul %get3A_1, %get3A_47, %dot_general3A_48 {dimension_numbers = #tpu.dot_dimension_numbers<[1], [0], [0], [1], [0, 0, 1, 1], [], []>, transpose_lhs_hint = false} : vector<64x16xf32>, vector<16x128xf32>, vector<64x128xf32> -> vector<64x128xf32>
    %swap3A_50 = arith.constant 0 : index
    %swap3A_51 = arith.constant 0 : index
    %swap3A_52 = arith.constant 384 : index
    %swap3A_53 = vector.load %arg3[%swap3A_50, %swap3A_51, %swap3A_52] : memref<1x64x16384xf32, #tpu.memory_space<vmem>>, vector<1x64x128xf32>
    %swap3A_54 = vector.shape_cast %swap3A_53 : vector<1x64x128xf32> to vector<64x128xf32>
    %swap3A_55 = vector.shape_cast %dot_general3A_49 : vector<64x128xf32> to vector<1x64x128xf32>
    tpu.vector_store %arg3[%swap3A_50, %swap3A_51, %swap3A_52], %swap3A_55 {strides = array<i32>} : memref<1x64x16384xf32, #tpu.memory_space<vmem>>, vector<1x64x128xf32>,
    %get3A_56 = arith.constant 0 : index
    %get3A_57 = arith.constant 0 : index
    %get3A_58 = arith.constant 4 : index
    %get3A_59 = arith.constant 0 : index
    %get3A_60 = vector.load %arg1[%get3A_56, %get3A_57, %get3A_58, %get3A_59] : memref<1x16x128x128xf32, #tpu.memory_space<vmem>>, vector<1x16x1x128xf32>
    %get3A_61 = vector.shape_cast %get3A_60 : vector<1x16x1x128xf32> to vector<16x128xf32>
    %dot_general3A_62 = arith.constant dense<0.000000e+00> : vector<64x128xf32>
    %dot_general3A_63 = tpu.matmul %get3A_1, %get3A_61, %dot_general3A_62 {dimension_numbers = #tpu.dot_dimension_numbers<[1], [0], [0], [1], [0, 0, 1, 1], [], []>, transpose_lhs_hint = false} : vector<64x16xf32>, vector<16x128xf32>, vector<64x128xf32> -> vector<64x128xf32>
    %swap3A_64 = arith.constant 0 : index
    %swap3A_65 = arith.constant 0 : index
    %swap3A_66 = arith.constant 512 : index
    %swap3A_67 = vector.load %arg3[%swap3A_64, %swap3A_65, %swap3A_66] : memref<1x64x16384xf32, #tpu.memory_space<vmem>>, vector<1x64x128xf32>
    %swap3A_68 = vector.shape_cast %swap3A_67 : vector<1x64x128xf32> to vector<64x128xf32>
    %swap3A_69 = vector.shape_cast %dot_general3A_63 : vector<64x128xf32> to vector<1x64x128xf32>
    tpu.vector_store %arg3[%swap3A_64, %swap3A_65, %swap3A_66], %swap3A_69 {strides = array<i32>} : memref<1x64x16384xf32, #tpu.memory_space<vmem>>, vector<1x64x128xf32>,
    %get3A_70 = arith.constant 0 : index
    %get3A_71 = arith.constant 0 : index
    %get3A_72 = arith.constant 5 : index
    %get3A_73 = arith.constant 0 : index
    %get3A_74 = vector.load %arg1[%get3A_70, %get3A_71, %get3A_72, %get3A_73] : memref<1x16x128x128xf32, #tpu.memory_space<vmem>>, vector<1x16x1x128xf32>
    %get3A_75 = vector.shape_cast %get3A_74 : vector<1x16x1x128xf32> to vector<16x128xf32>
    %dot_general3A_76 = arith.constant dense<0.000000e+00> : vector<64x128xf32>
    %dot_general3A_77 = tpu.matmul %get3A_1, %get3A_75, %dot_general3A_76 {dimension_numbers = #tpu.dot_dimension_numbers<[1], [0], [0], [1], [0, 0, 1, 1], [], []>, transpose_lhs_hint = false} : vector<64x16xf32>, vector<16x128xf32>, vector<64x128xf32> -> vector<64x128xf32>
    %swap3A_78 = arith.constant 0 : index
    %swap3A_79 = arith.constant 0 : index
    %swap3A_80 = arith.constant 640 : index
    %swap3A_81 = vector.load %arg3[%swap3A_78, %swap3A_79, %swap3A_80] : memref<1x64x16384xf32, #tpu.memory_space<vmem>>, vector<1x64x128xf32>
    %swap3A_82 = vector.shape_cast %swap3A_81 : vector<1x64x128xf32> to vector<64x128xf32>
    %swap3A_83 = vector.shape_cast %dot_general3A_77 : vector<64x128xf32> to vector<1x64x128xf32>
    tpu.vector_store %arg3[%swap3A_78, %swap3A_79, %swap3A_80], %swap3A_83 {strides = array<i32>} : memref<1x64x16384xf32, #tpu.memory_space<vmem>>, vector<1x64x128xf32>,
    %get3A_84 = arith.constant 0 : index
    %get3A_85 = arith.constant 0 : index
    %get3A_86 = arith.constant 6 : index
    %get3A_87 = arith.constant 0 : index
    %get3A_88 = vector.load %arg1[%get3A_84, %get3A_85, %get3A_86, %get3A_87] : memref<1x16x128x128xf32, #tpu.memory_space<vmem>>, vector<1x16x1x128xf32>
    %get3A_89 = vector.shape_cast %get3A_88 : vector<1x16x1x128xf32> to vector<16x128xf32>
    %dot_general3A_90 = arith.constant dense<0.000000e+00> : vector<64x128xf32>
    %dot_general3A_91 = tpu.matmul %get3A_1, %get3A_89, %dot_general3A_90 {dimension_numbers = #tpu.dot_dimension_numbers<[1], [0], [0], [1], [0, 0, 1, 1], [], []>, transpose_lhs_hint = false} : vector<64x16xf32>, vector<16x128xf32>, vector<64x128xf32> -> vector<64x128xf32>
    %swap3A_92 = arith.constant 0 : index
    %swap3A_93 = arith.constant 0 : index
    %swap3A_94 = arith.constant 768 : index
    %swap3A_95 = vector.load %arg3[%swap3A_92, %swap3A_93, %swap3A_94] : memref<1x64x16384xf32, #tpu.memory_space<vmem>>, vector<1x64x128xf32>
    %swap3A_96 = vector.shape_cast %swap3A_95 : vector<1x64x128xf32> to vector<64x128xf32>
    %swap3A_97 = vector.shape_cast %dot_general3A_91 : vector<64x128xf32> to vector<1x64x128xf32>
    tpu.vector_store %arg3[%swap3A_92, %swap3A_93, %swap3A_94], %swap3A_97 {strides = array<i32>} : memref<1x64x16384xf32, #tpu.memory_space<vmem>>, vector<1x64x128xf32>,
    %get3A_98 = arith.constant 0 : index
    %get3A_99 = arith.constant 0 : index
    %get3A_100 = arith.constant 7 : index
    %get3A_101 = arith.constant 0 : index
    %get3A_102 = vector.load %arg1[%get3A_98, %get3A_99, %get3A_100, %get3A_101] : memref<1x16x128x128xf32, #tpu.memory_space<vmem>>, vector<1x16x1x128xf32>
    %get3A_103 = vector.shape_cast %get3A_102 : vector<1x16x1x128xf32> to vector<16x128xf32>
    %dot_general3A_104 = arith.constant dense<0.000000e+00> : vector<64x128xf32>
    %dot_general3A_105 = tpu.matmul %get3A_1, %get3A_103, %dot_general3A_104 {dimension_numbers = #tpu.dot_dimension_numbers<[1], [0], [0], [1], [0, 0, 1, 1], [], []>, transpose_lhs_hint = false} : vector<64x16xf32>, vector<16x128xf32>, vector<64x128xf32> -> vector<64x128xf32>
    %swap3A_106 = arith.constant 0 : index
    %swap3A_107 = arith.constant 0 : index
    %swap3A_108 = arith.constant 896 : index
    %swap3A_109 = vector.load %arg3[%swap3A_106, %swap3A_107, %swap3A_108] : memref<1x64x16384xf32, #tpu.memory_space<vmem>>, vector<1x64x128xf32>
    %swap3A_110 = vector.shape_cast %swap3A_109 : vector<1x64x128xf32> to vector<64x128xf32>
    %swap3A_111 = vector.shape_cast %dot_general3A_105 : vector<64x128xf32> to vector<1x64x128xf32>
    tpu.vector_store %arg3[%swap3A_106, %swap3A_107, %swap3A_108], %swap3A_111 {strides = array<i32>} : memref<1x64x16384xf32, #tpu.memory_space<vmem>>, vector<1x64x128xf32>,
    %get3A_112 = arith.constant 0 : index
    %get3A_113 = arith.constant 0 : index
    %get3A_114 = arith.constant 8 : index
    %get3A_115 = arith.constant 0 : index
    %get3A_116 = vector.load %arg1[%get3A_112, %get3A_113, %get3A_114, %get3A_115] : memref<1x16x128x128xf32, #tpu.memory_space<vmem>>, vector<1x16x1x128xf32>
    %get3A_117 = vector.shape_cast %get3A_116 : vector<1x16x1x128xf32> to vector<16x128xf32>
    %dot_general3A_118 = arith.constant dense<0.000000e+00> : vector<64x128xf32>
    %dot_general3A_119 = tpu.matmul %get3A_1, %get3A_117, %dot_general3A_118 {dimension_numbers = #tpu.dot_dimension_numbers<[1], [0], [0], [1], [0, 0, 1, 1], [], []>, transpose_lhs_hint = false} : vector<64x16xf32>, vector<16x128xf32>, vector<64x128xf32> -> vector<64x128xf32>
    %swap3A_120 = arith.constant 0 : index
    %swap3A_121 = arith.constant 0 : index
    %swap3A_122 = arith.constant 1024 : index
    %swap3A_123 = vector.load %arg3[%swap3A_120, %swap3A_121, %swap3A_122] : memref<1x64x16384xf32, #tpu.memory_space<vmem>>, vector<1x64x128xf32>
    %swap3A_124 = vector.shape_cast %swap3A_123 : vector<1x64x128xf32> to vector<64x128xf32>
    %swap3A_125 = vector.shape_cast %dot_general3A_119 : vector<64x128xf32> to vector<1x64x128xf32>
    tpu.vector_store %arg3[%swap3A_120, %swap3A_121, %swap3A_122], %swap3A_125 {strides = array<i32>} : memref<1x64x16384xf32, #tpu.memory_space<vmem>>, vector<1x64x128xf32>,
    %get3A_126 = arith.constant 0 : index
    %get3A_127 = arith.constant 0 : index
    %get3A_128 = arith.constant 9 : index
    %get3A_129 = arith.constant 0 : index
    %get3A_130 = vector.load %arg1[%get3A_126, %get3A_127, %get3A_128, %get3A_129] : memref<1x16x128x128xf32, #tpu.memory_space<vmem>>, vector<1x16x1x128xf32>
    %get3A_131 = vector.shape_cast %get3A_130 : vector<1x16x1x128xf32> to vector<16x128xf32>
    %dot_general3A_132 = arith.constant dense<0.000000e+00> : vector<64x128xf32>
    %dot_general3A_133 = tpu.matmul %get3A_1, %get3A_131, %dot_general3A_132 {dimension_numbers = #tpu.dot_dimension_numbers<[1], [0], [0], [1], [0, 0, 1, 1], [], []>, transpose_lhs_hint = false} : vector<64x16xf32>, vector<16x128xf32>, vector<64x128xf32> -> vector<64x128xf32>
    %swap3A_134 = arith.constant 0 : index
    %swap3A_135 = arith.constant 0 : index
    %swap3A_136 = arith.constant 1152 : index
    %swap3A_137 = vector.load %arg3[%swap3A_134, %swap3A_135, %swap3A_136] : memref<1x64x16384xf32, #tpu.memory_space<vmem>>, vector<1x64x128xf32>
    %swap3A_138 = vector.shape_cast %swap3A_137 : vector<1x64x128xf32> to vector<64x128xf32>
    %swap3A_139 = vector.shape_cast %dot_general3A_133 : vector<64x128xf32> to vector<1x64x128xf32>
    tpu.vector_store %arg3[%swap3A_134, %swap3A_135, %swap3A_136], %swap3A_139 {strides = array<i32>} : memref<1x64x16384xf32, #tpu.memory_space<vmem>>, vector<1x64x128xf32>,
    %get3A_140 = arith.constant 0 : index
    %get3A_141 = arith.constant 0 : index
    %get3A_142 = arith.constant 10 : index
    %get3A_143 = arith.constant 0 : index
    %get3A_144 = vector.load %arg1[%get3A_140, %get3A_141, %get3A_142, %get3A_143] : memref<1x16x128x128xf32, #tpu.memory_space<vmem>>, vector<1x16x1x128xf32>
    %get3A_145 = vector.shape_cast %get3A_144 : vector<1x16x1x128xf32> to vector<16x128xf32>
    %dot_general3A_146 = arith.constant dense<0.000000e+00> : vector<64x128xf32>
    %dot_general3A_147 = tpu.matmul %get3A_1, %get3A_145, %dot_general3A_146 {dimension_numbers = #tpu.dot_dimension_numbers<[1], [0], [0], [1], [0, 0, 1, 1], [], []>, transpose_lhs_hint = false} : vector<64x16xf32>, vector<16x128xf32>, vector<64x128xf32> -> vector<64x128xf32>
    %swap3A_148 = arith.constant 0 : index
    %swap3A_149 = arith.constant 0 : index
    %swap3A_150 = arith.constant 1280 : index
    %swap3A_151 = vector.load %arg3[%swap3A_148, %swap3A_149, %swap3A_150] : memref<1x64x16384xf32, #tpu.memory_space<vmem>>, vector<1x64x128xf32>
    %swap3A_152 = vector.shape_cast %swap3A_151 : vector<1x64x128xf32> to vector<64x128xf32>
    %swap3A_153 = vector.shape_cast %dot_general3A_147 : vector<64x128xf32> to vector<1x64x128xf32>
    tpu.vector_store %arg3[%swap3A_148, %swap3A_149, %swap3A_150], %swap3A_153 {strides = array<i32>} : memref<1x64x16384xf32, #tpu.memory_space<vmem>>, vector<1x64x128xf32>,
    %get3A_154 = arith.constant 0 : index
    %get3A_155 = arith.constant 0 : index
    %get3A_156 = arith.constant 11 : index
    %get3A_157 = arith.constant 0 : index
    %get3A_158 = vector.load %arg1[%get3A_154, %get3A_155, %get3A_156, %get3A_157] : memref<1x16x128x128xf32, #tpu.memory_space<vmem>>, vector<1x16x1x128xf32>
    %get3A_159 = vector.shape_cast %get3A_158 : vector<1x16x1x128xf32> to vector<16x128xf32>
    %dot_general3A_160 = arith.constant dense<0.000000e+00> : vector<64x128xf32>
    %dot_general3A_161 = tpu.matmul %get3A_1, %get3A_159, %dot_general3A_160 {dimension_numbers = #tpu.dot_dimension_numbers<[1], [0], [0], [1], [0, 0, 1, 1], [], []>, transpose_lhs_hint = false} : vector<64x16xf32>, vector<16x128xf32>, vector<64x128xf32> -> vector<64x128xf32>
    %swap3A_162 = arith.constant 0 : index
    %swap3A_163 = arith.constant 0 : index
    %swap3A_164 = arith.constant 1408 : index
    %swap3A_165 = vector.load %arg3[%swap3A_162, %swap3A_163, %swap3A_164] : memref<1x64x16384xf32, #tpu.memory_space<vmem>>, vector<1x64x128xf32>
    %swap3A_166 = vector.shape_cast %swap3A_165 : vector<1x64x128xf32> to vector<64x128xf32>
    %swap3A_167 = vector.shape_cast %dot_general3A_161 : vector<64x128xf32> to vector<1x64x128xf32>
    tpu.vector_store %arg3[%swap3A_162, %swap3A_163, %swap3A_164], %swap3A_167 {strides = array<i32>} : memref<1x64x16384xf32, #tpu.memory_space<vmem>>, vector<1x64x128xf32>,
    %get3A_168 = arith.constant 0 : index
    %get3A_169 = arith.constant 0 : index
    %get3A_170 = arith.constant 12 : index
    %get3A_171 = arith.constant 0 : index
    %get3A_172 = vector.load %arg1[%get3A_168, %get3A_169, %get3A_170, %get3A_171] : memref<1x16x128x128xf32, #tpu.memory_space<vmem>>, vector<1x16x1x128xf32>
    %get3A_173 = vector.shape_cast %get3A_172 : vector<1x16x1x128xf32> to vector<16x128xf32>
    %dot_general3A_174 = arith.constant dense<0.000000e+00> : vector<64x128xf32>
    %dot_general3A_175 = tpu.matmul %get3A_1, %get3A_173, %dot_general3A_174 {dimension_numbers = #tpu.dot_dimension_numbers<[1], [0], [0], [1], [0, 0, 1, 1], [], []>, transpose_lhs_hint = false} : vector<64x16xf32>, vector<16x128xf32>, vector<64x128xf32> -> vector<64x128xf32>
    %swap3A_176 = arith.constant 0 : index
    %swap3A_177 = arith.constant 0 : index
    %swap3A_178 = arith.constant 1536 : index
    %swap3A_179 = vector.load %arg3[%swap3A_176, %swap3A_177, %swap3A_178] : memref<1x64x16384xf32, #tpu.memory_space<vmem>>, vector<1x64x128xf32>
    %swap3A_180 = vector.shape_cast %swap3A_179 : vector<1x64x128xf32> to vector<64x128xf32>
    %swap3A_181 = vector.shape_cast %dot_general3A_175 : vector<64x128xf32> to vector<1x64x128xf32>
    tpu.vector_store %arg3[%swap3A_176, %swap3A_177, %swap3A_178], %swap3A_181 {strides = array<i32>} : memref<1x64x16384xf32, #tpu.memory_space<vmem>>, vector<1x64x128xf32>,
    %get3A_182 = arith.constant 0 : index
    %get3A_183 = arith.constant 0 : index
    %get3A_184 = arith.constant 13 : index
    %get3A_185 = arith.constant 0 : index
    %get3A_186 = vector.load %arg1[%get3A_182, %get3A_183, %get3A_184, %get3A_185] : memref<1x16x128x128xf32, #tpu.memory_space<vmem>>, vector<1x16x1x128xf32>
    %get3A_187 = vector.shape_cast %get3A_186 : vector<1x16x1x128xf32> to vector<16x128xf32>
    %dot_general3A_188 = arith.constant dense<0.000000e+00> : vector<64x128xf32>
    %dot_general3A_189 = tpu.matmul %get3A_1, %get3A_187, %dot_general3A_188 {dimension_numbers = #tpu.dot_dimension_numbers<[1], [0], [0], [1], [0, 0, 1, 1], [], []>, transpose_lhs_hint = false} : vector<64x16xf32>, vector<16x128xf32>, vector<64x128xf32> -> vector<64x128xf32>
    %swap3A_190 = arith.constant 0 : index
    %swap3A_191 = arith.constant 0 : index
    %swap3A_192 = arith.constant 1664 : index
    %swap3A_193 = vector.load %arg3[%swap3A_190, %swap3A_191, %swap3A_192] : memref<1x64x16384xf32, #tpu.memory_space<vmem>>, vector<1x64x128xf32>
    %swap3A_194 = vector.shape_cast %swap3A_193 : vector<1x64x128xf32> to vector<64x128xf32>
    %swap3A_195 = vector.shape_cast %dot_general3A_189 : vector<64x128xf32> to vector<1x64x128xf32>
    tpu.vector_store %arg3[%swap3A_190, %swap3A_191, %swap3A_192], %swap3A_195 {strides = array<i32>} : memref<1x64x16384xf32, #tpu.memory_space<vmem>>, vector<1x64x128xf32>,
    %get3A_196 = arith.constant 0 : index
    %get3A_197 = arith.constant 0 : index
    %get3A_198 = arith.constant 14 : index
    %get3A_199 = arith.constant 0 : index
    %get3A_200 = vector.load %arg1[%get3A_196, %get3A_197, %get3A_198, %get3A_199] : memref<1x16x128x128xf32, #tpu.memory_space<vmem>>, vector<1x16x1x128xf32>
    %get3A_201 = vector.shape_cast %get3A_200 : vector<1x16x1x128xf32> to vector<16x128xf32>
    %dot_general3A_202 = arith.constant dense<0.000000e+00> : vector<64x128xf32>
    %dot_general3A_203 = tpu.matmul %get3A_1, %get3A_201, %dot_general3A_202 {dimension_numbers = #tpu.dot_dimension_numbers<[1], [0], [0], [1], [0, 0, 1, 1], [], []>, transpose_lhs_hint = false} : vector<64x16xf32>, vector<16x128xf32>, vector<64x128xf32> -> vector<64x128xf32>
    %swap3A_204 = arith.constant 0 : index
    %swap3A_205 = arith.constant 0 : index
    %swap3A_206 = arith.constant 1792 : index
    %swap3A_207 = vector.load %arg3[%swap3A_204, %swap3A_205, %swap3A_206] : memref<1x64x16384xf32, #tpu.memory_space<vmem>>, vector<1x64x128xf32>
    %swap3A_208 = vector.shape_cast %swap3A_207 : vector<1x64x128xf32> to vector<64x128xf32>
    %swap3A_209 = vector.shape_cast %dot_general3A_203 : vector<64x128xf32> to vector<1x64x128xf32>
    tpu.vector_store %arg3[%swap3A_204, %swap3A_205, %swap3A_206], %swap3A_209 {strides = array<i32>} : memref<1x64x16384xf32, #tpu.memory_space<vmem>>, vector<1x64x128xf32>,
    %get3A_210 = arith.constant 0 : index
    %get3A_211 = arith.constant 0 : index
    %get3A_212 = arith.constant 15 : index
    %get3A_213 = arith.constant 0 : index
    %get3A_214 = vector.load %arg1[%get3A_210, %get3A_211, %get3A_212, %get3A_213] : memref<1x16x128x128xf32, #tpu.memory_space<vmem>>, vector<1x16x1x128xf32>
    %get3A_215 = vector.shape_cast %get3A_214 : vector<1x16x1x128xf32> to vector<16x128xf32>
    %dot_general3A_216 = arith.constant dense<0.000000e+00> : vector<64x128xf32>
    %dot_general3A_217 = tpu.matmul %get3A_1, %get3A_215, %dot_general3A_216 {dimension_numbers = #tpu.dot_dimension_numbers<[1], [0], [0], [1], [0, 0, 1, 1], [], []>, transpose_lhs_hint = false} : vector<64x16xf32>, vector<16x128xf32>, vector<64x128xf32> -> vector<64x128xf32>
    %swap3A_218 = arith.constant 0 : index
    %swap3A_219 = arith.constant 0 : index
    %swap3A_220 = arith.constant 1920 : index
    %swap3A_221 = vector.load %arg3[%swap3A_218, %swap3A_219, %swap3A_220] : memref<1x64x16384xf32, #tpu.memory_space<vmem>>, vector<1x64x128xf32>
    %swap3A_222 = vector.shape_cast %swap3A_221 : vector<1x64x128xf32> to vector<64x128xf32>
    %swap3A_223 = vector.shape_cast %dot_general3A_217 : vector<64x128xf32> to vector<1x64x128xf32>
    tpu.vector_store %arg3[%swap3A_218, %swap3A_219, %swap3A_220], %swap3A_223 {strides = array<i32>} : memref<1x64x16384xf32, #tpu.memory_space<vmem>>, vector<1x64x128xf32>,
    %get3A_224 = arith.constant 0 : index
    %get3A_225 = arith.constant 0 : index
    %get3A_226 = arith.constant 16 : index
    %get3A_227 = arith.constant 0 : index
    %get3A_228 = vector.load %arg1[%get3A_224, %get3A_225, %get3A_226, %get3A_227] : memref<1x16x128x128xf32, #tpu.memory_space<vmem>>, vector<1x16x1x128xf32>
    %get3A_229 = vector.shape_cast %get3A_228 : vector<1x16x1x128xf32> to vector<16x128xf32>
    %dot_general3A_230 = arith.constant dense<0.000000e+00> : vector<64x128xf32>
    %dot_general3A_231 = tpu.matmul %get3A_1, %get3A_229, %dot_general3A_230 {dimension_numbers = #tpu.dot_dimension_numbers<[1], [0], [0], [1], [0, 0, 1, 1], [], []>, transpose_lhs_hint = false} : vector<64x16xf32>, vector<16x128xf32>, vector<64x128xf32> -> vector<64x128xf32>
    %swap3A_232 = arith.constant 0 : index
    %swap3A_233 = arith.constant 0 : index
    %swap3A_234 = arith.constant 2048 : index
    %swap3A_235 = vector.load %arg3[%swap3A_232, %swap3A_233, %swap3A_234] : memref<1x64x16384xf32, #tpu.memory_space<vmem>>, vector<1x64x128xf32>
    %swap3A_236 = vector.shape_cast %swap3A_235 : vector<1x64x128xf32> to vector<64x128xf32>
    %swap3A_237 = vector.shape_cast %dot_general3A_231 : vector<64x128xf32> to vector<1x64x128xf32>
    tpu.vector_store %arg3[%swap3A_232, %swap3A_233, %swap3A_234], %swap3A_237 {strides = array<i32>} : memref<1x64x16384xf32, #tpu.memory_space<vmem>>, vector<1x64x128xf32>,
    %get3A_238 = arith.constant 0 : index
    %get3A_239 = arith.constant 0 : index
    %get3A_240 = arith.constant 17 : index
    %get3A_241 = arith.constant 0 : index
    %get3A_242 = vector.load %arg1[%get3A_238, %get3A_239, %get3A_240, %get3A_241] : memref<1x16x128x128xf32, #tpu.memory_space<vmem>>, vector<1x16x1x128xf32>
    %get3A_243 = vector.shape_cast %get3A_242 : vector<1x16x1x128xf32> to vector<16x128xf32>
    %dot_general3A_244 = arith.constant dense<0.000000e+00> : vector<64x128xf32>
    %dot_general3A_245 = tpu.matmul %get3A_1, %get3A_243, %dot_general3A_244 {dimension_numbers = #tpu.dot_dimension_numbers<[1], [0], [0], [1], [0, 0, 1, 1], [], []>, transpose_lhs_hint = false} : vector<64x16xf32>, vector<16x128xf32>, vector<64x128xf32> -> vector<64x128xf32>
    %swap3A_246 = arith.constant 0 : index
    %swap3A_247 = arith.constant 0 : index
    %swap3A_248 = arith.constant 2176 : index
    %swap3A_249 = vector.load %arg3[%swap3A_246, %swap3A_247, %swap3A_248] : memref<1x64x16384xf32, #tpu.memory_space<vmem>>, vector<1x64x128xf32>
    %swap3A_250 = vector.shape_cast %swap3A_249 : vector<1x64x128xf32> to vector<64x128xf32>
    %swap3A_251 = vector.shape_cast %dot_general3A_245 : vector<64x128xf32> to vector<1x64x128xf32>
    tpu.vector_store %arg3[%swap3A_246, %swap3A_247, %swap3A_248], %swap3A_251 {strides = array<i32>} : memref<1x64x16384xf32, #tpu.memory_space<vmem>>, vector<1x64x128xf32>,
    %get3A_252 = arith.constant 0 : index
    %get3A_253 = arith.constant 0 : index
    %get3A_254 = arith.constant 18 : index
    %get3A_255 = arith.constant 0 : index
    %get3A_256 = vector.load %arg1[%get3A_252, %get3A_253, %get3A_254, %get3A_255] : memref<1x16x128x128xf32, #tpu.memory_space<vmem>>, vector<1x16x1x128xf32>
    %get3A_257 = vector.shape_cast %get3A_256 : vector<1x16x1x128xf32> to vector<16x128xf32>
    %dot_general3A_258 = arith.constant dense<0.000000e+00> : vector<64x128xf32>
    %dot_general3A_259 = tpu.matmul %get3A_1, %get3A_257, %dot_general3A_258 {dimension_numbers = #tpu.dot_dimension_numbers<[1], [0], [0], [1], [0, 0, 1, 1], [], []>, transpose_lhs_hint = false} : vector<64x16xf32>, vector<16x128xf32>, vector<64x128xf32> -> vector<64x128xf32>
    %swap3A_260 = arith.constant 0 : index
    %swap3A_261 = arith.constant 0 : index
    %swap3A_262 = arith.constant 2304 : index
    %swap3A_263 = vector.load %arg3[%swap3A_260, %swap3A_261, %swap3A_262] : memref<1x64x16384xf32, #tpu.memory_space<vmem>>, vector<1x64x128xf32>
    %swap3A_264 = vector.shape_cast %swap3A_263 : vector<1x64x128xf32> to vector<64x128xf32>
    %swap3A_265 = vector.shape_cast %dot_general3A_259 : vector<64x128xf32> to vector<1x64x128xf32>
    tpu.vector_store %arg3[%swap3A_260, %swap3A_261, %swap3A_262], %swap3A_265 {strides = array<i32>} : memref<1x64x16384xf32, #tpu.memory_space<vmem>>, vector<1x64x128xf32>,
    %get3A_266 = arith.constant 0 : index
    %get3A_267 = arith.constant 0 : index
    %get3A_268 = arith.constant 19 : index
    %get3A_269 = arith.constant 0 : index
    %get3A_270 = vector.load %arg1[%get3A_266, %get3A_267, %get3A_268, %get3A_269] : memref<1x16x128x128xf32, #tpu.memory_space<vmem>>, vector<1x16x1x128xf32>
    %get3A_271 = vector.shape_cast %get3A_270 : vector<1x16x1x128xf32> to vector<16x128xf32>
    %dot_general3A_272 = arith.constant dense<0.000000e+00> : vector<64x128xf32>
    %dot_general3A_273 = tpu.matmul %get3A_1, %get3A_271, %dot_general3A_272 {dimension_numbers = #tpu.dot_dimension_numbers<[1], [0], [0], [1], [0, 0, 1, 1], [], []>, transpose_lhs_hint = false} : vector<64x16xf32>, vector<16x128xf32>, vector<64x128xf32> -> vector<64x128xf32>
    %swap3A_274 = arith.constant 0 : index
    %swap3A_275 = arith.constant 0 : index
    %swap3A_276 = arith.constant 2432 : index
    %swap3A_277 = vector.load %arg3[%swap3A_274, %swap3A_275, %swap3A_276] : memref<1x64x16384xf32, #tpu.memory_space<vmem>>, vector<1x64x128xf32>
    %swap3A_278 = vector.shape_cast %swap3A_277 : vector<1x64x128xf32> to vector<64x128xf32>
    %swap3A_279 = vector.shape_cast %dot_general3A_273 : vector<64x128xf32> to vector<1x64x128xf32>
    tpu.vector_store %arg3[%swap3A_274, %swap3A_275, %swap3A_276], %swap3A_279 {strides = array<i32>} : memref<1x64x16384xf32, #tpu.memory_space<vmem>>, vector<1x64x128xf32>,
    %get3A_280 = arith.constant 0 : index
    %get3A_281 = arith.constant 0 : index
    %get3A_282 = arith.constant 20 : index
    %get3A_283 = arith.constant 0 : index
    %get3A_284 = vector.load %arg1[%get3A_280, %get3A_281, %get3A_282, %get3A_283] : memref<1x16x128x128xf32, #tpu.memory_space<vmem>>, vector<1x16x1x128xf32>
    %get3A_285 = vector.shape_cast %get3A_284 : vector<1x16x1x128xf32> to vector<16x128xf32>
    %dot_general3A_286 = arith.constant dense<0.000000e+00> : vector<64x128xf32>
    %dot_general3A_287 = tpu.matmul %get3A_1, %get3A_285, %dot_general3A_286 {dimension_numbers = #tpu.dot_dimension_numbers<[1], [0], [0], [1], [0, 0, 1, 1], [], []>, transpose_lhs_hint = false} : vector<64x16xf32>, vector<16x128xf32>, vector<64x128xf32> -> vector<64x128xf32>
    %swap3A_288 = arith.constant 0 : index
    %swap3A_289 = arith.constant 0 : index
    %swap3A_290 = arith.constant 2560 : index
    %swap3A_291 = vector.load %arg3[%swap3A_288, %swap3A_289, %swap3A_290] : memref<1x64x16384xf32, #tpu.memory_space<vmem>>, vector<1x64x128xf32>
    %swap3A_292 = vector.shape_cast %swap3A_291 : vector<1x64x128xf32> to vector<64x128xf32>
    %swap3A_293 = vector.shape_cast %dot_general3A_287 : vector<64x128xf32> to vector<1x64x128xf32>
    tpu.vector_store %arg3[%swap3A_288, %swap3A_289, %swap3A_290], %swap3A_293 {strides = array<i32>} : memref<1x64x16384xf32, #tpu.memory_space<vmem>>, vector<1x64x128xf32>,
    %get3A_294 = arith.constant 0 : index
    %get3A_295 = arith.constant 0 : index
    %get3A_296 = arith.constant 21 : index
    %get3A_297 = arith.constant 0 : index
    %get3A_298 = vector.load %arg1[%get3A_294, %get3A_295, %get3A_296, %get3A_297] : memref<1x16x128x128xf32, #tpu.memory_space<vmem>>, vector<1x16x1x128xf32>
    %get3A_299 = vector.shape_cast %get3A_298 : vector<1x16x1x128xf32> to vector<16x128xf32>
    %dot_general3A_300 = arith.constant dense<0.000000e+00> : vector<64x128xf32>
    %dot_general3A_301 = tpu.matmul %get3A_1, %get3A_299, %dot_general3A_300 {dimension_numbers = #tpu.dot_dimension_numbers<[1], [0], [0], [1], [0, 0, 1, 1], [], []>, transpose_lhs_hint = false} : vector<64x16xf32>, vector<16x128xf32>, vector<64x128xf32> -> vector<64x128xf32>
    %swap3A_302 = arith.constant 0 : index
    %swap3A_303 = arith.constant 0 : index
    %swap3A_304 = arith.constant 2688 : index
    %swap3A_305 = vector.load %arg3[%swap3A_302, %swap3A_303, %swap3A_304] : memref<1x64x16384xf32, #tpu.memory_space<vmem>>, vector<1x64x128xf32>
    %swap3A_306 = vector.shape_cast %swap3A_305 : vector<1x64x128xf32> to vector<64x128xf32>
    %swap3A_307 = vector.shape_cast %dot_general3A_301 : vector<64x128xf32> to vector<1x64x128xf32>
    tpu.vector_store %arg3[%swap3A_302, %swap3A_303, %swap3A_304], %swap3A_307 {strides = array<i32>} : memref<1x64x16384xf32, #tpu.memory_space<vmem>>, vector<1x64x128xf32>,
    %get3A_308 = arith.constant 0 : index
    %get3A_309 = arith.constant 0 : index
    %get3A_310 = arith.constant 22 : index
    %get3A_311 = arith.constant 0 : index
    %get3A_312 = vector.load %arg1[%get3A_308, %get3A_309, %get3A_310, %get3A_311] : memref<1x16x128x128xf32, #tpu.memory_space<vmem>>, vector<1x16x1x128xf32>
    %get3A_313 = vector.shape_cast %get3A_312 : vector<1x16x1x128xf32> to vector<16x128xf32>
    %dot_general3A_314 = arith.constant dense<0.000000e+00> : vector<64x128xf32>
    %dot_general3A_315 = tpu.matmul %get3A_1, %get3A_313, %dot_general3A_314 {dimension_numbers = #tpu.dot_dimension_numbers<[1], [0], [0], [1], [0, 0, 1, 1], [], []>, transpose_lhs_hint = false} : vector<64x16xf32>, vector<16x128xf32>, vector<64x128xf32> -> vector<64x128xf32>
    %swap3A_316 = arith.constant 0 : index
    %swap3A_317 = arith.constant 0 : index
    %swap3A_318 = arith.constant 2816 : index
    %swap3A_319 = vector.load %arg3[%swap3A_316, %swap3A_317, %swap3A_318] : memref<1x64x16384xf32, #tpu.memory_space<vmem>>, vector<1x64x128xf32>
    %swap3A_320 = vector.shape_cast %swap3A_319 : vector<1x64x128xf32> to vector<64x128xf32>
    %swap3A_321 = vector.shape_cast %dot_general3A_315 : vector<64x128xf32> to vector<1x64x128xf32>
    tpu.vector_store %arg3[%swap3A_316, %swap3A_317, %swap3A_318], %swap3A_321 {strides = array<i32>} : memref<1x64x16384xf32, #tpu.memory_space<vmem>>, vector<1x64x128xf32>,
    %get3A_322 = arith.constant 0 : index
    %get3A_323 = arith.constant 0 : index
    %get3A_324 = arith.constant 23 : index
    %get3A_325 = arith.constant 0 : index
    %get3A_326 = vector.load %arg1[%get3A_322, %get3A_323, %get3A_324, %get3A_325] : memref<1x16x128x128xf32, #tpu.memory_space<vmem>>, vector<1x16x1x128xf32>
    %get3A_327 = vector.shape_cast %get3A_326 : vector<1x16x1x128xf32> to vector<16x128xf32>
    %dot_general3A_328 = arith.constant dense<0.000000e+00> : vector<64x128xf32>
    %dot_general3A_329 = tpu.matmul %get3A_1, %get3A_327, %dot_general3A_328 {dimension_numbers = #tpu.dot_dimension_numbers<[1], [0], [0], [1], [0, 0, 1, 1], [], []>, transpose_lhs_hint = false} : vector<64x16xf32>, vector<16x128xf32>, vector<64x128xf32> -> vector<64x128xf32>
    %swap3A_330 = arith.constant 0 : index
    %swap3A_331 = arith.constant 0 : index
    %swap3A_332 = arith.constant 2944 : index
    %swap3A_333 = vector.load %arg3[%swap3A_330, %swap3A_331, %swap3A_332] : memref<1x64x16384xf32, #tpu.memory_space<vmem>>, vector<1x64x128xf32>
    %swap3A_334 = vector.shape_cast %swap3A_333 : vector<1x64x128xf32> to vector<64x128xf32>
    %swap3A_335 = vector.shape_cast %dot_general3A_329 : vector<64x128xf32> to vector<1x64x128xf32>
    tpu.vector_store %arg3[%swap3A_330, %swap3A_331, %swap3A_332], %swap3A_335 {strides = array<i32>} : memref<1x64x16384xf32, #tpu.memory_space<vmem>>, vector<1x64x128xf32>,
    %get3A_336 = arith.constant 0 : index
    %get3A_337 = arith.constant 0 : index
    %get3A_338 = arith.constant 24 : index
    %get3A_339 = arith.constant 0 : index
    %get3A_340 = vector.load %arg1[%get3A_336, %get3A_337, %get3A_338, %get3A_339] : memref<1x16x128x128xf32, #tpu.memory_space<vmem>>, vector<1x16x1x128xf32>
    %get3A_341 = vector.shape_cast %get3A_340 : vector<1x16x1x128xf32> to vector<16x128xf32>
    %dot_general3A_342 = arith.constant dense<0.000000e+00> : vector<64x128xf32>
    %dot_general3A_343 = tpu.matmul %get3A_1, %get3A_341, %dot_general3A_342 {dimension_numbers = #tpu.dot_dimension_numbers<[1], [0], [0], [1], [0, 0, 1, 1], [], []>, transpose_lhs_hint = false} : vector<64x16xf32>, vector<16x128xf32>, vector<64x128xf32> -> vector<64x128xf32>
    %swap3A_344 = arith.constant 0 : index
    %swap3A_345 = arith.constant 0 : index
    %swap3A_346 = arith.constant 3072 : index
    %swap3A_347 = vector.load %arg3[%swap3A_344, %swap3A_345, %swap3A_346] : memref<1x64x16384xf32, #tpu.memory_space<vmem>>, vector<1x64x128xf32>
    %swap3A_348 = vector.shape_cast %swap3A_347 : vector<1x64x128xf32> to vector<64x128xf32>
    %swap3A_349 = vector.shape_cast %dot_general3A_343 : vector<64x128xf32> to vector<1x64x128xf32>
    tpu.vector_store %arg3[%swap3A_344, %swap3A_345, %swap3A_346], %swap3A_349 {strides = array<i32>} : memref<1x64x16384xf32, #tpu.memory_space<vmem>>, vector<1x64x128xf32>,
    %get3A_350 = arith.constant 0 : index
    %get3A_351 = arith.constant 0 : index
    %get3A_352 = arith.constant 25 : index
    %get3A_353 = arith.constant 0 : index
    %get3A_354 = vector.load %arg1[%get3A_350, %get3A_351, %get3A_352, %get3A_353] : memref<1x16x128x128xf32, #tpu.memory_space<vmem>>, vector<1x16x1x128xf32>
    %get3A_355 = vector.shape_cast %get3A_354 : vector<1x16x1x128xf32> to vector<16x128xf32>
    %dot_general3A_356 = arith.constant dense<0.000000e+00> : vector<64x128xf32>
    %dot_general3A_357 = tpu.matmul %get3A_1, %get3A_355, %dot_general3A_356 {dimension_numbers = #tpu.dot_dimension_numbers<[1], [0], [0], [1], [0, 0, 1, 1], [], []>, transpose_lhs_hint = false} : vector<64x16xf32>, vector<16x128xf32>, vector<64x128xf32> -> vector<64x128xf32>
    %swap3A_358 = arith.constant 0 : index
    %swap3A_359 = arith.constant 0 : index
    %swap3A_360 = arith.constant 3200 : index
    %swap3A_361 = vector.load %arg3[%swap3A_358, %swap3A_359, %swap3A_360] : memref<1x64x16384xf32, #tpu.memory_space<vmem>>, vector<1x64x128xf32>
    %swap3A_362 = vector.shape_cast %swap3A_361 : vector<1x64x128xf32> to vector<64x128xf32>
    %swap3A_363 = vector.shape_cast %dot_general3A_357 : vector<64x128xf32> to vector<1x64x128xf32>
    tpu.vector_store %arg3[%swap3A_358, %swap3A_359, %swap3A_360], %swap3A_363 {strides = array<i32>} : memref<1x64x16384xf32, #tpu.memory_space<vmem>>, vector<1x64x128xf32>,
    %get3A_364 = arith.constant 0 : index
    %get3A_365 = arith.constant 0 : index
    %get3A_366 = arith.constant 26 : index
    %get3A_367 = arith.constant 0 : index
    %get3A_368 = vector.load %arg1[%get3A_364, %get3A_365, %get3A_366, %get3A_367] : memref<1x16x128x128xf32, #tpu.memory_space<vmem>>, vector<1x16x1x128xf32>
    %get3A_369 = vector.shape_cast %get3A_368 : vector<1x16x1x128xf32> to vector<16x128xf32>
    %dot_general3A_370 = arith.constant dense<0.000000e+00> : vector<64x128xf32>
    %dot_general3A_371 = tpu.matmul %get3A_1, %get3A_369, %dot_general3A_370 {dimension_numbers = #tpu.dot_dimension_numbers<[1], [0], [0], [1], [0, 0, 1, 1], [], []>, transpose_lhs_hint = false} : vector<64x16xf32>, vector<16x128xf32>, vector<64x128xf32> -> vector<64x128xf32>
    %swap3A_372 = arith.constant 0 : index
    %swap3A_373 = arith.constant 0 : index
    %swap3A_374 = arith.constant 3328 : index
    %swap3A_375 = vector.load %arg3[%swap3A_372, %swap3A_373, %swap3A_374] : memref<1x64x16384xf32, #tpu.memory_space<vmem>>, vector<1x64x128xf32>
    %swap3A_376 = vector.shape_cast %swap3A_375 : vector<1x64x128xf32> to vector<64x128xf32>
    %swap3A_377 = vector.shape_cast %dot_general3A_371 : vector<64x128xf32> to vector<1x64x128xf32>
    tpu.vector_store %arg3[%swap3A_372, %swap3A_373, %swap3A_374], %swap3A_377 {strides = array<i32>} : memref<1x64x16384xf32, #tpu.memory_space<vmem>>, vector<1x64x128xf32>,
    %get3A_378 = arith.constant 0 : index
    %get3A_379 = arith.constant 0 : index
    %get3A_380 = arith.constant 27 : index
    %get3A_381 = arith.constant 0 : index
    %get3A_382 = vector.load %arg1[%get3A_378, %get3A_379, %get3A_380, %get3A_381] : memref<1x16x128x128xf32, #tpu.memory_space<vmem>>, vector<1x16x1x128xf32>
    %get3A_383 = vector.shape_cast %get3A_382 : vector<1x16x1x128xf32> to vector<16x128xf32>
    %dot_general3A_384 = arith.constant dense<0.000000e+00> : vector<64x128xf32>
    %dot_general3A_385 = tpu.matmul %get3A_1, %get3A_383, %dot_general3A_384 {dimension_numbers = #tpu.dot_dimension_numbers<[1], [0], [0], [1], [0, 0, 1, 1], [], []>, transpose_lhs_hint = false} : vector<64x16xf32>, vector<16x128xf32>, vector<64x128xf32> -> vector<64x128xf32>
    %swap3A_386 = arith.constant 0 : index
    %swap3A_387 = arith.constant 0 : index
    %swap3A_388 = arith.constant 3456 : index
    %swap3A_389 = vector.load %arg3[%swap3A_386, %swap3A_387, %swap3A_388] : memref<1x64x16384xf32, #tpu.memory_space<vmem>>, vector<1x64x128xf32>
    %swap3A_390 = vector.shape_cast %swap3A_389 : vector<1x64x128xf32> to vector<64x128xf32>
    %swap3A_391 = vector.shape_cast %dot_general3A_385 : vector<64x128xf32> to vector<1x64x128xf32>
    tpu.vector_store %arg3[%swap3A_386, %swap3A_387, %swap3A_388], %swap3A_391 {strides = array<i32>} : memref<1x64x16384xf32, #tpu.memory_space<vmem>>, vector<1x64x128xf32>,
    %get3A_392 = arith.constant 0 : index
    %get3A_393 = arith.constant 0 : index
    %get3A_394 = arith.constant 28 : index
    %get3A_395 = arith.constant 0 : index
    %get3A_396 = vector.load %arg1[%get3A_392, %get3A_393, %get3A_394, %get3A_395] : memref<1x16x128x128xf32, #tpu.memory_space<vmem>>, vector<1x16x1x128xf32>
    %get3A_397 = vector.shape_cast %get3A_396 : vector<1x16x1x128xf32> to vector<16x128xf32>
    %dot_general3A_398 = arith.constant dense<0.000000e+00> : vector<64x128xf32>
    %dot_general3A_399 = tpu.matmul %get3A_1, %get3A_397, %dot_general3A_398 {dimension_numbers = #tpu.dot_dimension_numbers<[1], [0], [0], [1], [0, 0, 1, 1], [], []>, transpose_lhs_hint = false} : vector<64x16xf32>, vector<16x128xf32>, vector<64x128xf32> -> vector<64x128xf32>
    %swap3A_400 = arith.constant 0 : index
    %swap3A_401 = arith.constant 0 : index
    %swap3A_402 = arith.constant 3584 : index
    %swap3A_403 = vector.load %arg3[%swap3A_400, %swap3A_401, %swap3A_402] : memref<1x64x16384xf32, #tpu.memory_space<vmem>>, vector<1x64x128xf32>
    %swap3A_404 = vector.shape_cast %swap3A_403 : vector<1x64x128xf32> to vector<64x128xf32>
    %swap3A_405 = vector.shape_cast %dot_general3A_399 : vector<64x128xf32> to vector<1x64x128xf32>
    tpu.vector_store %arg3[%swap3A_400, %swap3A_401, %swap3A_402], %swap3A_405 {strides = array<i32>} : memref<1x64x16384xf32, #tpu.memory_space<vmem>>, vector<1x64x128xf32>,
    %get3A_406 = arith.constant 0 : index
    %get3A_407 = arith.constant 0 : index
    %get3A_408 = arith.constant 29 : index
    %get3A_409 = arith.constant 0 : index
    %get3A_410 = vector.load %arg1[%get3A_406, %get3A_407, %get3A_408, %get3A_409] : memref<1x16x128x128xf32, #tpu.memory_space<vmem>>, vector<1x16x1x128xf32>
    %get3A_411 = vector.shape_cast %get3A_410 : vector<1x16x1x128xf32> to vector<16x128xf32>
    %dot_general3A_412 = arith.constant dense<0.000000e+00> : vector<64x128xf32>
    %dot_general3A_413 = tpu.matmul %get3A_1, %get3A_411, %dot_general3A_412 {dimension_numbers = #tpu.dot_dimension_numbers<[1], [0], [0], [1], [0, 0, 1, 1], [], []>, transpose_lhs_hint = false} : vector<64x16xf32>, vector<16x128xf32>, vector<64x128xf32> -> vector<64x128xf32>
    %swap3A_414 = arith.constant 0 : index
    %swap3A_415 = arith.constant 0 : index
    %swap3A_416 = arith.constant 3712 : index
    %swap3A_417 = vector.load %arg3[%swap3A_414, %swap3A_415, %swap3A_416] : memref<1x64x16384xf32, #tpu.memory_space<vmem>>, vector<1x64x128xf32>
    %swap3A_418 = vector.shape_cast %swap3A_417 : vector<1x64x128xf32> to vector<64x128xf32>
    %swap3A_419 = vector.shape_cast %dot_general3A_413 : vector<64x128xf32> to vector<1x64x128xf32>
    tpu.vector_store %arg3[%swap3A_414, %swap3A_415, %swap3A_416], %swap3A_419 {strides = array<i32>} : memref<1x64x16384xf32, #tpu.memory_space<vmem>>, vector<1x64x128xf32>,
    %get3A_420 = arith.constant 0 : index
    %get3A_421 = arith.constant 0 : index
    %get3A_422 = arith.constant 30 : index
    %get3A_423 = arith.constant 0 : index
    %get3A_424 = vector.load %arg1[%get3A_420, %get3A_421, %get3A_422, %get3A_423] : memref<1x16x128x128xf32, #tpu.memory_space<vmem>>, vector<1x16x1x128xf32>
    %get3A_425 = vector.shape_cast %get3A_424 : vector<1x16x1x128xf32> to vector<16x128xf32>
    %dot_general3A_426 = arith.constant dense<0.000000e+00> : vector<64x128xf32>
    %dot_general3A_427 = tpu.matmul %get3A_1, %get3A_425, %dot_general3A_426 {dimension_numbers = #tpu.dot_dimension_numbers<[1], [0], [0], [1], [0, 0, 1, 1], [], []>, transpose_lhs_hint = false} : vector<64x16xf32>, vector<16x128xf32>, vector<64x128xf32> -> vector<64x128xf32>
    %swap3A_428 = arith.constant 0 : index
    %swap3A_429 = arith.constant 0 : index
    %swap3A_430 = arith.constant 3840 : index
    %swap3A_431 = vector.load %arg3[%swap3A_428, %swap3A_429, %swap3A_430] : memref<1x64x16384xf32, #tpu.memory_space<vmem>>, vector<1x64x128xf32>
    %swap3A_432 = vector.shape_cast %swap3A_431 : vector<1x64x128xf32> to vector<64x128xf32>
    %swap3A_433 = vector.shape_cast %dot_general3A_427 : vector<64x128xf32> to vector<1x64x128xf32>
    tpu.vector_store %arg3[%swap3A_428, %swap3A_429, %swap3A_430], %swap3A_433 {strides = array<i32>} : memref<1x64x16384xf32, #tpu.memory_space<vmem>>, vector<1x64x128xf32>,
    %get3A_434 = arith.constant 0 : index
    %get3A_435 = arith.constant 0 : index
    %get3A_436 = arith.constant 31 : index
    %get3A_437 = arith.constant 0 : index
    %get3A_438 = vector.load %arg1[%get3A_434, %get3A_435, %get3A_436, %get3A_437] : memref<1x16x128x128xf32, #tpu.memory_space<vmem>>, vector<1x16x1x128xf32>
    %get3A_439 = vector.shape_cast %get3A_438 : vector<1x16x1x128xf32> to vector<16x128xf32>
    %dot_general3A_440 = arith.constant dense<0.000000e+00> : vector<64x128xf32>
    %dot_general3A_441 = tpu.matmul %get3A_1, %get3A_439, %dot_general3A_440 {dimension_numbers = #tpu.dot_dimension_numbers<[1], [0], [0], [1], [0, 0, 1, 1], [], []>, transpose_lhs_hint = false} : vector<64x16xf32>, vector<16x128xf32>, vector<64x128xf32> -> vector<64x128xf32>
    %swap3A_442 = arith.constant 0 : index
    %swap3A_443 = arith.constant 0 : index
    %swap3A_444 = arith.constant 3968 : index
    %swap3A_445 = vector.load %arg3[%swap3A_442, %swap3A_443, %swap3A_444] : memref<1x64x16384xf32, #tpu.memory_space<vmem>>, vector<1x64x128xf32>
    %swap3A_446 = vector.shape_cast %swap3A_445 : vector<1x64x128xf32> to vector<64x128xf32>
    %swap3A_447 = vector.shape_cast %dot_general3A_441 : vector<64x128xf32> to vector<1x64x128xf32>
    tpu.vector_store %arg3[%swap3A_442, %swap3A_443, %swap3A_444], %swap3A_447 {strides = array<i32>} : memref<1x64x16384xf32, #tpu.memory_space<vmem>>, vector<1x64x128xf32>,
    %get3A_448 = arith.constant 0 : index
    %get3A_449 = arith.constant 0 : index
    %get3A_450 = arith.constant 32 : index
    %get3A_451 = arith.constant 0 : index
    %get3A_452 = vector.load %arg1[%get3A_448, %get3A_449, %get3A_450, %get3A_451] : memref<1x16x128x128xf32, #tpu.memory_space<vmem>>, vector<1x16x1x128xf32>
    %get3A_453 = vector.shape_cast %get3A_452 : vector<1x16x1x128xf32> to vector<16x128xf32>
    %dot_general3A_454 = arith.constant dense<0.000000e+00> : vector<64x128xf32>
    %dot_general3A_455 = tpu.matmul %get3A_1, %get3A_453, %dot_general3A_454 {dimension_numbers = #tpu.dot_dimension_numbers<[1], [0], [0], [1], [0, 0, 1, 1], [], []>, transpose_lhs_hint = false} : vector<64x16xf32>, vector<16x128xf32>, vector<64x128xf32> -> vector<64x128xf32>
    %swap3A_456 = arith.constant 0 : index
    %swap3A_457 = arith.constant 0 : index
    %swap3A_458 = arith.constant 4096 : index
    %swap3A_459 = vector.load %arg3[%swap3A_456, %swap3A_457, %swap3A_458] : memref<1x64x16384xf32, #tpu.memory_space<vmem>>, vector<1x64x128xf32>
    %swap3A_460 = vector.shape_cast %swap3A_459 : vector<1x64x128xf32> to vector<64x128xf32>
    %swap3A_461 = vector.shape_cast %dot_general3A_455 : vector<64x128xf32> to vector<1x64x128xf32>
    tpu.vector_store %arg3[%swap3A_456, %swap3A_457, %swap3A_458], %swap3A_461 {strides = array<i32>} : memref<1x64x16384xf32, #tpu.memory_space<vmem>>, vector<1x64x128xf32>,
    %get3A_462 = arith.constant 0 : index
    %get3A_463 = arith.constant 0 : index
    %get3A_464 = arith.constant 33 : index
    %get3A_465 = arith.constant 0 : index
    %get3A_466 = vector.load %arg1[%get3A_462, %get3A_463, %get3A_464, %get3A_465] : memref<1x16x128x128xf32, #tpu.memory_space<vmem>>, vector<1x16x1x128xf32>
    %get3A_467 = vector.shape_cast %get3A_466 : vector<1x16x1x128xf32> to vector<16x128xf32>
    %dot_general3A_468 = arith.constant dense<0.000000e+00> : vector<64x128xf32>
    %dot_general3A_469 = tpu.matmul %get3A_1, %get3A_467, %dot_general3A_468 {dimension_numbers = #tpu.dot_dimension_numbers<[1], [0], [0], [1], [0, 0, 1, 1], [], []>, transpose_lhs_hint = false} : vector<64x16xf32>, vector<16x128xf32>, vector<64x128xf32> -> vector<64x128xf32>
    %swap3A_470 = arith.constant 0 : index
    %swap3A_471 = arith.constant 0 : index
    %swap3A_472 = arith.constant 4224 : index
    %swap3A_473 = vector.load %arg3[%swap3A_470, %swap3A_471, %swap3A_472] : memref<1x64x16384xf32, #tpu.memory_space<vmem>>, vector<1x64x128xf32>
    %swap3A_474 = vector.shape_cast %swap3A_473 : vector<1x64x128xf32> to vector<64x128xf32>
    %swap3A_475 = vector.shape_cast %dot_general3A_469 : vector<64x128xf32> to vector<1x64x128xf32>
    tpu.vector_store %arg3[%swap3A_470, %swap3A_471, %swap3A_472], %swap3A_475 {strides = array<i32>} : memref<1x64x16384xf32, #tpu.memory_space<vmem>>, vector<1x64x128xf32>,
    %get3A_476 = arith.constant 0 : index
    %get3A_477 = arith.constant 0 : index
    %get3A_478 = arith.constant 34 : index
    %get3A_479 = arith.constant 0 : index
    %get3A_480 = vector.load %arg1[%get3A_476, %get3A_477, %get3A_478, %get3A_479] : memref<1x16x128x128xf32, #tpu.memory_space<vmem>>, vector<1x16x1x128xf32>
    %get3A_481 = vector.shape_cast %get3A_480 : vector<1x16x1x128xf32> to vector<16x128xf32>
    %dot_general3A_482 = arith.constant dense<0.000000e+00> : vector<64x128xf32>
    %dot_general3A_483 = tpu.matmul %get3A_1, %get3A_481, %dot_general3A_482 {dimension_numbers = #tpu.dot_dimension_numbers<[1], [0], [0], [1], [0, 0, 1, 1], [], []>, transpose_lhs_hint = false} : vector<64x16xf32>, vector<16x128xf32>, vector<64x128xf32> -> vector<64x128xf32>
    %swap3A_484 = arith.constant 0 : index
    %swap3A_485 = arith.constant 0 : index
    %swap3A_486 = arith.constant 4352 : index
    %swap3A_487 = vector.load %arg3[%swap3A_484, %swap3A_485, %swap3A_486] : memref<1x64x16384xf32, #tpu.memory_space<vmem>>, vector<1x64x128xf32>
    %swap3A_488 = vector.shape_cast %swap3A_487 : vector<1x64x128xf32> to vector<64x128xf32>
    %swap3A_489 = vector.shape_cast %dot_general3A_483 : vector<64x128xf32> to vector<1x64x128xf32>
    tpu.vector_store %arg3[%swap3A_484, %swap3A_485, %swap3A_486], %swap3A_489 {strides = array<i32>} : memref<1x64x16384xf32, #tpu.memory_space<vmem>>, vector<1x64x128xf32>,
    %get3A_490 = arith.constant 0 : index
    %get3A_491 = arith.constant 0 : index
    %get3A_492 = arith.constant 35 : index
    %get3A_493 = arith.constant 0 : index
    %get3A_494 = vector.load %arg1[%get3A_490, %get3A_491, %get3A_492, %get3A_493] : memref<1x16x128x128xf32, #tpu.memory_space<vmem>>, vector<1x16x1x128xf32>
    %get3A_495 = vector.shape_cast %get3A_494 : vector<1x16x1x128xf32> to vector<16x128xf32>
    %dot_general3A_496 = arith.constant dense<0.000000e+00> : vector<64x128xf32>
    %dot_general3A_497 = tpu.matmul %get3A_1, %get3A_495, %dot_general3A_496 {dimension_numbers = #tpu.dot_dimension_numbers<[1], [0], [0], [1], [0, 0, 1, 1], [], []>, transpose_lhs_hint = false} : vector<64x16xf32>, vector<16x128xf32>, vector<64x128xf32> -> vector<64x128xf32>
    %swap3A_498 = arith.constant 0 : index
    %swap3A_499 = arith.constant 0 : index
    %swap3A_500 = arith.constant 4480 : index
    %swap3A_501 = vector.load %arg3[%swap3A_498, %swap3A_499, %swap3A_500] : memref<1x64x16384xf32, #tpu.memory_space<vmem>>, vector<1x64x128xf32>
    %swap3A_502 = vector.shape_cast %swap3A_501 : vector<1x64x128xf32> to vector<64x128xf32>
    %swap3A_503 = vector.shape_cast %dot_general3A_497 : vector<64x128xf32> to vector<1x64x128xf32>
    tpu.vector_store %arg3[%swap3A_498, %swap3A_499, %swap3A_500], %swap3A_503 {strides = array<i32>} : memref<1x64x16384xf32, #tpu.memory_space<vmem>>, vector<1x64x128xf32>,
    %get3A_504 = arith.constant 0 : index
    %get3A_505 = arith.constant 0 : index
    %get3A_506 = arith.constant 36 : index
    %get3A_507 = arith.constant 0 : index
    %get3A_508 = vector.load %arg1[%get3A_504, %get3A_505, %get3A_506, %get3A_507] : memref<1x16x128x128xf32, #tpu.memory_space<vmem>>, vector<1x16x1x128xf32>
    %get3A_509 = vector.shape_cast %get3A_508 : vector<1x16x1x128xf32> to vector<16x128xf32>
    %dot_general3A_510 = arith.constant dense<0.000000e+00> : vector<64x128xf32>
    %dot_general3A_511 = tpu.matmul %get3A_1, %get3A_509, %dot_general3A_510 {dimension_numbers = #tpu.dot_dimension_numbers<[1], [0], [0], [1], [0, 0, 1, 1], [], []>, transpose_lhs_hint = false} : vector<64x16xf32>, vector<16x128xf32>, vector<64x128xf32> -> vector<64x128xf32>
    %swap3A_512 = arith.constant 0 : index
    %swap3A_513 = arith.constant 0 : index
    %swap3A_514 = arith.constant 4608 : index
    %swap3A_515 = vector.load %arg3[%swap3A_512, %swap3A_513, %swap3A_514] : memref<1x64x16384xf32, #tpu.memory_space<vmem>>, vector<1x64x128xf32>
    %swap3A_516 = vector.shape_cast %swap3A_515 : vector<1x64x128xf32> to vector<64x128xf32>
    %swap3A_517 = vector.shape_cast %dot_general3A_511 : vector<64x128xf32> to vector<1x64x128xf32>
    tpu.vector_store %arg3[%swap3A_512, %swap3A_513, %swap3A_514], %swap3A_517 {strides = array<i32>} : memref<1x64x16384xf32, #tpu.memory_space<vmem>>, vector<1x64x128xf32>,
    %get3A_518 = arith.constant 0 : index
    %get3A_519 = arith.constant 0 : index
    %get3A_520 = arith.constant 37 : index
    %get3A_521 = arith.constant 0 : index
    %get3A_522 = vector.load %arg1[%get3A_518, %get3A_519, %get3A_520, %get3A_521] : memref<1x16x128x128xf32, #tpu.memory_space<vmem>>, vector<1x16x1x128xf32>
    %get3A_523 = vector.shape_cast %get3A_522 : vector<1x16x1x128xf32> to vector<16x128xf32>
    %dot_general3A_524 = arith.constant dense<0.000000e+00> : vector<64x128xf32>
    %dot_general3A_525 = tpu.matmul %get3A_1, %get3A_523, %dot_general3A_524 {dimension_numbers = #tpu.dot_dimension_numbers<[1], [0], [0], [1], [0, 0, 1, 1], [], []>, transpose_lhs_hint = false} : vector<64x16xf32>, vector<16x128xf32>, vector<64x128xf32> -> vector<64x128xf32>
    %swap3A_526 = arith.constant 0 : index
    %swap3A_527 = arith.constant 0 : index
    %swap3A_528 = arith.constant 4736 : index
    %swap3A_529 = vector.load %arg3[%swap3A_526, %swap3A_527, %swap3A_528] : memref<1x64x16384xf32, #tpu.memory_space<vmem>>, vector<1x64x128xf32>
    %swap3A_530 = vector.shape_cast %swap3A_529 : vector<1x64x128xf32> to vector<64x128xf32>
    %swap3A_531 = vector.shape_cast %dot_general3A_525 : vector<64x128xf32> to vector<1x64x128xf32>
    tpu.vector_store %arg3[%swap3A_526, %swap3A_527, %swap3A_528], %swap3A_531 {strides = array<i32>} : memref<1x64x16384xf32, #tpu.memory_space<vmem>>, vector<1x64x128xf32>,
    %get3A_532 = arith.constant 0 : index
    %get3A_533 = arith.constant 0 : index
    %get3A_534 = arith.constant 38 : index
    %get3A_535 = arith.constant 0 : index
    %get3A_536 = vector.load %arg1[%get3A_532, %get3A_533, %get3A_534, %get3A_535] : memref<1x16x128x128xf32, #tpu.memory_space<vmem>>, vector<1x16x1x128xf32>
    %get3A_537 = vector.shape_cast %get3A_536 : vector<1x16x1x128xf32> to vector<16x128xf32>
    %dot_general3A_538 = arith.constant dense<0.000000e+00> : vector<64x128xf32>
    %dot_general3A_539 = tpu.matmul %get3A_1, %get3A_537, %dot_general3A_538 {dimension_numbers = #tpu.dot_dimension_numbers<[1], [0], [0], [1], [0, 0, 1, 1], [], []>, transpose_lhs_hint = false} : vector<64x16xf32>, vector<16x128xf32>, vector<64x128xf32> -> vector<64x128xf32>
    %swap3A_540 = arith.constant 0 : index
    %swap3A_541 = arith.constant 0 : index
    %swap3A_542 = arith.constant 4864 : index
    %swap3A_543 = vector.load %arg3[%swap3A_540, %swap3A_541, %swap3A_542] : memref<1x64x16384xf32, #tpu.memory_space<vmem>>, vector<1x64x128xf32>
    %swap3A_544 = vector.shape_cast %swap3A_543 : vector<1x64x128xf32> to vector<64x128xf32>
    %swap3A_545 = vector.shape_cast %dot_general3A_539 : vector<64x128xf32> to vector<1x64x128xf32>
    tpu.vector_store %arg3[%swap3A_540, %swap3A_541, %swap3A_542], %swap3A_545 {strides = array<i32>} : memref<1x64x16384xf32, #tpu.memory_space<vmem>>, vector<1x64x128xf32>,
    %get3A_546 = arith.constant 0 : index
    %get3A_547 = arith.constant 0 : index
    %get3A_548 = arith.constant 39 : index
    %get3A_549 = arith.constant 0 : index
    %get3A_550 = vector.load %arg1[%get3A_546, %get3A_547, %get3A_548, %get3A_549] : memref<1x16x128x128xf32, #tpu.memory_space<vmem>>, vector<1x16x1x128xf32>
    %get3A_551 = vector.shape_cast %get3A_550 : vector<1x16x1x128xf32> to vector<16x128xf32>
    %dot_general3A_552 = arith.constant dense<0.000000e+00> : vector<64x128xf32>
    %dot_general3A_553 = tpu.matmul %get3A_1, %get3A_551, %dot_general3A_552 {dimension_numbers = #tpu.dot_dimension_numbers<[1], [0], [0], [1], [0, 0, 1, 1], [], []>, transpose_lhs_hint = false} : vector<64x16xf32>, vector<16x128xf32>, vector<64x128xf32> -> vector<64x128xf32>
    %swap3A_554 = arith.constant 0 : index
    %swap3A_555 = arith.constant 0 : index
    %swap3A_556 = arith.constant 4992 : index
    %swap3A_557 = vector.load %arg3[%swap3A_554, %swap3A_555, %swap3A_556] : memref<1x64x16384xf32, #tpu.memory_space<vmem>>, vector<1x64x128xf32>
    %swap3A_558 = vector.shape_cast %swap3A_557 : vector<1x64x128xf32> to vector<64x128xf32>
    %swap3A_559 = vector.shape_cast %dot_general3A_553 : vector<64x128xf32> to vector<1x64x128xf32>
    tpu.vector_store %arg3[%swap3A_554, %swap3A_555, %swap3A_556], %swap3A_559 {strides = array<i32>} : memref<1x64x16384xf32, #tpu.memory_space<vmem>>, vector<1x64x128xf32>,
    %get3A_560 = arith.constant 0 : index
    %get3A_561 = arith.constant 0 : index
    %get3A_562 = arith.constant 40 : index
    %get3A_563 = arith.constant 0 : index
    %get3A_564 = vector.load %arg1[%get3A_560, %get3A_561, %get3A_562, %get3A_563] : memref<1x16x128x128xf32, #tpu.memory_space<vmem>>, vector<1x16x1x128xf32>
    %get3A_565 = vector.shape_cast %get3A_564 : vector<1x16x1x128xf32> to vector<16x128xf32>
    %dot_general3A_566 = arith.constant dense<0.000000e+00> : vector<64x128xf32>
    %dot_general3A_567 = tpu.matmul %get3A_1, %get3A_565, %dot_general3A_566 {dimension_numbers = #tpu.dot_dimension_numbers<[1], [0], [0], [1], [0, 0, 1, 1], [], []>, transpose_lhs_hint = false} : vector<64x16xf32>, vector<16x128xf32>, vector<64x128xf32> -> vector<64x128xf32>
    %swap3A_568 = arith.constant 0 : index
    %swap3A_569 = arith.constant 0 : index
    %swap3A_570 = arith.constant 5120 : index
    %swap3A_571 = vector.load %arg3[%swap3A_568, %swap3A_569, %swap3A_570] : memref<1x64x16384xf32, #tpu.memory_space<vmem>>, vector<1x64x128xf32>
    %swap3A_572 = vector.shape_cast %swap3A_571 : vector<1x64x128xf32> to vector<64x128xf32>
    %swap3A_573 = vector.shape_cast %dot_general3A_567 : vector<64x128xf32> to vector<1x64x128xf32>
    tpu.vector_store %arg3[%swap3A_568, %swap3A_569, %swap3A_570], %swap3A_573 {strides = array<i32>} : memref<1x64x16384xf32, #tpu.memory_space<vmem>>, vector<1x64x128xf32>,
    %get3A_574 = arith.constant 0 : index
    %get3A_575 = arith.constant 0 : index
    %get3A_576 = arith.constant 41 : index
    %get3A_577 = arith.constant 0 : index
    %get3A_578 = vector.load %arg1[%get3A_574, %get3A_575, %get3A_576, %get3A_577] : memref<1x16x128x128xf32, #tpu.memory_space<vmem>>, vector<1x16x1x128xf32>
    %get3A_579 = vector.shape_cast %get3A_578 : vector<1x16x1x128xf32> to vector<16x128xf32>
    %dot_general3A_580 = arith.constant dense<0.000000e+00> : vector<64x128xf32>
    %dot_general3A_581 = tpu.matmul %get3A_1, %get3A_579, %dot_general3A_580 {dimension_numbers = #tpu.dot_dimension_numbers<[1], [0], [0], [1], [0, 0, 1, 1], [], []>, transpose_lhs_hint = false} : vector<64x16xf32>, vector<16x128xf32>, vector<64x128xf32> -> vector<64x128xf32>
    %swap3A_582 = arith.constant 0 : index
    %swap3A_583 = arith.constant 0 : index
    %swap3A_584 = arith.constant 5248 : index
    %swap3A_585 = vector.load %arg3[%swap3A_582, %swap3A_583, %swap3A_584] : memref<1x64x16384xf32, #tpu.memory_space<vmem>>, vector<1x64x128xf32>
    %swap3A_586 = vector.shape_cast %swap3A_585 : vector<1x64x128xf32> to vector<64x128xf32>
    %swap3A_587 = vector.shape_cast %dot_general3A_581 : vector<64x128xf32> to vector<1x64x128xf32>
    tpu.vector_store %arg3[%swap3A_582, %swap3A_583, %swap3A_584], %swap3A_587 {strides = array<i32>} : memref<1x64x16384xf32, #tpu.memory_space<vmem>>, vector<1x64x128xf32>,
    %get3A_588 = arith.constant 0 : index
    %get3A_589 = arith.constant 0 : index
    %get3A_590 = arith.constant 42 : index
    %get3A_591 = arith.constant 0 : index
    %get3A_592 = vector.load %arg1[%get3A_588, %get3A_589, %get3A_590, %get3A_591] : memref<1x16x128x128xf32, #tpu.memory_space<vmem>>, vector<1x16x1x128xf32>
    %get3A_593 = vector.shape_cast %get3A_592 : vector<1x16x1x128xf32> to vector<16x128xf32>
    %dot_general3A_594 = arith.constant dense<0.000000e+00> : vector<64x128xf32>
    %dot_general3A_595 = tpu.matmul %get3A_1, %get3A_593, %dot_general3A_594 {dimension_numbers = #tpu.dot_dimension_numbers<[1], [0], [0], [1], [0, 0, 1, 1], [], []>, transpose_lhs_hint = false} : vector<64x16xf32>, vector<16x128xf32>, vector<64x128xf32> -> vector<64x128xf32>
    %swap3A_596 = arith.constant 0 : index
    %swap3A_597 = arith.constant 0 : index
    %swap3A_598 = arith.constant 5376 : index
    %swap3A_599 = vector.load %arg3[%swap3A_596, %swap3A_597, %swap3A_598] : memref<1x64x16384xf32, #tpu.memory_space<vmem>>, vector<1x64x128xf32>
    %swap3A_600 = vector.shape_cast %swap3A_599 : vector<1x64x128xf32> to vector<64x128xf32>
    %swap3A_601 = vector.shape_cast %dot_general3A_595 : vector<64x128xf32> to vector<1x64x128xf32>
    tpu.vector_store %arg3[%swap3A_596, %swap3A_597, %swap3A_598], %swap3A_601 {strides = array<i32>} : memref<1x64x16384xf32, #tpu.memory_space<vmem>>, vector<1x64x128xf32>,
    %get3A_602 = arith.constant 0 : index
    %get3A_603 = arith.constant 0 : index
    %get3A_604 = arith.constant 43 : index
    %get3A_605 = arith.constant 0 : index
    %get3A_606 = vector.load %arg1[%get3A_602, %get3A_603, %get3A_604, %get3A_605] : memref<1x16x128x128xf32, #tpu.memory_space<vmem>>, vector<1x16x1x128xf32>
    %get3A_607 = vector.shape_cast %get3A_606 : vector<1x16x1x128xf32> to vector<16x128xf32>
    %dot_general3A_608 = arith.constant dense<0.000000e+00> : vector<64x128xf32>
    %dot_general3A_609 = tpu.matmul %get3A_1, %get3A_607, %dot_general3A_608 {dimension_numbers = #tpu.dot_dimension_numbers<[1], [0], [0], [1], [0, 0, 1, 1], [], []>, transpose_lhs_hint = false} : vector<64x16xf32>, vector<16x128xf32>, vector<64x128xf32> -> vector<64x128xf32>
    %swap3A_610 = arith.constant 0 : index
    %swap3A_611 = arith.constant 0 : index
    %swap3A_612 = arith.constant 5504 : index
    %swap3A_613 = vector.load %arg3[%swap3A_610, %swap3A_611, %swap3A_612] : memref<1x64x16384xf32, #tpu.memory_space<vmem>>, vector<1x64x128xf32>
    %swap3A_614 = vector.shape_cast %swap3A_613 : vector<1x64x128xf32> to vector<64x128xf32>
    %swap3A_615 = vector.shape_cast %dot_general3A_609 : vector<64x128xf32> to vector<1x64x128xf32>
    tpu.vector_store %arg3[%swap3A_610, %swap3A_611, %swap3A_612], %swap3A_615 {strides = array<i32>} : memref<1x64x16384xf32, #tpu.memory_space<vmem>>, vector<1x64x128xf32>,
    %get3A_616 = arith.constant 0 : index
    %get3A_617 = arith.constant 0 : index
    %get3A_618 = arith.constant 44 : index
    %get3A_619 = arith.constant 0 : index
    %get3A_620 = vector.load %arg1[%get3A_616, %get3A_617, %get3A_618, %get3A_619] : memref<1x16x128x128xf32, #tpu.memory_space<vmem>>, vector<1x16x1x128xf32>
    %get3A_621 = vector.shape_cast %get3A_620 : vector<1x16x1x128xf32> to vector<16x128xf32>
    %dot_general3A_622 = arith.constant dense<0.000000e+00> : vector<64x128xf32>
    %dot_general3A_623 = tpu.matmul %get3A_1, %get3A_621, %dot_general3A_622 {dimension_numbers = #tpu.dot_dimension_numbers<[1], [0], [0], [1], [0, 0, 1, 1], [], []>, transpose_lhs_hint = false} : vector<64x16xf32>, vector<16x128xf32>, vector<64x128xf32> -> vector<64x128xf32>
    %swap3A_624 = arith.constant 0 : index
    %swap3A_625 = arith.constant 0 : index
    %swap3A_626 = arith.constant 5632 : index
    %swap3A_627 = vector.load %arg3[%swap3A_624, %swap3A_625, %swap3A_626] : memref<1x64x16384xf32, #tpu.memory_space<vmem>>, vector<1x64x128xf32>
    %swap3A_628 = vector.shape_cast %swap3A_627 : vector<1x64x128xf32> to vector<64x128xf32>
    %swap3A_629 = vector.shape_cast %dot_general3A_623 : vector<64x128xf32> to vector<1x64x128xf32>
    tpu.vector_store %arg3[%swap3A_624, %swap3A_625, %swap3A_626], %swap3A_629 {strides = array<i32>} : memref<1x64x16384xf32, #tpu.memory_space<vmem>>, vector<1x64x128xf32>,
    %get3A_630 = arith.constant 0 : index
    %get3A_631 = arith.constant 0 : index
    %get3A_632 = arith.constant 45 : index
    %get3A_633 = arith.constant 0 : index
    %get3A_634 = vector.load %arg1[%get3A_630, %get3A_631, %get3A_632, %get3A_633] : memref<1x16x128x128xf32, #tpu.memory_space<vmem>>, vector<1x16x1x128xf32>
    %get3A_635 = vector.shape_cast %get3A_634 : vector<1x16x1x128xf32> to vector<16x128xf32>
    %dot_general3A_636 = arith.constant dense<0.000000e+00> : vector<64x128xf32>
    %dot_general3A_637 = tpu.matmul %get3A_1, %get3A_635, %dot_general3A_636 {dimension_numbers = #tpu.dot_dimension_numbers<[1], [0], [0], [1], [0, 0, 1, 1], [], []>, transpose_lhs_hint = false} : vector<64x16xf32>, vector<16x128xf32>, vector<64x128xf32> -> vector<64x128xf32>
    %swap3A_638 = arith.constant 0 : index
    %swap3A_639 = arith.constant 0 : index
    %swap3A_640 = arith.constant 5760 : index
    %swap3A_641 = vector.load %arg3[%swap3A_638, %swap3A_639, %swap3A_640] : memref<1x64x16384xf32, #tpu.memory_space<vmem>>, vector<1x64x128xf32>
    %swap3A_642 = vector.shape_cast %swap3A_641 : vector<1x64x128xf32> to vector<64x128xf32>
    %swap3A_643 = vector.shape_cast %dot_general3A_637 : vector<64x128xf32> to vector<1x64x128xf32>
    tpu.vector_store %arg3[%swap3A_638, %swap3A_639, %swap3A_640], %swap3A_643 {strides = array<i32>} : memref<1x64x16384xf32, #tpu.memory_space<vmem>>, vector<1x64x128xf32>,
    %get3A_644 = arith.constant 0 : index
    %get3A_645 = arith.constant 0 : index
    %get3A_646 = arith.constant 46 : index
    %get3A_647 = arith.constant 0 : index
    %get3A_648 = vector.load %arg1[%get3A_644, %get3A_645, %get3A_646, %get3A_647] : memref<1x16x128x128xf32, #tpu.memory_space<vmem>>, vector<1x16x1x128xf32>
    %get3A_649 = vector.shape_cast %get3A_648 : vector<1x16x1x128xf32> to vector<16x128xf32>
    %dot_general3A_650 = arith.constant dense<0.000000e+00> : vector<64x128xf32>
    %dot_general3A_651 = tpu.matmul %get3A_1, %get3A_649, %dot_general3A_650 {dimension_numbers = #tpu.dot_dimension_numbers<[1], [0], [0], [1], [0, 0, 1, 1], [], []>, transpose_lhs_hint = false} : vector<64x16xf32>, vector<16x128xf32>, vector<64x128xf32> -> vector<64x128xf32>
    %swap3A_652 = arith.constant 0 : index
    %swap3A_653 = arith.constant 0 : index
    %swap3A_654 = arith.constant 5888 : index
    %swap3A_655 = vector.load %arg3[%swap3A_652, %swap3A_653, %swap3A_654] : memref<1x64x16384xf32, #tpu.memory_space<vmem>>, vector<1x64x128xf32>
    %swap3A_656 = vector.shape_cast %swap3A_655 : vector<1x64x128xf32> to vector<64x128xf32>
    %swap3A_657 = vector.shape_cast %dot_general3A_651 : vector<64x128xf32> to vector<1x64x128xf32>
    tpu.vector_store %arg3[%swap3A_652, %swap3A_653, %swap3A_654], %swap3A_657 {strides = array<i32>} : memref<1x64x16384xf32, #tpu.memory_space<vmem>>, vector<1x64x128xf32>,
    %get3A_658 = arith.constant 0 : index
    %get3A_659 = arith.constant 0 : index
    %get3A_660 = arith.constant 47 : index
    %get3A_661 = arith.constant 0 : index
    %get3A_662 = vector.load %arg1[%get3A_658, %get3A_659, %get3A_660, %get3A_661] : memref<1x16x128x128xf32, #tpu.memory_space<vmem>>, vector<1x16x1x128xf32>
    %get3A_663 = vector.shape_cast %get3A_662 : vector<1x16x1x128xf32> to vector<16x128xf32>
    %dot_general3A_664 = arith.constant dense<0.000000e+00> : vector<64x128xf32>
    %dot_general3A_665 = tpu.matmul %get3A_1, %get3A_663, %dot_general3A_664 {dimension_numbers = #tpu.dot_dimension_numbers<[1], [0], [0], [1], [0, 0, 1, 1], [], []>, transpose_lhs_hint = false} : vector<64x16xf32>, vector<16x128xf32>, vector<64x128xf32> -> vector<64x128xf32>
    %swap3A_666 = arith.constant 0 : index
    %swap3A_667 = arith.constant 0 : index
    %swap3A_668 = arith.constant 6016 : index
    %swap3A_669 = vector.load %arg3[%swap3A_666, %swap3A_667, %swap3A_668] : memref<1x64x16384xf32, #tpu.memory_space<vmem>>, vector<1x64x128xf32>
    %swap3A_670 = vector.shape_cast %swap3A_669 : vector<1x64x128xf32> to vector<64x128xf32>
    %swap3A_671 = vector.shape_cast %dot_general3A_665 : vector<64x128xf32> to vector<1x64x128xf32>
    tpu.vector_store %arg3[%swap3A_666, %swap3A_667, %swap3A_668], %swap3A_671 {strides = array<i32>} : memref<1x64x16384xf32, #tpu.memory_space<vmem>>, vector<1x64x128xf32>,
    %get3A_672 = arith.constant 0 : index
    %get3A_673 = arith.constant 0 : index
    %get3A_674 = arith.constant 48 : index
    %get3A_675 = arith.constant 0 : index
    %get3A_676 = vector.load %arg1[%get3A_672, %get3A_673, %get3A_674, %get3A_675] : memref<1x16x128x128xf32, #tpu.memory_space<vmem>>, vector<1x16x1x128xf32>
    %get3A_677 = vector.shape_cast %get3A_676 : vector<1x16x1x128xf32> to vector<16x128xf32>
    %dot_general3A_678 = arith.constant dense<0.000000e+00> : vector<64x128xf32>
    %dot_general3A_679 = tpu.matmul %get3A_1, %get3A_677, %dot_general3A_678 {dimension_numbers = #tpu.dot_dimension_numbers<[1], [0], [0], [1], [0, 0, 1, 1], [], []>, transpose_lhs_hint = false} : vector<64x16xf32>, vector<16x128xf32>, vector<64x128xf32> -> vector<64x128xf32>
    %swap3A_680 = arith.constant 0 : index
    %swap3A_681 = arith.constant 0 : index
    %swap3A_682 = arith.constant 6144 : index
    %swap3A_683 = vector.load %arg3[%swap3A_680, %swap3A_681, %swap3A_682] : memref<1x64x16384xf32, #tpu.memory_space<vmem>>, vector<1x64x128xf32>
    %swap3A_684 = vector.shape_cast %swap3A_683 : vector<1x64x128xf32> to vector<64x128xf32>
    %swap3A_685 = vector.shape_cast %dot_general3A_679 : vector<64x128xf32> to vector<1x64x128xf32>
    tpu.vector_store %arg3[%swap3A_680, %swap3A_681, %swap3A_682], %swap3A_685 {strides = array<i32>} : memref<1x64x16384xf32, #tpu.memory_space<vmem>>, vector<1x64x128xf32>,
    %get3A_686 = arith.constant 0 : index
    %get3A_687 = arith.constant 0 : index
    %get3A_688 = arith.constant 49 : index
    %get3A_689 = arith.constant 0 : index
    %get3A_690 = vector.load %arg1[%get3A_686, %get3A_687, %get3A_688, %get3A_689] : memref<1x16x128x128xf32, #tpu.memory_space<vmem>>, vector<1x16x1x128xf32>
    %get3A_691 = vector.shape_cast %get3A_690 : vector<1x16x1x128xf32> to vector<16x128xf32>
    %dot_general3A_692 = arith.constant dense<0.000000e+00> : vector<64x128xf32>
    %dot_general3A_693 = tpu.matmul %get3A_1, %get3A_691, %dot_general3A_692 {dimension_numbers = #tpu.dot_dimension_numbers<[1], [0], [0], [1], [0, 0, 1, 1], [], []>, transpose_lhs_hint = false} : vector<64x16xf32>, vector<16x128xf32>, vector<64x128xf32> -> vector<64x128xf32>
    %swap3A_694 = arith.constant 0 : index
    %swap3A_695 = arith.constant 0 : index
    %swap3A_696 = arith.constant 6272 : index
    %swap3A_697 = vector.load %arg3[%swap3A_694, %swap3A_695, %swap3A_696] : memref<1x64x16384xf32, #tpu.memory_space<vmem>>, vector<1x64x128xf32>
    %swap3A_698 = vector.shape_cast %swap3A_697 : vector<1x64x128xf32> to vector<64x128xf32>
    %swap3A_699 = vector.shape_cast %dot_general3A_693 : vector<64x128xf32> to vector<1x64x128xf32>
    tpu.vector_store %arg3[%swap3A_694, %swap3A_695, %swap3A_696], %swap3A_699 {strides = array<i32>} : memref<1x64x16384xf32, #tpu.memory_space<vmem>>, vector<1x64x128xf32>,
    %get3A_700 = arith.constant 0 : index
    %get3A_701 = arith.constant 0 : index
    %get3A_702 = arith.constant 50 : index
    %get3A_703 = arith.constant 0 : index
    %get3A_704 = vector.load %arg1[%get3A_700, %get3A_701, %get3A_702, %get3A_703] : memref<1x16x128x128xf32, #tpu.memory_space<vmem>>, vector<1x16x1x128xf32>
    %get3A_705 = vector.shape_cast %get3A_704 : vector<1x16x1x128xf32> to vector<16x128xf32>
    %dot_general3A_706 = arith.constant dense<0.000000e+00> : vector<64x128xf32>
    %dot_general3A_707 = tpu.matmul %get3A_1, %get3A_705, %dot_general3A_706 {dimension_numbers = #tpu.dot_dimension_numbers<[1], [0], [0], [1], [0, 0, 1, 1], [], []>, transpose_lhs_hint = false} : vector<64x16xf32>, vector<16x128xf32>, vector<64x128xf32> -> vector<64x128xf32>
    %swap3A_708 = arith.constant 0 : index
    %swap3A_709 = arith.constant 0 : index
    %swap3A_710 = arith.constant 6400 : index
    %swap3A_711 = vector.load %arg3[%swap3A_708, %swap3A_709, %swap3A_710] : memref<1x64x16384xf32, #tpu.memory_space<vmem>>, vector<1x64x128xf32>
    %swap3A_712 = vector.shape_cast %swap3A_711 : vector<1x64x128xf32> to vector<64x128xf32>
    %swap3A_713 = vector.shape_cast %dot_general3A_707 : vector<64x128xf32> to vector<1x64x128xf32>
    tpu.vector_store %arg3[%swap3A_708, %swap3A_709, %swap3A_710], %swap3A_713 {strides = array<i32>} : memref<1x64x16384xf32, #tpu.memory_space<vmem>>, vector<1x64x128xf32>,
    %get3A_714 = arith.constant 0 : index
    %get3A_715 = arith.constant 0 : index
    %get3A_716 = arith.constant 51 : index
    %get3A_717 = arith.constant 0 : index
    %get3A_718 = vector.load %arg1[%get3A_714, %get3A_715, %get3A_716, %get3A_717] : memref<1x16x128x128xf32, #tpu.memory_space<vmem>>, vector<1x16x1x128xf32>
    %get3A_719 = vector.shape_cast %get3A_718 : vector<1x16x1x128xf32> to vector<16x128xf32>
    %dot_general3A_720 = arith.constant dense<0.000000e+00> : vector<64x128xf32>
    %dot_general3A_721 = tpu.matmul %get3A_1, %get3A_719, %dot_general3A_720 {dimension_numbers = #tpu.dot_dimension_numbers<[1], [0], [0], [1], [0, 0, 1, 1], [], []>, transpose_lhs_hint = false} : vector<64x16xf32>, vector<16x128xf32>, vector<64x128xf32> -> vector<64x128xf32>
    %swap3A_722 = arith.constant 0 : index
    %swap3A_723 = arith.constant 0 : index
    %swap3A_724 = arith.constant 6528 : index
    %swap3A_725 = vector.load %arg3[%swap3A_722, %swap3A_723, %swap3A_724] : memref<1x64x16384xf32, #tpu.memory_space<vmem>>, vector<1x64x128xf32>
    %swap3A_726 = vector.shape_cast %swap3A_725 : vector<1x64x128xf32> to vector<64x128xf32>
    %swap3A_727 = vector.shape_cast %dot_general3A_721 : vector<64x128xf32> to vector<1x64x128xf32>
    tpu.vector_store %arg3[%swap3A_722, %swap3A_723, %swap3A_724], %swap3A_727 {strides = array<i32>} : memref<1x64x16384xf32, #tpu.memory_space<vmem>>, vector<1x64x128xf32>,
    %get3A_728 = arith.constant 0 : index
    %get3A_729 = arith.constant 0 : index
    %get3A_730 = arith.constant 52 : index
    %get3A_731 = arith.constant 0 : index
    %get3A_732 = vector.load %arg1[%get3A_728, %get3A_729, %get3A_730, %get3A_731] : memref<1x16x128x128xf32, #tpu.memory_space<vmem>>, vector<1x16x1x128xf32>
    %get3A_733 = vector.shape_cast %get3A_732 : vector<1x16x1x128xf32> to vector<16x128xf32>
    %dot_general3A_734 = arith.constant dense<0.000000e+00> : vector<64x128xf32>
    %dot_general3A_735 = tpu.matmul %get3A_1, %get3A_733, %dot_general3A_734 {dimension_numbers = #tpu.dot_dimension_numbers<[1], [0], [0], [1], [0, 0, 1, 1], [], []>, transpose_lhs_hint = false} : vector<64x16xf32>, vector<16x128xf32>, vector<64x128xf32> -> vector<64x128xf32>
    %swap3A_736 = arith.constant 0 : index
    %swap3A_737 = arith.constant 0 : index
    %swap3A_738 = arith.constant 6656 : index
    %swap3A_739 = vector.load %arg3[%swap3A_736, %swap3A_737, %swap3A_738] : memref<1x64x16384xf32, #tpu.memory_space<vmem>>, vector<1x64x128xf32>
    %swap3A_740 = vector.shape_cast %swap3A_739 : vector<1x64x128xf32> to vector<64x128xf32>
    %swap3A_741 = vector.shape_cast %dot_general3A_735 : vector<64x128xf32> to vector<1x64x128xf32>
    tpu.vector_store %arg3[%swap3A_736, %swap3A_737, %swap3A_738], %swap3A_741 {strides = array<i32>} : memref<1x64x16384xf32, #tpu.memory_space<vmem>>, vector<1x64x128xf32>,
    %get3A_742 = arith.constant 0 : index
    %get3A_743 = arith.constant 0 : index
    %get3A_744 = arith.constant 53 : index
    %get3A_745 = arith.constant 0 : index
    %get3A_746 = vector.load %arg1[%get3A_742, %get3A_743, %get3A_744, %get3A_745] : memref<1x16x128x128xf32, #tpu.memory_space<vmem>>, vector<1x16x1x128xf32>
    %get3A_747 = vector.shape_cast %get3A_746 : vector<1x16x1x128xf32> to vector<16x128xf32>
    %dot_general3A_748 = arith.constant dense<0.000000e+00> : vector<64x128xf32>
    %dot_general3A_749 = tpu.matmul %get3A_1, %get3A_747, %dot_general3A_748 {dimension_numbers = #tpu.dot_dimension_numbers<[1], [0], [0], [1], [0, 0, 1, 1], [], []>, transpose_lhs_hint = false} : vector<64x16xf32>, vector<16x128xf32>, vector<64x128xf32> -> vector<64x128xf32>
    %swap3A_750 = arith.constant 0 : index
    %swap3A_751 = arith.constant 0 : index
    %swap3A_752 = arith.constant 6784 : index
    %swap3A_753 = vector.load %arg3[%swap3A_750, %swap3A_751, %swap3A_752] : memref<1x64x16384xf32, #tpu.memory_space<vmem>>, vector<1x64x128xf32>
    %swap3A_754 = vector.shape_cast %swap3A_753 : vector<1x64x128xf32> to vector<64x128xf32>
    %swap3A_755 = vector.shape_cast %dot_general3A_749 : vector<64x128xf32> to vector<1x64x128xf32>
    tpu.vector_store %arg3[%swap3A_750, %swap3A_751, %swap3A_752], %swap3A_755 {strides = array<i32>} : memref<1x64x16384xf32, #tpu.memory_space<vmem>>, vector<1x64x128xf32>,
    %get3A_756 = arith.constant 0 : index
    %get3A_757 = arith.constant 0 : index
    %get3A_758 = arith.constant 54 : index
    %get3A_759 = arith.constant 0 : index
    %get3A_760 = vector.load %arg1[%get3A_756, %get3A_757, %get3A_758, %get3A_759] : memref<1x16x128x128xf32, #tpu.memory_space<vmem>>, vector<1x16x1x128xf32>
    %get3A_761 = vector.shape_cast %get3A_760 : vector<1x16x1x128xf32> to vector<16x128xf32>
    %dot_general3A_762 = arith.constant dense<0.000000e+00> : vector<64x128xf32>
    %dot_general3A_763 = tpu.matmul %get3A_1, %get3A_761, %dot_general3A_762 {dimension_numbers = #tpu.dot_dimension_numbers<[1], [0], [0], [1], [0, 0, 1, 1], [], []>, transpose_lhs_hint = false} : vector<64x16xf32>, vector<16x128xf32>, vector<64x128xf32> -> vector<64x128xf32>
    %swap3A_764 = arith.constant 0 : index
    %swap3A_765 = arith.constant 0 : index
    %swap3A_766 = arith.constant 6912 : index
    %swap3A_767 = vector.load %arg3[%swap3A_764, %swap3A_765, %swap3A_766] : memref<1x64x16384xf32, #tpu.memory_space<vmem>>, vector<1x64x128xf32>
    %swap3A_768 = vector.shape_cast %swap3A_767 : vector<1x64x128xf32> to vector<64x128xf32>
    %swap3A_769 = vector.shape_cast %dot_general3A_763 : vector<64x128xf32> to vector<1x64x128xf32>
    tpu.vector_store %arg3[%swap3A_764, %swap3A_765, %swap3A_766], %swap3A_769 {strides = array<i32>} : memref<1x64x16384xf32, #tpu.memory_space<vmem>>, vector<1x64x128xf32>,
    %get3A_770 = arith.constant 0 : index
    %get3A_771 = arith.constant 0 : index
    %get3A_772 = arith.constant 55 : index
    %get3A_773 = arith.constant 0 : index
    %get3A_774 = vector.load %arg1[%get3A_770, %get3A_771, %get3A_772, %get3A_773] : memref<1x16x128x128xf32, #tpu.memory_space<vmem>>, vector<1x16x1x128xf32>
    %get3A_775 = vector.shape_cast %get3A_774 : vector<1x16x1x128xf32> to vector<16x128xf32>
    %dot_general3A_776 = arith.constant dense<0.000000e+00> : vector<64x128xf32>
    %dot_general3A_777 = tpu.matmul %get3A_1, %get3A_775, %dot_general3A_776 {dimension_numbers = #tpu.dot_dimension_numbers<[1], [0], [0], [1], [0, 0, 1, 1], [], []>, transpose_lhs_hint = false} : vector<64x16xf32>, vector<16x128xf32>, vector<64x128xf32> -> vector<64x128xf32>
    %swap3A_778 = arith.constant 0 : index
    %swap3A_779 = arith.constant 0 : index
    %swap3A_780 = arith.constant 7040 : index
    %swap3A_781 = vector.load %arg3[%swap3A_778, %swap3A_779, %swap3A_780] : memref<1x64x16384xf32, #tpu.memory_space<vmem>>, vector<1x64x128xf32>
    %swap3A_782 = vector.shape_cast %swap3A_781 : vector<1x64x128xf32> to vector<64x128xf32>
    %swap3A_783 = vector.shape_cast %dot_general3A_777 : vector<64x128xf32> to vector<1x64x128xf32>
    tpu.vector_store %arg3[%swap3A_778, %swap3A_779, %swap3A_780], %swap3A_783 {strides = array<i32>} : memref<1x64x16384xf32, #tpu.memory_space<vmem>>, vector<1x64x128xf32>,
    %get3A_784 = arith.constant 0 : index
    %get3A_785 = arith.constant 0 : index
    %get3A_786 = arith.constant 56 : index
    %get3A_787 = arith.constant 0 : index
    %get3A_788 = vector.load %arg1[%get3A_784, %get3A_785, %get3A_786, %get3A_787] : memref<1x16x128x128xf32, #tpu.memory_space<vmem>>, vector<1x16x1x128xf32>
    %get3A_789 = vector.shape_cast %get3A_788 : vector<1x16x1x128xf32> to vector<16x128xf32>
    %dot_general3A_790 = arith.constant dense<0.000000e+00> : vector<64x128xf32>
    %dot_general3A_791 = tpu.matmul %get3A_1, %get3A_789, %dot_general3A_790 {dimension_numbers = #tpu.dot_dimension_numbers<[1], [0], [0], [1], [0, 0, 1, 1], [], []>, transpose_lhs_hint = false} : vector<64x16xf32>, vector<16x128xf32>, vector<64x128xf32> -> vector<64x128xf32>
    %swap3A_792 = arith.constant 0 : index
    %swap3A_793 = arith.constant 0 : index
    %swap3A_794 = arith.constant 7168 : index
    %swap3A_795 = vector.load %arg3[%swap3A_792, %swap3A_793, %swap3A_794] : memref<1x64x16384xf32, #tpu.memory_space<vmem>>, vector<1x64x128xf32>
    %swap3A_796 = vector.shape_cast %swap3A_795 : vector<1x64x128xf32> to vector<64x128xf32>
    %swap3A_797 = vector.shape_cast %dot_general3A_791 : vector<64x128xf32> to vector<1x64x128xf32>
    tpu.vector_store %arg3[%swap3A_792, %swap3A_793, %swap3A_794], %swap3A_797 {strides = array<i32>} : memref<1x64x16384xf32, #tpu.memory_space<vmem>>, vector<1x64x128xf32>,
    %get3A_798 = arith.constant 0 : index
    %get3A_799 = arith.constant 0 : index
    %get3A_800 = arith.constant 57 : index
    %get3A_801 = arith.constant 0 : index
    %get3A_802 = vector.load %arg1[%get3A_798, %get3A_799, %get3A_800, %get3A_801] : memref<1x16x128x128xf32, #tpu.memory_space<vmem>>, vector<1x16x1x128xf32>
    %get3A_803 = vector.shape_cast %get3A_802 : vector<1x16x1x128xf32> to vector<16x128xf32>
    %dot_general3A_804 = arith.constant dense<0.000000e+00> : vector<64x128xf32>
    %dot_general3A_805 = tpu.matmul %get3A_1, %get3A_803, %dot_general3A_804 {dimension_numbers = #tpu.dot_dimension_numbers<[1], [0], [0], [1], [0, 0, 1, 1], [], []>, transpose_lhs_hint = false} : vector<64x16xf32>, vector<16x128xf32>, vector<64x128xf32> -> vector<64x128xf32>
    %swap3A_806 = arith.constant 0 : index
    %swap3A_807 = arith.constant 0 : index
    %swap3A_808 = arith.constant 7296 : index
    %swap3A_809 = vector.load %arg3[%swap3A_806, %swap3A_807, %swap3A_808] : memref<1x64x16384xf32, #tpu.memory_space<vmem>>, vector<1x64x128xf32>
    %swap3A_810 = vector.shape_cast %swap3A_809 : vector<1x64x128xf32> to vector<64x128xf32>
    %swap3A_811 = vector.shape_cast %dot_general3A_805 : vector<64x128xf32> to vector<1x64x128xf32>
    tpu.vector_store %arg3[%swap3A_806, %swap3A_807, %swap3A_808], %swap3A_811 {strides = array<i32>} : memref<1x64x16384xf32, #tpu.memory_space<vmem>>, vector<1x64x128xf32>,
    %get3A_812 = arith.constant 0 : index
    %get3A_813 = arith.constant 0 : index
    %get3A_814 = arith.constant 58 : index
    %get3A_815 = arith.constant 0 : index
    %get3A_816 = vector.load %arg1[%get3A_812, %get3A_813, %get3A_814, %get3A_815] : memref<1x16x128x128xf32, #tpu.memory_space<vmem>>, vector<1x16x1x128xf32>
    %get3A_817 = vector.shape_cast %get3A_816 : vector<1x16x1x128xf32> to vector<16x128xf32>
    %dot_general3A_818 = arith.constant dense<0.000000e+00> : vector<64x128xf32>
    %dot_general3A_819 = tpu.matmul %get3A_1, %get3A_817, %dot_general3A_818 {dimension_numbers = #tpu.dot_dimension_numbers<[1], [0], [0], [1], [0, 0, 1, 1], [], []>, transpose_lhs_hint = false} : vector<64x16xf32>, vector<16x128xf32>, vector<64x128xf32> -> vector<64x128xf32>
    %swap3A_820 = arith.constant 0 : index
    %swap3A_821 = arith.constant 0 : index
    %swap3A_822 = arith.constant 7424 : index
    %swap3A_823 = vector.load %arg3[%swap3A_820, %swap3A_821, %swap3A_822] : memref<1x64x16384xf32, #tpu.memory_space<vmem>>, vector<1x64x128xf32>
    %swap3A_824 = vector.shape_cast %swap3A_823 : vector<1x64x128xf32> to vector<64x128xf32>
    %swap3A_825 = vector.shape_cast %dot_general3A_819 : vector<64x128xf32> to vector<1x64x128xf32>
    tpu.vector_store %arg3[%swap3A_820, %swap3A_821, %swap3A_822], %swap3A_825 {strides = array<i32>} : memref<1x64x16384xf32, #tpu.memory_space<vmem>>, vector<1x64x128xf32>,
    %get3A_826 = arith.constant 0 : index
    %get3A_827 = arith.constant 0 : index
    %get3A_828 = arith.constant 59 : index
    %get3A_829 = arith.constant 0 : index
    %get3A_830 = vector.load %arg1[%get3A_826, %get3A_827, %get3A_828, %get3A_829] : memref<1x16x128x128xf32, #tpu.memory_space<vmem>>, vector<1x16x1x128xf32>
    %get3A_831 = vector.shape_cast %get3A_830 : vector<1x16x1x128xf32> to vector<16x128xf32>
    %dot_general3A_832 = arith.constant dense<0.000000e+00> : vector<64x128xf32>
    %dot_general3A_833 = tpu.matmul %get3A_1, %get3A_831, %dot_general3A_832 {dimension_numbers = #tpu.dot_dimension_numbers<[1], [0], [0], [1], [0, 0, 1, 1], [], []>, transpose_lhs_hint = false} : vector<64x16xf32>, vector<16x128xf32>, vector<64x128xf32> -> vector<64x128xf32>
    %swap3A_834 = arith.constant 0 : index
    %swap3A_835 = arith.constant 0 : index
    %swap3A_836 = arith.constant 7552 : index
    %swap3A_837 = vector.load %arg3[%swap3A_834, %swap3A_835, %swap3A_836] : memref<1x64x16384xf32, #tpu.memory_space<vmem>>, vector<1x64x128xf32>
    %swap3A_838 = vector.shape_cast %swap3A_837 : vector<1x64x128xf32> to vector<64x128xf32>
    %swap3A_839 = vector.shape_cast %dot_general3A_833 : vector<64x128xf32> to vector<1x64x128xf32>
    tpu.vector_store %arg3[%swap3A_834, %swap3A_835, %swap3A_836], %swap3A_839 {strides = array<i32>} : memref<1x64x16384xf32, #tpu.memory_space<vmem>>, vector<1x64x128xf32>,
    %get3A_840 = arith.constant 0 : index
    %get3A_841 = arith.constant 0 : index
    %get3A_842 = arith.constant 60 : index
    %get3A_843 = arith.constant 0 : index
    %get3A_844 = vector.load %arg1[%get3A_840, %get3A_841, %get3A_842, %get3A_843] : memref<1x16x128x128xf32, #tpu.memory_space<vmem>>, vector<1x16x1x128xf32>
    %get3A_845 = vector.shape_cast %get3A_844 : vector<1x16x1x128xf32> to vector<16x128xf32>
    %dot_general3A_846 = arith.constant dense<0.000000e+00> : vector<64x128xf32>
    %dot_general3A_847 = tpu.matmul %get3A_1, %get3A_845, %dot_general3A_846 {dimension_numbers = #tpu.dot_dimension_numbers<[1], [0], [0], [1], [0, 0, 1, 1], [], []>, transpose_lhs_hint = false} : vector<64x16xf32>, vector<16x128xf32>, vector<64x128xf32> -> vector<64x128xf32>
    %swap3A_848 = arith.constant 0 : index
    %swap3A_849 = arith.constant 0 : index
    %swap3A_850 = arith.constant 7680 : index
    %swap3A_851 = vector.load %arg3[%swap3A_848, %swap3A_849, %swap3A_850] : memref<1x64x16384xf32, #tpu.memory_space<vmem>>, vector<1x64x128xf32>
    %swap3A_852 = vector.shape_cast %swap3A_851 : vector<1x64x128xf32> to vector<64x128xf32>
    %swap3A_853 = vector.shape_cast %dot_general3A_847 : vector<64x128xf32> to vector<1x64x128xf32>
    tpu.vector_store %arg3[%swap3A_848, %swap3A_849, %swap3A_850], %swap3A_853 {strides = array<i32>} : memref<1x64x16384xf32, #tpu.memory_space<vmem>>, vector<1x64x128xf32>,
    %get3A_854 = arith.constant 0 : index
    %get3A_855 = arith.constant 0 : index
    %get3A_856 = arith.constant 61 : index
    %get3A_857 = arith.constant 0 : index
    %get3A_858 = vector.load %arg1[%get3A_854, %get3A_855, %get3A_856, %get3A_857] : memref<1x16x128x128xf32, #tpu.memory_space<vmem>>, vector<1x16x1x128xf32>
    %get3A_859 = vector.shape_cast %get3A_858 : vector<1x16x1x128xf32> to vector<16x128xf32>
    %dot_general3A_860 = arith.constant dense<0.000000e+00> : vector<64x128xf32>
    %dot_general3A_861 = tpu.matmul %get3A_1, %get3A_859, %dot_general3A_860 {dimension_numbers = #tpu.dot_dimension_numbers<[1], [0], [0], [1], [0, 0, 1, 1], [], []>, transpose_lhs_hint = false} : vector<64x16xf32>, vector<16x128xf32>, vector<64x128xf32> -> vector<64x128xf32>
    %swap3A_862 = arith.constant 0 : index
    %swap3A_863 = arith.constant 0 : index
    %swap3A_864 = arith.constant 7808 : index
    %swap3A_865 = vector.load %arg3[%swap3A_862, %swap3A_863, %swap3A_864] : memref<1x64x16384xf32, #tpu.memory_space<vmem>>, vector<1x64x128xf32>
    %swap3A_866 = vector.shape_cast %swap3A_865 : vector<1x64x128xf32> to vector<64x128xf32>
    %swap3A_867 = vector.shape_cast %dot_general3A_861 : vector<64x128xf32> to vector<1x64x128xf32>
    tpu.vector_store %arg3[%swap3A_862, %swap3A_863, %swap3A_864], %swap3A_867 {strides = array<i32>} : memref<1x64x16384xf32, #tpu.memory_space<vmem>>, vector<1x64x128xf32>,
    %get3A_868 = arith.constant 0 : index
    %get3A_869 = arith.constant 0 : index
    %get3A_870 = arith.constant 62 : index
    %get3A_871 = arith.constant 0 : index
    %get3A_872 = vector.load %arg1[%get3A_868, %get3A_869, %get3A_870, %get3A_871] : memref<1x16x128x128xf32, #tpu.memory_space<vmem>>, vector<1x16x1x128xf32>
    %get3A_873 = vector.shape_cast %get3A_872 : vector<1x16x1x128xf32> to vector<16x128xf32>
    %dot_general3A_874 = arith.constant dense<0.000000e+00> : vector<64x128xf32>
    %dot_general3A_875 = tpu.matmul %get3A_1, %get3A_873, %dot_general3A_874 {dimension_numbers = #tpu.dot_dimension_numbers<[1], [0], [0], [1], [0, 0, 1, 1], [], []>, transpose_lhs_hint = false} : vector<64x16xf32>, vector<16x128xf32>, vector<64x128xf32> -> vector<64x128xf32>
    %swap3A_876 = arith.constant 0 : index
    %swap3A_877 = arith.constant 0 : index
    %swap3A_878 = arith.constant 7936 : index
    %swap3A_879 = vector.load %arg3[%swap3A_876, %swap3A_877, %swap3A_878] : memref<1x64x16384xf32, #tpu.memory_space<vmem>>, vector<1x64x128xf32>
    %swap3A_880 = vector.shape_cast %swap3A_879 : vector<1x64x128xf32> to vector<64x128xf32>
    %swap3A_881 = vector.shape_cast %dot_general3A_875 : vector<64x128xf32> to vector<1x64x128xf32>
    tpu.vector_store %arg3[%swap3A_876, %swap3A_877, %swap3A_878], %swap3A_881 {strides = array<i32>} : memref<1x64x16384xf32, #tpu.memory_space<vmem>>, vector<1x64x128xf32>,
    %get3A_882 = arith.constant 0 : index
    %get3A_883 = arith.constant 0 : index
    %get3A_884 = arith.constant 63 : index
    %get3A_885 = arith.constant 0 : index
    %get3A_886 = vector.load %arg1[%get3A_882, %get3A_883, %get3A_884, %get3A_885] : memref<1x16x128x128xf32, #tpu.memory_space<vmem>>, vector<1x16x1x128xf32>
    %get3A_887 = vector.shape_cast %get3A_886 : vector<1x16x1x128xf32> to vector<16x128xf32>
    %dot_general3A_888 = arith.constant dense<0.000000e+00> : vector<64x128xf32>
    %dot_general3A_889 = tpu.matmul %get3A_1, %get3A_887, %dot_general3A_888 {dimension_numbers = #tpu.dot_dimension_numbers<[1], [0], [0], [1], [0, 0, 1, 1], [], []>, transpose_lhs_hint = false} : vector<64x16xf32>, vector<16x128xf32>, vector<64x128xf32> -> vector<64x128xf32>
    %swap3A_890 = arith.constant 0 : index
    %swap3A_891 = arith.constant 0 : index
    %swap3A_892 = arith.constant 8064 : index
    %swap3A_893 = vector.load %arg3[%swap3A_890, %swap3A_891, %swap3A_892] : memref<1x64x16384xf32, #tpu.memory_space<vmem>>, vector<1x64x128xf32>
    %swap3A_894 = vector.shape_cast %swap3A_893 : vector<1x64x128xf32> to vector<64x128xf32>
    %swap3A_895 = vector.shape_cast %dot_general3A_889 : vector<64x128xf32> to vector<1x64x128xf32>
    tpu.vector_store %arg3[%swap3A_890, %swap3A_891, %swap3A_892], %swap3A_895 {strides = array<i32>} : memref<1x64x16384xf32, #tpu.memory_space<vmem>>, vector<1x64x128xf32>,
    %get3A_896 = arith.constant 0 : index
    %get3A_897 = arith.constant 0 : index
    %get3A_898 = arith.constant 64 : index
    %get3A_899 = arith.constant 0 : index
    %get3A_900 = vector.load %arg1[%get3A_896, %get3A_897, %get3A_898, %get3A_899] : memref<1x16x128x128xf32, #tpu.memory_space<vmem>>, vector<1x16x1x128xf32>
    %get3A_901 = vector.shape_cast %get3A_900 : vector<1x16x1x128xf32> to vector<16x128xf32>
    %dot_general3A_902 = arith.constant dense<0.000000e+00> : vector<64x128xf32>
    %dot_general3A_903 = tpu.matmul %get3A_1, %get3A_901, %dot_general3A_902 {dimension_numbers = #tpu.dot_dimension_numbers<[1], [0], [0], [1], [0, 0, 1, 1], [], []>, transpose_lhs_hint = false} : vector<64x16xf32>, vector<16x128xf32>, vector<64x128xf32> -> vector<64x128xf32>
    %swap3A_904 = arith.constant 0 : index
    %swap3A_905 = arith.constant 0 : index
    %swap3A_906 = arith.constant 8192 : index
    %swap3A_907 = vector.load %arg3[%swap3A_904, %swap3A_905, %swap3A_906] : memref<1x64x16384xf32, #tpu.memory_space<vmem>>, vector<1x64x128xf32>
    %swap3A_908 = vector.shape_cast %swap3A_907 : vector<1x64x128xf32> to vector<64x128xf32>
    %swap3A_909 = vector.shape_cast %dot_general3A_903 : vector<64x128xf32> to vector<1x64x128xf32>
    tpu.vector_store %arg3[%swap3A_904, %swap3A_905, %swap3A_906], %swap3A_909 {strides = array<i32>} : memref<1x64x16384xf32, #tpu.memory_space<vmem>>, vector<1x64x128xf32>,
    %get3A_910 = arith.constant 0 : index
    %get3A_911 = arith.constant 0 : index
    %get3A_912 = arith.constant 65 : index
    %get3A_913 = arith.constant 0 : index
    %get3A_914 = vector.load %arg1[%get3A_910, %get3A_911, %get3A_912, %get3A_913] : memref<1x16x128x128xf32, #tpu.memory_space<vmem>>, vector<1x16x1x128xf32>
    %get3A_915 = vector.shape_cast %get3A_914 : vector<1x16x1x128xf32> to vector<16x128xf32>
    %dot_general3A_916 = arith.constant dense<0.000000e+00> : vector<64x128xf32>
    %dot_general3A_917 = tpu.matmul %get3A_1, %get3A_915, %dot_general3A_916 {dimension_numbers = #tpu.dot_dimension_numbers<[1], [0], [0], [1], [0, 0, 1, 1], [], []>, transpose_lhs_hint = false} : vector<64x16xf32>, vector<16x128xf32>, vector<64x128xf32> -> vector<64x128xf32>
    %swap3A_918 = arith.constant 0 : index
    %swap3A_919 = arith.constant 0 : index
    %swap3A_920 = arith.constant 8320 : index
    %swap3A_921 = vector.load %arg3[%swap3A_918, %swap3A_919, %swap3A_920] : memref<1x64x16384xf32, #tpu.memory_space<vmem>>, vector<1x64x128xf32>
    %swap3A_922 = vector.shape_cast %swap3A_921 : vector<1x64x128xf32> to vector<64x128xf32>
    %swap3A_923 = vector.shape_cast %dot_general3A_917 : vector<64x128xf32> to vector<1x64x128xf32>
    tpu.vector_store %arg3[%swap3A_918, %swap3A_919, %swap3A_920], %swap3A_923 {strides = array<i32>} : memref<1x64x16384xf32, #tpu.memory_space<vmem>>, vector<1x64x128xf32>,
    %get3A_924 = arith.constant 0 : index
    %get3A_925 = arith.constant 0 : index
    %get3A_926 = arith.constant 66 : index
    %get3A_927 = arith.constant 0 : index
    %get3A_928 = vector.load %arg1[%get3A_924, %get3A_925, %get3A_926, %get3A_927] : memref<1x16x128x128xf32, #tpu.memory_space<vmem>>, vector<1x16x1x128xf32>
    %get3A_929 = vector.shape_cast %get3A_928 : vector<1x16x1x128xf32> to vector<16x128xf32>
    %dot_general3A_930 = arith.constant dense<0.000000e+00> : vector<64x128xf32>
    %dot_general3A_931 = tpu.matmul %get3A_1, %get3A_929, %dot_general3A_930 {dimension_numbers = #tpu.dot_dimension_numbers<[1], [0], [0], [1], [0, 0, 1, 1], [], []>, transpose_lhs_hint = false} : vector<64x16xf32>, vector<16x128xf32>, vector<64x128xf32> -> vector<64x128xf32>
    %swap3A_932 = arith.constant 0 : index
    %swap3A_933 = arith.constant 0 : index
    %swap3A_934 = arith.constant 8448 : index
    %swap3A_935 = vector.load %arg3[%swap3A_932, %swap3A_933, %swap3A_934] : memref<1x64x16384xf32, #tpu.memory_space<vmem>>, vector<1x64x128xf32>
    %swap3A_936 = vector.shape_cast %swap3A_935 : vector<1x64x128xf32> to vector<64x128xf32>
    %swap3A_937 = vector.shape_cast %dot_general3A_931 : vector<64x128xf32> to vector<1x64x128xf32>
    tpu.vector_store %arg3[%swap3A_932, %swap3A_933, %swap3A_934], %swap3A_937 {strides = array<i32>} : memref<1x64x16384xf32, #tpu.memory_space<vmem>>, vector<1x64x128xf32>,
    %get3A_938 = arith.constant 0 : index
    %get3A_939 = arith.constant 0 : index
    %get3A_940 = arith.constant 67 : index
    %get3A_941 = arith.constant 0 : index
    %get3A_942 = vector.load %arg1[%get3A_938, %get3A_939, %get3A_940, %get3A_941] : memref<1x16x128x128xf32, #tpu.memory_space<vmem>>, vector<1x16x1x128xf32>
    %get3A_943 = vector.shape_cast %get3A_942 : vector<1x16x1x128xf32> to vector<16x128xf32>
    %dot_general3A_944 = arith.constant dense<0.000000e+00> : vector<64x128xf32>
    %dot_general3A_945 = tpu.matmul %get3A_1, %get3A_943, %dot_general3A_944 {dimension_numbers = #tpu.dot_dimension_numbers<[1], [0], [0], [1], [0, 0, 1, 1], [], []>, transpose_lhs_hint = false} : vector<64x16xf32>, vector<16x128xf32>, vector<64x128xf32> -> vector<64x128xf32>
    %swap3A_946 = arith.constant 0 : index
    %swap3A_947 = arith.constant 0 : index
    %swap3A_948 = arith.constant 8576 : index
    %swap3A_949 = vector.load %arg3[%swap3A_946, %swap3A_947, %swap3A_948] : memref<1x64x16384xf32, #tpu.memory_space<vmem>>, vector<1x64x128xf32>
    %swap3A_950 = vector.shape_cast %swap3A_949 : vector<1x64x128xf32> to vector<64x128xf32>
    %swap3A_951 = vector.shape_cast %dot_general3A_945 : vector<64x128xf32> to vector<1x64x128xf32>
    tpu.vector_store %arg3[%swap3A_946, %swap3A_947, %swap3A_948], %swap3A_951 {strides = array<i32>} : memref<1x64x16384xf32, #tpu.memory_space<vmem>>, vector<1x64x128xf32>,
    %get3A_952 = arith.constant 0 : index
    %get3A_953 = arith.constant 0 : index
    %get3A_954 = arith.constant 68 : index
    %get3A_955 = arith.constant 0 : index
    %get3A_956 = vector.load %arg1[%get3A_952, %get3A_953, %get3A_954, %get3A_955] : memref<1x16x128x128xf32, #tpu.memory_space<vmem>>, vector<1x16x1x128xf32>
    %get3A_957 = vector.shape_cast %get3A_956 : vector<1x16x1x128xf32> to vector<16x128xf32>
    %dot_general3A_958 = arith.constant dense<0.000000e+00> : vector<64x128xf32>
    %dot_general3A_959 = tpu.matmul %get3A_1, %get3A_957, %dot_general3A_958 {dimension_numbers = #tpu.dot_dimension_numbers<[1], [0], [0], [1], [0, 0, 1, 1], [], []>, transpose_lhs_hint = false} : vector<64x16xf32>, vector<16x128xf32>, vector<64x128xf32> -> vector<64x128xf32>
    %swap3A_960 = arith.constant 0 : index
    %swap3A_961 = arith.constant 0 : index
    %swap3A_962 = arith.constant 8704 : index
    %swap3A_963 = vector.load %arg3[%swap3A_960, %swap3A_961, %swap3A_962] : memref<1x64x16384xf32, #tpu.memory_space<vmem>>, vector<1x64x128xf32>
    %swap3A_964 = vector.shape_cast %swap3A_963 : vector<1x64x128xf32> to vector<64x128xf32>
    %swap3A_965 = vector.shape_cast %dot_general3A_959 : vector<64x128xf32> to vector<1x64x128xf32>
    tpu.vector_store %arg3[%swap3A_960, %swap3A_961, %swap3A_962], %swap3A_965 {strides = array<i32>} : memref<1x64x16384xf32, #tpu.memory_space<vmem>>, vector<1x64x128xf32>,
    %get3A_966 = arith.constant 0 : index
    %get3A_967 = arith.constant 0 : index
    %get3A_968 = arith.constant 69 : index
    %get3A_969 = arith.constant 0 : index
    %get3A_970 = vector.load %arg1[%get3A_966, %get3A_967, %get3A_968, %get3A_969] : memref<1x16x128x128xf32, #tpu.memory_space<vmem>>, vector<1x16x1x128xf32>
    %get3A_971 = vector.shape_cast %get3A_970 : vector<1x16x1x128xf32> to vector<16x128xf32>
    %dot_general3A_972 = arith.constant dense<0.000000e+00> : vector<64x128xf32>
    %dot_general3A_973 = tpu.matmul %get3A_1, %get3A_971, %dot_general3A_972 {dimension_numbers = #tpu.dot_dimension_numbers<[1], [0], [0], [1], [0, 0, 1, 1], [], []>, transpose_lhs_hint = false} : vector<64x16xf32>, vector<16x128xf32>, vector<64x128xf32> -> vector<64x128xf32>
    %swap3A_974 = arith.constant 0 : index
    %swap3A_975 = arith.constant 0 : index
    %swap3A_976 = arith.constant 8832 : index
    %swap3A_977 = vector.load %arg3[%swap3A_974, %swap3A_975, %swap3A_976] : memref<1x64x16384xf32, #tpu.memory_space<vmem>>, vector<1x64x128xf32>
    %swap3A_978 = vector.shape_cast %swap3A_977 : vector<1x64x128xf32> to vector<64x128xf32>
    %swap3A_979 = vector.shape_cast %dot_general3A_973 : vector<64x128xf32> to vector<1x64x128xf32>
    tpu.vector_store %arg3[%swap3A_974, %swap3A_975, %swap3A_976], %swap3A_979 {strides = array<i32>} : memref<1x64x16384xf32, #tpu.memory_space<vmem>>, vector<1x64x128xf32>,
    %get3A_980 = arith.constant 0 : index
    %get3A_981 = arith.constant 0 : index
    %get3A_982 = arith.constant 70 : index
    %get3A_983 = arith.constant 0 : index
    %get3A_984 = vector.load %arg1[%get3A_980, %get3A_981, %get3A_982, %get3A_983] : memref<1x16x128x128xf32, #tpu.memory_space<vmem>>, vector<1x16x1x128xf32>
    %get3A_985 = vector.shape_cast %get3A_984 : vector<1x16x1x128xf32> to vector<16x128xf32>
    %dot_general3A_986 = arith.constant dense<0.000000e+00> : vector<64x128xf32>
    %dot_general3A_987 = tpu.matmul %get3A_1, %get3A_985, %dot_general3A_986 {dimension_numbers = #tpu.dot_dimension_numbers<[1], [0], [0], [1], [0, 0, 1, 1], [], []>, transpose_lhs_hint = false} : vector<64x16xf32>, vector<16x128xf32>, vector<64x128xf32> -> vector<64x128xf32>
    %swap3A_988 = arith.constant 0 : index
    %swap3A_989 = arith.constant 0 : index
    %swap3A_990 = arith.constant 8960 : index
    %swap3A_991 = vector.load %arg3[%swap3A_988, %swap3A_989, %swap3A_990] : memref<1x64x16384xf32, #tpu.memory_space<vmem>>, vector<1x64x128xf32>
    %swap3A_992 = vector.shape_cast %swap3A_991 : vector<1x64x128xf32> to vector<64x128xf32>
    %swap3A_993 = vector.shape_cast %dot_general3A_987 : vector<64x128xf32> to vector<1x64x128xf32>
    tpu.vector_store %arg3[%swap3A_988, %swap3A_989, %swap3A_990], %swap3A_993 {strides = array<i32>} : memref<1x64x16384xf32, #tpu.memory_space<vmem>>, vector<1x64x128xf32>,
    %get3A_994 = arith.constant 0 : index
    %get3A_995 = arith.constant 0 : index
    %get3A_996 = arith.constant 71 : index
    %get3A_997 = arith.constant 0 : index
    %get3A_998 = vector.load %arg1[%get3A_994, %get3A_995, %get3A_996, %get3A_997] : memref<1x16x128x128xf32, #tpu.memory_space<vmem>>, vector<1x16x1x128xf32>
    %get3A_999 = vector.shape_cast %get3A_998 : vector<1x16x1x128xf32> to vector<16x128xf32>
    %dot_general3A_1000 = arith.constant dense<0.000000e+00> : vector<64x128xf32>
    %dot_general3A_1001 = tpu.matmul %get3A_1, %get3A_999, %dot_general3A_1000 {dimension_numbers = #tpu.dot_dimension_numbers<[1], [0], [0], [1], [0, 0, 1, 1], [], []>, transpose_lhs_hint = false} : vector<64x16xf32>, vector<16x128xf32>, vector<64x128xf32> -> vector<64x128xf32>
    %swap3A_1002 = arith.constant 0 : index
    %swap3A_1003 = arith.constant 0 : index
    %swap3A_1004 = arith.constant 9088 : index
    %swap3A_1005 = vector.load %arg3[%swap3A_1002, %swap3A_1003, %swap3A_1004] : memref<1x64x16384xf32, #tpu.memory_space<vmem>>, vector<1x64x128xf32>
    %swap3A_1006 = vector.shape_cast %swap3A_1005 : vector<1x64x128xf32> to vector<64x128xf32>
    %swap3A_1007 = vector.shape_cast %dot_general3A_1001 : vector<64x128xf32> to vector<1x64x128xf32>
    tpu.vector_store %arg3[%swap3A_1002, %swap3A_1003, %swap3A_1004], %swap3A_1007 {strides = array<i32>} : memref<1x64x16384xf32, #tpu.memory_space<vmem>>, vector<1x64x128xf32>,
    %get3A_1008 = arith.constant 0 : index
    %get3A_1009 = arith.constant 0 : index
    %get3A_1010 = arith.constant 72 : index
    %get3A_1011 = arith.constant 0 : index
    %get3A_1012 = vector.load %arg1[%get3A_1008, %get3A_1009, %get3A_1010, %get3A_1011] : memref<1x16x128x128xf32, #tpu.memory_space<vmem>>, vector<1x16x1x128xf32>
    %get3A_1013 = vector.shape_cast %get3A_1012 : vector<1x16x1x128xf32> to vector<16x128xf32>
    %dot_general3A_1014 = arith.constant dense<0.000000e+00> : vector<64x128xf32>
    %dot_general3A_1015 = tpu.matmul %get3A_1, %get3A_1013, %dot_general3A_1014 {dimension_numbers = #tpu.dot_dimension_numbers<[1], [0], [0], [1], [0, 0, 1, 1], [], []>, transpose_lhs_hint = false} : vector<64x16xf32>, vector<16x128xf32>, vector<64x128xf32> -> vector<64x128xf32>
    %swap3A_1016 = arith.constant 0 : index
    %swap3A_1017 = arith.constant 0 : index
    %swap3A_1018 = arith.constant 9216 : index
    %swap3A_1019 = vector.load %arg3[%swap3A_1016, %swap3A_1017, %swap3A_1018] : memref<1x64x16384xf32, #tpu.memory_space<vmem>>, vector<1x64x128xf32>
    %swap3A_1020 = vector.shape_cast %swap3A_1019 : vector<1x64x128xf32> to vector<64x128xf32>
    %swap3A_1021 = vector.shape_cast %dot_general3A_1015 : vector<64x128xf32> to vector<1x64x128xf32>
    tpu.vector_store %arg3[%swap3A_1016, %swap3A_1017, %swap3A_1018], %swap3A_1021 {strides = array<i32>} : memref<1x64x16384xf32, #tpu.memory_space<vmem>>, vector<1x64x128xf32>,
    %get3A_1022 = arith.constant 0 : index
    %get3A_1023 = arith.constant 0 : index
    %get3A_1024 = arith.constant 73 : index
    %get3A_1025 = arith.constant 0 : index
    %get3A_1026 = vector.load %arg1[%get3A_1022, %get3A_1023, %get3A_1024, %get3A_1025] : memref<1x16x128x128xf32, #tpu.memory_space<vmem>>, vector<1x16x1x128xf32>
    %get3A_1027 = vector.shape_cast %get3A_1026 : vector<1x16x1x128xf32> to vector<16x128xf32>
    %dot_general3A_1028 = arith.constant dense<0.000000e+00> : vector<64x128xf32>
    %dot_general3A_1029 = tpu.matmul %get3A_1, %get3A_1027, %dot_general3A_1028 {dimension_numbers = #tpu.dot_dimension_numbers<[1], [0], [0], [1], [0, 0, 1, 1], [], []>, transpose_lhs_hint = false} : vector<64x16xf32>, vector<16x128xf32>, vector<64x128xf32> -> vector<64x128xf32>
    %swap3A_1030 = arith.constant 0 : index
    %swap3A_1031 = arith.constant 0 : index
    %swap3A_1032 = arith.constant 9344 : index
    %swap3A_1033 = vector.load %arg3[%swap3A_1030, %swap3A_1031, %swap3A_1032] : memref<1x64x16384xf32, #tpu.memory_space<vmem>>, vector<1x64x128xf32>
    %swap3A_1034 = vector.shape_cast %swap3A_1033 : vector<1x64x128xf32> to vector<64x128xf32>
    %swap3A_1035 = vector.shape_cast %dot_general3A_1029 : vector<64x128xf32> to vector<1x64x128xf32>
    tpu.vector_store %arg3[%swap3A_1030, %swap3A_1031, %swap3A_1032], %swap3A_1035 {strides = array<i32>} : memref<1x64x16384xf32, #tpu.memory_space<vmem>>, vector<1x64x128xf32>,
    %get3A_1036 = arith.constant 0 : index
    %get3A_1037 = arith.constant 0 : index
    %get3A_1038 = arith.constant 74 : index
    %get3A_1039 = arith.constant 0 : index
    %get3A_1040 = vector.load %arg1[%get3A_1036, %get3A_1037, %get3A_1038, %get3A_1039] : memref<1x16x128x128xf32, #tpu.memory_space<vmem>>, vector<1x16x1x128xf32>
    %get3A_1041 = vector.shape_cast %get3A_1040 : vector<1x16x1x128xf32> to vector<16x128xf32>
    %dot_general3A_1042 = arith.constant dense<0.000000e+00> : vector<64x128xf32>
    %dot_general3A_1043 = tpu.matmul %get3A_1, %get3A_1041, %dot_general3A_1042 {dimension_numbers = #tpu.dot_dimension_numbers<[1], [0], [0], [1], [0, 0, 1, 1], [], []>, transpose_lhs_hint = false} : vector<64x16xf32>, vector<16x128xf32>, vector<64x128xf32> -> vector<64x128xf32>
    %swap3A_1044 = arith.constant 0 : index
    %swap3A_1045 = arith.constant 0 : index
    %swap3A_1046 = arith.constant 9472 : index
    %swap3A_1047 = vector.load %arg3[%swap3A_1044, %swap3A_1045, %swap3A_1046] : memref<1x64x16384xf32, #tpu.memory_space<vmem>>, vector<1x64x128xf32>
    %swap3A_1048 = vector.shape_cast %swap3A_1047 : vector<1x64x128xf32> to vector<64x128xf32>
    %swap3A_1049 = vector.shape_cast %dot_general3A_1043 : vector<64x128xf32> to vector<1x64x128xf32>
    tpu.vector_store %arg3[%swap3A_1044, %swap3A_1045, %swap3A_1046], %swap3A_1049 {strides = array<i32>} : memref<1x64x16384xf32, #tpu.memory_space<vmem>>, vector<1x64x128xf32>,
    %get3A_1050 = arith.constant 0 : index
    %get3A_1051 = arith.constant 0 : index
    %get3A_1052 = arith.constant 75 : index
    %get3A_1053 = arith.constant 0 : index
    %get3A_1054 = vector.load %arg1[%get3A_1050, %get3A_1051, %get3A_1052, %get3A_1053] : memref<1x16x128x128xf32, #tpu.memory_space<vmem>>, vector<1x16x1x128xf32>
    %get3A_1055 = vector.shape_cast %get3A_1054 : vector<1x16x1x128xf32> to vector<16x128xf32>
    %dot_general3A_1056 = arith.constant dense<0.000000e+00> : vector<64x128xf32>
    %dot_general3A_1057 = tpu.matmul %get3A_1, %get3A_1055, %dot_general3A_1056 {dimension_numbers = #tpu.dot_dimension_numbers<[1], [0], [0], [1], [0, 0, 1, 1], [], []>, transpose_lhs_hint = false} : vector<64x16xf32>, vector<16x128xf32>, vector<64x128xf32> -> vector<64x128xf32>
    %swap3A_1058 = arith.constant 0 : index
    %swap3A_1059 = arith.constant 0 : index
    %swap3A_1060 = arith.constant 9600 : index
    %swap3A_1061 = vector.load %arg3[%swap3A_1058, %swap3A_1059, %swap3A_1060] : memref<1x64x16384xf32, #tpu.memory_space<vmem>>, vector<1x64x128xf32>
    %swap3A_1062 = vector.shape_cast %swap3A_1061 : vector<1x64x128xf32> to vector<64x128xf32>
    %swap3A_1063 = vector.shape_cast %dot_general3A_1057 : vector<64x128xf32> to vector<1x64x128xf32>
    tpu.vector_store %arg3[%swap3A_1058, %swap3A_1059, %swap3A_1060], %swap3A_1063 {strides = array<i32>} : memref<1x64x16384xf32, #tpu.memory_space<vmem>>, vector<1x64x128xf32>,
    %get3A_1064 = arith.constant 0 : index
    %get3A_1065 = arith.constant 0 : index
    %get3A_1066 = arith.constant 76 : index
    %get3A_1067 = arith.constant 0 : index
    %get3A_1068 = vector.load %arg1[%get3A_1064, %get3A_1065, %get3A_1066, %get3A_1067] : memref<1x16x128x128xf32, #tpu.memory_space<vmem>>, vector<1x16x1x128xf32>
    %get3A_1069 = vector.shape_cast %get3A_1068 : vector<1x16x1x128xf32> to vector<16x128xf32>
    %dot_general3A_1070 = arith.constant dense<0.000000e+00> : vector<64x128xf32>
    %dot_general3A_1071 = tpu.matmul %get3A_1, %get3A_1069, %dot_general3A_1070 {dimension_numbers = #tpu.dot_dimension_numbers<[1], [0], [0], [1], [0, 0, 1, 1], [], []>, transpose_lhs_hint = false} : vector<64x16xf32>, vector<16x128xf32>, vector<64x128xf32> -> vector<64x128xf32>
    %swap3A_1072 = arith.constant 0 : index
    %swap3A_1073 = arith.constant 0 : index
    %swap3A_1074 = arith.constant 9728 : index
    %swap3A_1075 = vector.load %arg3[%swap3A_1072, %swap3A_1073, %swap3A_1074] : memref<1x64x16384xf32, #tpu.memory_space<vmem>>, vector<1x64x128xf32>
    %swap3A_1076 = vector.shape_cast %swap3A_1075 : vector<1x64x128xf32> to vector<64x128xf32>
    %swap3A_1077 = vector.shape_cast %dot_general3A_1071 : vector<64x128xf32> to vector<1x64x128xf32>
    tpu.vector_store %arg3[%swap3A_1072, %swap3A_1073, %swap3A_1074], %swap3A_1077 {strides = array<i32>} : memref<1x64x16384xf32, #tpu.memory_space<vmem>>, vector<1x64x128xf32>,
    %get3A_1078 = arith.constant 0 : index
    %get3A_1079 = arith.constant 0 : index
    %get3A_1080 = arith.constant 77 : index
    %get3A_1081 = arith.constant 0 : index
    %get3A_1082 = vector.load %arg1[%get3A_1078, %get3A_1079, %get3A_1080, %get3A_1081] : memref<1x16x128x128xf32, #tpu.memory_space<vmem>>, vector<1x16x1x128xf32>
    %get3A_1083 = vector.shape_cast %get3A_1082 : vector<1x16x1x128xf32> to vector<16x128xf32>
    %dot_general3A_1084 = arith.constant dense<0.000000e+00> : vector<64x128xf32>
    %dot_general3A_1085 = tpu.matmul %get3A_1, %get3A_1083, %dot_general3A_1084 {dimension_numbers = #tpu.dot_dimension_numbers<[1], [0], [0], [1], [0, 0, 1, 1], [], []>, transpose_lhs_hint = false} : vector<64x16xf32>, vector<16x128xf32>, vector<64x128xf32> -> vector<64x128xf32>
    %swap3A_1086 = arith.constant 0 : index
    %swap3A_1087 = arith.constant 0 : index
    %swap3A_1088 = arith.constant 9856 : index
    %swap3A_1089 = vector.load %arg3[%swap3A_1086, %swap3A_1087, %swap3A_1088] : memref<1x64x16384xf32, #tpu.memory_space<vmem>>, vector<1x64x128xf32>
    %swap3A_1090 = vector.shape_cast %swap3A_1089 : vector<1x64x128xf32> to vector<64x128xf32>
    %swap3A_1091 = vector.shape_cast %dot_general3A_1085 : vector<64x128xf32> to vector<1x64x128xf32>
    tpu.vector_store %arg3[%swap3A_1086, %swap3A_1087, %swap3A_1088], %swap3A_1091 {strides = array<i32>} : memref<1x64x16384xf32, #tpu.memory_space<vmem>>, vector<1x64x128xf32>,
    %get3A_1092 = arith.constant 0 : index
    %get3A_1093 = arith.constant 0 : index
    %get3A_1094 = arith.constant 78 : index
    %get3A_1095 = arith.constant 0 : index
    %get3A_1096 = vector.load %arg1[%get3A_1092, %get3A_1093, %get3A_1094, %get3A_1095] : memref<1x16x128x128xf32, #tpu.memory_space<vmem>>, vector<1x16x1x128xf32>
    %get3A_1097 = vector.shape_cast %get3A_1096 : vector<1x16x1x128xf32> to vector<16x128xf32>
    %dot_general3A_1098 = arith.constant dense<0.000000e+00> : vector<64x128xf32>
    %dot_general3A_1099 = tpu.matmul %get3A_1, %get3A_1097, %dot_general3A_1098 {dimension_numbers = #tpu.dot_dimension_numbers<[1], [0], [0], [1], [0, 0, 1, 1], [], []>, transpose_lhs_hint = false} : vector<64x16xf32>, vector<16x128xf32>, vector<64x128xf32> -> vector<64x128xf32>
    %swap3A_1100 = arith.constant 0 : index
    %swap3A_1101 = arith.constant 0 : index
    %swap3A_1102 = arith.constant 9984 : index
    %swap3A_1103 = vector.load %arg3[%swap3A_1100, %swap3A_1101, %swap3A_1102] : memref<1x64x16384xf32, #tpu.memory_space<vmem>>, vector<1x64x128xf32>
    %swap3A_1104 = vector.shape_cast %swap3A_1103 : vector<1x64x128xf32> to vector<64x128xf32>
    %swap3A_1105 = vector.shape_cast %dot_general3A_1099 : vector<64x128xf32> to vector<1x64x128xf32>
    tpu.vector_store %arg3[%swap3A_1100, %swap3A_1101, %swap3A_1102], %swap3A_1105 {strides = array<i32>} : memref<1x64x16384xf32, #tpu.memory_space<vmem>>, vector<1x64x128xf32>,
    %get3A_1106 = arith.constant 0 : index
    %get3A_1107 = arith.constant 0 : index
    %get3A_1108 = arith.constant 79 : index
    %get3A_1109 = arith.constant 0 : index
    %get3A_1110 = vector.load %arg1[%get3A_1106, %get3A_1107, %get3A_1108, %get3A_1109] : memref<1x16x128x128xf32, #tpu.memory_space<vmem>>, vector<1x16x1x128xf32>
    %get3A_1111 = vector.shape_cast %get3A_1110 : vector<1x16x1x128xf32> to vector<16x128xf32>
    %dot_general3A_1112 = arith.constant dense<0.000000e+00> : vector<64x128xf32>
    %dot_general3A_1113 = tpu.matmul %get3A_1, %get3A_1111, %dot_general3A_1112 {dimension_numbers = #tpu.dot_dimension_numbers<[1], [0], [0], [1], [0, 0, 1, 1], [], []>, transpose_lhs_hint = false} : vector<64x16xf32>, vector<16x128xf32>, vector<64x128xf32> -> vector<64x128xf32>
    %swap3A_1114 = arith.constant 0 : index
    %swap3A_1115 = arith.constant 0 : index
    %swap3A_1116 = arith.constant 10112 : index
    %swap3A_1117 = vector.load %arg3[%swap3A_1114, %swap3A_1115, %swap3A_1116] : memref<1x64x16384xf32, #tpu.memory_space<vmem>>, vector<1x64x128xf32>
    %swap3A_1118 = vector.shape_cast %swap3A_1117 : vector<1x64x128xf32> to vector<64x128xf32>
    %swap3A_1119 = vector.shape_cast %dot_general3A_1113 : vector<64x128xf32> to vector<1x64x128xf32>
    tpu.vector_store %arg3[%swap3A_1114, %swap3A_1115, %swap3A_1116], %swap3A_1119 {strides = array<i32>} : memref<1x64x16384xf32, #tpu.memory_space<vmem>>, vector<1x64x128xf32>,
    %get3A_1120 = arith.constant 0 : index
    %get3A_1121 = arith.constant 0 : index
    %get3A_1122 = arith.constant 80 : index
    %get3A_1123 = arith.constant 0 : index
    %get3A_1124 = vector.load %arg1[%get3A_1120, %get3A_1121, %get3A_1122, %get3A_1123] : memref<1x16x128x128xf32, #tpu.memory_space<vmem>>, vector<1x16x1x128xf32>
    %get3A_1125 = vector.shape_cast %get3A_1124 : vector<1x16x1x128xf32> to vector<16x128xf32>
    %dot_general3A_1126 = arith.constant dense<0.000000e+00> : vector<64x128xf32>
    %dot_general3A_1127 = tpu.matmul %get3A_1, %get3A_1125, %dot_general3A_1126 {dimension_numbers = #tpu.dot_dimension_numbers<[1], [0], [0], [1], [0, 0, 1, 1], [], []>, transpose_lhs_hint = false} : vector<64x16xf32>, vector<16x128xf32>, vector<64x128xf32> -> vector<64x128xf32>
    %swap3A_1128 = arith.constant 0 : index
    %swap3A_1129 = arith.constant 0 : index
    %swap3A_1130 = arith.constant 10240 : index
    %swap3A_1131 = vector.load %arg3[%swap3A_1128, %swap3A_1129, %swap3A_1130] : memref<1x64x16384xf32, #tpu.memory_space<vmem>>, vector<1x64x128xf32>
    %swap3A_1132 = vector.shape_cast %swap3A_1131 : vector<1x64x128xf32> to vector<64x128xf32>
    %swap3A_1133 = vector.shape_cast %dot_general3A_1127 : vector<64x128xf32> to vector<1x64x128xf32>
    tpu.vector_store %arg3[%swap3A_1128, %swap3A_1129, %swap3A_1130], %swap3A_1133 {strides = array<i32>} : memref<1x64x16384xf32, #tpu.memory_space<vmem>>, vector<1x64x128xf32>,
    %get3A_1134 = arith.constant 0 : index
    %get3A_1135 = arith.constant 0 : index
    %get3A_1136 = arith.constant 81 : index
    %get3A_1137 = arith.constant 0 : index
    %get3A_1138 = vector.load %arg1[%get3A_1134, %get3A_1135, %get3A_1136, %get3A_1137] : memref<1x16x128x128xf32, #tpu.memory_space<vmem>>, vector<1x16x1x128xf32>
    %get3A_1139 = vector.shape_cast %get3A_1138 : vector<1x16x1x128xf32> to vector<16x128xf32>
    %dot_general3A_1140 = arith.constant dense<0.000000e+00> : vector<64x128xf32>
    %dot_general3A_1141 = tpu.matmul %get3A_1, %get3A_1139, %dot_general3A_1140 {dimension_numbers = #tpu.dot_dimension_numbers<[1], [0], [0], [1], [0, 0, 1, 1], [], []>, transpose_lhs_hint = false} : vector<64x16xf32>, vector<16x128xf32>, vector<64x128xf32> -> vector<64x128xf32>
    %swap3A_1142 = arith.constant 0 : index
    %swap3A_1143 = arith.constant 0 : index
    %swap3A_1144 = arith.constant 10368 : index
    %swap3A_1145 = vector.load %arg3[%swap3A_1142, %swap3A_1143, %swap3A_1144] : memref<1x64x16384xf32, #tpu.memory_space<vmem>>, vector<1x64x128xf32>
    %swap3A_1146 = vector.shape_cast %swap3A_1145 : vector<1x64x128xf32> to vector<64x128xf32>
    %swap3A_1147 = vector.shape_cast %dot_general3A_1141 : vector<64x128xf32> to vector<1x64x128xf32>
    tpu.vector_store %arg3[%swap3A_1142, %swap3A_1143, %swap3A_1144], %swap3A_1147 {strides = array<i32>} : memref<1x64x16384xf32, #tpu.memory_space<vmem>>, vector<1x64x128xf32>,
    %get3A_1148 = arith.constant 0 : index
    %get3A_1149 = arith.constant 0 : index
    %get3A_1150 = arith.constant 82 : index
    %get3A_1151 = arith.constant 0 : index
    %get3A_1152 = vector.load %arg1[%get3A_1148, %get3A_1149, %get3A_1150, %get3A_1151] : memref<1x16x128x128xf32, #tpu.memory_space<vmem>>, vector<1x16x1x128xf32>
    %get3A_1153 = vector.shape_cast %get3A_1152 : vector<1x16x1x128xf32> to vector<16x128xf32>
    %dot_general3A_1154 = arith.constant dense<0.000000e+00> : vector<64x128xf32>
    %dot_general3A_1155 = tpu.matmul %get3A_1, %get3A_1153, %dot_general3A_1154 {dimension_numbers = #tpu.dot_dimension_numbers<[1], [0], [0], [1], [0, 0, 1, 1], [], []>, transpose_lhs_hint = false} : vector<64x16xf32>, vector<16x128xf32>, vector<64x128xf32> -> vector<64x128xf32>
    %swap3A_1156 = arith.constant 0 : index
    %swap3A_1157 = arith.constant 0 : index
    %swap3A_1158 = arith.constant 10496 : index
    %swap3A_1159 = vector.load %arg3[%swap3A_1156, %swap3A_1157, %swap3A_1158] : memref<1x64x16384xf32, #tpu.memory_space<vmem>>, vector<1x64x128xf32>
    %swap3A_1160 = vector.shape_cast %swap3A_1159 : vector<1x64x128xf32> to vector<64x128xf32>
    %swap3A_1161 = vector.shape_cast %dot_general3A_1155 : vector<64x128xf32> to vector<1x64x128xf32>
    tpu.vector_store %arg3[%swap3A_1156, %swap3A_1157, %swap3A_1158], %swap3A_1161 {strides = array<i32>} : memref<1x64x16384xf32, #tpu.memory_space<vmem>>, vector<1x64x128xf32>,
    %get3A_1162 = arith.constant 0 : index
    %get3A_1163 = arith.constant 0 : index
    %get3A_1164 = arith.constant 83 : index
    %get3A_1165 = arith.constant 0 : index
    %get3A_1166 = vector.load %arg1[%get3A_1162, %get3A_1163, %get3A_1164, %get3A_1165] : memref<1x16x128x128xf32, #tpu.memory_space<vmem>>, vector<1x16x1x128xf32>
    %get3A_1167 = vector.shape_cast %get3A_1166 : vector<1x16x1x128xf32> to vector<16x128xf32>
    %dot_general3A_1168 = arith.constant dense<0.000000e+00> : vector<64x128xf32>
    %dot_general3A_1169 = tpu.matmul %get3A_1, %get3A_1167, %dot_general3A_1168 {dimension_numbers = #tpu.dot_dimension_numbers<[1], [0], [0], [1], [0, 0, 1, 1], [], []>, transpose_lhs_hint = false} : vector<64x16xf32>, vector<16x128xf32>, vector<64x128xf32> -> vector<64x128xf32>
    %swap3A_1170 = arith.constant 0 : index
    %swap3A_1171 = arith.constant 0 : index
    %swap3A_1172 = arith.constant 10624 : index
    %swap3A_1173 = vector.load %arg3[%swap3A_1170, %swap3A_1171, %swap3A_1172] : memref<1x64x16384xf32, #tpu.memory_space<vmem>>, vector<1x64x128xf32>
    %swap3A_1174 = vector.shape_cast %swap3A_1173 : vector<1x64x128xf32> to vector<64x128xf32>
    %swap3A_1175 = vector.shape_cast %dot_general3A_1169 : vector<64x128xf32> to vector<1x64x128xf32>
    tpu.vector_store %arg3[%swap3A_1170, %swap3A_1171, %swap3A_1172], %swap3A_1175 {strides = array<i32>} : memref<1x64x16384xf32, #tpu.memory_space<vmem>>, vector<1x64x128xf32>,
    %get3A_1176 = arith.constant 0 : index
    %get3A_1177 = arith.constant 0 : index
    %get3A_1178 = arith.constant 84 : index
    %get3A_1179 = arith.constant 0 : index
    %get3A_1180 = vector.load %arg1[%get3A_1176, %get3A_1177, %get3A_1178, %get3A_1179] : memref<1x16x128x128xf32, #tpu.memory_space<vmem>>, vector<1x16x1x128xf32>
    %get3A_1181 = vector.shape_cast %get3A_1180 : vector<1x16x1x128xf32> to vector<16x128xf32>
    %dot_general3A_1182 = arith.constant dense<0.000000e+00> : vector<64x128xf32>
    %dot_general3A_1183 = tpu.matmul %get3A_1, %get3A_1181, %dot_general3A_1182 {dimension_numbers = #tpu.dot_dimension_numbers<[1], [0], [0], [1], [0, 0, 1, 1], [], []>, transpose_lhs_hint = false} : vector<64x16xf32>, vector<16x128xf32>, vector<64x128xf32> -> vector<64x128xf32>
    %swap3A_1184 = arith.constant 0 : index
    %swap3A_1185 = arith.constant 0 : index
    %swap3A_1186 = arith.constant 10752 : index
    %swap3A_1187 = vector.load %arg3[%swap3A_1184, %swap3A_1185, %swap3A_1186] : memref<1x64x16384xf32, #tpu.memory_space<vmem>>, vector<1x64x128xf32>
    %swap3A_1188 = vector.shape_cast %swap3A_1187 : vector<1x64x128xf32> to vector<64x128xf32>
    %swap3A_1189 = vector.shape_cast %dot_general3A_1183 : vector<64x128xf32> to vector<1x64x128xf32>
    tpu.vector_store %arg3[%swap3A_1184, %swap3A_1185, %swap3A_1186], %swap3A_1189 {strides = array<i32>} : memref<1x64x16384xf32, #tpu.memory_space<vmem>>, vector<1x64x128xf32>,
    %get3A_1190 = arith.constant 0 : index
    %get3A_1191 = arith.constant 0 : index
    %get3A_1192 = arith.constant 85 : index
    %get3A_1193 = arith.constant 0 : index
    %get3A_1194 = vector.load %arg1[%get3A_1190, %get3A_1191, %get3A_1192, %get3A_1193] : memref<1x16x128x128xf32, #tpu.memory_space<vmem>>, vector<1x16x1x128xf32>
    %get3A_1195 = vector.shape_cast %get3A_1194 : vector<1x16x1x128xf32> to vector<16x128xf32>
    %dot_general3A_1196 = arith.constant dense<0.000000e+00> : vector<64x128xf32>
    %dot_general3A_1197 = tpu.matmul %get3A_1, %get3A_1195, %dot_general3A_1196 {dimension_numbers = #tpu.dot_dimension_numbers<[1], [0], [0], [1], [0, 0, 1, 1], [], []>, transpose_lhs_hint = false} : vector<64x16xf32>, vector<16x128xf32>, vector<64x128xf32> -> vector<64x128xf32>
    %swap3A_1198 = arith.constant 0 : index
    %swap3A_1199 = arith.constant 0 : index
    %swap3A_1200 = arith.constant 10880 : index
    %swap3A_1201 = vector.load %arg3[%swap3A_1198, %swap3A_1199, %swap3A_1200] : memref<1x64x16384xf32, #tpu.memory_space<vmem>>, vector<1x64x128xf32>
    %swap3A_1202 = vector.shape_cast %swap3A_1201 : vector<1x64x128xf32> to vector<64x128xf32>
    %swap3A_1203 = vector.shape_cast %dot_general3A_1197 : vector<64x128xf32> to vector<1x64x128xf32>
    tpu.vector_store %arg3[%swap3A_1198, %swap3A_1199, %swap3A_1200], %swap3A_1203 {strides = array<i32>} : memref<1x64x16384xf32, #tpu.memory_space<vmem>>, vector<1x64x128xf32>,
    %get3A_1204 = arith.constant 0 : index
    %get3A_1205 = arith.constant 0 : index
    %get3A_1206 = arith.constant 86 : index
    %get3A_1207 = arith.constant 0 : index
    %get3A_1208 = vector.load %arg1[%get3A_1204, %get3A_1205, %get3A_1206, %get3A_1207] : memref<1x16x128x128xf32, #tpu.memory_space<vmem>>, vector<1x16x1x128xf32>
    %get3A_1209 = vector.shape_cast %get3A_1208 : vector<1x16x1x128xf32> to vector<16x128xf32>
    %dot_general3A_1210 = arith.constant dense<0.000000e+00> : vector<64x128xf32>
    %dot_general3A_1211 = tpu.matmul %get3A_1, %get3A_1209, %dot_general3A_1210 {dimension_numbers = #tpu.dot_dimension_numbers<[1], [0], [0], [1], [0, 0, 1, 1], [], []>, transpose_lhs_hint = false} : vector<64x16xf32>, vector<16x128xf32>, vector<64x128xf32> -> vector<64x128xf32>
    %swap3A_1212 = arith.constant 0 : index
    %swap3A_1213 = arith.constant 0 : index
    %swap3A_1214 = arith.constant 11008 : index
    %swap3A_1215 = vector.load %arg3[%swap3A_1212, %swap3A_1213, %swap3A_1214] : memref<1x64x16384xf32, #tpu.memory_space<vmem>>, vector<1x64x128xf32>
    %swap3A_1216 = vector.shape_cast %swap3A_1215 : vector<1x64x128xf32> to vector<64x128xf32>
    %swap3A_1217 = vector.shape_cast %dot_general3A_1211 : vector<64x128xf32> to vector<1x64x128xf32>
    tpu.vector_store %arg3[%swap3A_1212, %swap3A_1213, %swap3A_1214], %swap3A_1217 {strides = array<i32>} : memref<1x64x16384xf32, #tpu.memory_space<vmem>>, vector<1x64x128xf32>,
    %get3A_1218 = arith.constant 0 : index
    %get3A_1219 = arith.constant 0 : index
    %get3A_1220 = arith.constant 87 : index
    %get3A_1221 = arith.constant 0 : index
    %get3A_1222 = vector.load %arg1[%get3A_1218, %get3A_1219, %get3A_1220, %get3A_1221] : memref<1x16x128x128xf32, #tpu.memory_space<vmem>>, vector<1x16x1x128xf32>
    %get3A_1223 = vector.shape_cast %get3A_1222 : vector<1x16x1x128xf32> to vector<16x128xf32>
    %dot_general3A_1224 = arith.constant dense<0.000000e+00> : vector<64x128xf32>
    %dot_general3A_1225 = tpu.matmul %get3A_1, %get3A_1223, %dot_general3A_1224 {dimension_numbers = #tpu.dot_dimension_numbers<[1], [0], [0], [1], [0, 0, 1, 1], [], []>, transpose_lhs_hint = false} : vector<64x16xf32>, vector<16x128xf32>, vector<64x128xf32> -> vector<64x128xf32>
    %swap3A_1226 = arith.constant 0 : index
    %swap3A_1227 = arith.constant 0 : index
    %swap3A_1228 = arith.constant 11136 : index
    %swap3A_1229 = vector.load %arg3[%swap3A_1226, %swap3A_1227, %swap3A_1228] : memref<1x64x16384xf32, #tpu.memory_space<vmem>>, vector<1x64x128xf32>
    %swap3A_1230 = vector.shape_cast %swap3A_1229 : vector<1x64x128xf32> to vector<64x128xf32>
    %swap3A_1231 = vector.shape_cast %dot_general3A_1225 : vector<64x128xf32> to vector<1x64x128xf32>
    tpu.vector_store %arg3[%swap3A_1226, %swap3A_1227, %swap3A_1228], %swap3A_1231 {strides = array<i32>} : memref<1x64x16384xf32, #tpu.memory_space<vmem>>, vector<1x64x128xf32>,
    %get3A_1232 = arith.constant 0 : index
    %get3A_1233 = arith.constant 0 : index
    %get3A_1234 = arith.constant 88 : index
    %get3A_1235 = arith.constant 0 : index
    %get3A_1236 = vector.load %arg1[%get3A_1232, %get3A_1233, %get3A_1234, %get3A_1235] : memref<1x16x128x128xf32, #tpu.memory_space<vmem>>, vector<1x16x1x128xf32>
    %get3A_1237 = vector.shape_cast %get3A_1236 : vector<1x16x1x128xf32> to vector<16x128xf32>
    %dot_general3A_1238 = arith.constant dense<0.000000e+00> : vector<64x128xf32>
    %dot_general3A_1239 = tpu.matmul %get3A_1, %get3A_1237, %dot_general3A_1238 {dimension_numbers = #tpu.dot_dimension_numbers<[1], [0], [0], [1], [0, 0, 1, 1], [], []>, transpose_lhs_hint = false} : vector<64x16xf32>, vector<16x128xf32>, vector<64x128xf32> -> vector<64x128xf32>
    %swap3A_1240 = arith.constant 0 : index
    %swap3A_1241 = arith.constant 0 : index
    %swap3A_1242 = arith.constant 11264 : index
    %swap3A_1243 = vector.load %arg3[%swap3A_1240, %swap3A_1241, %swap3A_1242] : memref<1x64x16384xf32, #tpu.memory_space<vmem>>, vector<1x64x128xf32>
    %swap3A_1244 = vector.shape_cast %swap3A_1243 : vector<1x64x128xf32> to vector<64x128xf32>
    %swap3A_1245 = vector.shape_cast %dot_general3A_1239 : vector<64x128xf32> to vector<1x64x128xf32>
    tpu.vector_store %arg3[%swap3A_1240, %swap3A_1241, %swap3A_1242], %swap3A_1245 {strides = array<i32>} : memref<1x64x16384xf32, #tpu.memory_space<vmem>>, vector<1x64x128xf32>,
    %get3A_1246 = arith.constant 0 : index
    %get3A_1247 = arith.constant 0 : index
    %get3A_1248 = arith.constant 89 : index
    %get3A_1249 = arith.constant 0 : index
    %get3A_1250 = vector.load %arg1[%get3A_1246, %get3A_1247, %get3A_1248, %get3A_1249] : memref<1x16x128x128xf32, #tpu.memory_space<vmem>>, vector<1x16x1x128xf32>
    %get3A_1251 = vector.shape_cast %get3A_1250 : vector<1x16x1x128xf32> to vector<16x128xf32>
    %dot_general3A_1252 = arith.constant dense<0.000000e+00> : vector<64x128xf32>
    %dot_general3A_1253 = tpu.matmul %get3A_1, %get3A_1251, %dot_general3A_1252 {dimension_numbers = #tpu.dot_dimension_numbers<[1], [0], [0], [1], [0, 0, 1, 1], [], []>, transpose_lhs_hint = false} : vector<64x16xf32>, vector<16x128xf32>, vector<64x128xf32> -> vector<64x128xf32>
    %swap3A_1254 = arith.constant 0 : index
    %swap3A_1255 = arith.constant 0 : index
    %swap3A_1256 = arith.constant 11392 : index
    %swap3A_1257 = vector.load %arg3[%swap3A_1254, %swap3A_1255, %swap3A_1256] : memref<1x64x16384xf32, #tpu.memory_space<vmem>>, vector<1x64x128xf32>
    %swap3A_1258 = vector.shape_cast %swap3A_1257 : vector<1x64x128xf32> to vector<64x128xf32>
    %swap3A_1259 = vector.shape_cast %dot_general3A_1253 : vector<64x128xf32> to vector<1x64x128xf32>
    tpu.vector_store %arg3[%swap3A_1254, %swap3A_1255, %swap3A_1256], %swap3A_1259 {strides = array<i32>} : memref<1x64x16384xf32, #tpu.memory_space<vmem>>, vector<1x64x128xf32>,
    %get3A_1260 = arith.constant 0 : index
    %get3A_1261 = arith.constant 0 : index
    %get3A_1262 = arith.constant 90 : index
    %get3A_1263 = arith.constant 0 : index
    %get3A_1264 = vector.load %arg1[%get3A_1260, %get3A_1261, %get3A_1262, %get3A_1263] : memref<1x16x128x128xf32, #tpu.memory_space<vmem>>, vector<1x16x1x128xf32>
    %get3A_1265 = vector.shape_cast %get3A_1264 : vector<1x16x1x128xf32> to vector<16x128xf32>
    %dot_general3A_1266 = arith.constant dense<0.000000e+00> : vector<64x128xf32>
    %dot_general3A_1267 = tpu.matmul %get3A_1, %get3A_1265, %dot_general3A_1266 {dimension_numbers = #tpu.dot_dimension_numbers<[1], [0], [0], [1], [0, 0, 1, 1], [], []>, transpose_lhs_hint = false} : vector<64x16xf32>, vector<16x128xf32>, vector<64x128xf32> -> vector<64x128xf32>
    %swap3A_1268 = arith.constant 0 : index
    %swap3A_1269 = arith.constant 0 : index
    %swap3A_1270 = arith.constant 11520 : index
    %swap3A_1271 = vector.load %arg3[%swap3A_1268, %swap3A_1269, %swap3A_1270] : memref<1x64x16384xf32, #tpu.memory_space<vmem>>, vector<1x64x128xf32>
    %swap3A_1272 = vector.shape_cast %swap3A_1271 : vector<1x64x128xf32> to vector<64x128xf32>
    %swap3A_1273 = vector.shape_cast %dot_general3A_1267 : vector<64x128xf32> to vector<1x64x128xf32>
    tpu.vector_store %arg3[%swap3A_1268, %swap3A_1269, %swap3A_1270], %swap3A_1273 {strides = array<i32>} : memref<1x64x16384xf32, #tpu.memory_space<vmem>>, vector<1x64x128xf32>,
    %get3A_1274 = arith.constant 0 : index
    %get3A_1275 = arith.constant 0 : index
    %get3A_1276 = arith.constant 91 : index
    %get3A_1277 = arith.constant 0 : index
    %get3A_1278 = vector.load %arg1[%get3A_1274, %get3A_1275, %get3A_1276, %get3A_1277] : memref<1x16x128x128xf32, #tpu.memory_space<vmem>>, vector<1x16x1x128xf32>
    %get3A_1279 = vector.shape_cast %get3A_1278 : vector<1x16x1x128xf32> to vector<16x128xf32>
    %dot_general3A_1280 = arith.constant dense<0.000000e+00> : vector<64x128xf32>
    %dot_general3A_1281 = tpu.matmul %get3A_1, %get3A_1279, %dot_general3A_1280 {dimension_numbers = #tpu.dot_dimension_numbers<[1], [0], [0], [1], [0, 0, 1, 1], [], []>, transpose_lhs_hint = false} : vector<64x16xf32>, vector<16x128xf32>, vector<64x128xf32> -> vector<64x128xf32>
    %swap3A_1282 = arith.constant 0 : index
    %swap3A_1283 = arith.constant 0 : index
    %swap3A_1284 = arith.constant 11648 : index
    %swap3A_1285 = vector.load %arg3[%swap3A_1282, %swap3A_1283, %swap3A_1284] : memref<1x64x16384xf32, #tpu.memory_space<vmem>>, vector<1x64x128xf32>
    %swap3A_1286 = vector.shape_cast %swap3A_1285 : vector<1x64x128xf32> to vector<64x128xf32>
    %swap3A_1287 = vector.shape_cast %dot_general3A_1281 : vector<64x128xf32> to vector<1x64x128xf32>
    tpu.vector_store %arg3[%swap3A_1282, %swap3A_1283, %swap3A_1284], %swap3A_1287 {strides = array<i32>} : memref<1x64x16384xf32, #tpu.memory_space<vmem>>, vector<1x64x128xf32>,
    %get3A_1288 = arith.constant 0 : index
    %get3A_1289 = arith.constant 0 : index
    %get3A_1290 = arith.constant 92 : index
    %get3A_1291 = arith.constant 0 : index
    %get3A_1292 = vector.load %arg1[%get3A_1288, %get3A_1289, %get3A_1290, %get3A_1291] : memref<1x16x128x128xf32, #tpu.memory_space<vmem>>, vector<1x16x1x128xf32>
    %get3A_1293 = vector.shape_cast %get3A_1292 : vector<1x16x1x128xf32> to vector<16x128xf32>
    %dot_general3A_1294 = arith.constant dense<0.000000e+00> : vector<64x128xf32>
    %dot_general3A_1295 = tpu.matmul %get3A_1, %get3A_1293, %dot_general3A_1294 {dimension_numbers = #tpu.dot_dimension_numbers<[1], [0], [0], [1], [0, 0, 1, 1], [], []>, transpose_lhs_hint = false} : vector<64x16xf32>, vector<16x128xf32>, vector<64x128xf32> -> vector<64x128xf32>
    %swap3A_1296 = arith.constant 0 : index
    %swap3A_1297 = arith.constant 0 : index
    %swap3A_1298 = arith.constant 11776 : index
    %swap3A_1299 = vector.load %arg3[%swap3A_1296, %swap3A_1297, %swap3A_1298] : memref<1x64x16384xf32, #tpu.memory_space<vmem>>, vector<1x64x128xf32>
    %swap3A_1300 = vector.shape_cast %swap3A_1299 : vector<1x64x128xf32> to vector<64x128xf32>
    %swap3A_1301 = vector.shape_cast %dot_general3A_1295 : vector<64x128xf32> to vector<1x64x128xf32>
    tpu.vector_store %arg3[%swap3A_1296, %swap3A_1297, %swap3A_1298], %swap3A_1301 {strides = array<i32>} : memref<1x64x16384xf32, #tpu.memory_space<vmem>>, vector<1x64x128xf32>,
    %get3A_1302 = arith.constant 0 : index
    %get3A_1303 = arith.constant 0 : index
    %get3A_1304 = arith.constant 93 : index
    %get3A_1305 = arith.constant 0 : index
    %get3A_1306 = vector.load %arg1[%get3A_1302, %get3A_1303, %get3A_1304, %get3A_1305] : memref<1x16x128x128xf32, #tpu.memory_space<vmem>>, vector<1x16x1x128xf32>
    %get3A_1307 = vector.shape_cast %get3A_1306 : vector<1x16x1x128xf32> to vector<16x128xf32>
    %dot_general3A_1308 = arith.constant dense<0.000000e+00> : vector<64x128xf32>
    %dot_general3A_1309 = tpu.matmul %get3A_1, %get3A_1307, %dot_general3A_1308 {dimension_numbers = #tpu.dot_dimension_numbers<[1], [0], [0], [1], [0, 0, 1, 1], [], []>, transpose_lhs_hint = false} : vector<64x16xf32>, vector<16x128xf32>, vector<64x128xf32> -> vector<64x128xf32>
    %swap3A_1310 = arith.constant 0 : index
    %swap3A_1311 = arith.constant 0 : index
    %swap3A_1312 = arith.constant 11904 : index
    %swap3A_1313 = vector.load %arg3[%swap3A_1310, %swap3A_1311, %swap3A_1312] : memref<1x64x16384xf32, #tpu.memory_space<vmem>>, vector<1x64x128xf32>
    %swap3A_1314 = vector.shape_cast %swap3A_1313 : vector<1x64x128xf32> to vector<64x128xf32>
    %swap3A_1315 = vector.shape_cast %dot_general3A_1309 : vector<64x128xf32> to vector<1x64x128xf32>
    tpu.vector_store %arg3[%swap3A_1310, %swap3A_1311, %swap3A_1312], %swap3A_1315 {strides = array<i32>} : memref<1x64x16384xf32, #tpu.memory_space<vmem>>, vector<1x64x128xf32>,
    %get3A_1316 = arith.constant 0 : index
    %get3A_1317 = arith.constant 0 : index
    %get3A_1318 = arith.constant 94 : index
    %get3A_1319 = arith.constant 0 : index
    %get3A_1320 = vector.load %arg1[%get3A_1316, %get3A_1317, %get3A_1318, %get3A_1319] : memref<1x16x128x128xf32, #tpu.memory_space<vmem>>, vector<1x16x1x128xf32>
    %get3A_1321 = vector.shape_cast %get3A_1320 : vector<1x16x1x128xf32> to vector<16x128xf32>
    %dot_general3A_1322 = arith.constant dense<0.000000e+00> : vector<64x128xf32>
    %dot_general3A_1323 = tpu.matmul %get3A_1, %get3A_1321, %dot_general3A_1322 {dimension_numbers = #tpu.dot_dimension_numbers<[1], [0], [0], [1], [0, 0, 1, 1], [], []>, transpose_lhs_hint = false} : vector<64x16xf32>, vector<16x128xf32>, vector<64x128xf32> -> vector<64x128xf32>
    %swap3A_1324 = arith.constant 0 : index
    %swap3A_1325 = arith.constant 0 : index
    %swap3A_1326 = arith.constant 12032 : index
    %swap3A_1327 = vector.load %arg3[%swap3A_1324, %swap3A_1325, %swap3A_1326] : memref<1x64x16384xf32, #tpu.memory_space<vmem>>, vector<1x64x128xf32>
    %swap3A_1328 = vector.shape_cast %swap3A_1327 : vector<1x64x128xf32> to vector<64x128xf32>
    %swap3A_1329 = vector.shape_cast %dot_general3A_1323 : vector<64x128xf32> to vector<1x64x128xf32>
    tpu.vector_store %arg3[%swap3A_1324, %swap3A_1325, %swap3A_1326], %swap3A_1329 {strides = array<i32>} : memref<1x64x16384xf32, #tpu.memory_space<vmem>>, vector<1x64x128xf32>,
    %get3A_1330 = arith.constant 0 : index
    %get3A_1331 = arith.constant 0 : index
    %get3A_1332 = arith.constant 95 : index
    %get3A_1333 = arith.constant 0 : index
    %get3A_1334 = vector.load %arg1[%get3A_1330, %get3A_1331, %get3A_1332, %get3A_1333] : memref<1x16x128x128xf32, #tpu.memory_space<vmem>>, vector<1x16x1x128xf32>
    %get3A_1335 = vector.shape_cast %get3A_1334 : vector<1x16x1x128xf32> to vector<16x128xf32>
    %dot_general3A_1336 = arith.constant dense<0.000000e+00> : vector<64x128xf32>
    %dot_general3A_1337 = tpu.matmul %get3A_1, %get3A_1335, %dot_general3A_1336 {dimension_numbers = #tpu.dot_dimension_numbers<[1], [0], [0], [1], [0, 0, 1, 1], [], []>, transpose_lhs_hint = false} : vector<64x16xf32>, vector<16x128xf32>, vector<64x128xf32> -> vector<64x128xf32>
    %swap3A_1338 = arith.constant 0 : index
    %swap3A_1339 = arith.constant 0 : index
    %swap3A_1340 = arith.constant 12160 : index
    %swap3A_1341 = vector.load %arg3[%swap3A_1338, %swap3A_1339, %swap3A_1340] : memref<1x64x16384xf32, #tpu.memory_space<vmem>>, vector<1x64x128xf32>
    %swap3A_1342 = vector.shape_cast %swap3A_1341 : vector<1x64x128xf32> to vector<64x128xf32>
    %swap3A_1343 = vector.shape_cast %dot_general3A_1337 : vector<64x128xf32> to vector<1x64x128xf32>
    tpu.vector_store %arg3[%swap3A_1338, %swap3A_1339, %swap3A_1340], %swap3A_1343 {strides = array<i32>} : memref<1x64x16384xf32, #tpu.memory_space<vmem>>, vector<1x64x128xf32>,
    %get3A_1344 = arith.constant 0 : index
    %get3A_1345 = arith.constant 0 : index
    %get3A_1346 = arith.constant 96 : index
    %get3A_1347 = arith.constant 0 : index
    %get3A_1348 = vector.load %arg1[%get3A_1344, %get3A_1345, %get3A_1346, %get3A_1347] : memref<1x16x128x128xf32, #tpu.memory_space<vmem>>, vector<1x16x1x128xf32>
    %get3A_1349 = vector.shape_cast %get3A_1348 : vector<1x16x1x128xf32> to vector<16x128xf32>
    %dot_general3A_1350 = arith.constant dense<0.000000e+00> : vector<64x128xf32>
    %dot_general3A_1351 = tpu.matmul %get3A_1, %get3A_1349, %dot_general3A_1350 {dimension_numbers = #tpu.dot_dimension_numbers<[1], [0], [0], [1], [0, 0, 1, 1], [], []>, transpose_lhs_hint = false} : vector<64x16xf32>, vector<16x128xf32>, vector<64x128xf32> -> vector<64x128xf32>
    %swap3A_1352 = arith.constant 0 : index
    %swap3A_1353 = arith.constant 0 : index
    %swap3A_1354 = arith.constant 12288 : index
    %swap3A_1355 = vector.load %arg3[%swap3A_1352, %swap3A_1353, %swap3A_1354] : memref<1x64x16384xf32, #tpu.memory_space<vmem>>, vector<1x64x128xf32>
    %swap3A_1356 = vector.shape_cast %swap3A_1355 : vector<1x64x128xf32> to vector<64x128xf32>
    %swap3A_1357 = vector.shape_cast %dot_general3A_1351 : vector<64x128xf32> to vector<1x64x128xf32>
    tpu.vector_store %arg3[%swap3A_1352, %swap3A_1353, %swap3A_1354], %swap3A_1357 {strides = array<i32>} : memref<1x64x16384xf32, #tpu.memory_space<vmem>>, vector<1x64x128xf32>,
    %get3A_1358 = arith.constant 0 : index
    %get3A_1359 = arith.constant 0 : index
    %get3A_1360 = arith.constant 97 : index
    %get3A_1361 = arith.constant 0 : index
    %get3A_1362 = vector.load %arg1[%get3A_1358, %get3A_1359, %get3A_1360, %get3A_1361] : memref<1x16x128x128xf32, #tpu.memory_space<vmem>>, vector<1x16x1x128xf32>
    %get3A_1363 = vector.shape_cast %get3A_1362 : vector<1x16x1x128xf32> to vector<16x128xf32>
    %dot_general3A_1364 = arith.constant dense<0.000000e+00> : vector<64x128xf32>
    %dot_general3A_1365 = tpu.matmul %get3A_1, %get3A_1363, %dot_general3A_1364 {dimension_numbers = #tpu.dot_dimension_numbers<[1], [0], [0], [1], [0, 0, 1, 1], [], []>, transpose_lhs_hint = false} : vector<64x16xf32>, vector<16x128xf32>, vector<64x128xf32> -> vector<64x128xf32>
    %swap3A_1366 = arith.constant 0 : index
    %swap3A_1367 = arith.constant 0 : index
    %swap3A_1368 = arith.constant 12416 : index
    %swap3A_1369 = vector.load %arg3[%swap3A_1366, %swap3A_1367, %swap3A_1368] : memref<1x64x16384xf32, #tpu.memory_space<vmem>>, vector<1x64x128xf32>
    %swap3A_1370 = vector.shape_cast %swap3A_1369 : vector<1x64x128xf32> to vector<64x128xf32>
    %swap3A_1371 = vector.shape_cast %dot_general3A_1365 : vector<64x128xf32> to vector<1x64x128xf32>
    tpu.vector_store %arg3[%swap3A_1366, %swap3A_1367, %swap3A_1368], %swap3A_1371 {strides = array<i32>} : memref<1x64x16384xf32, #tpu.memory_space<vmem>>, vector<1x64x128xf32>,
    %get3A_1372 = arith.constant 0 : index
    %get3A_1373 = arith.constant 0 : index
    %get3A_1374 = arith.constant 98 : index
    %get3A_1375 = arith.constant 0 : index
    %get3A_1376 = vector.load %arg1[%get3A_1372, %get3A_1373, %get3A_1374, %get3A_1375] : memref<1x16x128x128xf32, #tpu.memory_space<vmem>>, vector<1x16x1x128xf32>
    %get3A_1377 = vector.shape_cast %get3A_1376 : vector<1x16x1x128xf32> to vector<16x128xf32>
    %dot_general3A_1378 = arith.constant dense<0.000000e+00> : vector<64x128xf32>
    %dot_general3A_1379 = tpu.matmul %get3A_1, %get3A_1377, %dot_general3A_1378 {dimension_numbers = #tpu.dot_dimension_numbers<[1], [0], [0], [1], [0, 0, 1, 1], [], []>, transpose_lhs_hint = false} : vector<64x16xf32>, vector<16x128xf32>, vector<64x128xf32> -> vector<64x128xf32>
    %swap3A_1380 = arith.constant 0 : index
    %swap3A_1381 = arith.constant 0 : index
    %swap3A_1382 = arith.constant 12544 : index
    %swap3A_1383 = vector.load %arg3[%swap3A_1380, %swap3A_1381, %swap3A_1382] : memref<1x64x16384xf32, #tpu.memory_space<vmem>>, vector<1x64x128xf32>
    %swap3A_1384 = vector.shape_cast %swap3A_1383 : vector<1x64x128xf32> to vector<64x128xf32>
    %swap3A_1385 = vector.shape_cast %dot_general3A_1379 : vector<64x128xf32> to vector<1x64x128xf32>
    tpu.vector_store %arg3[%swap3A_1380, %swap3A_1381, %swap3A_1382], %swap3A_1385 {strides = array<i32>} : memref<1x64x16384xf32, #tpu.memory_space<vmem>>, vector<1x64x128xf32>,
    %get3A_1386 = arith.constant 0 : index
    %get3A_1387 = arith.constant 0 : index
    %get3A_1388 = arith.constant 99 : index
    %get3A_1389 = arith.constant 0 : index
    %get3A_1390 = vector.load %arg1[%get3A_1386, %get3A_1387, %get3A_1388, %get3A_1389] : memref<1x16x128x128xf32, #tpu.memory_space<vmem>>, vector<1x16x1x128xf32>
    %get3A_1391 = vector.shape_cast %get3A_1390 : vector<1x16x1x128xf32> to vector<16x128xf32>
    %dot_general3A_1392 = arith.constant dense<0.000000e+00> : vector<64x128xf32>
    %dot_general3A_1393 = tpu.matmul %get3A_1, %get3A_1391, %dot_general3A_1392 {dimension_numbers = #tpu.dot_dimension_numbers<[1], [0], [0], [1], [0, 0, 1, 1], [], []>, transpose_lhs_hint = false} : vector<64x16xf32>, vector<16x128xf32>, vector<64x128xf32> -> vector<64x128xf32>
    %swap3A_1394 = arith.constant 0 : index
    %swap3A_1395 = arith.constant 0 : index
    %swap3A_1396 = arith.constant 12672 : index
    %swap3A_1397 = vector.load %arg3[%swap3A_1394, %swap3A_1395, %swap3A_1396] : memref<1x64x16384xf32, #tpu.memory_space<vmem>>, vector<1x64x128xf32>
    %swap3A_1398 = vector.shape_cast %swap3A_1397 : vector<1x64x128xf32> to vector<64x128xf32>
    %swap3A_1399 = vector.shape_cast %dot_general3A_1393 : vector<64x128xf32> to vector<1x64x128xf32>
    tpu.vector_store %arg3[%swap3A_1394, %swap3A_1395, %swap3A_1396], %swap3A_1399 {strides = array<i32>} : memref<1x64x16384xf32, #tpu.memory_space<vmem>>, vector<1x64x128xf32>,
    %get3A_1400 = arith.constant 0 : index
    %get3A_1401 = arith.constant 0 : index
    %get3A_1402 = arith.constant 100 : index
    %get3A_1403 = arith.constant 0 : index
    %get3A_1404 = vector.load %arg1[%get3A_1400, %get3A_1401, %get3A_1402, %get3A_1403] : memref<1x16x128x128xf32, #tpu.memory_space<vmem>>, vector<1x16x1x128xf32>
    %get3A_1405 = vector.shape_cast %get3A_1404 : vector<1x16x1x128xf32> to vector<16x128xf32>
    %dot_general3A_1406 = arith.constant dense<0.000000e+00> : vector<64x128xf32>
    %dot_general3A_1407 = tpu.matmul %get3A_1, %get3A_1405, %dot_general3A_1406 {dimension_numbers = #tpu.dot_dimension_numbers<[1], [0], [0], [1], [0, 0, 1, 1], [], []>, transpose_lhs_hint = false} : vector<64x16xf32>, vector<16x128xf32>, vector<64x128xf32> -> vector<64x128xf32>
    %swap3A_1408 = arith.constant 0 : index
    %swap3A_1409 = arith.constant 0 : index
    %swap3A_1410 = arith.constant 12800 : index
    %swap3A_1411 = vector.load %arg3[%swap3A_1408, %swap3A_1409, %swap3A_1410] : memref<1x64x16384xf32, #tpu.memory_space<vmem>>, vector<1x64x128xf32>
    %swap3A_1412 = vector.shape_cast %swap3A_1411 : vector<1x64x128xf32> to vector<64x128xf32>
    %swap3A_1413 = vector.shape_cast %dot_general3A_1407 : vector<64x128xf32> to vector<1x64x128xf32>
    tpu.vector_store %arg3[%swap3A_1408, %swap3A_1409, %swap3A_1410], %swap3A_1413 {strides = array<i32>} : memref<1x64x16384xf32, #tpu.memory_space<vmem>>, vector<1x64x128xf32>,
    %get3A_1414 = arith.constant 0 : index
    %get3A_1415 = arith.constant 0 : index
    %get3A_1416 = arith.constant 101 : index
    %get3A_1417 = arith.constant 0 : index
    %get3A_1418 = vector.load %arg1[%get3A_1414, %get3A_1415, %get3A_1416, %get3A_1417] : memref<1x16x128x128xf32, #tpu.memory_space<vmem>>, vector<1x16x1x128xf32>
    %get3A_1419 = vector.shape_cast %get3A_1418 : vector<1x16x1x128xf32> to vector<16x128xf32>
    %dot_general3A_1420 = arith.constant dense<0.000000e+00> : vector<64x128xf32>
    %dot_general3A_1421 = tpu.matmul %get3A_1, %get3A_1419, %dot_general3A_1420 {dimension_numbers = #tpu.dot_dimension_numbers<[1], [0], [0], [1], [0, 0, 1, 1], [], []>, transpose_lhs_hint = false} : vector<64x16xf32>, vector<16x128xf32>, vector<64x128xf32> -> vector<64x128xf32>
    %swap3A_1422 = arith.constant 0 : index
    %swap3A_1423 = arith.constant 0 : index
    %swap3A_1424 = arith.constant 12928 : index
    %swap3A_1425 = vector.load %arg3[%swap3A_1422, %swap3A_1423, %swap3A_1424] : memref<1x64x16384xf32, #tpu.memory_space<vmem>>, vector<1x64x128xf32>
    %swap3A_1426 = vector.shape_cast %swap3A_1425 : vector<1x64x128xf32> to vector<64x128xf32>
    %swap3A_1427 = vector.shape_cast %dot_general3A_1421 : vector<64x128xf32> to vector<1x64x128xf32>
    tpu.vector_store %arg3[%swap3A_1422, %swap3A_1423, %swap3A_1424], %swap3A_1427 {strides = array<i32>} : memref<1x64x16384xf32, #tpu.memory_space<vmem>>, vector<1x64x128xf32>,
    %get3A_1428 = arith.constant 0 : index
    %get3A_1429 = arith.constant 0 : index
    %get3A_1430 = arith.constant 102 : index
    %get3A_1431 = arith.constant 0 : index
    %get3A_1432 = vector.load %arg1[%get3A_1428, %get3A_1429, %get3A_1430, %get3A_1431] : memref<1x16x128x128xf32, #tpu.memory_space<vmem>>, vector<1x16x1x128xf32>
    %get3A_1433 = vector.shape_cast %get3A_1432 : vector<1x16x1x128xf32> to vector<16x128xf32>
    %dot_general3A_1434 = arith.constant dense<0.000000e+00> : vector<64x128xf32>
    %dot_general3A_1435 = tpu.matmul %get3A_1, %get3A_1433, %dot_general3A_1434 {dimension_numbers = #tpu.dot_dimension_numbers<[1], [0], [0], [1], [0, 0, 1, 1], [], []>, transpose_lhs_hint = false} : vector<64x16xf32>, vector<16x128xf32>, vector<64x128xf32> -> vector<64x128xf32>
    %swap3A_1436 = arith.constant 0 : index
    %swap3A_1437 = arith.constant 0 : index
    %swap3A_1438 = arith.constant 13056 : index
    %swap3A_1439 = vector.load %arg3[%swap3A_1436, %swap3A_1437, %swap3A_1438] : memref<1x64x16384xf32, #tpu.memory_space<vmem>>, vector<1x64x128xf32>
    %swap3A_1440 = vector.shape_cast %swap3A_1439 : vector<1x64x128xf32> to vector<64x128xf32>
    %swap3A_1441 = vector.shape_cast %dot_general3A_1435 : vector<64x128xf32> to vector<1x64x128xf32>
    tpu.vector_store %arg3[%swap3A_1436, %swap3A_1437, %swap3A_1438], %swap3A_1441 {strides = array<i32>} : memref<1x64x16384xf32, #tpu.memory_space<vmem>>, vector<1x64x128xf32>,
    %get3A_1442 = arith.constant 0 : index
    %get3A_1443 = arith.constant 0 : index
    %get3A_1444 = arith.constant 103 : index
    %get3A_1445 = arith.constant 0 : index
    %get3A_1446 = vector.load %arg1[%get3A_1442, %get3A_1443, %get3A_1444, %get3A_1445] : memref<1x16x128x128xf32, #tpu.memory_space<vmem>>, vector<1x16x1x128xf32>
    %get3A_1447 = vector.shape_cast %get3A_1446 : vector<1x16x1x128xf32> to vector<16x128xf32>
    %dot_general3A_1448 = arith.constant dense<0.000000e+00> : vector<64x128xf32>
    %dot_general3A_1449 = tpu.matmul %get3A_1, %get3A_1447, %dot_general3A_1448 {dimension_numbers = #tpu.dot_dimension_numbers<[1], [0], [0], [1], [0, 0, 1, 1], [], []>, transpose_lhs_hint = false} : vector<64x16xf32>, vector<16x128xf32>, vector<64x128xf32> -> vector<64x128xf32>
    %swap3A_1450 = arith.constant 0 : index
    %swap3A_1451 = arith.constant 0 : index
    %swap3A_1452 = arith.constant 13184 : index
    %swap3A_1453 = vector.load %arg3[%swap3A_1450, %swap3A_1451, %swap3A_1452] : memref<1x64x16384xf32, #tpu.memory_space<vmem>>, vector<1x64x128xf32>
    %swap3A_1454 = vector.shape_cast %swap3A_1453 : vector<1x64x128xf32> to vector<64x128xf32>
    %swap3A_1455 = vector.shape_cast %dot_general3A_1449 : vector<64x128xf32> to vector<1x64x128xf32>
    tpu.vector_store %arg3[%swap3A_1450, %swap3A_1451, %swap3A_1452], %swap3A_1455 {strides = array<i32>} : memref<1x64x16384xf32, #tpu.memory_space<vmem>>, vector<1x64x128xf32>,
    %get3A_1456 = arith.constant 0 : index
    %get3A_1457 = arith.constant 0 : index
    %get3A_1458 = arith.constant 104 : index
    %get3A_1459 = arith.constant 0 : index
    %get3A_1460 = vector.load %arg1[%get3A_1456, %get3A_1457, %get3A_1458, %get3A_1459] : memref<1x16x128x128xf32, #tpu.memory_space<vmem>>, vector<1x16x1x128xf32>
    %get3A_1461 = vector.shape_cast %get3A_1460 : vector<1x16x1x128xf32> to vector<16x128xf32>
    %dot_general3A_1462 = arith.constant dense<0.000000e+00> : vector<64x128xf32>
    %dot_general3A_1463 = tpu.matmul %get3A_1, %get3A_1461, %dot_general3A_1462 {dimension_numbers = #tpu.dot_dimension_numbers<[1], [0], [0], [1], [0, 0, 1, 1], [], []>, transpose_lhs_hint = false} : vector<64x16xf32>, vector<16x128xf32>, vector<64x128xf32> -> vector<64x128xf32>
    %swap3A_1464 = arith.constant 0 : index
    %swap3A_1465 = arith.constant 0 : index
    %swap3A_1466 = arith.constant 13312 : index
    %swap3A_1467 = vector.load %arg3[%swap3A_1464, %swap3A_1465, %swap3A_1466] : memref<1x64x16384xf32, #tpu.memory_space<vmem>>, vector<1x64x128xf32>
    %swap3A_1468 = vector.shape_cast %swap3A_1467 : vector<1x64x128xf32> to vector<64x128xf32>
    %swap3A_1469 = vector.shape_cast %dot_general3A_1463 : vector<64x128xf32> to vector<1x64x128xf32>
    tpu.vector_store %arg3[%swap3A_1464, %swap3A_1465, %swap3A_1466], %swap3A_1469 {strides = array<i32>} : memref<1x64x16384xf32, #tpu.memory_space<vmem>>, vector<1x64x128xf32>,
    %get3A_1470 = arith.constant 0 : index
    %get3A_1471 = arith.constant 0 : index
    %get3A_1472 = arith.constant 105 : index
    %get3A_1473 = arith.constant 0 : index
    %get3A_1474 = vector.load %arg1[%get3A_1470, %get3A_1471, %get3A_1472, %get3A_1473] : memref<1x16x128x128xf32, #tpu.memory_space<vmem>>, vector<1x16x1x128xf32>
    %get3A_1475 = vector.shape_cast %get3A_1474 : vector<1x16x1x128xf32> to vector<16x128xf32>
    %dot_general3A_1476 = arith.constant dense<0.000000e+00> : vector<64x128xf32>
    %dot_general3A_1477 = tpu.matmul %get3A_1, %get3A_1475, %dot_general3A_1476 {dimension_numbers = #tpu.dot_dimension_numbers<[1], [0], [0], [1], [0, 0, 1, 1], [], []>, transpose_lhs_hint = false} : vector<64x16xf32>, vector<16x128xf32>, vector<64x128xf32> -> vector<64x128xf32>
    %swap3A_1478 = arith.constant 0 : index
    %swap3A_1479 = arith.constant 0 : index
    %swap3A_1480 = arith.constant 13440 : index
    %swap3A_1481 = vector.load %arg3[%swap3A_1478, %swap3A_1479, %swap3A_1480] : memref<1x64x16384xf32, #tpu.memory_space<vmem>>, vector<1x64x128xf32>
    %swap3A_1482 = vector.shape_cast %swap3A_1481 : vector<1x64x128xf32> to vector<64x128xf32>
    %swap3A_1483 = vector.shape_cast %dot_general3A_1477 : vector<64x128xf32> to vector<1x64x128xf32>
    tpu.vector_store %arg3[%swap3A_1478, %swap3A_1479, %swap3A_1480], %swap3A_1483 {strides = array<i32>} : memref<1x64x16384xf32, #tpu.memory_space<vmem>>, vector<1x64x128xf32>,
    %get3A_1484 = arith.constant 0 : index
    %get3A_1485 = arith.constant 0 : index
    %get3A_1486 = arith.constant 106 : index
    %get3A_1487 = arith.constant 0 : index
    %get3A_1488 = vector.load %arg1[%get3A_1484, %get3A_1485, %get3A_1486, %get3A_1487] : memref<1x16x128x128xf32, #tpu.memory_space<vmem>>, vector<1x16x1x128xf32>
    %get3A_1489 = vector.shape_cast %get3A_1488 : vector<1x16x1x128xf32> to vector<16x128xf32>
    %dot_general3A_1490 = arith.constant dense<0.000000e+00> : vector<64x128xf32>
    %dot_general3A_1491 = tpu.matmul %get3A_1, %get3A_1489, %dot_general3A_1490 {dimension_numbers = #tpu.dot_dimension_numbers<[1], [0], [0], [1], [0, 0, 1, 1], [], []>, transpose_lhs_hint = false} : vector<64x16xf32>, vector<16x128xf32>, vector<64x128xf32> -> vector<64x128xf32>
    %swap3A_1492 = arith.constant 0 : index
    %swap3A_1493 = arith.constant 0 : index
    %swap3A_1494 = arith.constant 13568 : index
    %swap3A_1495 = vector.load %arg3[%swap3A_1492, %swap3A_1493, %swap3A_1494] : memref<1x64x16384xf32, #tpu.memory_space<vmem>>, vector<1x64x128xf32>
    %swap3A_1496 = vector.shape_cast %swap3A_1495 : vector<1x64x128xf32> to vector<64x128xf32>
    %swap3A_1497 = vector.shape_cast %dot_general3A_1491 : vector<64x128xf32> to vector<1x64x128xf32>
    tpu.vector_store %arg3[%swap3A_1492, %swap3A_1493, %swap3A_1494], %swap3A_1497 {strides = array<i32>} : memref<1x64x16384xf32, #tpu.memory_space<vmem>>, vector<1x64x128xf32>,
    %get3A_1498 = arith.constant 0 : index
    %get3A_1499 = arith.constant 0 : index
    %get3A_1500 = arith.constant 107 : index
    %get3A_1501 = arith.constant 0 : index
    %get3A_1502 = vector.load %arg1[%get3A_1498, %get3A_1499, %get3A_1500, %get3A_1501] : memref<1x16x128x128xf32, #tpu.memory_space<vmem>>, vector<1x16x1x128xf32>
    %get3A_1503 = vector.shape_cast %get3A_1502 : vector<1x16x1x128xf32> to vector<16x128xf32>
    %dot_general3A_1504 = arith.constant dense<0.000000e+00> : vector<64x128xf32>
    %dot_general3A_1505 = tpu.matmul %get3A_1, %get3A_1503, %dot_general3A_1504 {dimension_numbers = #tpu.dot_dimension_numbers<[1], [0], [0], [1], [0, 0, 1, 1], [], []>, transpose_lhs_hint = false} : vector<64x16xf32>, vector<16x128xf32>, vector<64x128xf32> -> vector<64x128xf32>
    %swap3A_1506 = arith.constant 0 : index
    %swap3A_1507 = arith.constant 0 : index
    %swap3A_1508 = arith.constant 13696 : index
    %swap3A_1509 = vector.load %arg3[%swap3A_1506, %swap3A_1507, %swap3A_1508] : memref<1x64x16384xf32, #tpu.memory_space<vmem>>, vector<1x64x128xf32>
    %swap3A_1510 = vector.shape_cast %swap3A_1509 : vector<1x64x128xf32> to vector<64x128xf32>
    %swap3A_1511 = vector.shape_cast %dot_general3A_1505 : vector<64x128xf32> to vector<1x64x128xf32>
    tpu.vector_store %arg3[%swap3A_1506, %swap3A_1507, %swap3A_1508], %swap3A_1511 {strides = array<i32>} : memref<1x64x16384xf32, #tpu.memory_space<vmem>>, vector<1x64x128xf32>,
    %get3A_1512 = arith.constant 0 : index
    %get3A_1513 = arith.constant 0 : index
    %get3A_1514 = arith.constant 108 : index
    %get3A_1515 = arith.constant 0 : index
    %get3A_1516 = vector.load %arg1[%get3A_1512, %get3A_1513, %get3A_1514, %get3A_1515] : memref<1x16x128x128xf32, #tpu.memory_space<vmem>>, vector<1x16x1x128xf32>
    %get3A_1517 = vector.shape_cast %get3A_1516 : vector<1x16x1x128xf32> to vector<16x128xf32>
    %dot_general3A_1518 = arith.constant dense<0.000000e+00> : vector<64x128xf32>
    %dot_general3A_1519 = tpu.matmul %get3A_1, %get3A_1517, %dot_general3A_1518 {dimension_numbers = #tpu.dot_dimension_numbers<[1], [0], [0], [1], [0, 0, 1, 1], [], []>, transpose_lhs_hint = false} : vector<64x16xf32>, vector<16x128xf32>, vector<64x128xf32> -> vector<64x128xf32>
    %swap3A_1520 = arith.constant 0 : index
    %swap3A_1521 = arith.constant 0 : index
    %swap3A_1522 = arith.constant 13824 : index
    %swap3A_1523 = vector.load %arg3[%swap3A_1520, %swap3A_1521, %swap3A_1522] : memref<1x64x16384xf32, #tpu.memory_space<vmem>>, vector<1x64x128xf32>
    %swap3A_1524 = vector.shape_cast %swap3A_1523 : vector<1x64x128xf32> to vector<64x128xf32>
    %swap3A_1525 = vector.shape_cast %dot_general3A_1519 : vector<64x128xf32> to vector<1x64x128xf32>
    tpu.vector_store %arg3[%swap3A_1520, %swap3A_1521, %swap3A_1522], %swap3A_1525 {strides = array<i32>} : memref<1x64x16384xf32, #tpu.memory_space<vmem>>, vector<1x64x128xf32>,
    %get3A_1526 = arith.constant 0 : index
    %get3A_1527 = arith.constant 0 : index
    %get3A_1528 = arith.constant 109 : index
    %get3A_1529 = arith.constant 0 : index
    %get3A_1530 = vector.load %arg1[%get3A_1526, %get3A_1527, %get3A_1528, %get3A_1529] : memref<1x16x128x128xf32, #tpu.memory_space<vmem>>, vector<1x16x1x128xf32>
    %get3A_1531 = vector.shape_cast %get3A_1530 : vector<1x16x1x128xf32> to vector<16x128xf32>
    %dot_general3A_1532 = arith.constant dense<0.000000e+00> : vector<64x128xf32>
    %dot_general3A_1533 = tpu.matmul %get3A_1, %get3A_1531, %dot_general3A_1532 {dimension_numbers = #tpu.dot_dimension_numbers<[1], [0], [0], [1], [0, 0, 1, 1], [], []>, transpose_lhs_hint = false} : vector<64x16xf32>, vector<16x128xf32>, vector<64x128xf32> -> vector<64x128xf32>
    %swap3A_1534 = arith.constant 0 : index
    %swap3A_1535 = arith.constant 0 : index
    %swap3A_1536 = arith.constant 13952 : index
    %swap3A_1537 = vector.load %arg3[%swap3A_1534, %swap3A_1535, %swap3A_1536] : memref<1x64x16384xf32, #tpu.memory_space<vmem>>, vector<1x64x128xf32>
    %swap3A_1538 = vector.shape_cast %swap3A_1537 : vector<1x64x128xf32> to vector<64x128xf32>
    %swap3A_1539 = vector.shape_cast %dot_general3A_1533 : vector<64x128xf32> to vector<1x64x128xf32>
    tpu.vector_store %arg3[%swap3A_1534, %swap3A_1535, %swap3A_1536], %swap3A_1539 {strides = array<i32>} : memref<1x64x16384xf32, #tpu.memory_space<vmem>>, vector<1x64x128xf32>,
    %get3A_1540 = arith.constant 0 : index
    %get3A_1541 = arith.constant 0 : index
    %get3A_1542 = arith.constant 110 : index
    %get3A_1543 = arith.constant 0 : index
    %get3A_1544 = vector.load %arg1[%get3A_1540, %get3A_1541, %get3A_1542, %get3A_1543] : memref<1x16x128x128xf32, #tpu.memory_space<vmem>>, vector<1x16x1x128xf32>
    %get3A_1545 = vector.shape_cast %get3A_1544 : vector<1x16x1x128xf32> to vector<16x128xf32>
    %dot_general3A_1546 = arith.constant dense<0.000000e+00> : vector<64x128xf32>
    %dot_general3A_1547 = tpu.matmul %get3A_1, %get3A_1545, %dot_general3A_1546 {dimension_numbers = #tpu.dot_dimension_numbers<[1], [0], [0], [1], [0, 0, 1, 1], [], []>, transpose_lhs_hint = false} : vector<64x16xf32>, vector<16x128xf32>, vector<64x128xf32> -> vector<64x128xf32>
    %swap3A_1548 = arith.constant 0 : index
    %swap3A_1549 = arith.constant 0 : index
    %swap3A_1550 = arith.constant 14080 : index
    %swap3A_1551 = vector.load %arg3[%swap3A_1548, %swap3A_1549, %swap3A_1550] : memref<1x64x16384xf32, #tpu.memory_space<vmem>>, vector<1x64x128xf32>
    %swap3A_1552 = vector.shape_cast %swap3A_1551 : vector<1x64x128xf32> to vector<64x128xf32>
    %swap3A_1553 = vector.shape_cast %dot_general3A_1547 : vector<64x128xf32> to vector<1x64x128xf32>
    tpu.vector_store %arg3[%swap3A_1548, %swap3A_1549, %swap3A_1550], %swap3A_1553 {strides = array<i32>} : memref<1x64x16384xf32, #tpu.memory_space<vmem>>, vector<1x64x128xf32>,
    %get3A_1554 = arith.constant 0 : index
    %get3A_1555 = arith.constant 0 : index
    %get3A_1556 = arith.constant 111 : index
    %get3A_1557 = arith.constant 0 : index
    %get3A_1558 = vector.load %arg1[%get3A_1554, %get3A_1555, %get3A_1556, %get3A_1557] : memref<1x16x128x128xf32, #tpu.memory_space<vmem>>, vector<1x16x1x128xf32>
    %get3A_1559 = vector.shape_cast %get3A_1558 : vector<1x16x1x128xf32> to vector<16x128xf32>
    %dot_general3A_1560 = arith.constant dense<0.000000e+00> : vector<64x128xf32>
    %dot_general3A_1561 = tpu.matmul %get3A_1, %get3A_1559, %dot_general3A_1560 {dimension_numbers = #tpu.dot_dimension_numbers<[1], [0], [0], [1], [0, 0, 1, 1], [], []>, transpose_lhs_hint = false} : vector<64x16xf32>, vector<16x128xf32>, vector<64x128xf32> -> vector<64x128xf32>
    %swap3A_1562 = arith.constant 0 : index
    %swap3A_1563 = arith.constant 0 : index
    %swap3A_1564 = arith.constant 14208 : index
    %swap3A_1565 = vector.load %arg3[%swap3A_1562, %swap3A_1563, %swap3A_1564] : memref<1x64x16384xf32, #tpu.memory_space<vmem>>, vector<1x64x128xf32>
    %swap3A_1566 = vector.shape_cast %swap3A_1565 : vector<1x64x128xf32> to vector<64x128xf32>
    %swap3A_1567 = vector.shape_cast %dot_general3A_1561 : vector<64x128xf32> to vector<1x64x128xf32>
    tpu.vector_store %arg3[%swap3A_1562, %swap3A_1563, %swap3A_1564], %swap3A_1567 {strides = array<i32>} : memref<1x64x16384xf32, #tpu.memory_space<vmem>>, vector<1x64x128xf32>,
    %get3A_1568 = arith.constant 0 : index
    %get3A_1569 = arith.constant 0 : index
    %get3A_1570 = arith.constant 112 : index
    %get3A_1571 = arith.constant 0 : index
    %get3A_1572 = vector.load %arg1[%get3A_1568, %get3A_1569, %get3A_1570, %get3A_1571] : memref<1x16x128x128xf32, #tpu.memory_space<vmem>>, vector<1x16x1x128xf32>
    %get3A_1573 = vector.shape_cast %get3A_1572 : vector<1x16x1x128xf32> to vector<16x128xf32>
    %dot_general3A_1574 = arith.constant dense<0.000000e+00> : vector<64x128xf32>
    %dot_general3A_1575 = tpu.matmul %get3A_1, %get3A_1573, %dot_general3A_1574 {dimension_numbers = #tpu.dot_dimension_numbers<[1], [0], [0], [1], [0, 0, 1, 1], [], []>, transpose_lhs_hint = false} : vector<64x16xf32>, vector<16x128xf32>, vector<64x128xf32> -> vector<64x128xf32>
    %swap3A_1576 = arith.constant 0 : index
    %swap3A_1577 = arith.constant 0 : index
    %swap3A_1578 = arith.constant 14336 : index
    %swap3A_1579 = vector.load %arg3[%swap3A_1576, %swap3A_1577, %swap3A_1578] : memref<1x64x16384xf32, #tpu.memory_space<vmem>>, vector<1x64x128xf32>
    %swap3A_1580 = vector.shape_cast %swap3A_1579 : vector<1x64x128xf32> to vector<64x128xf32>
    %swap3A_1581 = vector.shape_cast %dot_general3A_1575 : vector<64x128xf32> to vector<1x64x128xf32>
    tpu.vector_store %arg3[%swap3A_1576, %swap3A_1577, %swap3A_1578], %swap3A_1581 {strides = array<i32>} : memref<1x64x16384xf32, #tpu.memory_space<vmem>>, vector<1x64x128xf32>,
    %get3A_1582 = arith.constant 0 : index
    %get3A_1583 = arith.constant 0 : index
    %get3A_1584 = arith.constant 113 : index
    %get3A_1585 = arith.constant 0 : index
    %get3A_1586 = vector.load %arg1[%get3A_1582, %get3A_1583, %get3A_1584, %get3A_1585] : memref<1x16x128x128xf32, #tpu.memory_space<vmem>>, vector<1x16x1x128xf32>
    %get3A_1587 = vector.shape_cast %get3A_1586 : vector<1x16x1x128xf32> to vector<16x128xf32>
    %dot_general3A_1588 = arith.constant dense<0.000000e+00> : vector<64x128xf32>
    %dot_general3A_1589 = tpu.matmul %get3A_1, %get3A_1587, %dot_general3A_1588 {dimension_numbers = #tpu.dot_dimension_numbers<[1], [0], [0], [1], [0, 0, 1, 1], [], []>, transpose_lhs_hint = false} : vector<64x16xf32>, vector<16x128xf32>, vector<64x128xf32> -> vector<64x128xf32>
    %swap3A_1590 = arith.constant 0 : index
    %swap3A_1591 = arith.constant 0 : index
    %swap3A_1592 = arith.constant 14464 : index
    %swap3A_1593 = vector.load %arg3[%swap3A_1590, %swap3A_1591, %swap3A_1592] : memref<1x64x16384xf32, #tpu.memory_space<vmem>>, vector<1x64x128xf32>
    %swap3A_1594 = vector.shape_cast %swap3A_1593 : vector<1x64x128xf32> to vector<64x128xf32>
    %swap3A_1595 = vector.shape_cast %dot_general3A_1589 : vector<64x128xf32> to vector<1x64x128xf32>
    tpu.vector_store %arg3[%swap3A_1590, %swap3A_1591, %swap3A_1592], %swap3A_1595 {strides = array<i32>} : memref<1x64x16384xf32, #tpu.memory_space<vmem>>, vector<1x64x128xf32>,
    %get3A_1596 = arith.constant 0 : index
    %get3A_1597 = arith.constant 0 : index
    %get3A_1598 = arith.constant 114 : index
    %get3A_1599 = arith.constant 0 : index
    %get3A_1600 = vector.load %arg1[%get3A_1596, %get3A_1597, %get3A_1598, %get3A_1599] : memref<1x16x128x128xf32, #tpu.memory_space<vmem>>, vector<1x16x1x128xf32>
    %get3A_1601 = vector.shape_cast %get3A_1600 : vector<1x16x1x128xf32> to vector<16x128xf32>
    %dot_general3A_1602 = arith.constant dense<0.000000e+00> : vector<64x128xf32>
    %dot_general3A_1603 = tpu.matmul %get3A_1, %get3A_1601, %dot_general3A_1602 {dimension_numbers = #tpu.dot_dimension_numbers<[1], [0], [0], [1], [0, 0, 1, 1], [], []>, transpose_lhs_hint = false} : vector<64x16xf32>, vector<16x128xf32>, vector<64x128xf32> -> vector<64x128xf32>
    %swap3A_1604 = arith.constant 0 : index
    %swap3A_1605 = arith.constant 0 : index
    %swap3A_1606 = arith.constant 14592 : index
    %swap3A_1607 = vector.load %arg3[%swap3A_1604, %swap3A_1605, %swap3A_1606] : memref<1x64x16384xf32, #tpu.memory_space<vmem>>, vector<1x64x128xf32>
    %swap3A_1608 = vector.shape_cast %swap3A_1607 : vector<1x64x128xf32> to vector<64x128xf32>
    %swap3A_1609 = vector.shape_cast %dot_general3A_1603 : vector<64x128xf32> to vector<1x64x128xf32>
    tpu.vector_store %arg3[%swap3A_1604, %swap3A_1605, %swap3A_1606], %swap3A_1609 {strides = array<i32>} : memref<1x64x16384xf32, #tpu.memory_space<vmem>>, vector<1x64x128xf32>,
    %get3A_1610 = arith.constant 0 : index
    %get3A_1611 = arith.constant 0 : index
    %get3A_1612 = arith.constant 115 : index
    %get3A_1613 = arith.constant 0 : index
    %get3A_1614 = vector.load %arg1[%get3A_1610, %get3A_1611, %get3A_1612, %get3A_1613] : memref<1x16x128x128xf32, #tpu.memory_space<vmem>>, vector<1x16x1x128xf32>
    %get3A_1615 = vector.shape_cast %get3A_1614 : vector<1x16x1x128xf32> to vector<16x128xf32>
    %dot_general3A_1616 = arith.constant dense<0.000000e+00> : vector<64x128xf32>
    %dot_general3A_1617 = tpu.matmul %get3A_1, %get3A_1615, %dot_general3A_1616 {dimension_numbers = #tpu.dot_dimension_numbers<[1], [0], [0], [1], [0, 0, 1, 1], [], []>, transpose_lhs_hint = false} : vector<64x16xf32>, vector<16x128xf32>, vector<64x128xf32> -> vector<64x128xf32>
    %swap3A_1618 = arith.constant 0 : index
    %swap3A_1619 = arith.constant 0 : index
    %swap3A_1620 = arith.constant 14720 : index
    %swap3A_1621 = vector.load %arg3[%swap3A_1618, %swap3A_1619, %swap3A_1620] : memref<1x64x16384xf32, #tpu.memory_space<vmem>>, vector<1x64x128xf32>
    %swap3A_1622 = vector.shape_cast %swap3A_1621 : vector<1x64x128xf32> to vector<64x128xf32>
    %swap3A_1623 = vector.shape_cast %dot_general3A_1617 : vector<64x128xf32> to vector<1x64x128xf32>
    tpu.vector_store %arg3[%swap3A_1618, %swap3A_1619, %swap3A_1620], %swap3A_1623 {strides = array<i32>} : memref<1x64x16384xf32, #tpu.memory_space<vmem>>, vector<1x64x128xf32>,
    %get3A_1624 = arith.constant 0 : index
    %get3A_1625 = arith.constant 0 : index
    %get3A_1626 = arith.constant 116 : index
    %get3A_1627 = arith.constant 0 : index
    %get3A_1628 = vector.load %arg1[%get3A_1624, %get3A_1625, %get3A_1626, %get3A_1627] : memref<1x16x128x128xf32, #tpu.memory_space<vmem>>, vector<1x16x1x128xf32>
    %get3A_1629 = vector.shape_cast %get3A_1628 : vector<1x16x1x128xf32> to vector<16x128xf32>
    %dot_general3A_1630 = arith.constant dense<0.000000e+00> : vector<64x128xf32>
    %dot_general3A_1631 = tpu.matmul %get3A_1, %get3A_1629, %dot_general3A_1630 {dimension_numbers = #tpu.dot_dimension_numbers<[1], [0], [0], [1], [0, 0, 1, 1], [], []>, transpose_lhs_hint = false} : vector<64x16xf32>, vector<16x128xf32>, vector<64x128xf32> -> vector<64x128xf32>
    %swap3A_1632 = arith.constant 0 : index
    %swap3A_1633 = arith.constant 0 : index
    %swap3A_1634 = arith.constant 14848 : index
    %swap3A_1635 = vector.load %arg3[%swap3A_1632, %swap3A_1633, %swap3A_1634] : memref<1x64x16384xf32, #tpu.memory_space<vmem>>, vector<1x64x128xf32>
    %swap3A_1636 = vector.shape_cast %swap3A_1635 : vector<1x64x128xf32> to vector<64x128xf32>
    %swap3A_1637 = vector.shape_cast %dot_general3A_1631 : vector<64x128xf32> to vector<1x64x128xf32>
    tpu.vector_store %arg3[%swap3A_1632, %swap3A_1633, %swap3A_1634], %swap3A_1637 {strides = array<i32>} : memref<1x64x16384xf32, #tpu.memory_space<vmem>>, vector<1x64x128xf32>,
    %get3A_1638 = arith.constant 0 : index
    %get3A_1639 = arith.constant 0 : index
    %get3A_1640 = arith.constant 117 : index
    %get3A_1641 = arith.constant 0 : index
    %get3A_1642 = vector.load %arg1[%get3A_1638, %get3A_1639, %get3A_1640, %get3A_1641] : memref<1x16x128x128xf32, #tpu.memory_space<vmem>>, vector<1x16x1x128xf32>
    %get3A_1643 = vector.shape_cast %get3A_1642 : vector<1x16x1x128xf32> to vector<16x128xf32>
    %dot_general3A_1644 = arith.constant dense<0.000000e+00> : vector<64x128xf32>
    %dot_general3A_1645 = tpu.matmul %get3A_1, %get3A_1643, %dot_general3A_1644 {dimension_numbers = #tpu.dot_dimension_numbers<[1], [0], [0], [1], [0, 0, 1, 1], [], []>, transpose_lhs_hint = false} : vector<64x16xf32>, vector<16x128xf32>, vector<64x128xf32> -> vector<64x128xf32>
    %swap3A_1646 = arith.constant 0 : index
    %swap3A_1647 = arith.constant 0 : index
    %swap3A_1648 = arith.constant 14976 : index
    %swap3A_1649 = vector.load %arg3[%swap3A_1646, %swap3A_1647, %swap3A_1648] : memref<1x64x16384xf32, #tpu.memory_space<vmem>>, vector<1x64x128xf32>
    %swap3A_1650 = vector.shape_cast %swap3A_1649 : vector<1x64x128xf32> to vector<64x128xf32>
    %swap3A_1651 = vector.shape_cast %dot_general3A_1645 : vector<64x128xf32> to vector<1x64x128xf32>
    tpu.vector_store %arg3[%swap3A_1646, %swap3A_1647, %swap3A_1648], %swap3A_1651 {strides = array<i32>} : memref<1x64x16384xf32, #tpu.memory_space<vmem>>, vector<1x64x128xf32>,
    %get3A_1652 = arith.constant 0 : index
    %get3A_1653 = arith.constant 0 : index
    %get3A_1654 = arith.constant 118 : index
    %get3A_1655 = arith.constant 0 : index
    %get3A_1656 = vector.load %arg1[%get3A_1652, %get3A_1653, %get3A_1654, %get3A_1655] : memref<1x16x128x128xf32, #tpu.memory_space<vmem>>, vector<1x16x1x128xf32>
    %get3A_1657 = vector.shape_cast %get3A_1656 : vector<1x16x1x128xf32> to vector<16x128xf32>
    %dot_general3A_1658 = arith.constant dense<0.000000e+00> : vector<64x128xf32>
    %dot_general3A_1659 = tpu.matmul %get3A_1, %get3A_1657, %dot_general3A_1658 {dimension_numbers = #tpu.dot_dimension_numbers<[1], [0], [0], [1], [0, 0, 1, 1], [], []>, transpose_lhs_hint = false} : vector<64x16xf32>, vector<16x128xf32>, vector<64x128xf32> -> vector<64x128xf32>
    %swap3A_1660 = arith.constant 0 : index
    %swap3A_1661 = arith.constant 0 : index
    %swap3A_1662 = arith.constant 15104 : index
    %swap3A_1663 = vector.load %arg3[%swap3A_1660, %swap3A_1661, %swap3A_1662] : memref<1x64x16384xf32, #tpu.memory_space<vmem>>, vector<1x64x128xf32>
    %swap3A_1664 = vector.shape_cast %swap3A_1663 : vector<1x64x128xf32> to vector<64x128xf32>
    %swap3A_1665 = vector.shape_cast %dot_general3A_1659 : vector<64x128xf32> to vector<1x64x128xf32>
    tpu.vector_store %arg3[%swap3A_1660, %swap3A_1661, %swap3A_1662], %swap3A_1665 {strides = array<i32>} : memref<1x64x16384xf32, #tpu.memory_space<vmem>>, vector<1x64x128xf32>,
    %get3A_1666 = arith.constant 0 : index
    %get3A_1667 = arith.constant 0 : index
    %get3A_1668 = arith.constant 119 : index
    %get3A_1669 = arith.constant 0 : index
    %get3A_1670 = vector.load %arg1[%get3A_1666, %get3A_1667, %get3A_1668, %get3A_1669] : memref<1x16x128x128xf32, #tpu.memory_space<vmem>>, vector<1x16x1x128xf32>
    %get3A_1671 = vector.shape_cast %get3A_1670 : vector<1x16x1x128xf32> to vector<16x128xf32>
    %dot_general3A_1672 = arith.constant dense<0.000000e+00> : vector<64x128xf32>
    %dot_general3A_1673 = tpu.matmul %get3A_1, %get3A_1671, %dot_general3A_1672 {dimension_numbers = #tpu.dot_dimension_numbers<[1], [0], [0], [1], [0, 0, 1, 1], [], []>, transpose_lhs_hint = false} : vector<64x16xf32>, vector<16x128xf32>, vector<64x128xf32> -> vector<64x128xf32>
    %swap3A_1674 = arith.constant 0 : index
    %swap3A_1675 = arith.constant 0 : index
    %swap3A_1676 = arith.constant 15232 : index
    %swap3A_1677 = vector.load %arg3[%swap3A_1674, %swap3A_1675, %swap3A_1676] : memref<1x64x16384xf32, #tpu.memory_space<vmem>>, vector<1x64x128xf32>
    %swap3A_1678 = vector.shape_cast %swap3A_1677 : vector<1x64x128xf32> to vector<64x128xf32>
    %swap3A_1679 = vector.shape_cast %dot_general3A_1673 : vector<64x128xf32> to vector<1x64x128xf32>
    tpu.vector_store %arg3[%swap3A_1674, %swap3A_1675, %swap3A_1676], %swap3A_1679 {strides = array<i32>} : memref<1x64x16384xf32, #tpu.memory_space<vmem>>, vector<1x64x128xf32>,
    %get3A_1680 = arith.constant 0 : index
    %get3A_1681 = arith.constant 0 : index
    %get3A_1682 = arith.constant 120 : index
    %get3A_1683 = arith.constant 0 : index
    %get3A_1684 = vector.load %arg1[%get3A_1680, %get3A_1681, %get3A_1682, %get3A_1683] : memref<1x16x128x128xf32, #tpu.memory_space<vmem>>, vector<1x16x1x128xf32>
    %get3A_1685 = vector.shape_cast %get3A_1684 : vector<1x16x1x128xf32> to vector<16x128xf32>
    %dot_general3A_1686 = arith.constant dense<0.000000e+00> : vector<64x128xf32>
    %dot_general3A_1687 = tpu.matmul %get3A_1, %get3A_1685, %dot_general3A_1686 {dimension_numbers = #tpu.dot_dimension_numbers<[1], [0], [0], [1], [0, 0, 1, 1], [], []>, transpose_lhs_hint = false} : vector<64x16xf32>, vector<16x128xf32>, vector<64x128xf32> -> vector<64x128xf32>
    %swap3A_1688 = arith.constant 0 : index
    %swap3A_1689 = arith.constant 0 : index
    %swap3A_1690 = arith.constant 15360 : index
    %swap3A_1691 = vector.load %arg3[%swap3A_1688, %swap3A_1689, %swap3A_1690] : memref<1x64x16384xf32, #tpu.memory_space<vmem>>, vector<1x64x128xf32>
    %swap3A_1692 = vector.shape_cast %swap3A_1691 : vector<1x64x128xf32> to vector<64x128xf32>
    %swap3A_1693 = vector.shape_cast %dot_general3A_1687 : vector<64x128xf32> to vector<1x64x128xf32>
    tpu.vector_store %arg3[%swap3A_1688, %swap3A_1689, %swap3A_1690], %swap3A_1693 {strides = array<i32>} : memref<1x64x16384xf32, #tpu.memory_space<vmem>>, vector<1x64x128xf32>,
    %get3A_1694 = arith.constant 0 : index
    %get3A_1695 = arith.constant 0 : index
    %get3A_1696 = arith.constant 121 : index
    %get3A_1697 = arith.constant 0 : index
    %get3A_1698 = vector.load %arg1[%get3A_1694, %get3A_1695, %get3A_1696, %get3A_1697] : memref<1x16x128x128xf32, #tpu.memory_space<vmem>>, vector<1x16x1x128xf32>
    %get3A_1699 = vector.shape_cast %get3A_1698 : vector<1x16x1x128xf32> to vector<16x128xf32>
    %dot_general3A_1700 = arith.constant dense<0.000000e+00> : vector<64x128xf32>
    %dot_general3A_1701 = tpu.matmul %get3A_1, %get3A_1699, %dot_general3A_1700 {dimension_numbers = #tpu.dot_dimension_numbers<[1], [0], [0], [1], [0, 0, 1, 1], [], []>, transpose_lhs_hint = false} : vector<64x16xf32>, vector<16x128xf32>, vector<64x128xf32> -> vector<64x128xf32>
    %swap3A_1702 = arith.constant 0 : index
    %swap3A_1703 = arith.constant 0 : index
    %swap3A_1704 = arith.constant 15488 : index
    %swap3A_1705 = vector.load %arg3[%swap3A_1702, %swap3A_1703, %swap3A_1704] : memref<1x64x16384xf32, #tpu.memory_space<vmem>>, vector<1x64x128xf32>
    %swap3A_1706 = vector.shape_cast %swap3A_1705 : vector<1x64x128xf32> to vector<64x128xf32>
    %swap3A_1707 = vector.shape_cast %dot_general3A_1701 : vector<64x128xf32> to vector<1x64x128xf32>
    tpu.vector_store %arg3[%swap3A_1702, %swap3A_1703, %swap3A_1704], %swap3A_1707 {strides = array<i32>} : memref<1x64x16384xf32, #tpu.memory_space<vmem>>, vector<1x64x128xf32>,
    %get3A_1708 = arith.constant 0 : index
    %get3A_1709 = arith.constant 0 : index
    %get3A_1710 = arith.constant 122 : index
    %get3A_1711 = arith.constant 0 : index
    %get3A_1712 = vector.load %arg1[%get3A_1708, %get3A_1709, %get3A_1710, %get3A_1711] : memref<1x16x128x128xf32, #tpu.memory_space<vmem>>, vector<1x16x1x128xf32>
    %get3A_1713 = vector.shape_cast %get3A_1712 : vector<1x16x1x128xf32> to vector<16x128xf32>
    %dot_general3A_1714 = arith.constant dense<0.000000e+00> : vector<64x128xf32>
    %dot_general3A_1715 = tpu.matmul %get3A_1, %get3A_1713, %dot_general3A_1714 {dimension_numbers = #tpu.dot_dimension_numbers<[1], [0], [0], [1], [0, 0, 1, 1], [], []>, transpose_lhs_hint = false} : vector<64x16xf32>, vector<16x128xf32>, vector<64x128xf32> -> vector<64x128xf32>
    %swap3A_1716 = arith.constant 0 : index
    %swap3A_1717 = arith.constant 0 : index
    %swap3A_1718 = arith.constant 15616 : index
    %swap3A_1719 = vector.load %arg3[%swap3A_1716, %swap3A_1717, %swap3A_1718] : memref<1x64x16384xf32, #tpu.memory_space<vmem>>, vector<1x64x128xf32>
    %swap3A_1720 = vector.shape_cast %swap3A_1719 : vector<1x64x128xf32> to vector<64x128xf32>
    %swap3A_1721 = vector.shape_cast %dot_general3A_1715 : vector<64x128xf32> to vector<1x64x128xf32>
    tpu.vector_store %arg3[%swap3A_1716, %swap3A_1717, %swap3A_1718], %swap3A_1721 {strides = array<i32>} : memref<1x64x16384xf32, #tpu.memory_space<vmem>>, vector<1x64x128xf32>,
    %get3A_1722 = arith.constant 0 : index
    %get3A_1723 = arith.constant 0 : index
    %get3A_1724 = arith.constant 123 : index
    %get3A_1725 = arith.constant 0 : index
    %get3A_1726 = vector.load %arg1[%get3A_1722, %get3A_1723, %get3A_1724, %get3A_1725] : memref<1x16x128x128xf32, #tpu.memory_space<vmem>>, vector<1x16x1x128xf32>
    %get3A_1727 = vector.shape_cast %get3A_1726 : vector<1x16x1x128xf32> to vector<16x128xf32>
    %dot_general3A_1728 = arith.constant dense<0.000000e+00> : vector<64x128xf32>
    %dot_general3A_1729 = tpu.matmul %get3A_1, %get3A_1727, %dot_general3A_1728 {dimension_numbers = #tpu.dot_dimension_numbers<[1], [0], [0], [1], [0, 0, 1, 1], [], []>, transpose_lhs_hint = false} : vector<64x16xf32>, vector<16x128xf32>, vector<64x128xf32> -> vector<64x128xf32>
    %swap3A_1730 = arith.constant 0 : index
    %swap3A_1731 = arith.constant 0 : index
    %swap3A_1732 = arith.constant 15744 : index
    %swap3A_1733 = vector.load %arg3[%swap3A_1730, %swap3A_1731, %swap3A_1732] : memref<1x64x16384xf32, #tpu.memory_space<vmem>>, vector<1x64x128xf32>
    %swap3A_1734 = vector.shape_cast %swap3A_1733 : vector<1x64x128xf32> to vector<64x128xf32>
    %swap3A_1735 = vector.shape_cast %dot_general3A_1729 : vector<64x128xf32> to vector<1x64x128xf32>
    tpu.vector_store %arg3[%swap3A_1730, %swap3A_1731, %swap3A_1732], %swap3A_1735 {strides = array<i32>} : memref<1x64x16384xf32, #tpu.memory_space<vmem>>, vector<1x64x128xf32>,
    %get3A_1736 = arith.constant 0 : index
    %get3A_1737 = arith.constant 0 : index
    %get3A_1738 = arith.constant 124 : index
    %get3A_1739 = arith.constant 0 : index
    %get3A_1740 = vector.load %arg1[%get3A_1736, %get3A_1737, %get3A_1738, %get3A_1739] : memref<1x16x128x128xf32, #tpu.memory_space<vmem>>, vector<1x16x1x128xf32>
    %get3A_1741 = vector.shape_cast %get3A_1740 : vector<1x16x1x128xf32> to vector<16x128xf32>
    %dot_general3A_1742 = arith.constant dense<0.000000e+00> : vector<64x128xf32>
    %dot_general3A_1743 = tpu.matmul %get3A_1, %get3A_1741, %dot_general3A_1742 {dimension_numbers = #tpu.dot_dimension_numbers<[1], [0], [0], [1], [0, 0, 1, 1], [], []>, transpose_lhs_hint = false} : vector<64x16xf32>, vector<16x128xf32>, vector<64x128xf32> -> vector<64x128xf32>
    %swap3A_1744 = arith.constant 0 : index
    %swap3A_1745 = arith.constant 0 : index
    %swap3A_1746 = arith.constant 15872 : index
    %swap3A_1747 = vector.load %arg3[%swap3A_1744, %swap3A_1745, %swap3A_1746] : memref<1x64x16384xf32, #tpu.memory_space<vmem>>, vector<1x64x128xf32>
    %swap3A_1748 = vector.shape_cast %swap3A_1747 : vector<1x64x128xf32> to vector<64x128xf32>
    %swap3A_1749 = vector.shape_cast %dot_general3A_1743 : vector<64x128xf32> to vector<1x64x128xf32>
    tpu.vector_store %arg3[%swap3A_1744, %swap3A_1745, %swap3A_1746], %swap3A_1749 {strides = array<i32>} : memref<1x64x16384xf32, #tpu.memory_space<vmem>>, vector<1x64x128xf32>,
    %get3A_1750 = arith.constant 0 : index
    %get3A_1751 = arith.constant 0 : index
    %get3A_1752 = arith.constant 125 : index
    %get3A_1753 = arith.constant 0 : index
    %get3A_1754 = vector.load %arg1[%get3A_1750, %get3A_1751, %get3A_1752, %get3A_1753] : memref<1x16x128x128xf32, #tpu.memory_space<vmem>>, vector<1x16x1x128xf32>
    %get3A_1755 = vector.shape_cast %get3A_1754 : vector<1x16x1x128xf32> to vector<16x128xf32>
    %dot_general3A_1756 = arith.constant dense<0.000000e+00> : vector<64x128xf32>
    %dot_general3A_1757 = tpu.matmul %get3A_1, %get3A_1755, %dot_general3A_1756 {dimension_numbers = #tpu.dot_dimension_numbers<[1], [0], [0], [1], [0, 0, 1, 1], [], []>, transpose_lhs_hint = false} : vector<64x16xf32>, vector<16x128xf32>, vector<64x128xf32> -> vector<64x128xf32>
    %swap3A_1758 = arith.constant 0 : index
    %swap3A_1759 = arith.constant 0 : index
    %swap3A_1760 = arith.constant 16000 : index
    %swap3A_1761 = vector.load %arg3[%swap3A_1758, %swap3A_1759, %swap3A_1760] : memref<1x64x16384xf32, #tpu.memory_space<vmem>>, vector<1x64x128xf32>
    %swap3A_1762 = vector.shape_cast %swap3A_1761 : vector<1x64x128xf32> to vector<64x128xf32>
    %swap3A_1763 = vector.shape_cast %dot_general3A_1757 : vector<64x128xf32> to vector<1x64x128xf32>
    tpu.vector_store %arg3[%swap3A_1758, %swap3A_1759, %swap3A_1760], %swap3A_1763 {strides = array<i32>} : memref<1x64x16384xf32, #tpu.memory_space<vmem>>, vector<1x64x128xf32>,
    %get3A_1764 = arith.constant 0 : index
    %get3A_1765 = arith.constant 0 : index
    %get3A_1766 = arith.constant 126 : index
    %get3A_1767 = arith.constant 0 : index
    %get3A_1768 = vector.load %arg1[%get3A_1764, %get3A_1765, %get3A_1766, %get3A_1767] : memref<1x16x128x128xf32, #tpu.memory_space<vmem>>, vector<1x16x1x128xf32>
    %get3A_1769 = vector.shape_cast %get3A_1768 : vector<1x16x1x128xf32> to vector<16x128xf32>
    %dot_general3A_1770 = arith.constant dense<0.000000e+00> : vector<64x128xf32>
    %dot_general3A_1771 = tpu.matmul %get3A_1, %get3A_1769, %dot_general3A_1770 {dimension_numbers = #tpu.dot_dimension_numbers<[1], [0], [0], [1], [0, 0, 1, 1], [], []>, transpose_lhs_hint = false} : vector<64x16xf32>, vector<16x128xf32>, vector<64x128xf32> -> vector<64x128xf32>
    %swap3A_1772 = arith.constant 0 : index
    %swap3A_1773 = arith.constant 0 : index
    %swap3A_1774 = arith.constant 16128 : index
    %swap3A_1775 = vector.load %arg3[%swap3A_1772, %swap3A_1773, %swap3A_1774] : memref<1x64x16384xf32, #tpu.memory_space<vmem>>, vector<1x64x128xf32>
    %swap3A_1776 = vector.shape_cast %swap3A_1775 : vector<1x64x128xf32> to vector<64x128xf32>
    %swap3A_1777 = vector.shape_cast %dot_general3A_1771 : vector<64x128xf32> to vector<1x64x128xf32>
    tpu.vector_store %arg3[%swap3A_1772, %swap3A_1773, %swap3A_1774], %swap3A_1777 {strides = array<i32>} : memref<1x64x16384xf32, #tpu.memory_space<vmem>>, vector<1x64x128xf32>,
    %get3A_1778 = arith.constant 0 : index
    %get3A_1779 = arith.constant 0 : index
    %get3A_1780 = arith.constant 127 : index
    %get3A_1781 = arith.constant 0 : index
    %get3A_1782 = vector.load %arg1[%get3A_1778, %get3A_1779, %get3A_1780, %get3A_1781] : memref<1x16x128x128xf32, #tpu.memory_space<vmem>>, vector<1x16x1x128xf32>
    %get3A_1783 = vector.shape_cast %get3A_1782 : vector<1x16x1x128xf32> to vector<16x128xf32>
    %dot_general3A_1784 = arith.constant dense<0.000000e+00> : vector<64x128xf32>
    %dot_general3A_1785 = tpu.matmul %get3A_1, %get3A_1783, %dot_general3A_1784 {dimension_numbers = #tpu.dot_dimension_numbers<[1], [0], [0], [1], [0, 0, 1, 1], [], []>, transpose_lhs_hint = false} : vector<64x16xf32>, vector<16x128xf32>, vector<64x128xf32> -> vector<64x128xf32>
    %swap3A_1786 = arith.constant 0 : index
    %swap3A_1787 = arith.constant 0 : index
    %swap3A_1788 = arith.constant 16256 : index
    %swap3A_1789 = vector.load %arg3[%swap3A_1786, %swap3A_1787, %swap3A_1788] : memref<1x64x16384xf32, #tpu.memory_space<vmem>>, vector<1x64x128xf32>
    %swap3A_1790 = vector.shape_cast %swap3A_1789 : vector<1x64x128xf32> to vector<64x128xf32>
    %swap3A_1791 = vector.shape_cast %dot_general3A_1785 : vector<64x128xf32> to vector<1x64x128xf32>
    tpu.vector_store %arg3[%swap3A_1786, %swap3A_1787, %swap3A_1788], %swap3A_1791 {strides = array<i32>} : memref<1x64x16384xf32, #tpu.memory_space<vmem>>, vector<1x64x128xf32>,
    return
  }
  func.func @transform_0(%arg0: i32) -> (i32, i32, i32, i32) {
    %c0_i32 = arith.constant 0 : i32
    %c0_i32_0 = arith.constant 0 : i32
    %c0_i32_1 = arith.constant 0 : i32
    %c0_i32_2 = arith.constant 0 : i32
    return %arg0, %c0_i32, %c0_i32_0, %c0_i32_1 : i32, i32, i32, i32
  }
  func.func @transform_1(%arg0: i32) -> (i32, i32) {
    %c0_i32 = arith.constant 0 : i32
    %c0_i32_0 = arith.constant 0 : i32
    %c0_i32_1 = arith.constant 0 : i32
    return %c0_i32, %c0_i32_0 : i32, i32
  }
  func.func @transform_2(%arg0: i32) -> (i32, i32, i32) {
    %c0_i32 = arith.constant 0 : i32
    %c0_i32_0 = arith.constant 0 : i32
    %c0_i32_1 = arith.constant 0 : i32
    return %arg0, %c0_i32, %c0_i32_0 : i32, i32, i32
  }
}

</mosaic_0001>

<sc_bundles>
// kernel: kernel.4.cloned.1.call-start
scs
__scs_entry_jumppad:
0x0: {  	(pc) =	sbr.rel $0x88, $3  }
0x1: {  	(tag) =	ssettag $0x0;
	lr =	simm.s32 $0x1  }
0x2: {  	[smem:$0x3F9E] =	sst lr;
	_ =	strace $0xD0000000  }
0x3: {  	_ = 	snop  }
0x4: {  	_ = 	snop  }
0x5: {  	_ = 	snop  }
0x6: {  	_ = 	snop  }
0x7: {  	_ = 	snop  }
__scs_overlays_trampoline_lowered:
0x8: {  	[smem:$0x3FAD] =	sst s0  }
0x9: {  	[smem:$0x3FAE] =	sst s1  }
0xa: {  	[smem:$0x3FAF] =	sst s2  }
0xb: {  	[smem:$0x3FB0] =	sst s3  }
0xc: {  	[smem:$0x3FB1] =	sst s4  }
0xd: {  	[smem:$0x3FB2] =	sst s5  }
0xe: {  	[smem:$0x3FB3] =	sst s6  }
0xf: {  	[smem:$0x3FB4] =	sst s7  }
0x10: {  	[smem:$0x3FB5] =	sst s8  }
0x11: {  	[smem:$0x3FB6] =	sst s9;
	s0 =	simm.s32 @!p0 $0x0  }
0x12: {  	s1 =	sld [smem:$0x3F9C];
	s0 =	simm.s32 @p0 $0x1  }
0x13: {  	[smem:$0x3FB7] =	sst s0;
	s0 =	simm.s32 @!p1 $0x0  }
0x14: {  	s2 =	sld [smem:$0x3F9B];
	s0 =	simm.s32 @p1 $0x1  }
0x15: {  	[smem:$0x3FB8] =	sst s0;
	s0 =	simm.s32 @!p2 $0x0  }
0x16: {  	s3 =	sld [smem:$0x3FDB];
	s0 =	simm.s32 @p2 $0x1  }
0x17: {  	s4 =	simm.s32 $0x1BF5;
	[smem:$0x3FBA] =	sst s0  }
0x18: {  	s0 =	sld [smem:$0x3F9D];
	_ =	swait.ge [sflag:s4], $0x0  }
0x19: {  	s7 =	sld [smem:$0x3F9E]  }
0x1a: {  	s8 =	sadd.s32 $0xFFFFE003, lr  }
0x1b: {  	s9 =	sadd.s32 $0xFFFFFEF7, lr;
	s5 =	simm.s32 $0xFFFFFFFF;
	p2 =	slt.u32 s8, $0xFFFFF086  }
0x1c: {  	p1 =	slt.u32 s9, $0xF7A;
	s5 =	simm.s32 @!p2 $0x0  }
0x1d: {  	s5 =	simm.s32 @p1 $0x1;
	p0 =	seq.s32 s7, s2  }
0x1e: {  	s7 =	smul.u32 @!p0 $0xF7A, s2;
	p2 =	seq.s32 @!p0 s5, $0x0  }
0x1f: {  	s9 =	smul.u32 $0xF7A, s1;
	s8 =	simm.s32 @!p0 $0x1BF5;
	p2 =	por !p2, p0  }
0x20: {  	[sflag:s8] =	ssyncset.s32 @!p0 $0xFFFFF086;
	s6 =	sadd.s32 @!p0 s3, s7;
	s7 =	simm.s32 @!p0 $0x108  }
0x21: {  	s3 =	sadd.s32 s3, s9;
	s6 =	sadd.s32 @!p0 $0x88, s6;
	s7 =	simm.s32 @p2 $0x1082  }
0x22: {  	[simem:s7], [sflag:s8] =	dma.local @!p0 [hbm:s6], $0xF7A  }
0x23: {  	s9 =	sor.u32 $0xD0000000, s2;
	s6 =	simm.s32 $0x108;
	_ =	swait.ge @!p0 [sflag:s8], $0x0  }
0x24: {  	s3 =	sadd.s32 $0x88, s3;
	s6 =	simm.s32 @!p1 $0x1082;
	[sflag:s4] =	ssyncset.s32 $0xFFFFF086  }
0x25: {  	[simem:s6], [sflag:s4] =	dma.local [hbm:s3], $0xF7A  }
0x26: {  	[smem:$0x3F9E] =	sst s1;
	(tag) =	ssettag s2;
	_ =	strace s9  }
0x27: {  	s1 =	sld [smem:$0x3FAE]  }
0x28: {  	s2 =	sld [smem:$0x3FAF]  }
0x29: {  	s4 =	sld [smem:$0x3FB1]  }
0x2a: {  	p0 =	seq.s32 s5, $0x0;
	s5 =	sld [smem:$0x3FB2]  }
0x2b: {  	s6 =	sld [smem:$0x3FB3]  }
0x2c: {  	s7 =	sld [smem:$0x3FB4]  }
0x2d: {  	s3 =	simm.s32 $0x108;
	s8 =	sld [smem:$0x3FB5]  }
0x2e: {  	s3 =	simm.s32 @!p0 $0x1082;
	s9 =	sld [smem:$0x3FB6]  }
0x2f: {  	lr =	sadd.s32 s0, s3;
	s0 =	sld [smem:$0x3FAD]  }
0x30: {  	s3 =	sld [smem:$0x3FB0]  }
0x31: {  	[smem:$0x3FB9] =	sst s10  }
0x32: {  	s10 =	sld [smem:$0x3FB7];
	_ =	sdelay $0x3  }
0x33: {  	p0 =	seq.s32 s10, $0x1;
	s10 =	sld [smem:$0x3FB9];
	_ =	sdelay $0x3  }
0x34: {  	[smem:$0x3FB9] =	sst s10  }
0x35: {  	s10 =	sld [smem:$0x3FB8];
	_ =	sdelay $0x3  }
0x36: {  	p1 =	seq.s32 s10, $0x1;
	s10 =	sld [smem:$0x3FB9];
	_ =	sdelay $0x3  }
0x37: {  	[smem:$0x3FB9] =	sst s10  }
0x38: {  	s10 =	sld [smem:$0x3FBA]  }
0x39: {  	_ = 	snop;
	(pc) =	sbr.ind lr, $3  }
0x3a: {  	_ = 	snop  }
0x3b: {  	_ = 	snop  }
0x3c: {  	p2 =	seq.s32 s10, $0x1;
	s10 =	sld [smem:$0x3FB9]  }
0x3d: {  	_ =	shalt  }
0x3e: {  	_ =	shalt  }
0x3f: {  	_ =	shalt  }
0x40: {  	_ =	shalt  }
0x41: {  	_ =	shalt  }
0x42: {  	_ =	shalt  }
0x43: {  	_ =	shalt  }
0x44: {  	_ =	shalt  }
0x45: {  	_ =	shalt  }
0x46: {  	_ =	shalt  }
0x47: {  	_ =	shalt  }
0x48: {  	_ =	shalt  }
0x49: {  	_ =	shalt  }
0x4a: {  	_ =	shalt  }
0x4b: {  	_ =	shalt  }
0x4c: {  	_ =	shalt  }
0x4d: {  	_ =	shalt  }
0x4e: {  	_ =	shalt  }
0x4f: {  	_ =	shalt  }
0x50: {  	_ =	shalt  }
0x51: {  	_ =	shalt  }
0x52: {  	_ =	shalt  }
0x53: {  	_ =	shalt  }
0x54: {  	_ =	shalt  }
0x55: {  	_ =	shalt  }
0x56: {  	_ =	shalt  }
0x57: {  	_ =	shalt  }
0x58: {  	_ =	shalt  }
0x59: {  	_ =	shalt  }
0x5a: {  	_ =	shalt  }
0x5b: {  	_ =	shalt  }
0x5c: {  	_ =	shalt  }
0x5d: {  	_ =	shalt  }
0x5e: {  	_ =	shalt  }
0x5f: {  	_ =	shalt  }
0x60: {  	_ =	shalt  }
0x61: {  	_ =	shalt  }
0x62: {  	_ =	shalt  }
0x63: {  	_ =	shalt  }
0x64: {  	_ =	shalt  }
0x65: {  	_ =	shalt  }
0x66: {  	_ =	shalt  }
0x67: {  	_ =	shalt  }
0x68: {  	_ =	shalt  }
0x69: {  	_ =	shalt  }
0x6a: {  	_ =	shalt  }
0x6b: {  	_ =	shalt  }
0x6c: {  	_ =	shalt  }
0x6d: {  	_ =	shalt  }
0x6e: {  	_ =	shalt  }
0x6f: {  	_ =	shalt  }
0x70: {  	_ =	shalt  }
0x71: {  	_ =	shalt  }
0x72: {  	_ =	shalt  }
0x73: {  	_ =	shalt  }
0x74: {  	_ =	shalt  }
0x75: {  	_ =	shalt  }
0x76: {  	_ =	shalt  }
0x77: {  	_ =	shalt  }
0x78: {  	_ =	shalt  }
0x79: {  	_ =	shalt  }
0x7a: {  	_ =	shalt  }
0x7b: {  	_ =	shalt  }
0x7c: {  	_ =	shalt  }
0x7d: {  	_ =	shalt  }
0x7e: {  	_ =	shalt  }
0x7f: {  	_ =	shalt  }
0x80: {  	_ =	shalt  }
0x81: {  	_ =	shalt  }
0x82: {  	_ =	shalt  }
0x83: {  	_ =	shalt  }
0x84: {  	_ =	shalt  }
0x85: {  	_ =	shalt  }
0x86: {  	_ =	shalt  }
0x87: {  	_ =	shalt  }
.Lfunc_end0:
.L_simem_size_0:
called_computation_lowered:
.L_overlay_start_0:
0x88: {  	s2 =	sld [smem:$0x3FD9]  }
0x89: {  	s3 =	sld [smem:$0x3FFE];
	_ =	sdelay $0x1  }
0x8a: {  	s1 =	srdreg.scid  }
0x8b: {  	s0 =	sand.u32 $0x1, s1  }
0x8c: {  	s17 =	sshll.u32 s0, $0xA;
	s2 =	sadd.s32 s3, s2  }
0x8d: {  	s2 =	sadd.s32 s2, s17  }
0x8e: {  	[smem:$0x3FC5] =	sst s2  }
0x8f: {  	_ = 	snop  }
0x90: {  	s2 =	sld [smem:$0x3FD0];
	(tm) =	ssettm $0x1  }
0x91: {  	s18 =	sld [smem:$0x3FFB];
	_ =	sdelay $0x3  }
0x92: {  	_ =	strace s18  }
0x93: {  	s3 =	sld [smem:$0x3FFC];
	_ =	sdelay $0x3  }
0x94: {  	_ =	strace s3  }
0x95: {  	s3 =	sld [smem:$0x3FFD];
	_ =	sdelay $0x3  }
0x96: {  	_ =	strace s3  }
0x97: {  	_ =	strace $0x8FFFFFFF  }
0x98: {  	s19 =	sld [smem:$0x3FDB];
	_ =	sdelay $0x1  }
0x99: {  	s4 =	simm.s32 $_scs_section_size  }
0x9a: {  	s5 =	simm.s32 $_size__tile_overlayer_lowered;
	s6 =	simm.s32 $_tile_overlayer_lowered  }
0x9b: {  	s22 =	simm.s32 $0x1BFF;
	s21 =	sshll.u32 s6, $0x1;
	s3 =	sadd.s32 s4, s19  }
0x9c: {  	s7 =	simm.s32 $0x0;
	s20 =	sshll.u32 s5, $0x1;
	s5 =	sadd.s32 s21, s3  }
0x9d: {  	[timem:s7], [sflag:s22] =	dma.local [hbm:s5], s20  }
0x9e: {  	_ =	swait.ge [sflag:s22], s20  }
0x9f: {  	s4 =	ssub.s32 $0x0, s20;
	[sflag:s22] =	ssyncset.done $0x0  }
0xa0: {  	[sflag:s22] =	ssyncadd.s32 s4;
	_ =	sdelay $0x1  }
0xa1: {  	s23 =	simm.s32 $0x1B8B  }
0xa2: {  	_ =	swait.ge [sflag:s23], $0x1  }
0xa3: {  	[sflag:s23] =	ssyncset.done $0x0  }
0xa4: {  	s25 =	simm.s32 $0x1B8E;
	s24 =	sld [smem:$0x3FFE];
	[sflag:s23] =	ssyncadd.s32 $0xFFFFFFFF  }
0xa5: {  	s26 =	simm.s32 $execute0_lowered;
	[smem:$0x3FD2] =	sst s25  }
0xa6: {  	s5 =	sshll.u32 s26, $0x1;
	_ =	strace $0x80000046;
	[dreg:$0x1] =	wrdreg $0xFFFFFFFF  }
0xa7: {  	s28 =	simm.s32 $_size_execute0_lowered;
	s3 =	sadd.s32 s3, s5;
	[dreg:$0x0] =	wrdreg $0x0  }
0xa8: {  	s5 =	sshll.u32 s28, $0x1;
	[dreg:$0x2] =	wrdreg s3  }
0xa9: {  	[dreg:$0x3] =	wrdreg s5  }
0xaa: {  	[dreg:$0x4] =	wrdreg $0xC0  }
0xab: {  	_ =	task [dreg:s7], $0x5FFFF  }
0xac: {  	[dreg:$0x1] =	wrdreg $0xFFFFFFFF  }
0xad: {  	[dreg:$0x0] =	wrdreg $0x60  }
0xae: {  	[dreg:$0x2] =	wrdreg s2  }
0xaf: {  	[dreg:$0x3] =	wrdreg s24  }
0xb0: {  	[dreg:$0x4] =	wrdreg $0x9  }
0xb1: {  	_ =	task.clear_ibuf [dreg:s7], $0x5FFFF;
	_ =	strace $0x90000046  }
0xb2: {  	s29 =	simm.s32 $0x9;
	_ =	strace $0x80000048  }
0xb3: {  	_ =	swait.ge [sflag:s29], $0x1  }
0xb4: {  	[sflag:s29] =	ssyncadd.s32 $0xFFFFFFFF  }
0xb5: {  	_ =	strace $0x90000048  }
0xb6: {  	_ =	sfence  }
0xb7: {  	s30 =	sld [smem:$0x0];
	_ =	sdelay $0x2  }
0xb8: {  	s31 =	sshll.u32 s1, $0xD;
	s1 =	sshrl.u32 s1, $0x2  }
0xb9: {  	s3 =	sand.u32 $0x4000, s31;
	s1 =	sadd.s32 s1, s30  }
0xba: {  	s0 =	sor.u32 s3, s0;
	s1 =	sshll.u32 s1, $0x11  }
0xbb: {  	s0 =	sor.u32 s1, s0  }
0xbc: {  	s0 =	sadd.s32 $0x8F2B, s0  }
0xbd: {  	[sflag:s0] =	ssyncadd.remote.s32 $0x1  }
0xbe: {  	_ =	sfence.sel $0xFFFF  }
0xbf: {  	[dreg:$0x0] =	wrdreg $0xFFFFFFFF;
	(pc) =	sbr.abs _section_cstart, $3  }
0xc0: {  	[dreg:$0x1] =	wrdreg $0xFFFFFFFF  }
0xc1: {  	_ =	task.clear_ibuf [dreg:s7], $0x2FFFF;
	_ =	strace $0x9FFFFFFF  }
0xc2: {  	(tm) =	ssettm $0x7FFFFFFF  }
0xc3: {  	_ =	shalt  }
tec
execute0_lowered:
.L_overlay_start_1:
0x0: {  	(tag) =	ssettag $0x1  }
0x1: {  	s2 =	rddreg [dreg:$0x0]  }
0x2: {  	s0 =	srdreg.scid;
	s3 =	stileid.u32  }
0x3: {  	s1 =	rddreg [dreg:$0x1];
	s11 =	simm.s32 $0x3;
	s12 =	simm.s32 $0x80  }
0x4: {  	s29 =	simm.s32 $0x8800;
	s30 =	simm.s32 $0x8C08;
	s31 =	simm.s32 $0x9010  }
0x5: {  	s10 =	simm.s32 $0xA030;
	s13 =	simm.s32 $0xA438;
	s14 =	simm.s32 $0xA840  }
0x6: {  	s15 =	simm.s32 $0xAC48;
	s16 =	simm.s32 $0xB050;
	s17 =	simm.s32 $0xB458  }
0x7: {  	s18 =	simm.s32 $0xB860;
	s19 =	simm.s32 $0xBC68;
	s20 =	simm.s32 $0xC070  }
0x8: {  	s21 =	simm.s32 $0xC478;
	s22 =	simm.s32 $0x2;
	s0 =	sand.u32 $0x1, s0  }
0x9: {  	s4 =	sshll.u32 s3, $0x1;
	s3 =	simm.s32 $0x0;
	s9 =	sadd.s32 $0x800, s1  }
0xa: {  	s6 =	sadd.s32 $0x19800, s1;
	s1 =	sadd.s32 $0x900, s1;
	s4 =	sor.u32 s0, s4  }
0xb: {  	[smem:$0x7FF] =	sst s3;
	s0 =	ssub.s32 $0x2, s0;
	s5 =	smul.u32 $0x19, s4  }
0xc: {  	_ =	strace $0x80000047;
	s7 =	sshrl.u32 s0, $0x1;
	[dreg:$0x4] =	wrdreg s9  }
0xd: {  	s4 =	smul.u32 $0xC80, s4;
	[dreg:$0x6] =	wrdreg s1;
	s1 =	simm.s32 $0x9418  }
0xe: {  	v0 =	vlaneseq.u32;
	s0 =	ssub.s32 s0, s7;
	[dreg:$0x3] =	wrdreg s5;
	s5 =	sadd.s32 $0x18, s5  }
0xf: {  	v0 =	vmul.u32 $0x408, v0;
	s7 =	simm.s32 $0x9C28;
	s4 =	sadd.s32 s9, s4;
	s8 =	sshll.u32 s5, $0x7  }
0x10: {  	v1 =	vimm.s32 $0x0;
	vm0 =	vcmask $0x300;
	s0 =	smax.u32 s0, $0x1;
	s5 =	sshll.u32 s5, $0xB;
	s24 =	sand.u32 $0x780, s8  }
0x11: {  	v1 =	vsel vm0, $0x3, v1;
	v2 =	vor.u32 $0x1, v0;
	[dreg:$0x5] =	wrdreg s4;
	s25 =	sand.u32 $0x3F8000, s5;
	s26 =	sadd.s32 s6, s24  }
0x12: {  	v3 =	vor.u32 $0x2, v0;
	v4 =	vor.u32 $0x3, v0;
	v5 =	vor.u32 $0x4, v0;
	s9 =	simm.s32 $0x1;
	[dreg:$0x8] =	wrdreg s0;
	s28 =	sadd.s32 s25, s26  }
0x13: {  	v6 =	vor.u32 $0x5, v0;
	v7 =	vor.u32 $0x6, v0;
	v8 =	vor.u32 $0x7, v0;
	s0 =	simm.s32 $0x9820;
	s5 =	simm.s32 $0x0;
	[dreg:$0x7] =	wrdreg s28  }
.LBB2_1:
0x14: {  	[dreg:$0x9] =	wrdreg s5  }
0x15: {  	s4 =	rddreg [dreg:$0x5]  }
0x16: {  	[tilespmem:s3], [sflag:$0x3] =	stream.linear.gather [hbm4b:s4+s3], $0x400, $0x38;
	[tilespmem:$0xC880] =	vst v63  }
0x17: {  	_ =	swait.ge [sflag:s11], $0x400  }
0x18: {  	[sflag:s11] =	ssyncset.done $0x0  }
0x19: {  	s28 =	simm.s32 $0x800;
	[sflag:s11] =	ssyncadd.s32 $0xFFFFFC00  }
0x1a: {  	[tilespmem:s28], [sflag:$0x1] =	stream.indirect.gather [hbm4b:s2+s12], $0x10, s3, s12, $0xb8;
	[tilespmem:$0xC880] =	vst v63  }
0x1b: {  	s5 =	simm.s32 $0x1000  }
0x1c: {  	[tilespmem:s5], [sflag:$0x1] =	stream.indirect.gather [hbm4b:s2+s12], $0x10, s12, s12, $0xb8;
	[tilespmem:$0xC880] =	vst v63  }
0x1d: {  	s8 =	simm.s32 $0x100;
	s23 =	simm.s32 $0x1800  }
0x1e: {  	[tilespmem:s23], [sflag:$0x1] =	stream.indirect.gather [hbm4b:s2+s12], $0x10, s8, s12, $0xb8;
	[tilespmem:$0xC880] =	vst v63  }
0x1f: {  	s24 =	simm.s32 $0x180;
	s25 =	simm.s32 $0x2000  }
0x20: {  	[tilespmem:s25], [sflag:$0x1] =	stream.indirect.gather [hbm4b:s2+s12], $0x10, s24, s12, $0xb8;
	[tilespmem:$0xC880] =	vst v63  }
0x21: {  	s26 =	simm.s32 $0x200;
	s28 =	simm.s32 $0x2800  }
0x22: {  	[tilespmem:s28], [sflag:$0x1] =	stream.indirect.gather [hbm4b:s2+s12], $0x10, s26, s12, $0xb8;
	[tilespmem:$0xC880] =	vst v63  }
0x23: {  	s8 =	simm.s32 $0x280;
	s23 =	simm.s32 $0x3000  }
0x24: {  	[tilespmem:s23], [sflag:$0x1] =	stream.indirect.gather [hbm4b:s2+s12], $0x10, s8, s12, $0xb8;
	[tilespmem:$0xC880] =	vst v63  }
0x25: {  	s24 =	simm.s32 $0x300;
	s25 =	simm.s32 $0x3800  }
0x26: {  	[tilespmem:s25], [sflag:$0x1] =	stream.indirect.gather [hbm4b:s2+s12], $0x10, s24, s12, $0xb8;
	[tilespmem:$0xC880] =	vst v63  }
0x27: {  	s26 =	simm.s32 $0x380;
	s28 =	simm.s32 $0x4000;
	s23 =	simm.s32 $0x0  }
0x28: {  	[tilespmem:s28], [sflag:$0x1] =	stream.indirect.gather [hbm4b:s2+s12], $0x10, s26, s12, $0xb8;
	[tilespmem:$0xC880] =	vst v63  }
.LBB2_2:
0x29: {  	s4 =	sshll.u32 s23, $0x1;
	s5 =	rddreg [dreg:$0x3]  }
0x2a: {  	s26 =	sadd.s32 s5, s4  }
0x2b: {  	s24 =	sadd.s32 $0x1, s26  }
0x2c: {  	s25 =	sshll.u32 s24, $0x7  }
0x2d: {  	s8 =	rddreg [dreg:$0x4];
	s5 =	sand.u32 $0x1FFFFF80, s25  }
0x2e: {  	s4 =	sadd.s32 s8, s5;
	s5 =	simm.s32 $0x400  }
0x2f: {  	[tilespmem:s5], [sflag:$0x3] =	stream.linear.gather [hbm4b:s4+s3], $0x400, $0x38;
	[tilespmem:$0xC880] =	vst v63  }
0x30: {  	_ =	swait.ge [sflag:s11], $0x400  }
0x31: {  	[sflag:s11] =	ssyncset.done $0x0  }
0x32: {  	s8 =	simm.s32 $0x4800;
	[sflag:s11] =	ssyncadd.s32 $0xFFFFFC00  }
0x33: {  	[tilespmem:s8], [sflag:$0x2] =	stream.indirect.gather [hbm4b:s2+s12], $0x10, s5, s12, $0xb8;
	[tilespmem:$0xC880] =	vst v63  }
0x34: {  	s5 =	simm.s32 $0x480;
	s8 =	simm.s32 $0x5000  }
0x35: {  	[tilespmem:s8], [sflag:$0x2] =	stream.indirect.gather [hbm4b:s2+s12], $0x10, s5, s12, $0xb8;
	[tilespmem:$0xC880] =	vst v63  }
0x36: {  	s5 =	simm.s32 $0x500;
	s8 =	simm.s32 $0x5800  }
0x37: {  	[tilespmem:s8], [sflag:$0x2] =	stream.indirect.gather [hbm4b:s2+s12], $0x10, s5, s12, $0xb8;
	[tilespmem:$0xC880] =	vst v63  }
0x38: {  	s5 =	simm.s32 $0x580;
	s8 =	simm.s32 $0x6000  }
0x39: {  	[tilespmem:s8], [sflag:$0x2] =	stream.indirect.gather [hbm4b:s2+s12], $0x10, s5, s12, $0xb8;
	[tilespmem:$0xC880] =	vst v63  }
0x3a: {  	s5 =	simm.s32 $0x600;
	s8 =	simm.s32 $0x6800  }
0x3b: {  	[tilespmem:s8], [sflag:$0x2] =	stream.indirect.gather [hbm4b:s2+s12], $0x10, s5, s12, $0xb8;
	[tilespmem:$0xC880] =	vst v63  }
0x3c: {  	s5 =	simm.s32 $0x680;
	s8 =	simm.s32 $0x7000  }
0x3d: {  	[tilespmem:s8], [sflag:$0x2] =	stream.indirect.gather [hbm4b:s2+s12], $0x10, s5, s12, $0xb8;
	[tilespmem:$0xC880] =	vst v63  }
0x3e: {  	s5 =	simm.s32 $0x700;
	s8 =	simm.s32 $0x7800  }
0x3f: {  	[tilespmem:s8], [sflag:$0x2] =	stream.indirect.gather [hbm4b:s2+s12], $0x10, s5, s12, $0xb8;
	[tilespmem:$0xC880] =	vst v63  }
0x40: {  	s5 =	simm.s32 $0x780;
	s8 =	simm.s32 $0x8000  }
0x41: {  	[tilespmem:s8], [sflag:$0x2] =	stream.indirect.gather [hbm4b:s2+s12], $0x10, s5, s12, $0xb8;
	[tilespmem:$0xC880] =	vst v63  }
0x42: {  	_ =	swait.ge [sflag:s9], $0x800  }
0x43: {  	[sflag:s9] =	ssyncset.done $0x0  }
0x44: {  	[sflag:s9] =	ssyncadd.s32 $0xFFFFF800  }
0x45: {  	_ =	swait.ge [sflag:s9], $0x800  }
0x46: {  	[sflag:s9] =	ssyncset.done $0x0  }
0x47: {  	[sflag:s9] =	ssyncadd.s32 $0xFFFFF800  }
0x48: {  	_ =	swait.ge [sflag:s9], $0x800  }
0x49: {  	[sflag:s9] =	ssyncset.done $0x0  }
0x4a: {  	[sflag:s9] =	ssyncadd.s32 $0xFFFFF800  }
0x4b: {  	_ =	swait.ge [sflag:s9], $0x800  }
0x4c: {  	[sflag:s9] =	ssyncset.done $0x0  }
0x4d: {  	[sflag:s9] =	ssyncadd.s32 $0xFFFFF800  }
0x4e: {  	_ =	swait.ge [sflag:s9], $0x800  }
0x4f: {  	[sflag:s9] =	ssyncset.done $0x0  }
0x50: {  	[sflag:s9] =	ssyncadd.s32 $0xFFFFF800  }
0x51: {  	_ =	swait.ge [sflag:s9], $0x800  }
0x52: {  	[sflag:s9] =	ssyncset.done $0x0  }
0x53: {  	[sflag:s9] =	ssyncadd.s32 $0xFFFFF800  }
0x54: {  	s5 =	simm.s32 $0x0;
	_ =	swait.ge [sflag:s9], $0x800  }
0x55: {  	v9 =	vmov s5;
	[sflag:s9] =	ssyncset.done $0x0  }
0x56: {  	v9 =	vshrl.u32 v9, $0x3;
	[sflag:s9] =	ssyncadd.s32 $0xFFFFF800  }
0x57: {  	v9 =	vshll.u32 v9, v1;
	_ =	swait.ge [sflag:s9], $0x800  }
0x58: {  	v9 =	vbroadcast v9, $0x0;
	[sflag:s9] =	ssyncset.done $0x0  }
0x59: {  	s4 =	simm.s32 $0x880;
	[sflag:s9] =	ssyncadd.s32 $0xFFFFF800  }
0x5a: {  	s8 =	simm.s32 $0x1;
	v9 =	vadd.s32 v0, v9;
	v10 =	vld [tilespmem:s4+$0xFFFFFF80]  }
0x5b: {  	v11 =	vmov s8  }
0x5c: {  	v11 =	vshrl.u32 v11, $0x3  }
0x5d: {  	v11 =	vshll.u32 v11, v1  }
0x5e: {  	v11 =	vbroadcast v11, $0x0  }
0x5f: {  	[tilespmem:v9+s29+$0x0] =	vst.idx.msk $0xffff, v10  }
0x60: {  	s8 =	simm.s32 $0x2;
	v10 =	vadd.s32 v2, v11;
	v9 =	vld [tilespmem:s4+$0xFFFFFF90]  }
0x61: {  	v11 =	vmov s8  }
0x62: {  	v11 =	vshrl.u32 v11, $0x3  }
0x63: {  	v11 =	vshll.u32 v11, v1  }
0x64: {  	v11 =	vbroadcast v11, $0x0  }
0x65: {  	[tilespmem:v10+s29+$0x0] =	vst.idx.msk $0xffff, v9  }
0x66: {  	s8 =	simm.s32 $0x3;
	v10 =	vadd.s32 v3, v11;
	v9 =	vld [tilespmem:s4+$0xFFFFFFA0]  }
0x67: {  	v11 =	vmov s8  }
0x68: {  	v11 =	vshrl.u32 v11, $0x3  }
0x69: {  	v11 =	vshll.u32 v11, v1  }
0x6a: {  	v11 =	vbroadcast v11, $0x0  }
0x6b: {  	[tilespmem:v10+s29+$0x0] =	vst.idx.msk $0xffff, v9  }
0x6c: {  	s8 =	simm.s32 $0x4;
	v10 =	vadd.s32 v4, v11;
	v9 =	vld [tilespmem:s4+$0xFFFFFFB0]  }
0x6d: {  	v11 =	vmov s8  }
0x6e: {  	v11 =	vshrl.u32 v11, $0x3  }
0x6f: {  	v11 =	vshll.u32 v11, v1  }
0x70: {  	v11 =	vbroadcast v11, $0x0  }
0x71: {  	[tilespmem:v10+s29+$0x0] =	vst.idx.msk $0xffff, v9  }
0x72: {  	s8 =	simm.s32 $0x5;
	v10 =	vadd.s32 v5, v11;
	v9 =	vld [tilespmem:s4+$0xFFFFFFC0]  }
0x73: {  	v11 =	vmov s8  }
0x74: {  	v11 =	vshrl.u32 v11, $0x3  }
0x75: {  	v11 =	vshll.u32 v11, v1  }
0x76: {  	v11 =	vbroadcast v11, $0x0  }
0x77: {  	[tilespmem:v10+s29+$0x0] =	vst.idx.msk $0xffff, v9  }
0x78: {  	s8 =	simm.s32 $0x6;
	v10 =	vadd.s32 v6, v11;
	v9 =	vld [tilespmem:s4+$0xFFFFFFD0]  }
0x79: {  	v11 =	vmov s8  }
0x7a: {  	v11 =	vshrl.u32 v11, $0x3  }
0x7b: {  	v11 =	vshll.u32 v11, v1  }
0x7c: {  	v11 =	vbroadcast v11, $0x0  }
0x7d: {  	[tilespmem:v10+s29+$0x0] =	vst.idx.msk $0xffff, v9  }
0x7e: {  	s8 =	simm.s32 $0x7;
	v10 =	vadd.s32 v7, v11;
	v9 =	vld [tilespmem:s4+$0xFFFFFFE0]  }
0x7f: {  	v11 =	vmov s8  }
0x80: {  	v11 =	vshrl.u32 v11, $0x3  }
0x81: {  	v11 =	vshll.u32 v11, v1  }
0x82: {  	v11 =	vbroadcast v11, $0x0  }
0x83: {  	[tilespmem:v10+s29+$0x0] =	vst.idx.msk $0xffff, v9  }
0x84: {  	s8 =	simm.s32 $0x8;
	v10 =	vadd.s32 v8, v11;
	v9 =	vld [tilespmem:s4+$0xFFFFFFF0]  }
0x85: {  	v11 =	vmov s8  }
0x86: {  	v11 =	vshrl.u32 v11, $0x3  }
0x87: {  	v11 =	vshll.u32 v11, v1  }
0x88: {  	v11 =	vbroadcast v11, $0x0  }
0x89: {  	[tilespmem:v10+s29+$0x0] =	vst.idx.msk $0xffff, v9  }
0x8a: {  	s8 =	simm.s32 $0x9;
	v10 =	vadd.s32 v0, v11;
	v9 =	vld [tilespmem:s4+$0x0]  }
0x8b: {  	v11 =	vmov s8  }
0x8c: {  	v11 =	vshrl.u32 v11, $0x3  }
0x8d: {  	v11 =	vshll.u32 v11, v1  }
0x8e: {  	v11 =	vbroadcast v11, $0x0  }
0x8f: {  	[tilespmem:v10+s29+$0x0] =	vst.idx.msk $0xffff, v9  }
0x90: {  	s8 =	simm.s32 $0xA;
	v10 =	vadd.s32 v2, v11;
	v9 =	vld [tilespmem:s4+$0x10]  }
0x91: {  	v11 =	vmov s8  }
0x92: {  	v11 =	vshrl.u32 v11, $0x3  }
0x93: {  	v11 =	vshll.u32 v11, v1  }
0x94: {  	v11 =	vbroadcast v11, $0x0  }
0x95: {  	[tilespmem:v10+s29+$0x0] =	vst.idx.msk $0xffff, v9  }
0x96: {  	s8 =	simm.s32 $0xB;
	v10 =	vadd.s32 v3, v11;
	v9 =	vld [tilespmem:s4+$0x20]  }
0x97: {  	v11 =	vmov s8  }
0x98: {  	v11 =	vshrl.u32 v11, $0x3  }
0x99: {  	v11 =	vshll.u32 v11, v1  }
0x9a: {  	v11 =	vbroadcast v11, $0x0  }
0x9b: {  	[tilespmem:v10+s29+$0x0] =	vst.idx.msk $0xffff, v9  }
0x9c: {  	s8 =	simm.s32 $0xC;
	v10 =	vadd.s32 v4, v11;
	v9 =	vld [tilespmem:s4+$0x30]  }
0x9d: {  	v11 =	vmov s8  }
0x9e: {  	v11 =	vshrl.u32 v11, $0x3  }
0x9f: {  	v11 =	vshll.u32 v11, v1  }
0xa0: {  	v11 =	vbroadcast v11, $0x0  }
0xa1: {  	[tilespmem:v10+s29+$0x0] =	vst.idx.msk $0xffff, v9  }
0xa2: {  	s8 =	simm.s32 $0xD;
	v10 =	vadd.s32 v5, v11;
	v9 =	vld [tilespmem:s4+$0x40]  }
0xa3: {  	v11 =	vmov s8  }
0xa4: {  	v11 =	vshrl.u32 v11, $0x3  }
0xa5: {  	v11 =	vshll.u32 v11, v1  }
0xa6: {  	v11 =	vbroadcast v11, $0x0  }
0xa7: {  	[tilespmem:v10+s29+$0x0] =	vst.idx.msk $0xffff, v9  }
0xa8: {  	s8 =	simm.s32 $0xE;
	v10 =	vadd.s32 v6, v11;
	v9 =	vld [tilespmem:s4+$0x50]  }
0xa9: {  	v11 =	vmov s8  }
0xaa: {  	v11 =	vshrl.u32 v11, $0x3  }
0xab: {  	v11 =	vshll.u32 v11, v1  }
0xac: {  	v11 =	vbroadcast v11, $0x0  }
0xad: {  	[tilespmem:v10+s29+$0x0] =	vst.idx.msk $0xffff, v9  }
0xae: {  	s8 =	simm.s32 $0xF;
	v10 =	vadd.s32 v7, v11;
	v9 =	vld [tilespmem:s4+$0x60]  }
0xaf: {  	v11 =	vmov s8  }
0xb0: {  	v11 =	vshrl.u32 v11, $0x3  }
0xb1: {  	v11 =	vshll.u32 v11, v1  }
0xb2: {  	v11 =	vbroadcast v11, $0x0  }
0xb3: {  	[tilespmem:v10+s29+$0x0] =	vst.idx.msk $0xffff, v9  }
0xb4: {  	s28 =	simm.s32 $0x10;
	s5 =	simm.s32 $0x1F;
	s8 =	simm.s32 $0x2F;
	v10 =	vadd.s32 v8, v11;
	v9 =	vld [tilespmem:s4+$0x70]  }
.LBB2_3:
0xb5: {  	p0 =	sne.s32 s8, $0x3FF;
	v11 =	vmov s28  }
0xb6: {  	v11 =	vshrl.u32 v11, $0x3  }
0xb7: {  	v11 =	vshll.u32 v11, v1  }
0xb8: {  	v11 =	vbroadcast v11, $0x0  }
0xb9: {  	s4 =	sadd.s32 $0x100, s4;
	[tilespmem:v10+s29+$0x0] =	vst.idx.msk $0xffff, v9  }
0xba: {  	s28 =	sadd.s32 $0xFFFFFFF2, s5;
	v9 =	vld [tilespmem:s4+$0xFFFFFF80];
	v10 =	vadd.s32 v0, v11  }
0xbb: {  	v11 =	vmov s28  }
0xbc: {  	v11 =	vshrl.u32 v11, $0x3  }
0xbd: {  	v11 =	vshll.u32 v11, v1  }
0xbe: {  	v11 =	vbroadcast v11, $0x0  }
0xbf: {  	[tilespmem:v10+s29+$0x0] =	vst.idx.msk $0xffff, v9  }
0xc0: {  	s28 =	sadd.s32 $0xFFFFFFF3, s5;
	v10 =	vadd.s32 v2, v11;
	v9 =	vld [tilespmem:s4+$0xFFFFFF90]  }
0xc1: {  	v11 =	vmov s28  }
0xc2: {  	v11 =	vshrl.u32 v11, $0x3  }
0xc3: {  	v11 =	vshll.u32 v11, v1  }
0xc4: {  	v11 =	vbroadcast v11, $0x0  }
0xc5: {  	[tilespmem:v10+s29+$0x0] =	vst.idx.msk $0xffff, v9  }
0xc6: {  	s28 =	sadd.s32 $0xFFFFFFF4, s5;
	v10 =	vadd.s32 v3, v11;
	v9 =	vld [tilespmem:s4+$0xFFFFFFA0]  }
0xc7: {  	v11 =	vmov s28  }
0xc8: {  	v11 =	vshrl.u32 v11, $0x3  }
0xc9: {  	v11 =	vshll.u32 v11, v1  }
0xca: {  	v11 =	vbroadcast v11, $0x0  }
0xcb: {  	[tilespmem:v10+s29+$0x0] =	vst.idx.msk $0xffff, v9  }
0xcc: {  	s28 =	sadd.s32 $0xFFFFFFF5, s5;
	v10 =	vadd.s32 v4, v11;
	v9 =	vld [tilespmem:s4+$0xFFFFFFB0]  }
0xcd: {  	v11 =	vmov s28  }
0xce: {  	v11 =	vshrl.u32 v11, $0x3  }
0xcf: {  	v11 =	vshll.u32 v11, v1  }
0xd0: {  	v11 =	vbroadcast v11, $0x0  }
0xd1: {  	[tilespmem:v10+s29+$0x0] =	vst.idx.msk $0xffff, v9  }
0xd2: {  	s28 =	sadd.s32 $0xFFFFFFF6, s5;
	v10 =	vadd.s32 v5, v11;
	v9 =	vld [tilespmem:s4+$0xFFFFFFC0]  }
0xd3: {  	v11 =	vmov s28  }
0xd4: {  	v11 =	vshrl.u32 v11, $0x3  }
0xd5: {  	v11 =	vshll.u32 v11, v1  }
0xd6: {  	v11 =	vbroadcast v11, $0x0  }
0xd7: {  	[tilespmem:v10+s29+$0x0] =	vst.idx.msk $0xffff, v9  }
0xd8: {  	s28 =	sadd.s32 $0xFFFFFFF7, s5;
	v10 =	vadd.s32 v6, v11;
	v9 =	vld [tilespmem:s4+$0xFFFFFFD0]  }
0xd9: {  	v11 =	vmov s28  }
0xda: {  	v11 =	vshrl.u32 v11, $0x3  }
0xdb: {  	v11 =	vshll.u32 v11, v1  }
0xdc: {  	v11 =	vbroadcast v11, $0x0  }
0xdd: {  	[tilespmem:v10+s29+$0x0] =	vst.idx.msk $0xffff, v9  }
0xde: {  	s28 =	sadd.s32 $0xFFFFFFF8, s5;
	v10 =	vadd.s32 v7, v11;
	v9 =	vld [tilespmem:s4+$0xFFFFFFE0]  }
0xdf: {  	v11 =	vmov s28  }
0xe0: {  	v11 =	vshrl.u32 v11, $0x3  }
0xe1: {  	v11 =	vshll.u32 v11, v1  }
0xe2: {  	v11 =	vbroadcast v11, $0x0  }
0xe3: {  	[tilespmem:v10+s29+$0x0] =	vst.idx.msk $0xffff, v9  }
0xe4: {  	s28 =	sadd.s32 $0xFFFFFFF9, s5;
	v10 =	vadd.s32 v8, v11;
	v9 =	vld [tilespmem:s4+$0xFFFFFFF0]  }
0xe5: {  	v11 =	vmov s28  }
0xe6: {  	v11 =	vshrl.u32 v11, $0x3  }
0xe7: {  	v11 =	vshll.u32 v11, v1  }
0xe8: {  	v11 =	vbroadcast v11, $0x0  }
0xe9: {  	[tilespmem:v10+s29+$0x0] =	vst.idx.msk $0xffff, v9  }
0xea: {  	s28 =	sadd.s32 $0xFFFFFFFA, s5;
	v10 =	vadd.s32 v0, v11;
	v9 =	vld [tilespmem:s4+$0x0]  }
0xeb: {  	v11 =	vmov s28  }
0xec: {  	v11 =	vshrl.u32 v11, $0x3  }
0xed: {  	v11 =	vshll.u32 v11, v1  }
0xee: {  	v11 =	vbroadcast v11, $0x0  }
0xef: {  	[tilespmem:v10+s29+$0x0] =	vst.idx.msk $0xffff, v9  }
0xf0: {  	s28 =	sadd.s32 $0xFFFFFFFB, s5;
	v10 =	vadd.s32 v2, v11;
	v9 =	vld [tilespmem:s4+$0x10]  }
0xf1: {  	v11 =	vmov s28  }
0xf2: {  	v11 =	vshrl.u32 v11, $0x3  }
0xf3: {  	v11 =	vshll.u32 v11, v1  }
0xf4: {  	v11 =	vbroadcast v11, $0x0  }
0xf5: {  	[tilespmem:v10+s29+$0x0] =	vst.idx.msk $0xffff, v9  }
0xf6: {  	s28 =	sadd.s32 $0xFFFFFFFC, s5;
	v10 =	vadd.s32 v3, v11;
	v9 =	vld [tilespmem:s4+$0x20]  }
0xf7: {  	v11 =	vmov s28  }
0xf8: {  	v11 =	vshrl.u32 v11, $0x3  }
0xf9: {  	v11 =	vshll.u32 v11, v1  }
0xfa: {  	v11 =	vbroadcast v11, $0x0  }
0xfb: {  	[tilespmem:v10+s29+$0x0] =	vst.idx.msk $0xffff, v9  }
0xfc: {  	s28 =	sadd.s32 $0xFFFFFFFD, s5;
	v10 =	vadd.s32 v4, v11;
	v9 =	vld [tilespmem:s4+$0x30]  }
0xfd: {  	v11 =	vmov s28  }
0xfe: {  	v11 =	vshrl.u32 v11, $0x3  }
0xff: {  	v11 =	vshll.u32 v11, v1  }
0x100: {  	v11 =	vbroadcast v11, $0x0  }
0x101: {  	[tilespmem:v10+s29+$0x0] =	vst.idx.msk $0xffff, v9  }
0x102: {  	s28 =	sadd.s32 $0xFFFFFFFE, s5;
	v10 =	vadd.s32 v5, v11;
	v9 =	vld [tilespmem:s4+$0x40]  }
0x103: {  	v11 =	vmov s28  }
0x104: {  	v11 =	vshrl.u32 v11, $0x3  }
0x105: {  	v11 =	vshll.u32 v11, v1  }
0x106: {  	v11 =	vbroadcast v11, $0x0  }
0x107: {  	[tilespmem:v10+s29+$0x0] =	vst.idx.msk $0xffff, v9  }
0x108: {  	s28 =	sadd.s32 $0xFFFFFFFF, s5;
	v10 =	vadd.s32 v6, v11;
	v9 =	vld [tilespmem:s4+$0x50]  }
0x109: {  	v11 =	vmov s28  }
0x10a: {  	v11 =	vshrl.u32 v11, $0x3  }
0x10b: {  	v11 =	vshll.u32 v11, v1  }
0x10c: {  	v11 =	vbroadcast v11, $0x0  }
0x10d: {  	[tilespmem:v10+s29+$0x0] =	vst.idx.msk $0xffff, v9  }
0x10e: {  	v10 =	vadd.s32 v7, v11;
	v9 =	vld [tilespmem:s4+$0x60]  }
0x10f: {  	v11 =	vmov s5;
	s5 =	smov.u32 s8  }
.Ltmp0:
0x110: {  	v11 =	vshrl.u32 v11, $0x3;
	(pc) =	sbr.rel @p0 .LBB2_3-.Ltmp0, $4  }
0x111: {  	v11 =	vshll.u32 v11, v1  }
0x112: {  	v11 =	vbroadcast v11, $0x0  }
0x113: {  	[tilespmem:v10+s29+$0x0] =	vst.idx.msk $0xffff, v9  }
0x114: {  	s8 =	sadd.s32 $0x10, s8;
	s28 =	sadd.s32 $0xFFFFFFF1, s5;
	v10 =	vadd.s32 v8, v11;
	v9 =	vld [tilespmem:s4+$0x70]  }
0x115: {  	v11 =	vmov s28  }
0x116: {  	v11 =	vshrl.u32 v11, $0x3  }
0x117: {  	v11 =	vshll.u32 v11, v1  }
0x118: {  	v11 =	vbroadcast v11, $0x0  }
0x119: {  	s4 =	sadd.s32 $0x100, s4;
	[tilespmem:v10+s29+$0x0] =	vst.idx.msk $0xffff, v9  }
0x11a: {  	s8 =	sadd.s32 $0xFFFFFFF2, s5;
	v9 =	vld [tilespmem:s4+$0xFFFFFF80];
	v10 =	vadd.s32 v0, v11  }
0x11b: {  	v11 =	vmov s8  }
0x11c: {  	v11 =	vshrl.u32 v11, $0x3  }
0x11d: {  	v11 =	vshll.u32 v11, v1  }
0x11e: {  	v11 =	vbroadcast v11, $0x0  }
0x11f: {  	[tilespmem:v10+s29+$0x0] =	vst.idx.msk $0xffff, v9  }
0x120: {  	s28 =	sadd.s32 $0xFFFFFFF3, s5;
	v10 =	vadd.s32 v2, v11;
	v9 =	vld [tilespmem:s4+$0xFFFFFF90]  }
0x121: {  	v11 =	vmov s28  }
0x122: {  	v11 =	vshrl.u32 v11, $0x3  }
0x123: {  	v11 =	vshll.u32 v11, v1  }
0x124: {  	v11 =	vbroadcast v11, $0x0  }
0x125: {  	[tilespmem:v10+s29+$0x0] =	vst.idx.msk $0xffff, v9  }
0x126: {  	s28 =	sadd.s32 $0xFFFFFFF4, s5;
	v10 =	vadd.s32 v3, v11;
	v9 =	vld [tilespmem:s4+$0xFFFFFFA0]  }
0x127: {  	v11 =	vmov s28  }
0x128: {  	v11 =	vshrl.u32 v11, $0x3  }
0x129: {  	v11 =	vshll.u32 v11, v1  }
0x12a: {  	v11 =	vbroadcast v11, $0x0  }
0x12b: {  	[tilespmem:v10+s29+$0x0] =	vst.idx.msk $0xffff, v9  }
0x12c: {  	s28 =	sadd.s32 $0xFFFFFFF5, s5;
	v10 =	vadd.s32 v4, v11;
	v9 =	vld [tilespmem:s4+$0xFFFFFFB0]  }
0x12d: {  	v11 =	vmov s28  }
0x12e: {  	v11 =	vshrl.u32 v11, $0x3  }
0x12f: {  	v11 =	vshll.u32 v11, v1  }
0x130: {  	v11 =	vbroadcast v11, $0x0  }
0x131: {  	[tilespmem:v10+s29+$0x0] =	vst.idx.msk $0xffff, v9  }
0x132: {  	s28 =	sadd.s32 $0xFFFFFFF6, s5;
	v10 =	vadd.s32 v5, v11;
	v9 =	vld [tilespmem:s4+$0xFFFFFFC0]  }
0x133: {  	v11 =	vmov s28  }
0x134: {  	v11 =	vshrl.u32 v11, $0x3  }
0x135: {  	v11 =	vshll.u32 v11, v1  }
0x136: {  	v11 =	vbroadcast v11, $0x0  }
0x137: {  	[tilespmem:v10+s29+$0x0] =	vst.idx.msk $0xffff, v9  }
0x138: {  	s28 =	sadd.s32 $0xFFFFFFF7, s5;
	v10 =	vadd.s32 v6, v11;
	v9 =	vld [tilespmem:s4+$0xFFFFFFD0]  }
0x139: {  	v11 =	vmov s28  }
0x13a: {  	v11 =	vshrl.u32 v11, $0x3  }
0x13b: {  	v11 =	vshll.u32 v11, v1  }
0x13c: {  	v11 =	vbroadcast v11, $0x0  }
0x13d: {  	[tilespmem:v10+s29+$0x0] =	vst.idx.msk $0xffff, v9  }
0x13e: {  	s28 =	sadd.s32 $0xFFFFFFF8, s5;
	v10 =	vadd.s32 v7, v11;
	v9 =	vld [tilespmem:s4+$0xFFFFFFE0]  }
0x13f: {  	v11 =	vmov s28  }
0x140: {  	v11 =	vshrl.u32 v11, $0x3  }
0x141: {  	v11 =	vshll.u32 v11, v1  }
0x142: {  	v11 =	vbroadcast v11, $0x0  }
0x143: {  	[tilespmem:v10+s29+$0x0] =	vst.idx.msk $0xffff, v9  }
0x144: {  	s28 =	sadd.s32 $0xFFFFFFF9, s5;
	v10 =	vadd.s32 v8, v11;
	v9 =	vld [tilespmem:s4+$0xFFFFFFF0]  }
0x145: {  	v11 =	vmov s28  }
0x146: {  	v11 =	vshrl.u32 v11, $0x3  }
0x147: {  	v11 =	vshll.u32 v11, v1  }
0x148: {  	v11 =	vbroadcast v11, $0x0  }
0x149: {  	[tilespmem:v10+s29+$0x0] =	vst.idx.msk $0xffff, v9  }
0x14a: {  	s28 =	sadd.s32 $0xFFFFFFFA, s5;
	v10 =	vadd.s32 v0, v11;
	v9 =	vld [tilespmem:s4+$0x0]  }
0x14b: {  	v11 =	vmov s28  }
0x14c: {  	v11 =	vshrl.u32 v11, $0x3  }
0x14d: {  	v11 =	vshll.u32 v11, v1  }
0x14e: {  	v11 =	vbroadcast v11, $0x0  }
0x14f: {  	[tilespmem:v10+s29+$0x0] =	vst.idx.msk $0xffff, v9  }
0x150: {  	s28 =	sadd.s32 $0xFFFFFFFB, s5;
	v10 =	vadd.s32 v2, v11;
	v9 =	vld [tilespmem:s4+$0x10]  }
0x151: {  	v11 =	vmov s28  }
0x152: {  	v11 =	vshrl.u32 v11, $0x3  }
0x153: {  	v11 =	vshll.u32 v11, v1  }
0x154: {  	v11 =	vbroadcast v11, $0x0  }
0x155: {  	[tilespmem:v10+s29+$0x0] =	vst.idx.msk $0xffff, v9  }
0x156: {  	s28 =	sadd.s32 $0xFFFFFFFC, s5;
	v10 =	vadd.s32 v3, v11;
	v9 =	vld [tilespmem:s4+$0x20]  }
0x157: {  	v11 =	vmov s28  }
0x158: {  	v11 =	vshrl.u32 v11, $0x3  }
0x159: {  	v11 =	vshll.u32 v11, v1  }
0x15a: {  	v11 =	vbroadcast v11, $0x0  }
0x15b: {  	[tilespmem:v10+s29+$0x0] =	vst.idx.msk $0xffff, v9  }
0x15c: {  	s28 =	sadd.s32 $0xFFFFFFFD, s5;
	v10 =	vadd.s32 v4, v11;
	v9 =	vld [tilespmem:s4+$0x30]  }
0x15d: {  	v11 =	vmov s28  }
0x15e: {  	v11 =	vshrl.u32 v11, $0x3  }
0x15f: {  	v11 =	vshll.u32 v11, v1  }
0x160: {  	v11 =	vbroadcast v11, $0x0  }
0x161: {  	[tilespmem:v10+s29+$0x0] =	vst.idx.msk $0xffff, v9  }
0x162: {  	s28 =	sadd.s32 $0xFFFFFFFE, s5;
	v10 =	vadd.s32 v5, v11;
	v9 =	vld [tilespmem:s4+$0x40]  }
0x163: {  	v11 =	vmov s28  }
0x164: {  	v11 =	vshrl.u32 v11, $0x3  }
0x165: {  	v11 =	vshll.u32 v11, v1  }
0x166: {  	v11 =	vbroadcast v11, $0x0  }
0x167: {  	[tilespmem:v10+s29+$0x0] =	vst.idx.msk $0xffff, v9  }
0x168: {  	s28 =	sadd.s32 $0xFFFFFFFF, s5;
	v10 =	vadd.s32 v6, v11;
	v9 =	vld [tilespmem:s4+$0x50]  }
0x169: {  	v11 =	vmov s28  }
0x16a: {  	v11 =	vshrl.u32 v11, $0x3  }
0x16b: {  	v11 =	vshll.u32 v11, v1  }
0x16c: {  	v11 =	vbroadcast v11, $0x0  }
0x16d: {  	[tilespmem:v10+s29+$0x0] =	vst.idx.msk $0xffff, v9  }
0x16e: {  	v10 =	vadd.s32 v7, v11;
	v9 =	vld [tilespmem:s4+$0x60]  }
0x16f: {  	v11 =	vmov s5  }
0x170: {  	v11 =	vshrl.u32 v11, $0x3  }
0x171: {  	v11 =	vshll.u32 v11, v1  }
0x172: {  	v11 =	vbroadcast v11, $0x0  }
0x173: {  	[tilespmem:v10+s29+$0x0] =	vst.idx.msk $0xffff, v9  }
0x174: {  	v10 =	vadd.s32 v8, v11;
	v9 =	vld [tilespmem:s4+$0x70];
	_ =	sdelay $0x1  }
0x175: {  	s4 =	sshll.u32 s26, $0x7  }
0x176: {  	s8 =	sshll.u32 s26, $0xB;
	s26 =	sand.u32 $0x780, s4  }
0x177: {  	s5 =	sand.u32 $0xFFF8000, s8;
	s8 =	sadd.s32 s6, s26  }
0x178: {  	s5 =	sadd.s32 s5, s8;
	[tilespmem:v10+s29+$0x0] =	vst.idx.msk $0xffff, v9  }
0x179: {  	[hbm4b:s5+s3] =	stream.linear.scatter [tilespmem:s29], [sflag:$0x3], $0x400, $0x38;
	[tilespmem:$0xC880] =	vst v63  }
0x17a: {  	s8 =	sadd.s32 $0x800, s5  }
0x17b: {  	[hbm4b:s8+s3] =	stream.linear.scatter [tilespmem:s30], [sflag:$0x3], $0x400, $0x38;
	[tilespmem:$0xC880] =	vst v63  }
0x17c: {  	s28 =	sadd.s32 $0x1000, s5  }
0x17d: {  	[hbm4b:s28+s3] =	stream.linear.scatter [tilespmem:s31], [sflag:$0x3], $0x400, $0x38;
	[tilespmem:$0xC880] =	vst v63  }
0x17e: {  	s26 =	sadd.s32 $0x1800, s5  }
0x17f: {  	[hbm4b:s26+s3] =	stream.linear.scatter [tilespmem:s1], [sflag:$0x3], $0x400, $0x38;
	[tilespmem:$0xC880] =	vst v63  }
0x180: {  	s28 =	sadd.s32 $0x2000, s5  }
0x181: {  	[hbm4b:s28+s3] =	stream.linear.scatter [tilespmem:s0], [sflag:$0x3], $0x400, $0x38;
	[tilespmem:$0xC880] =	vst v63  }
0x182: {  	s26 =	sadd.s32 $0x2800, s5  }
0x183: {  	[hbm4b:s26+s3] =	stream.linear.scatter [tilespmem:s7], [sflag:$0x3], $0x400, $0x38;
	[tilespmem:$0xC880] =	vst v63  }
0x184: {  	s28 =	sadd.s32 $0x3000, s5  }
0x185: {  	[hbm4b:s28+s3] =	stream.linear.scatter [tilespmem:s10], [sflag:$0x3], $0x400, $0x38;
	[tilespmem:$0xC880] =	vst v63  }
0x186: {  	s26 =	sadd.s32 $0x3800, s5  }
0x187: {  	[hbm4b:s26+s3] =	stream.linear.scatter [tilespmem:s13], [sflag:$0x3], $0x400, $0x38;
	[tilespmem:$0xC880] =	vst v63  }
0x188: {  	s28 =	sadd.s32 $0x4000, s5  }
0x189: {  	[hbm4b:s28+s3] =	stream.linear.scatter [tilespmem:s14], [sflag:$0x3], $0x400, $0x38;
	[tilespmem:$0xC880] =	vst v63  }
0x18a: {  	s26 =	sadd.s32 $0x4800, s5  }
0x18b: {  	[hbm4b:s26+s3] =	stream.linear.scatter [tilespmem:s15], [sflag:$0x3], $0x400, $0x38;
	[tilespmem:$0xC880] =	vst v63  }
0x18c: {  	s28 =	sadd.s32 $0x5000, s5  }
0x18d: {  	[hbm4b:s28+s3] =	stream.linear.scatter [tilespmem:s16], [sflag:$0x3], $0x400, $0x38;
	[tilespmem:$0xC880] =	vst v63  }
0x18e: {  	s26 =	sadd.s32 $0x5800, s5  }
0x18f: {  	[hbm4b:s26+s3] =	stream.linear.scatter [tilespmem:s17], [sflag:$0x3], $0x400, $0x38;
	[tilespmem:$0xC880] =	vst v63  }
0x190: {  	s28 =	sadd.s32 $0x6000, s5  }
0x191: {  	[hbm4b:s28+s3] =	stream.linear.scatter [tilespmem:s18], [sflag:$0x3], $0x400, $0x38;
	[tilespmem:$0xC880] =	vst v63  }
0x192: {  	s26 =	sadd.s32 $0x6800, s5  }
0x193: {  	[hbm4b:s26+s3] =	stream.linear.scatter [tilespmem:s19], [sflag:$0x3], $0x400, $0x38;
	[tilespmem:$0xC880] =	vst v63  }
0x194: {  	s28 =	sadd.s32 $0x7000, s5  }
0x195: {  	[hbm4b:s28+s3] =	stream.linear.scatter [tilespmem:s20], [sflag:$0x3], $0x400, $0x38;
	[tilespmem:$0xC880] =	vst v63  }
0x196: {  	s5 =	sadd.s32 $0x7800, s5  }
0x197: {  	[hbm4b:s5+s3] =	stream.linear.scatter [tilespmem:s21], [sflag:$0x3], $0x400, $0x38;
	[tilespmem:$0xC880] =	vst v63  }
0x198: {  	_ =	swait.ge [sflag:s11], $0x4000  }
0x199: {  	[sflag:s11] =	ssyncset.done $0x0;
	s8 =	rddreg [dreg:$0x6]  }
0x19a: {  	[sflag:s11] =	ssyncadd.s32 $0xFFFFC000;
	s4 =	sadd.s32 s4, s8  }
0x19b: {  	[tilespmem:s3], [sflag:$0x3] =	stream.linear.gather [hbm4b:s4+s3], $0x400, $0x38;
	[tilespmem:$0xC880] =	vst v63  }
0x19c: {  	_ =	swait.ge [sflag:s11], $0x400  }
0x19d: {  	[sflag:s11] =	ssyncset.done $0x0  }
0x19e: {  	s26 =	simm.s32 $0x800;
	[sflag:s11] =	ssyncadd.s32 $0xFFFFFC00  }
0x19f: {  	[tilespmem:s26], [sflag:$0x1] =	stream.indirect.gather [hbm4b:s2+s12], $0x10, s3, s12, $0xb8;
	[tilespmem:$0xC880] =	vst v63  }
0x1a0: {  	s28 =	simm.s32 $0x1000  }
0x1a1: {  	[tilespmem:s28], [sflag:$0x1] =	stream.indirect.gather [hbm4b:s2+s12], $0x10, s12, s12, $0xb8;
	[tilespmem:$0xC880] =	vst v63  }
0x1a2: {  	s5 =	simm.s32 $0x100;
	s8 =	simm.s32 $0x1800  }
0x1a3: {  	[tilespmem:s8], [sflag:$0x1] =	stream.indirect.gather [hbm4b:s2+s12], $0x10, s5, s12, $0xb8;
	[tilespmem:$0xC880] =	vst v63  }
0x1a4: {  	s26 =	simm.s32 $0x180;
	s28 =	simm.s32 $0x2000  }
0x1a5: {  	[tilespmem:s28], [sflag:$0x1] =	stream.indirect.gather [hbm4b:s2+s12], $0x10, s26, s12, $0xb8;
	[tilespmem:$0xC880] =	vst v63  }
0x1a6: {  	s5 =	simm.s32 $0x200;
	s8 =	simm.s32 $0x2800  }
0x1a7: {  	[tilespmem:s8], [sflag:$0x1] =	stream.indirect.gather [hbm4b:s2+s12], $0x10, s5, s12, $0xb8;
	[tilespmem:$0xC880] =	vst v63  }
0x1a8: {  	s26 =	simm.s32 $0x280;
	s28 =	simm.s32 $0x3000  }
0x1a9: {  	[tilespmem:s28], [sflag:$0x1] =	stream.indirect.gather [hbm4b:s2+s12], $0x10, s26, s12, $0xb8;
	[tilespmem:$0xC880] =	vst v63  }
0x1aa: {  	s5 =	simm.s32 $0x300;
	s8 =	simm.s32 $0x3800  }
0x1ab: {  	[tilespmem:s8], [sflag:$0x1] =	stream.indirect.gather [hbm4b:s2+s12], $0x10, s5, s12, $0xb8;
	[tilespmem:$0xC880] =	vst v63  }
0x1ac: {  	s26 =	simm.s32 $0x380;
	s28 =	simm.s32 $0x4000  }
0x1ad: {  	[tilespmem:s28], [sflag:$0x1] =	stream.indirect.gather [hbm4b:s2+s12], $0x10, s26, s12, $0xb8;
	[tilespmem:$0xC880] =	vst v63  }
0x1ae: {  	_ =	swait.ge [sflag:s22], $0x800  }
0x1af: {  	[sflag:s22] =	ssyncset.done $0x0  }
0x1b0: {  	[sflag:s22] =	ssyncadd.s32 $0xFFFFF800  }
0x1b1: {  	_ =	swait.ge [sflag:s22], $0x800  }
0x1b2: {  	[sflag:s22] =	ssyncset.done $0x0  }
0x1b3: {  	[sflag:s22] =	ssyncadd.s32 $0xFFFFF800  }
0x1b4: {  	_ =	swait.ge [sflag:s22], $0x800  }
0x1b5: {  	[sflag:s22] =	ssyncset.done $0x0  }
0x1b6: {  	[sflag:s22] =	ssyncadd.s32 $0xFFFFF800  }
0x1b7: {  	_ =	swait.ge [sflag:s22], $0x800  }
0x1b8: {  	[sflag:s22] =	ssyncset.done $0x0  }
0x1b9: {  	[sflag:s22] =	ssyncadd.s32 $0xFFFFF800  }
0x1ba: {  	_ =	swait.ge [sflag:s22], $0x800  }
0x1bb: {  	[sflag:s22] =	ssyncset.done $0x0  }
0x1bc: {  	[sflag:s22] =	ssyncadd.s32 $0xFFFFF800  }
0x1bd: {  	_ =	swait.ge [sflag:s22], $0x800  }
0x1be: {  	[sflag:s22] =	ssyncset.done $0x0  }
0x1bf: {  	[sflag:s22] =	ssyncadd.s32 $0xFFFFF800  }
0x1c0: {  	s5 =	simm.s32 $0x0;
	_ =	swait.ge [sflag:s22], $0x800  }
0x1c1: {  	v9 =	vmov s5;
	[sflag:s22] =	ssyncset.done $0x0  }
0x1c2: {  	v9 =	vshrl.u32 v9, $0x3;
	[sflag:s22] =	ssyncadd.s32 $0xFFFFF800  }
0x1c3: {  	v9 =	vshll.u32 v9, v1;
	_ =	swait.ge [sflag:s22], $0x800  }
0x1c4: {  	v9 =	vbroadcast v9, $0x0;
	[sflag:s22] =	ssyncset.done $0x0  }
0x1c5: {  	s4 =	simm.s32 $0x4800;
	[sflag:s22] =	ssyncadd.s32 $0xFFFFF800  }
0x1c6: {  	s8 =	simm.s32 $0x1;
	v9 =	vadd.s32 v0, v9;
	v10 =	vld [tilespmem:s4+$0x0]  }
0x1c7: {  	v11 =	vmov s8  }
0x1c8: {  	v11 =	vshrl.u32 v11, $0x3  }
0x1c9: {  	v11 =	vshll.u32 v11, v1  }
0x1ca: {  	v11 =	vbroadcast v11, $0x0  }
0x1cb: {  	[tilespmem:v9+s29+$0x0] =	vst.idx.msk $0xffff, v10  }
0x1cc: {  	s26 =	simm.s32 $0x2;
	v10 =	vadd.s32 v2, v11;
	v9 =	vld [tilespmem:s4+$0x10]  }
0x1cd: {  	v11 =	vmov s26  }
0x1ce: {  	v11 =	vshrl.u32 v11, $0x3  }
0x1cf: {  	v11 =	vshll.u32 v11, v1  }
0x1d0: {  	v11 =	vbroadcast v11, $0x0  }
0x1d1: {  	[tilespmem:v10+s29+$0x0] =	vst.idx.msk $0xffff, v9  }
0x1d2: {  	s28 =	simm.s32 $0x3;
	v10 =	vadd.s32 v3, v11;
	v9 =	vld [tilespmem:s4+$0x20]  }
0x1d3: {  	v11 =	vmov s28  }
0x1d4: {  	v11 =	vshrl.u32 v11, $0x3  }
0x1d5: {  	v11 =	vshll.u32 v11, v1  }
0x1d6: {  	v11 =	vbroadcast v11, $0x0  }
0x1d7: {  	[tilespmem:v10+s29+$0x0] =	vst.idx.msk $0xffff, v9  }
0x1d8: {  	s8 =	simm.s32 $0x4;
	v10 =	vadd.s32 v4, v11;
	v9 =	vld [tilespmem:s4+$0x30]  }
0x1d9: {  	v11 =	vmov s8  }
0x1da: {  	v11 =	vshrl.u32 v11, $0x3  }
0x1db: {  	v11 =	vshll.u32 v11, v1  }
0x1dc: {  	v11 =	vbroadcast v11, $0x0  }
0x1dd: {  	[tilespmem:v10+s29+$0x0] =	vst.idx.msk $0xffff, v9  }
0x1de: {  	s26 =	simm.s32 $0x5;
	v10 =	vadd.s32 v5, v11;
	v9 =	vld [tilespmem:s4+$0x40]  }
0x1df: {  	v11 =	vmov s26  }
0x1e0: {  	v11 =	vshrl.u32 v11, $0x3  }
0x1e1: {  	v11 =	vshll.u32 v11, v1  }
0x1e2: {  	v11 =	vbroadcast v11, $0x0  }
0x1e3: {  	[tilespmem:v10+s29+$0x0] =	vst.idx.msk $0xffff, v9  }
0x1e4: {  	s28 =	simm.s32 $0x6;
	v10 =	vadd.s32 v6, v11;
	v9 =	vld [tilespmem:s4+$0x50]  }
0x1e5: {  	v11 =	vmov s28  }
0x1e6: {  	v11 =	vshrl.u32 v11, $0x3  }
0x1e7: {  	v11 =	vshll.u32 v11, v1  }
0x1e8: {  	v11 =	vbroadcast v11, $0x0  }
0x1e9: {  	[tilespmem:v10+s29+$0x0] =	vst.idx.msk $0xffff, v9  }
0x1ea: {  	s8 =	simm.s32 $0x7;
	v10 =	vadd.s32 v7, v11;
	v9 =	vld [tilespmem:s4+$0x60]  }
0x1eb: {  	v11 =	vmov s8  }
0x1ec: {  	v11 =	vshrl.u32 v11, $0x3  }
0x1ed: {  	v11 =	vshll.u32 v11, v1  }
0x1ee: {  	v11 =	vbroadcast v11, $0x0  }
0x1ef: {  	[tilespmem:v10+s29+$0x0] =	vst.idx.msk $0xffff, v9  }
0x1f0: {  	s26 =	simm.s32 $0x8;
	v10 =	vadd.s32 v8, v11;
	v9 =	vld [tilespmem:s4+$0x70]  }
0x1f1: {  	v11 =	vmov s26  }
0x1f2: {  	v11 =	vshrl.u32 v11, $0x3  }
0x1f3: {  	v11 =	vshll.u32 v11, v1  }
0x1f4: {  	v11 =	vbroadcast v11, $0x0  }
0x1f5: {  	[tilespmem:v10+s29+$0x0] =	vst.idx.msk $0xffff, v9  }
0x1f6: {  	s28 =	simm.s32 $0x9;
	v10 =	vadd.s32 v0, v11;
	v9 =	vld [tilespmem:s4+$0x80]  }
0x1f7: {  	v11 =	vmov s28  }
0x1f8: {  	v11 =	vshrl.u32 v11, $0x3  }
0x1f9: {  	v11 =	vshll.u32 v11, v1  }
0x1fa: {  	v11 =	vbroadcast v11, $0x0  }
0x1fb: {  	[tilespmem:v10+s29+$0x0] =	vst.idx.msk $0xffff, v9  }
0x1fc: {  	s8 =	simm.s32 $0xA;
	v10 =	vadd.s32 v2, v11;
	v9 =	vld [tilespmem:s4+$0x90]  }
0x1fd: {  	v11 =	vmov s8  }
0x1fe: {  	v11 =	vshrl.u32 v11, $0x3  }
0x1ff: {  	v11 =	vshll.u32 v11, v1  }
0x200: {  	v11 =	vbroadcast v11, $0x0  }
0x201: {  	[tilespmem:v10+s29+$0x0] =	vst.idx.msk $0xffff, v9  }
0x202: {  	s26 =	simm.s32 $0xB;
	v10 =	vadd.s32 v3, v11;
	v9 =	vld [tilespmem:s4+$0xA0]  }
0x203: {  	v11 =	vmov s26  }
0x204: {  	v11 =	vshrl.u32 v11, $0x3  }
0x205: {  	v11 =	vshll.u32 v11, v1  }
0x206: {  	v11 =	vbroadcast v11, $0x0  }
0x207: {  	[tilespmem:v10+s29+$0x0] =	vst.idx.msk $0xffff, v9  }
0x208: {  	s28 =	simm.s32 $0xC;
	v10 =	vadd.s32 v4, v11;
	v9 =	vld [tilespmem:s4+$0xB0]  }
0x209: {  	v11 =	vmov s28  }
0x20a: {  	v11 =	vshrl.u32 v11, $0x3  }
0x20b: {  	v11 =	vshll.u32 v11, v1  }
0x20c: {  	v11 =	vbroadcast v11, $0x0  }
0x20d: {  	[tilespmem:v10+s29+$0x0] =	vst.idx.msk $0xffff, v9  }
0x20e: {  	s8 =	simm.s32 $0xD;
	v10 =	vadd.s32 v5, v11;
	v9 =	vld [tilespmem:s4+$0xC0]  }
0x20f: {  	v11 =	vmov s8  }
0x210: {  	v11 =	vshrl.u32 v11, $0x3  }
0x211: {  	v11 =	vshll.u32 v11, v1  }
0x212: {  	v11 =	vbroadcast v11, $0x0  }
0x213: {  	[tilespmem:v10+s29+$0x0] =	vst.idx.msk $0xffff, v9  }
0x214: {  	s26 =	simm.s32 $0xE;
	v10 =	vadd.s32 v6, v11;
	v9 =	vld [tilespmem:s4+$0xD0]  }
0x215: {  	v11 =	vmov s26  }
0x216: {  	v11 =	vshrl.u32 v11, $0x3  }
0x217: {  	v11 =	vshll.u32 v11, v1  }
0x218: {  	v11 =	vbroadcast v11, $0x0  }
0x219: {  	[tilespmem:v10+s29+$0x0] =	vst.idx.msk $0xffff, v9  }
0x21a: {  	s28 =	simm.s32 $0xF;
	v10 =	vadd.s32 v7, v11;
	v9 =	vld [tilespmem:s4+$0xE0]  }
0x21b: {  	v11 =	vmov s28  }
0x21c: {  	v11 =	vshrl.u32 v11, $0x3  }
0x21d: {  	v11 =	vshll.u32 v11, v1  }
0x21e: {  	v11 =	vbroadcast v11, $0x0  }
0x21f: {  	[tilespmem:v10+s29+$0x0] =	vst.idx.msk $0xffff, v9  }
0x220: {  	s5 =	simm.s32 $0x1F;
	s8 =	simm.s32 $0x2F;
	s26 =	simm.s32 $0x10;
	v10 =	vadd.s32 v8, v11;
	v9 =	vld [tilespmem:s4+$0xF0]  }
.LBB2_5:
0x221: {  	p0 =	sne.s32 s8, $0x3FF;
	v11 =	vmov s26  }
0x222: {  	v11 =	vshrl.u32 v11, $0x3  }
0x223: {  	v11 =	vshll.u32 v11, v1  }
0x224: {  	v11 =	vbroadcast v11, $0x0  }
0x225: {  	s4 =	sadd.s32 $0x100, s4;
	[tilespmem:v10+s29+$0x0] =	vst.idx.msk $0xffff, v9  }
0x226: {  	s26 =	sadd.s32 $0xFFFFFFF2, s5;
	v9 =	vld [tilespmem:s4+$0x0];
	v10 =	vadd.s32 v0, v11  }
0x227: {  	v11 =	vmov s26  }
0x228: {  	v11 =	vshrl.u32 v11, $0x3  }
0x229: {  	v11 =	vshll.u32 v11, v1  }
0x22a: {  	v11 =	vbroadcast v11, $0x0  }
0x22b: {  	[tilespmem:v10+s29+$0x0] =	vst.idx.msk $0xffff, v9  }
0x22c: {  	s26 =	sadd.s32 $0xFFFFFFF3, s5;
	v10 =	vadd.s32 v2, v11;
	v9 =	vld [tilespmem:s4+$0x10]  }
0x22d: {  	v11 =	vmov s26  }
0x22e: {  	v11 =	vshrl.u32 v11, $0x3  }
0x22f: {  	v11 =	vshll.u32 v11, v1  }
0x230: {  	v11 =	vbroadcast v11, $0x0  }
0x231: {  	[tilespmem:v10+s29+$0x0] =	vst.idx.msk $0xffff, v9  }
0x232: {  	s26 =	sadd.s32 $0xFFFFFFF4, s5;
	v10 =	vadd.s32 v3, v11;
	v9 =	vld [tilespmem:s4+$0x20]  }
0x233: {  	v11 =	vmov s26  }
0x234: {  	v11 =	vshrl.u32 v11, $0x3  }
0x235: {  	v11 =	vshll.u32 v11, v1  }
0x236: {  	v11 =	vbroadcast v11, $0x0  }
0x237: {  	[tilespmem:v10+s29+$0x0] =	vst.idx.msk $0xffff, v9  }
0x238: {  	s26 =	sadd.s32 $0xFFFFFFF5, s5;
	v10 =	vadd.s32 v4, v11;
	v9 =	vld [tilespmem:s4+$0x30]  }
0x239: {  	v11 =	vmov s26  }
0x23a: {  	v11 =	vshrl.u32 v11, $0x3  }
0x23b: {  	v11 =	vshll.u32 v11, v1  }
0x23c: {  	v11 =	vbroadcast v11, $0x0  }
0x23d: {  	[tilespmem:v10+s29+$0x0] =	vst.idx.msk $0xffff, v9  }
0x23e: {  	s26 =	sadd.s32 $0xFFFFFFF6, s5;
	v10 =	vadd.s32 v5, v11;
	v9 =	vld [tilespmem:s4+$0x40]  }
0x23f: {  	v11 =	vmov s26  }
0x240: {  	v11 =	vshrl.u32 v11, $0x3  }
0x241: {  	v11 =	vshll.u32 v11, v1  }
0x242: {  	v11 =	vbroadcast v11, $0x0  }
0x243: {  	[tilespmem:v10+s29+$0x0] =	vst.idx.msk $0xffff, v9  }
0x244: {  	s26 =	sadd.s32 $0xFFFFFFF7, s5;
	v10 =	vadd.s32 v6, v11;
	v9 =	vld [tilespmem:s4+$0x50]  }
0x245: {  	v11 =	vmov s26  }
0x246: {  	v11 =	vshrl.u32 v11, $0x3  }
0x247: {  	v11 =	vshll.u32 v11, v1  }
0x248: {  	v11 =	vbroadcast v11, $0x0  }
0x249: {  	[tilespmem:v10+s29+$0x0] =	vst.idx.msk $0xffff, v9  }
0x24a: {  	s26 =	sadd.s32 $0xFFFFFFF8, s5;
	v10 =	vadd.s32 v7, v11;
	v9 =	vld [tilespmem:s4+$0x60]  }
0x24b: {  	v11 =	vmov s26  }
0x24c: {  	v11 =	vshrl.u32 v11, $0x3  }
0x24d: {  	v11 =	vshll.u32 v11, v1  }
0x24e: {  	v11 =	vbroadcast v11, $0x0  }
0x24f: {  	[tilespmem:v10+s29+$0x0] =	vst.idx.msk $0xffff, v9  }
0x250: {  	s26 =	sadd.s32 $0xFFFFFFF9, s5;
	v10 =	vadd.s32 v8, v11;
	v9 =	vld [tilespmem:s4+$0x70]  }
0x251: {  	v11 =	vmov s26  }
0x252: {  	v11 =	vshrl.u32 v11, $0x3  }
0x253: {  	v11 =	vshll.u32 v11, v1  }
0x254: {  	v11 =	vbroadcast v11, $0x0  }
0x255: {  	[tilespmem:v10+s29+$0x0] =	vst.idx.msk $0xffff, v9  }
0x256: {  	s26 =	sadd.s32 $0xFFFFFFFA, s5;
	v10 =	vadd.s32 v0, v11;
	v9 =	vld [tilespmem:s4+$0x80]  }
0x257: {  	v11 =	vmov s26  }
0x258: {  	v11 =	vshrl.u32 v11, $0x3  }
0x259: {  	v11 =	vshll.u32 v11, v1  }
0x25a: {  	v11 =	vbroadcast v11, $0x0  }
0x25b: {  	[tilespmem:v10+s29+$0x0] =	vst.idx.msk $0xffff, v9  }
0x25c: {  	s26 =	sadd.s32 $0xFFFFFFFB, s5;
	v10 =	vadd.s32 v2, v11;
	v9 =	vld [tilespmem:s4+$0x90]  }
0x25d: {  	v11 =	vmov s26  }
0x25e: {  	v11 =	vshrl.u32 v11, $0x3  }
0x25f: {  	v11 =	vshll.u32 v11, v1  }
0x260: {  	v11 =	vbroadcast v11, $0x0  }
0x261: {  	[tilespmem:v10+s29+$0x0] =	vst.idx.msk $0xffff, v9  }
0x262: {  	s26 =	sadd.s32 $0xFFFFFFFC, s5;
	v10 =	vadd.s32 v3, v11;
	v9 =	vld [tilespmem:s4+$0xA0]  }
0x263: {  	v11 =	vmov s26  }
0x264: {  	v11 =	vshrl.u32 v11, $0x3  }
0x265: {  	v11 =	vshll.u32 v11, v1  }
0x266: {  	v11 =	vbroadcast v11, $0x0  }
0x267: {  	[tilespmem:v10+s29+$0x0] =	vst.idx.msk $0xffff, v9  }
0x268: {  	s26 =	sadd.s32 $0xFFFFFFFD, s5;
	v10 =	vadd.s32 v4, v11;
	v9 =	vld [tilespmem:s4+$0xB0]  }
0x269: {  	v11 =	vmov s26  }
0x26a: {  	v11 =	vshrl.u32 v11, $0x3  }
0x26b: {  	v11 =	vshll.u32 v11, v1  }
0x26c: {  	v11 =	vbroadcast v11, $0x0  }
0x26d: {  	[tilespmem:v10+s29+$0x0] =	vst.idx.msk $0xffff, v9  }
0x26e: {  	s26 =	sadd.s32 $0xFFFFFFFE, s5;
	v10 =	vadd.s32 v5, v11;
	v9 =	vld [tilespmem:s4+$0xC0]  }
0x26f: {  	v11 =	vmov s26  }
0x270: {  	v11 =	vshrl.u32 v11, $0x3  }
0x271: {  	v11 =	vshll.u32 v11, v1  }
0x272: {  	v11 =	vbroadcast v11, $0x0  }
0x273: {  	[tilespmem:v10+s29+$0x0] =	vst.idx.msk $0xffff, v9  }
0x274: {  	s26 =	sadd.s32 $0xFFFFFFFF, s5;
	v10 =	vadd.s32 v6, v11;
	v9 =	vld [tilespmem:s4+$0xD0]  }
0x275: {  	v11 =	vmov s26  }
0x276: {  	v11 =	vshrl.u32 v11, $0x3  }
0x277: {  	v11 =	vshll.u32 v11, v1  }
0x278: {  	v11 =	vbroadcast v11, $0x0  }
0x279: {  	[tilespmem:v10+s29+$0x0] =	vst.idx.msk $0xffff, v9  }
0x27a: {  	v10 =	vadd.s32 v7, v11;
	v9 =	vld [tilespmem:s4+$0xE0]  }
0x27b: {  	v11 =	vmov s5;
	s5 =	smov.u32 s8  }
.Ltmp1:
0x27c: {  	v11 =	vshrl.u32 v11, $0x3;
	(pc) =	sbr.rel @p0 .LBB2_5-.Ltmp1, $4  }
0x27d: {  	v11 =	vshll.u32 v11, v1  }
0x27e: {  	v11 =	vbroadcast v11, $0x0  }
0x27f: {  	[tilespmem:v10+s29+$0x0] =	vst.idx.msk $0xffff, v9  }
0x280: {  	s8 =	sadd.s32 $0x10, s8;
	s26 =	sadd.s32 $0xFFFFFFF1, s5;
	v10 =	vadd.s32 v8, v11;
	v9 =	vld [tilespmem:s4+$0xF0]  }
0x281: {  	v11 =	vmov s26  }
0x282: {  	v11 =	vshrl.u32 v11, $0x3  }
0x283: {  	v11 =	vshll.u32 v11, v1  }
0x284: {  	v11 =	vbroadcast v11, $0x0  }
0x285: {  	s4 =	sadd.s32 $0x100, s4;
	[tilespmem:v10+s29+$0x0] =	vst.idx.msk $0xffff, v9  }
0x286: {  	s8 =	sadd.s32 $0xFFFFFFF2, s5;
	v9 =	vld [tilespmem:s4+$0x0];
	v10 =	vadd.s32 v0, v11  }
0x287: {  	v11 =	vmov s8  }
0x288: {  	v11 =	vshrl.u32 v11, $0x3  }
0x289: {  	v11 =	vshll.u32 v11, v1  }
0x28a: {  	v11 =	vbroadcast v11, $0x0  }
0x28b: {  	[tilespmem:v10+s29+$0x0] =	vst.idx.msk $0xffff, v9  }
0x28c: {  	s28 =	sadd.s32 $0xFFFFFFF3, s5;
	v10 =	vadd.s32 v2, v11;
	v9 =	vld [tilespmem:s4+$0x10]  }
0x28d: {  	v11 =	vmov s28  }
0x28e: {  	v11 =	vshrl.u32 v11, $0x3  }
0x28f: {  	v11 =	vshll.u32 v11, v1  }
0x290: {  	v11 =	vbroadcast v11, $0x0  }
0x291: {  	[tilespmem:v10+s29+$0x0] =	vst.idx.msk $0xffff, v9  }
0x292: {  	s26 =	sadd.s32 $0xFFFFFFF4, s5;
	v10 =	vadd.s32 v3, v11;
	v9 =	vld [tilespmem:s4+$0x20]  }
0x293: {  	v11 =	vmov s26  }
0x294: {  	v11 =	vshrl.u32 v11, $0x3  }
0x295: {  	v11 =	vshll.u32 v11, v1  }
0x296: {  	v11 =	vbroadcast v11, $0x0  }
0x297: {  	[tilespmem:v10+s29+$0x0] =	vst.idx.msk $0xffff, v9  }
0x298: {  	s28 =	sadd.s32 $0xFFFFFFF5, s5;
	v10 =	vadd.s32 v4, v11;
	v9 =	vld [tilespmem:s4+$0x30]  }
0x299: {  	v11 =	vmov s28  }
0x29a: {  	v11 =	vshrl.u32 v11, $0x3  }
0x29b: {  	v11 =	vshll.u32 v11, v1  }
0x29c: {  	v11 =	vbroadcast v11, $0x0  }
0x29d: {  	[tilespmem:v10+s29+$0x0] =	vst.idx.msk $0xffff, v9  }
0x29e: {  	s26 =	sadd.s32 $0xFFFFFFF6, s5;
	v10 =	vadd.s32 v5, v11;
	v9 =	vld [tilespmem:s4+$0x40]  }
0x29f: {  	v11 =	vmov s26  }
0x2a0: {  	v11 =	vshrl.u32 v11, $0x3  }
0x2a1: {  	v11 =	vshll.u32 v11, v1  }
0x2a2: {  	v11 =	vbroadcast v11, $0x0  }
0x2a3: {  	[tilespmem:v10+s29+$0x0] =	vst.idx.msk $0xffff, v9  }
0x2a4: {  	s28 =	sadd.s32 $0xFFFFFFF7, s5;
	v10 =	vadd.s32 v6, v11;
	v9 =	vld [tilespmem:s4+$0x50]  }
0x2a5: {  	v11 =	vmov s28  }
0x2a6: {  	v11 =	vshrl.u32 v11, $0x3  }
0x2a7: {  	v11 =	vshll.u32 v11, v1  }
0x2a8: {  	v11 =	vbroadcast v11, $0x0  }
0x2a9: {  	[tilespmem:v10+s29+$0x0] =	vst.idx.msk $0xffff, v9  }
0x2aa: {  	s26 =	sadd.s32 $0xFFFFFFF8, s5;
	v10 =	vadd.s32 v7, v11;
	v9 =	vld [tilespmem:s4+$0x60]  }
0x2ab: {  	v11 =	vmov s26  }
0x2ac: {  	v11 =	vshrl.u32 v11, $0x3  }
0x2ad: {  	v11 =	vshll.u32 v11, v1  }
0x2ae: {  	v11 =	vbroadcast v11, $0x0  }
0x2af: {  	[tilespmem:v10+s29+$0x0] =	vst.idx.msk $0xffff, v9  }
0x2b0: {  	s28 =	sadd.s32 $0xFFFFFFF9, s5;
	v10 =	vadd.s32 v8, v11;
	v9 =	vld [tilespmem:s4+$0x70]  }
0x2b1: {  	v11 =	vmov s28  }
0x2b2: {  	v11 =	vshrl.u32 v11, $0x3  }
0x2b3: {  	v11 =	vshll.u32 v11, v1  }
0x2b4: {  	v11 =	vbroadcast v11, $0x0  }
0x2b5: {  	[tilespmem:v10+s29+$0x0] =	vst.idx.msk $0xffff, v9  }
0x2b6: {  	s26 =	sadd.s32 $0xFFFFFFFA, s5;
	v10 =	vadd.s32 v0, v11;
	v9 =	vld [tilespmem:s4+$0x80]  }
0x2b7: {  	v11 =	vmov s26  }
0x2b8: {  	v11 =	vshrl.u32 v11, $0x3  }
0x2b9: {  	v11 =	vshll.u32 v11, v1  }
0x2ba: {  	v11 =	vbroadcast v11, $0x0  }
0x2bb: {  	[tilespmem:v10+s29+$0x0] =	vst.idx.msk $0xffff, v9  }
0x2bc: {  	s28 =	sadd.s32 $0xFFFFFFFB, s5;
	v10 =	vadd.s32 v2, v11;
	v9 =	vld [tilespmem:s4+$0x90]  }
0x2bd: {  	v11 =	vmov s28  }
0x2be: {  	v11 =	vshrl.u32 v11, $0x3  }
0x2bf: {  	v11 =	vshll.u32 v11, v1  }
0x2c0: {  	v11 =	vbroadcast v11, $0x0  }
0x2c1: {  	[tilespmem:v10+s29+$0x0] =	vst.idx.msk $0xffff, v9  }
0x2c2: {  	s26 =	sadd.s32 $0xFFFFFFFC, s5;
	v10 =	vadd.s32 v3, v11;
	v9 =	vld [tilespmem:s4+$0xA0]  }
0x2c3: {  	v11 =	vmov s26  }
0x2c4: {  	v11 =	vshrl.u32 v11, $0x3  }
0x2c5: {  	v11 =	vshll.u32 v11, v1  }
0x2c6: {  	v11 =	vbroadcast v11, $0x0  }
0x2c7: {  	[tilespmem:v10+s29+$0x0] =	vst.idx.msk $0xffff, v9  }
0x2c8: {  	s28 =	sadd.s32 $0xFFFFFFFD, s5;
	v10 =	vadd.s32 v4, v11;
	v9 =	vld [tilespmem:s4+$0xB0]  }
0x2c9: {  	v11 =	vmov s28  }
0x2ca: {  	v11 =	vshrl.u32 v11, $0x3  }
0x2cb: {  	v11 =	vshll.u32 v11, v1  }
0x2cc: {  	v11 =	vbroadcast v11, $0x0  }
0x2cd: {  	[tilespmem:v10+s29+$0x0] =	vst.idx.msk $0xffff, v9  }
0x2ce: {  	s26 =	sadd.s32 $0xFFFFFFFE, s5;
	v10 =	vadd.s32 v5, v11;
	v9 =	vld [tilespmem:s4+$0xC0]  }
0x2cf: {  	v11 =	vmov s26  }
0x2d0: {  	v11 =	vshrl.u32 v11, $0x3  }
0x2d1: {  	v11 =	vshll.u32 v11, v1  }
0x2d2: {  	v11 =	vbroadcast v11, $0x0  }
0x2d3: {  	[tilespmem:v10+s29+$0x0] =	vst.idx.msk $0xffff, v9  }
0x2d4: {  	s28 =	sadd.s32 $0xFFFFFFFF, s5;
	v10 =	vadd.s32 v6, v11;
	v9 =	vld [tilespmem:s4+$0xD0]  }
0x2d5: {  	v11 =	vmov s28  }
0x2d6: {  	v11 =	vshrl.u32 v11, $0x3  }
0x2d7: {  	v11 =	vshll.u32 v11, v1  }
0x2d8: {  	v11 =	vbroadcast v11, $0x0  }
0x2d9: {  	[tilespmem:v10+s29+$0x0] =	vst.idx.msk $0xffff, v9  }
0x2da: {  	v10 =	vadd.s32 v7, v11;
	v9 =	vld [tilespmem:s4+$0xE0]  }
0x2db: {  	v11 =	vmov s5  }
0x2dc: {  	v11 =	vshrl.u32 v11, $0x3  }
0x2dd: {  	v11 =	vshll.u32 v11, v1  }
0x2de: {  	v11 =	vbroadcast v11, $0x0  }
0x2df: {  	[tilespmem:v10+s29+$0x0] =	vst.idx.msk $0xffff, v9  }
0x2e0: {  	v10 =	vadd.s32 v8, v11;
	v9 =	vld [tilespmem:s4+$0xF0];
	_ =	sdelay $0x2  }
0x2e1: {  	s8 =	sshll.u32 s24, $0xB;
	s24 =	sand.u32 $0x780, s25  }
0x2e2: {  	s5 =	sadd.s32 s6, s24;
	s4 =	sand.u32 $0xFFF8000, s8  }
0x2e3: {  	s4 =	sadd.s32 s4, s5;
	[tilespmem:v10+s29+$0x0] =	vst.idx.msk $0xffff, v9  }
0x2e4: {  	[hbm4b:s4+s3] =	stream.linear.scatter [tilespmem:s29], [sflag:$0x3], $0x400, $0x38;
	[tilespmem:$0xC880] =	vst v63  }
0x2e5: {  	s5 =	sadd.s32 $0x800, s4  }
0x2e6: {  	[hbm4b:s5+s3] =	stream.linear.scatter [tilespmem:s30], [sflag:$0x3], $0x400, $0x38;
	[tilespmem:$0xC880] =	vst v63  }
0x2e7: {  	s25 =	sadd.s32 $0x1000, s4  }
0x2e8: {  	[hbm4b:s25+s3] =	stream.linear.scatter [tilespmem:s31], [sflag:$0x3], $0x400, $0x38;
	[tilespmem:$0xC880] =	vst v63  }
0x2e9: {  	s26 =	sadd.s32 $0x1800, s4  }
0x2ea: {  	[hbm4b:s26+s3] =	stream.linear.scatter [tilespmem:s1], [sflag:$0x3], $0x400, $0x38;
	[tilespmem:$0xC880] =	vst v63  }
0x2eb: {  	s28 =	sadd.s32 $0x2000, s4  }
0x2ec: {  	[hbm4b:s28+s3] =	stream.linear.scatter [tilespmem:s0], [sflag:$0x3], $0x400, $0x38;
	[tilespmem:$0xC880] =	vst v63  }
0x2ed: {  	s8 =	sadd.s32 $0x2800, s4  }
0x2ee: {  	[hbm4b:s8+s3] =	stream.linear.scatter [tilespmem:s7], [sflag:$0x3], $0x400, $0x38;
	[tilespmem:$0xC880] =	vst v63  }
0x2ef: {  	s24 =	sadd.s32 $0x3000, s4  }
0x2f0: {  	[hbm4b:s24+s3] =	stream.linear.scatter [tilespmem:s10], [sflag:$0x3], $0x400, $0x38;
	[tilespmem:$0xC880] =	vst v63  }
0x2f1: {  	s25 =	sadd.s32 $0x3800, s4  }
0x2f2: {  	[hbm4b:s25+s3] =	stream.linear.scatter [tilespmem:s13], [sflag:$0x3], $0x400, $0x38;
	[tilespmem:$0xC880] =	vst v63  }
0x2f3: {  	s26 =	sadd.s32 $0x4000, s4  }
0x2f4: {  	[hbm4b:s26+s3] =	stream.linear.scatter [tilespmem:s14], [sflag:$0x3], $0x400, $0x38;
	[tilespmem:$0xC880] =	vst v63  }
0x2f5: {  	s28 =	sadd.s32 $0x4800, s4  }
0x2f6: {  	[hbm4b:s28+s3] =	stream.linear.scatter [tilespmem:s15], [sflag:$0x3], $0x400, $0x38;
	[tilespmem:$0xC880] =	vst v63  }
0x2f7: {  	s8 =	sadd.s32 $0x5000, s4  }
0x2f8: {  	[hbm4b:s8+s3] =	stream.linear.scatter [tilespmem:s16], [sflag:$0x3], $0x400, $0x38;
	[tilespmem:$0xC880] =	vst v63  }
0x2f9: {  	s24 =	sadd.s32 $0x5800, s4  }
0x2fa: {  	[hbm4b:s24+s3] =	stream.linear.scatter [tilespmem:s17], [sflag:$0x3], $0x400, $0x38;
	[tilespmem:$0xC880] =	vst v63  }
0x2fb: {  	s25 =	sadd.s32 $0x6000, s4  }
0x2fc: {  	[hbm4b:s25+s3] =	stream.linear.scatter [tilespmem:s18], [sflag:$0x3], $0x400, $0x38;
	[tilespmem:$0xC880] =	vst v63  }
0x2fd: {  	s23 =	sadd.s32 $0x1, s23;
	s26 =	sadd.s32 $0x6800, s4  }
0x2fe: {  	[hbm4b:s26+s3] =	stream.linear.scatter [tilespmem:s19], [sflag:$0x3], $0x400, $0x38;
	[tilespmem:$0xC880] =	vst v63  }
0x2ff: {  	p0 =	sne.s32 s23, $0xC;
	s28 =	sadd.s32 $0x7000, s4  }
0x300: {  	[hbm4b:s28+s3] =	stream.linear.scatter [tilespmem:s20], [sflag:$0x3], $0x400, $0x38;
	[tilespmem:$0xC880] =	vst v63  }
.Ltmp2:
0x301: {  	s4 =	sadd.s32 $0x7800, s4;
	(pc) =	sbr.rel @p0 .LBB2_2-.Ltmp2, $4  }
0x302: {  	[hbm4b:s4+s3] =	stream.linear.scatter [tilespmem:s21], [sflag:$0x3], $0x400, $0x38;
	[tilespmem:$0xC880] =	vst v63  }
0x303: {  	_ =	swait.ge [sflag:s11], $0x4000  }
0x304: {  	[sflag:s11] =	ssyncset.done $0x0  }
0x305: {  	[sflag:s11] =	ssyncadd.s32 $0xFFFFC000  }
0x306: {  	_ =	swait.ge [sflag:s9], $0x800  }
0x307: {  	[sflag:s9] =	ssyncset.done $0x0  }
0x308: {  	[sflag:s9] =	ssyncadd.s32 $0xFFFFF800  }
0x309: {  	_ =	swait.ge [sflag:s9], $0x800  }
0x30a: {  	[sflag:s9] =	ssyncset.done $0x0  }
0x30b: {  	[sflag:s9] =	ssyncadd.s32 $0xFFFFF800  }
0x30c: {  	_ =	swait.ge [sflag:s9], $0x800  }
0x30d: {  	[sflag:s9] =	ssyncset.done $0x0  }
0x30e: {  	[sflag:s9] =	ssyncadd.s32 $0xFFFFF800  }
0x30f: {  	_ =	swait.ge [sflag:s9], $0x800  }
0x310: {  	[sflag:s9] =	ssyncset.done $0x0  }
0x311: {  	[sflag:s9] =	ssyncadd.s32 $0xFFFFF800  }
0x312: {  	_ =	swait.ge [sflag:s9], $0x800  }
0x313: {  	[sflag:s9] =	ssyncset.done $0x0  }
0x314: {  	[sflag:s9] =	ssyncadd.s32 $0xFFFFF800  }
0x315: {  	_ =	swait.ge [sflag:s9], $0x800  }
0x316: {  	[sflag:s9] =	ssyncset.done $0x0  }
0x317: {  	[sflag:s9] =	ssyncadd.s32 $0xFFFFF800  }
0x318: {  	s4 =	simm.s32 $0x0;
	_ =	swait.ge [sflag:s9], $0x800  }
0x319: {  	v9 =	vmov s4;
	[sflag:s9] =	ssyncset.done $0x0  }
0x31a: {  	v9 =	vshrl.u32 v9, $0x3;
	[sflag:s9] =	ssyncadd.s32 $0xFFFFF800  }
0x31b: {  	v9 =	vshll.u32 v9, v1;
	_ =	swait.ge [sflag:s9], $0x800  }
0x31c: {  	v9 =	vbroadcast v9, $0x0;
	[sflag:s9] =	ssyncset.done $0x0  }
0x31d: {  	s4 =	simm.s32 $0x880;
	[sflag:s9] =	ssyncadd.s32 $0xFFFFF800  }
0x31e: {  	s5 =	simm.s32 $0x1;
	v9 =	vadd.s32 v0, v9;
	v10 =	vld [tilespmem:s4+$0xFFFFFF80]  }
0x31f: {  	v11 =	vmov s5  }
0x320: {  	v11 =	vshrl.u32 v11, $0x3  }
0x321: {  	v11 =	vshll.u32 v11, v1  }
0x322: {  	v11 =	vbroadcast v11, $0x0  }
0x323: {  	[tilespmem:v9+s29+$0x0] =	vst.idx.msk $0xffff, v10  }
0x324: {  	s26 =	simm.s32 $0x2;
	v10 =	vadd.s32 v2, v11;
	v9 =	vld [tilespmem:s4+$0xFFFFFF90]  }
0x325: {  	v11 =	vmov s26  }
0x326: {  	v11 =	vshrl.u32 v11, $0x3  }
0x327: {  	v11 =	vshll.u32 v11, v1  }
0x328: {  	v11 =	vbroadcast v11, $0x0  }
0x329: {  	[tilespmem:v10+s29+$0x0] =	vst.idx.msk $0xffff, v9  }
0x32a: {  	s28 =	simm.s32 $0x3;
	v10 =	vadd.s32 v3, v11;
	v9 =	vld [tilespmem:s4+$0xFFFFFFA0]  }
0x32b: {  	v11 =	vmov s28  }
0x32c: {  	v11 =	vshrl.u32 v11, $0x3  }
0x32d: {  	v11 =	vshll.u32 v11, v1  }
0x32e: {  	v11 =	vbroadcast v11, $0x0  }
0x32f: {  	[tilespmem:v10+s29+$0x0] =	vst.idx.msk $0xffff, v9  }
0x330: {  	s8 =	simm.s32 $0x4;
	v10 =	vadd.s32 v4, v11;
	v9 =	vld [tilespmem:s4+$0xFFFFFFB0]  }
0x331: {  	v11 =	vmov s8  }
0x332: {  	v11 =	vshrl.u32 v11, $0x3  }
0x333: {  	v11 =	vshll.u32 v11, v1  }
0x334: {  	v11 =	vbroadcast v11, $0x0  }
0x335: {  	[tilespmem:v10+s29+$0x0] =	vst.idx.msk $0xffff, v9  }
0x336: {  	s23 =	simm.s32 $0x5;
	v10 =	vadd.s32 v5, v11;
	v9 =	vld [tilespmem:s4+$0xFFFFFFC0]  }
0x337: {  	v11 =	vmov s23  }
0x338: {  	v11 =	vshrl.u32 v11, $0x3  }
0x339: {  	v11 =	vshll.u32 v11, v1  }
0x33a: {  	v11 =	vbroadcast v11, $0x0  }
0x33b: {  	[tilespmem:v10+s29+$0x0] =	vst.idx.msk $0xffff, v9  }
0x33c: {  	s24 =	simm.s32 $0x6;
	v10 =	vadd.s32 v6, v11;
	v9 =	vld [tilespmem:s4+$0xFFFFFFD0]  }
0x33d: {  	v11 =	vmov s24  }
0x33e: {  	v11 =	vshrl.u32 v11, $0x3  }
0x33f: {  	v11 =	vshll.u32 v11, v1  }
0x340: {  	v11 =	vbroadcast v11, $0x0  }
0x341: {  	[tilespmem:v10+s29+$0x0] =	vst.idx.msk $0xffff, v9  }
0x342: {  	s25 =	simm.s32 $0x7;
	v10 =	vadd.s32 v7, v11;
	v9 =	vld [tilespmem:s4+$0xFFFFFFE0]  }
0x343: {  	v11 =	vmov s25  }
0x344: {  	v11 =	vshrl.u32 v11, $0x3  }
0x345: {  	v11 =	vshll.u32 v11, v1  }
0x346: {  	v11 =	vbroadcast v11, $0x0  }
0x347: {  	[tilespmem:v10+s29+$0x0] =	vst.idx.msk $0xffff, v9  }
0x348: {  	s26 =	simm.s32 $0x8;
	v10 =	vadd.s32 v8, v11;
	v9 =	vld [tilespmem:s4+$0xFFFFFFF0]  }
0x349: {  	v11 =	vmov s26  }
0x34a: {  	v11 =	vshrl.u32 v11, $0x3  }
0x34b: {  	v11 =	vshll.u32 v11, v1  }
0x34c: {  	v11 =	vbroadcast v11, $0x0  }
0x34d: {  	[tilespmem:v10+s29+$0x0] =	vst.idx.msk $0xffff, v9  }
0x34e: {  	s28 =	simm.s32 $0x9;
	v10 =	vadd.s32 v0, v11;
	v9 =	vld [tilespmem:s4+$0x0]  }
0x34f: {  	v11 =	vmov s28  }
0x350: {  	v11 =	vshrl.u32 v11, $0x3  }
0x351: {  	v11 =	vshll.u32 v11, v1  }
0x352: {  	v11 =	vbroadcast v11, $0x0  }
0x353: {  	[tilespmem:v10+s29+$0x0] =	vst.idx.msk $0xffff, v9  }
0x354: {  	s8 =	simm.s32 $0xA;
	v10 =	vadd.s32 v2, v11;
	v9 =	vld [tilespmem:s4+$0x10]  }
0x355: {  	v11 =	vmov s8  }
0x356: {  	v11 =	vshrl.u32 v11, $0x3  }
0x357: {  	v11 =	vshll.u32 v11, v1  }
0x358: {  	v11 =	vbroadcast v11, $0x0  }
0x359: {  	[tilespmem:v10+s29+$0x0] =	vst.idx.msk $0xffff, v9  }
0x35a: {  	s23 =	simm.s32 $0xB;
	v10 =	vadd.s32 v3, v11;
	v9 =	vld [tilespmem:s4+$0x20]  }
0x35b: {  	v11 =	vmov s23  }
0x35c: {  	v11 =	vshrl.u32 v11, $0x3  }
0x35d: {  	v11 =	vshll.u32 v11, v1  }
0x35e: {  	v11 =	vbroadcast v11, $0x0  }
0x35f: {  	[tilespmem:v10+s29+$0x0] =	vst.idx.msk $0xffff, v9  }
0x360: {  	s24 =	simm.s32 $0xC;
	v10 =	vadd.s32 v4, v11;
	v9 =	vld [tilespmem:s4+$0x30]  }
0x361: {  	v11 =	vmov s24  }
0x362: {  	v11 =	vshrl.u32 v11, $0x3  }
0x363: {  	v11 =	vshll.u32 v11, v1  }
0x364: {  	v11 =	vbroadcast v11, $0x0  }
0x365: {  	[tilespmem:v10+s29+$0x0] =	vst.idx.msk $0xffff, v9  }
0x366: {  	s25 =	simm.s32 $0xD;
	v10 =	vadd.s32 v5, v11;
	v9 =	vld [tilespmem:s4+$0x40]  }
0x367: {  	v11 =	vmov s25  }
0x368: {  	v11 =	vshrl.u32 v11, $0x3  }
0x369: {  	v11 =	vshll.u32 v11, v1  }
0x36a: {  	v11 =	vbroadcast v11, $0x0  }
0x36b: {  	[tilespmem:v10+s29+$0x0] =	vst.idx.msk $0xffff, v9  }
0x36c: {  	s26 =	simm.s32 $0xE;
	v10 =	vadd.s32 v6, v11;
	v9 =	vld [tilespmem:s4+$0x50]  }
0x36d: {  	v11 =	vmov s26  }
0x36e: {  	v11 =	vshrl.u32 v11, $0x3  }
0x36f: {  	v11 =	vshll.u32 v11, v1  }
0x370: {  	v11 =	vbroadcast v11, $0x0  }
0x371: {  	[tilespmem:v10+s29+$0x0] =	vst.idx.msk $0xffff, v9  }
0x372: {  	s28 =	simm.s32 $0xF;
	v10 =	vadd.s32 v7, v11;
	v9 =	vld [tilespmem:s4+$0x60]  }
0x373: {  	v11 =	vmov s28  }
0x374: {  	v11 =	vshrl.u32 v11, $0x3  }
0x375: {  	v11 =	vshll.u32 v11, v1  }
0x376: {  	v11 =	vbroadcast v11, $0x0  }
0x377: {  	[tilespmem:v10+s29+$0x0] =	vst.idx.msk $0xffff, v9  }
0x378: {  	s5 =	simm.s32 $0x1F;
	s8 =	simm.s32 $0x2F;
	s23 =	simm.s32 $0x10;
	v10 =	vadd.s32 v8, v11;
	v9 =	vld [tilespmem:s4+$0x70]  }
.LBB2_8:
0x379: {  	p0 =	sne.s32 s8, $0x3FF;
	v11 =	vmov s23  }
0x37a: {  	v11 =	vshrl.u32 v11, $0x3  }
0x37b: {  	v11 =	vshll.u32 v11, v1  }
0x37c: {  	v11 =	vbroadcast v11, $0x0  }
0x37d: {  	s4 =	sadd.s32 $0x100, s4;
	[tilespmem:v10+s29+$0x0] =	vst.idx.msk $0xffff, v9  }
0x37e: {  	s23 =	sadd.s32 $0xFFFFFFF2, s5;
	v9 =	vld [tilespmem:s4+$0xFFFFFF80];
	v10 =	vadd.s32 v0, v11  }
0x37f: {  	v11 =	vmov s23  }
0x380: {  	v11 =	vshrl.u32 v11, $0x3  }
0x381: {  	v11 =	vshll.u32 v11, v1  }
0x382: {  	v11 =	vbroadcast v11, $0x0  }
0x383: {  	[tilespmem:v10+s29+$0x0] =	vst.idx.msk $0xffff, v9  }
0x384: {  	s23 =	sadd.s32 $0xFFFFFFF3, s5;
	v10 =	vadd.s32 v2, v11;
	v9 =	vld [tilespmem:s4+$0xFFFFFF90]  }
0x385: {  	v11 =	vmov s23  }
0x386: {  	v11 =	vshrl.u32 v11, $0x3  }
0x387: {  	v11 =	vshll.u32 v11, v1  }
0x388: {  	v11 =	vbroadcast v11, $0x0  }
0x389: {  	[tilespmem:v10+s29+$0x0] =	vst.idx.msk $0xffff, v9  }
0x38a: {  	s23 =	sadd.s32 $0xFFFFFFF4, s5;
	v10 =	vadd.s32 v3, v11;
	v9 =	vld [tilespmem:s4+$0xFFFFFFA0]  }
0x38b: {  	v11 =	vmov s23  }
0x38c: {  	v11 =	vshrl.u32 v11, $0x3  }
0x38d: {  	v11 =	vshll.u32 v11, v1  }
0x38e: {  	v11 =	vbroadcast v11, $0x0  }
0x38f: {  	[tilespmem:v10+s29+$0x0] =	vst.idx.msk $0xffff, v9  }
0x390: {  	s23 =	sadd.s32 $0xFFFFFFF5, s5;
	v10 =	vadd.s32 v4, v11;
	v9 =	vld [tilespmem:s4+$0xFFFFFFB0]  }
0x391: {  	v11 =	vmov s23  }
0x392: {  	v11 =	vshrl.u32 v11, $0x3  }
0x393: {  	v11 =	vshll.u32 v11, v1  }
0x394: {  	v11 =	vbroadcast v11, $0x0  }
0x395: {  	[tilespmem:v10+s29+$0x0] =	vst.idx.msk $0xffff, v9  }
0x396: {  	s23 =	sadd.s32 $0xFFFFFFF6, s5;
	v10 =	vadd.s32 v5, v11;
	v9 =	vld [tilespmem:s4+$0xFFFFFFC0]  }
0x397: {  	v11 =	vmov s23  }
0x398: {  	v11 =	vshrl.u32 v11, $0x3  }
0x399: {  	v11 =	vshll.u32 v11, v1  }
0x39a: {  	v11 =	vbroadcast v11, $0x0  }
0x39b: {  	[tilespmem:v10+s29+$0x0] =	vst.idx.msk $0xffff, v9  }
0x39c: {  	s23 =	sadd.s32 $0xFFFFFFF7, s5;
	v10 =	vadd.s32 v6, v11;
	v9 =	vld [tilespmem:s4+$0xFFFFFFD0]  }
0x39d: {  	v11 =	vmov s23  }
0x39e: {  	v11 =	vshrl.u32 v11, $0x3  }
0x39f: {  	v11 =	vshll.u32 v11, v1  }
0x3a0: {  	v11 =	vbroadcast v11, $0x0  }
0x3a1: {  	[tilespmem:v10+s29+$0x0] =	vst.idx.msk $0xffff, v9  }
0x3a2: {  	s23 =	sadd.s32 $0xFFFFFFF8, s5;
	v10 =	vadd.s32 v7, v11;
	v9 =	vld [tilespmem:s4+$0xFFFFFFE0]  }
0x3a3: {  	v11 =	vmov s23  }
0x3a4: {  	v11 =	vshrl.u32 v11, $0x3  }
0x3a5: {  	v11 =	vshll.u32 v11, v1  }
0x3a6: {  	v11 =	vbroadcast v11, $0x0  }
0x3a7: {  	[tilespmem:v10+s29+$0x0] =	vst.idx.msk $0xffff, v9  }
0x3a8: {  	s23 =	sadd.s32 $0xFFFFFFF9, s5;
	v10 =	vadd.s32 v8, v11;
	v9 =	vld [tilespmem:s4+$0xFFFFFFF0]  }
0x3a9: {  	v11 =	vmov s23  }
0x3aa: {  	v11 =	vshrl.u32 v11, $0x3  }
0x3ab: {  	v11 =	vshll.u32 v11, v1  }
0x3ac: {  	v11 =	vbroadcast v11, $0x0  }
0x3ad: {  	[tilespmem:v10+s29+$0x0] =	vst.idx.msk $0xffff, v9  }
0x3ae: {  	s23 =	sadd.s32 $0xFFFFFFFA, s5;
	v10 =	vadd.s32 v0, v11;
	v9 =	vld [tilespmem:s4+$0x0]  }
0x3af: {  	v11 =	vmov s23  }
0x3b0: {  	v11 =	vshrl.u32 v11, $0x3  }
0x3b1: {  	v11 =	vshll.u32 v11, v1  }
0x3b2: {  	v11 =	vbroadcast v11, $0x0  }
0x3b3: {  	[tilespmem:v10+s29+$0x0] =	vst.idx.msk $0xffff, v9  }
0x3b4: {  	s23 =	sadd.s32 $0xFFFFFFFB, s5;
	v10 =	vadd.s32 v2, v11;
	v9 =	vld [tilespmem:s4+$0x10]  }
0x3b5: {  	v11 =	vmov s23  }
0x3b6: {  	v11 =	vshrl.u32 v11, $0x3  }
0x3b7: {  	v11 =	vshll.u32 v11, v1  }
0x3b8: {  	v11 =	vbroadcast v11, $0x0  }
0x3b9: {  	[tilespmem:v10+s29+$0x0] =	vst.idx.msk $0xffff, v9  }
0x3ba: {  	s23 =	sadd.s32 $0xFFFFFFFC, s5;
	v10 =	vadd.s32 v3, v11;
	v9 =	vld [tilespmem:s4+$0x20]  }
0x3bb: {  	v11 =	vmov s23  }
0x3bc: {  	v11 =	vshrl.u32 v11, $0x3  }
0x3bd: {  	v11 =	vshll.u32 v11, v1  }
0x3be: {  	v11 =	vbroadcast v11, $0x0  }
0x3bf: {  	[tilespmem:v10+s29+$0x0] =	vst.idx.msk $0xffff, v9  }
0x3c0: {  	s23 =	sadd.s32 $0xFFFFFFFD, s5;
	v10 =	vadd.s32 v4, v11;
	v9 =	vld [tilespmem:s4+$0x30]  }
0x3c1: {  	v11 =	vmov s23  }
0x3c2: {  	v11 =	vshrl.u32 v11, $0x3  }
0x3c3: {  	v11 =	vshll.u32 v11, v1  }
0x3c4: {  	v11 =	vbroadcast v11, $0x0  }
0x3c5: {  	[tilespmem:v10+s29+$0x0] =	vst.idx.msk $0xffff, v9  }
0x3c6: {  	s23 =	sadd.s32 $0xFFFFFFFE, s5;
	v10 =	vadd.s32 v5, v11;
	v9 =	vld [tilespmem:s4+$0x40]  }
0x3c7: {  	v11 =	vmov s23  }
0x3c8: {  	v11 =	vshrl.u32 v11, $0x3  }
0x3c9: {  	v11 =	vshll.u32 v11, v1  }
0x3ca: {  	v11 =	vbroadcast v11, $0x0  }
0x3cb: {  	[tilespmem:v10+s29+$0x0] =	vst.idx.msk $0xffff, v9  }
0x3cc: {  	s23 =	sadd.s32 $0xFFFFFFFF, s5;
	v10 =	vadd.s32 v6, v11;
	v9 =	vld [tilespmem:s4+$0x50]  }
0x3cd: {  	v11 =	vmov s23  }
0x3ce: {  	v11 =	vshrl.u32 v11, $0x3  }
0x3cf: {  	v11 =	vshll.u32 v11, v1  }
0x3d0: {  	v11 =	vbroadcast v11, $0x0  }
0x3d1: {  	[tilespmem:v10+s29+$0x0] =	vst.idx.msk $0xffff, v9  }
0x3d2: {  	v10 =	vadd.s32 v7, v11;
	v9 =	vld [tilespmem:s4+$0x60]  }
0x3d3: {  	v11 =	vmov s5;
	s5 =	smov.u32 s8  }
.Ltmp3:
0x3d4: {  	v11 =	vshrl.u32 v11, $0x3;
	(pc) =	sbr.rel @p0 .LBB2_8-.Ltmp3, $4  }
0x3d5: {  	v11 =	vshll.u32 v11, v1  }
0x3d6: {  	v11 =	vbroadcast v11, $0x0  }
0x3d7: {  	[tilespmem:v10+s29+$0x0] =	vst.idx.msk $0xffff, v9  }
0x3d8: {  	s8 =	sadd.s32 $0x10, s8;
	s23 =	sadd.s32 $0xFFFFFFF1, s5;
	v10 =	vadd.s32 v8, v11;
	v9 =	vld [tilespmem:s4+$0x70]  }
0x3d9: {  	v11 =	vmov s23  }
0x3da: {  	v11 =	vshrl.u32 v11, $0x3  }
0x3db: {  	v11 =	vshll.u32 v11, v1  }
0x3dc: {  	v11 =	vbroadcast v11, $0x0  }
0x3dd: {  	s4 =	sadd.s32 $0x100, s4;
	[tilespmem:v10+s29+$0x0] =	vst.idx.msk $0xffff, v9  }
0x3de: {  	s8 =	sadd.s32 $0xFFFFFFF2, s5;
	v9 =	vld [tilespmem:s4+$0xFFFFFF80];
	v10 =	vadd.s32 v0, v11  }
0x3df: {  	v11 =	vmov s8  }
0x3e0: {  	v11 =	vshrl.u32 v11, $0x3  }
0x3e1: {  	v11 =	vshll.u32 v11, v1  }
0x3e2: {  	v11 =	vbroadcast v11, $0x0  }
0x3e3: {  	[tilespmem:v10+s29+$0x0] =	vst.idx.msk $0xffff, v9  }
0x3e4: {  	s25 =	sadd.s32 $0xFFFFFFF3, s5;
	v10 =	vadd.s32 v2, v11;
	v9 =	vld [tilespmem:s4+$0xFFFFFF90]  }
0x3e5: {  	v11 =	vmov s25  }
0x3e6: {  	v11 =	vshrl.u32 v11, $0x3  }
0x3e7: {  	v11 =	vshll.u32 v11, v1  }
0x3e8: {  	v11 =	vbroadcast v11, $0x0  }
0x3e9: {  	[tilespmem:v10+s29+$0x0] =	vst.idx.msk $0xffff, v9  }
0x3ea: {  	s26 =	sadd.s32 $0xFFFFFFF4, s5;
	v10 =	vadd.s32 v3, v11;
	v9 =	vld [tilespmem:s4+$0xFFFFFFA0]  }
0x3eb: {  	v11 =	vmov s26  }
0x3ec: {  	v11 =	vshrl.u32 v11, $0x3  }
0x3ed: {  	v11 =	vshll.u32 v11, v1  }
0x3ee: {  	v11 =	vbroadcast v11, $0x0  }
0x3ef: {  	[tilespmem:v10+s29+$0x0] =	vst.idx.msk $0xffff, v9  }
0x3f0: {  	s28 =	sadd.s32 $0xFFFFFFF5, s5;
	v10 =	vadd.s32 v4, v11;
	v9 =	vld [tilespmem:s4+$0xFFFFFFB0]  }
0x3f1: {  	v11 =	vmov s28  }
0x3f2: {  	v11 =	vshrl.u32 v11, $0x3  }
0x3f3: {  	v11 =	vshll.u32 v11, v1  }
0x3f4: {  	v11 =	vbroadcast v11, $0x0  }
0x3f5: {  	[tilespmem:v10+s29+$0x0] =	vst.idx.msk $0xffff, v9  }
0x3f6: {  	s23 =	sadd.s32 $0xFFFFFFF6, s5;
	v10 =	vadd.s32 v5, v11;
	v9 =	vld [tilespmem:s4+$0xFFFFFFC0]  }
0x3f7: {  	v11 =	vmov s23  }
0x3f8: {  	v11 =	vshrl.u32 v11, $0x3  }
0x3f9: {  	v11 =	vshll.u32 v11, v1  }
0x3fa: {  	v11 =	vbroadcast v11, $0x0  }
0x3fb: {  	[tilespmem:v10+s29+$0x0] =	vst.idx.msk $0xffff, v9  }
0x3fc: {  	s24 =	sadd.s32 $0xFFFFFFF7, s5;
	v10 =	vadd.s32 v6, v11;
	v9 =	vld [tilespmem:s4+$0xFFFFFFD0]  }
0x3fd: {  	v11 =	vmov s24  }
0x3fe: {  	v11 =	vshrl.u32 v11, $0x3  }
0x3ff: {  	v11 =	vshll.u32 v11, v1  }
0x400: {  	v11 =	vbroadcast v11, $0x0  }
0x401: {  	[tilespmem:v10+s29+$0x0] =	vst.idx.msk $0xffff, v9  }
0x402: {  	s25 =	sadd.s32 $0xFFFFFFF8, s5;
	v10 =	vadd.s32 v7, v11;
	v9 =	vld [tilespmem:s4+$0xFFFFFFE0]  }
0x403: {  	v11 =	vmov s25  }
0x404: {  	v11 =	vshrl.u32 v11, $0x3  }
0x405: {  	v11 =	vshll.u32 v11, v1  }
0x406: {  	v11 =	vbroadcast v11, $0x0  }
0x407: {  	[tilespmem:v10+s29+$0x0] =	vst.idx.msk $0xffff, v9  }
0x408: {  	s26 =	sadd.s32 $0xFFFFFFF9, s5;
	v10 =	vadd.s32 v8, v11;
	v9 =	vld [tilespmem:s4+$0xFFFFFFF0]  }
0x409: {  	v11 =	vmov s26  }
0x40a: {  	v11 =	vshrl.u32 v11, $0x3  }
0x40b: {  	v11 =	vshll.u32 v11, v1  }
0x40c: {  	v11 =	vbroadcast v11, $0x0  }
0x40d: {  	[tilespmem:v10+s29+$0x0] =	vst.idx.msk $0xffff, v9  }
0x40e: {  	s28 =	sadd.s32 $0xFFFFFFFA, s5;
	v10 =	vadd.s32 v0, v11;
	v9 =	vld [tilespmem:s4+$0x0]  }
0x40f: {  	v11 =	vmov s28  }
0x410: {  	v11 =	vshrl.u32 v11, $0x3  }
0x411: {  	v11 =	vshll.u32 v11, v1  }
0x412: {  	v11 =	vbroadcast v11, $0x0  }
0x413: {  	[tilespmem:v10+s29+$0x0] =	vst.idx.msk $0xffff, v9  }
0x414: {  	s23 =	sadd.s32 $0xFFFFFFFB, s5;
	v10 =	vadd.s32 v2, v11;
	v9 =	vld [tilespmem:s4+$0x10]  }
0x415: {  	v11 =	vmov s23  }
0x416: {  	v11 =	vshrl.u32 v11, $0x3  }
0x417: {  	v11 =	vshll.u32 v11, v1  }
0x418: {  	v11 =	vbroadcast v11, $0x0  }
0x419: {  	[tilespmem:v10+s29+$0x0] =	vst.idx.msk $0xffff, v9  }
0x41a: {  	s24 =	sadd.s32 $0xFFFFFFFC, s5;
	v10 =	vadd.s32 v3, v11;
	v9 =	vld [tilespmem:s4+$0x20]  }
0x41b: {  	v11 =	vmov s24  }
0x41c: {  	v11 =	vshrl.u32 v11, $0x3  }
0x41d: {  	v11 =	vshll.u32 v11, v1  }
0x41e: {  	v11 =	vbroadcast v11, $0x0  }
0x41f: {  	[tilespmem:v10+s29+$0x0] =	vst.idx.msk $0xffff, v9  }
0x420: {  	s25 =	sadd.s32 $0xFFFFFFFD, s5;
	v10 =	vadd.s32 v4, v11;
	v9 =	vld [tilespmem:s4+$0x30]  }
0x421: {  	v11 =	vmov s25  }
0x422: {  	v11 =	vshrl.u32 v11, $0x3  }
0x423: {  	v11 =	vshll.u32 v11, v1  }
0x424: {  	v11 =	vbroadcast v11, $0x0  }
0x425: {  	[tilespmem:v10+s29+$0x0] =	vst.idx.msk $0xffff, v9  }
0x426: {  	s26 =	sadd.s32 $0xFFFFFFFE, s5;
	v10 =	vadd.s32 v5, v11;
	v9 =	vld [tilespmem:s4+$0x40]  }
0x427: {  	v11 =	vmov s26  }
0x428: {  	v11 =	vshrl.u32 v11, $0x3  }
0x429: {  	v11 =	vshll.u32 v11, v1  }
0x42a: {  	v11 =	vbroadcast v11, $0x0  }
0x42b: {  	[tilespmem:v10+s29+$0x0] =	vst.idx.msk $0xffff, v9  }
0x42c: {  	s28 =	sadd.s32 $0xFFFFFFFF, s5;
	v10 =	vadd.s32 v6, v11;
	v9 =	vld [tilespmem:s4+$0x50]  }
0x42d: {  	v11 =	vmov s28  }
0x42e: {  	v11 =	vshrl.u32 v11, $0x3  }
0x42f: {  	v11 =	vshll.u32 v11, v1  }
0x430: {  	v11 =	vbroadcast v11, $0x0  }
0x431: {  	[tilespmem:v10+s29+$0x0] =	vst.idx.msk $0xffff, v9  }
0x432: {  	v10 =	vadd.s32 v7, v11;
	v9 =	vld [tilespmem:s4+$0x60]  }
0x433: {  	v11 =	vmov s5  }
0x434: {  	v11 =	vshrl.u32 v11, $0x3  }
0x435: {  	v11 =	vshll.u32 v11, v1  }
0x436: {  	v11 =	vbroadcast v11, $0x0  }
0x437: {  	[tilespmem:v10+s29+$0x0] =	vst.idx.msk $0xffff, v9  }
0x438: {  	v10 =	vadd.s32 v8, v11;
	v9 =	vld [tilespmem:s4+$0x70];
	_ =	sdelay $0x4  }
0x439: {  	s5 =	rddreg [dreg:$0x7];
	[tilespmem:v10+s29+$0x0] =	vst.idx.msk $0xffff, v9  }
0x43a: {  	[hbm4b:s5+s3] =	stream.linear.scatter [tilespmem:s29], [sflag:$0x3], $0x400, $0x38;
	[tilespmem:$0xC880] =	vst v63  }
0x43b: {  	s23 =	sadd.s32 $0x800, s5  }
0x43c: {  	[hbm4b:s23+s3] =	stream.linear.scatter [tilespmem:s30], [sflag:$0x3], $0x400, $0x38;
	[tilespmem:$0xC880] =	vst v63  }
0x43d: {  	s24 =	sadd.s32 $0x1000, s5  }
0x43e: {  	[hbm4b:s24+s3] =	stream.linear.scatter [tilespmem:s31], [sflag:$0x3], $0x400, $0x38;
	[tilespmem:$0xC880] =	vst v63  }
0x43f: {  	s25 =	sadd.s32 $0x1800, s5  }
0x440: {  	[hbm4b:s25+s3] =	stream.linear.scatter [tilespmem:s1], [sflag:$0x3], $0x400, $0x38;
	[tilespmem:$0xC880] =	vst v63  }
0x441: {  	s26 =	sadd.s32 $0x2000, s5  }
0x442: {  	[hbm4b:s26+s3] =	stream.linear.scatter [tilespmem:s0], [sflag:$0x3], $0x400, $0x38;
	[tilespmem:$0xC880] =	vst v63  }
0x443: {  	s28 =	sadd.s32 $0x2800, s5  }
0x444: {  	[hbm4b:s28+s3] =	stream.linear.scatter [tilespmem:s7], [sflag:$0x3], $0x400, $0x38;
	[tilespmem:$0xC880] =	vst v63  }
0x445: {  	s8 =	sadd.s32 $0x3000, s5  }
0x446: {  	[hbm4b:s8+s3] =	stream.linear.scatter [tilespmem:s10], [sflag:$0x3], $0x400, $0x38;
	[tilespmem:$0xC880] =	vst v63  }
0x447: {  	s23 =	sadd.s32 $0x3800, s5  }
0x448: {  	[hbm4b:s23+s3] =	stream.linear.scatter [tilespmem:s13], [sflag:$0x3], $0x400, $0x38;
	[tilespmem:$0xC880] =	vst v63  }
0x449: {  	s24 =	sadd.s32 $0x4000, s5  }
0x44a: {  	[hbm4b:s24+s3] =	stream.linear.scatter [tilespmem:s14], [sflag:$0x3], $0x400, $0x38;
	[tilespmem:$0xC880] =	vst v63  }
0x44b: {  	s25 =	sadd.s32 $0x4800, s5  }
0x44c: {  	[hbm4b:s25+s3] =	stream.linear.scatter [tilespmem:s15], [sflag:$0x3], $0x400, $0x38;
	[tilespmem:$0xC880] =	vst v63  }
0x44d: {  	s26 =	sadd.s32 $0x5000, s5  }
0x44e: {  	[hbm4b:s26+s3] =	stream.linear.scatter [tilespmem:s16], [sflag:$0x3], $0x400, $0x38;
	[tilespmem:$0xC880] =	vst v63  }
0x44f: {  	s28 =	sadd.s32 $0x5800, s5  }
0x450: {  	[hbm4b:s28+s3] =	stream.linear.scatter [tilespmem:s17], [sflag:$0x3], $0x400, $0x38;
	[tilespmem:$0xC880] =	vst v63  }
0x451: {  	s8 =	sadd.s32 $0x6000, s5  }
0x452: {  	[hbm4b:s8+s3] =	stream.linear.scatter [tilespmem:s18], [sflag:$0x3], $0x400, $0x38;
	[tilespmem:$0xC880] =	vst v63  }
0x453: {  	s23 =	sadd.s32 $0x6800, s5  }
0x454: {  	[hbm4b:s23+s3] =	stream.linear.scatter [tilespmem:s19], [sflag:$0x3], $0x400, $0x38;
	[tilespmem:$0xC880] =	vst v63  }
0x455: {  	s24 =	sadd.s32 $0x7000, s5  }
0x456: {  	[hbm4b:s24+s3] =	stream.linear.scatter [tilespmem:s20], [sflag:$0x3], $0x400, $0x38;
	[tilespmem:$0xC880] =	vst v63  }
0x457: {  	s25 =	sadd.s32 $0x7800, s5  }
0x458: {  	[hbm4b:s25+s3] =	stream.linear.scatter [tilespmem:s21], [sflag:$0x3], $0x400, $0x38;
	[tilespmem:$0xC880] =	vst v63  }
0x459: {  	_ =	swait.ge [sflag:s11], $0x4000  }
0x45a: {  	s26 =	rddreg [dreg:$0x9]  }
0x45b: {  	s28 =	rddreg [dreg:$0x8];
	s5 =	sadd.s32 $0x1, s26  }
0x45c: {  	p0 =	sne.s32 s5, s28  }
.Ltmp4:
0x45d: {  	_ = 	snop;
	(pc) =	sbr.rel @p0 .LBB2_1-.Ltmp4, $3  }
0x45e: {  	_ =	sdelay $0x1  }
0x45f: {  	[sflag:s11] =	ssyncset.done $0x0  }
0x460: {  	[sflag:s11] =	ssyncadd.s32 $0xFFFFC000  }
0x461: {  	_ =	sfence.sel $0x180000  }
0x462: {  	[bflag:$0x0] =	sbarrier.arrive $0xFFFF  }
0x463: {  	_ =	strace $0x90000047  }
0x464: {  	s0 =	stileid.u32;
	[bflag:$0x2] =	sbarrier.arrive $0xFFFF  }
0x465: {  	p0 =	sne.s32 s0, $0x0;
	s0 =	rddreg [dreg:$0x2]  }
0x466: {  	s0 =	sadd.s32 @!p0 $0x100000, s0  }
0x467: {  	[sflag:s0] =	ssyncadd.tile.s32 @!p0 $0x1;
	_ =	shalt  }
.Lfunc_end2:
_tile_overlayer_lowered:
.L_overlay_start_2:
0x468: {  	(tag) =	ssettag $0x2  }
0x469: {  	s0 =	rddreg [dreg:$0x0];
	s2 =	stileid.u32  }
0x46a: {  	s1 =	rddreg [dreg:$0x1];
	p0 =	sne.s32 s2, $0x0  }
0x46b: {  	s3 =	rddreg [dreg:$0x2];
	[bflag:$0x3] =	sbarrier.arrive $0xFFFF;
	s2 =	simm.s32 @!p0 $0x1C03  }
0x46c: {  	[timem:s3], [sflag:s2] =	dma.local @!p0 [hbm:s0], s1  }
0x46d: {  	s0 =	simm.s32 @!p0 $0x3  }
0x46e: {  	_ =	swait.ge @!p0 [sflag:s0], s1  }
0x46f: {  	s1 =	ssub.s32 @!p0 $0x0, s1;
	[sflag:s0] =	ssyncset.done @!p0 $0x0  }
0x470: {  	[sflag:s0] =	ssyncadd.s32 @!p0 s1  }
0x471: {  	[bflag:$0x3] =	sbarrier.arrive $0xFFFF  }
0x472: {  	_ =	shalt  }

</sc_bundles>
